<compile_context>
chip_gen: v7x
topology: tpu7x:2x2x1
jax: 0.10.2.dev20260603
libtpu: 0.0.44.dev20260713+nightly
codegen_flags: <defaults>
</compile_context>

<pallas_src>
import functools

import jax
import jax.numpy as jnp
from jax import lax
from jax.experimental import pallas as pl
from jax.experimental.pallas import tpu as pltpu
from jax.experimental.pallas import tpu_sc as plsc

_NB = 2
_CR = 16


def _make_sc_gather(V, D, B, S, NW, NB, CR):
    mesh = plsc.VectorSubcoreMesh(core_axis_name="c", subcore_axis_name="s")
    info = plsc.get_sparse_core_info()
    NC = info.num_cores
    rows_per_w = B // NW
    n_chunks = rows_per_w // CR

    @functools.partial(
        pl.kernel,
        mesh=mesh,
        compiler_params=pltpu.CompilerParams(use_tc_tiling_on_sc=False),
        out_type=jax.ShapeDtypeStruct((B, S, D), jnp.float32),
        scratch_types=[
            pltpu.VMEM((rows_per_w, S), jnp.int32),
            pltpu.VMEM((NB, CR, S, D), jnp.float32),
            pltpu.SemaphoreType.DMA((NB,)),
            pltpu.SemaphoreType.DMA((NB,)),
        ],
    )
    def gather(idx_hbm, table_hbm, out_hbm, idx_v, rows_v, gsem, ssem):
        wid = lax.axis_index("s") * NC + lax.axis_index("c")
        base = wid * rows_per_w
        pltpu.sync_copy(idx_hbm.at[pl.ds(base, rows_per_w)], idx_v)

        def g_start(b, j):
            for r in range(CR):
                pltpu.async_copy(
                    table_hbm.at[idx_v.at[j * CR + r]],
                    rows_v.at[b, r],
                    gsem.at[b],
                )

        def g_wait(b):
            pltpu.make_async_copy(
                out_hbm.at[pl.ds(0, CR)], rows_v.at[b], gsem.at[b]
            ).wait()

        def s_start(b, j):
            pltpu.async_copy(
                rows_v.at[b],
                out_hbm.at[pl.ds(base + j * CR, CR)],
                ssem.at[b],
            )

        def s_wait(b):
            pltpu.make_async_copy(
                rows_v.at[b], out_hbm.at[pl.ds(base, CR)], ssem.at[b]
            ).wait()

        for b in range(NB):
            g_start(b, b)
        for j in range(n_chunks):
            b = j % NB
            g_wait(b)
            s_start(b, j)
            if j + NB < n_chunks:
                s_wait(b)
                g_start(b, j + NB)
        for j in range(max(0, n_chunks - NB), n_chunks):
            s_wait(j % NB)

    return gather


def kernel(input, table):
    B, S = input.shape
    V, D = table.shape
    NW = 32
    idx = input if input.dtype == jnp.int32 else input.astype(jnp.int32)
    return _make_sc_gather(V, D, B, S, NW, _NB, _CR)(idx, table)

# --- scband reference (transcript-rebuilt; emitter-appended) ---
"""Pipeline reference for scband-embedding-85392539779685 (READ-ONLY COPY).

The authoritative reference and input builder live on the scoring server;
editing this copy changes nothing except your own understanding.
"""

import jax, jax.numpy as jnp
import numpy as np

VOCAB = 1000000
EMB_DIM = 64

def setup_inputs(seed: int = 0) -> dict:
    key = jax.random.key(seed)
    k_idx, k_tab = jax.random.split(key)
    input_ids = jax.random.randint(k_idx, (4096, 50), 0, VOCAB, dtype=jnp.int64 if jax.config.jax_enable_x64 else jnp.int32)
    table = jax.random.normal(k_tab, (VOCAB, EMB_DIM), dtype=jnp.float32)
    return {"input": input_ids, "table": table}

def reference(input, table):
    # nn.Embedding forward: row gather from the embedding table
    return jnp.take(table, input, axis=0)

if __name__ == "__main__":
    import jax
    _d = setup_inputs()
    print(jax.jit(kernel)(*tuple(_d.values())))

</pallas_src>

<mosaic_0001>
#map = affine_map<(d0, d1) -> (0, 0)>
#map1 = affine_map<(d0, d1) -> (0, 0, 0)>
module attributes {stable_mosaic.version = 14 : i64} {
  func.func @gather(%arg0: i32, %arg1: i32, %arg2: memref<4096x50xi32, #tpu.memory_space<hbm>>, %arg3: memref<1000000x64xf32, #tpu.memory_space<hbm>>, %arg4: memref<4096x50x64xf32, #tpu.memory_space<hbm>>, %arg5: memref<128x50xi32, #tpu.memory_space<vmem>>, %arg6: memref<2x16x50x64xf32, #tpu.memory_space<vmem>>, %arg7: memref<2x!tpu.dma_semaphore, #tpu.memory_space<semaphore_mem>>, %arg8: memref<2x!tpu.dma_semaphore, #tpu.memory_space<semaphore_mem>>) attributes {dimension_semantics = [#tpu.dimension_semantics<core_parallel>, #tpu.dimension_semantics<subcore_parallel>], iteration_bounds = array<i64: 2, 16>, scalar_prefetch = 0 : i64, scratch_operands = 4 : i64, tpu.core_type = #tpu.core_type<sc_vector_subcore>, window_params = [{transform_indices = #map}, {transform_indices = #map}, {transform_indices = #map1}]} {
    %mul3A = arith.constant 2 : i32
    %mul3A_0 = arith.muli %arg1, %mul3A : i32
    %add3A = arith.addi %mul3A_0, %arg0 : i32
    %mul3A_1 = arith.constant 128 : i32
    %mul3A_2 = arith.muli %add3A, %mul3A_1 : i32
    "tpu.region"() ({
      %run_scoped3A = tpu.sem_alloc : memref<!tpu.dma_semaphore, #tpu.memory_space<semaphore_mem>>
      %dma_start3A_2561 = arith.constant 0 : i32
      %dma_start3A_2562 = tpu.memref_slice %arg2[%mul3A_2, %dma_start3A_2561] : memref<4096x50xi32, #tpu.memory_space<hbm>> -> memref<128x50xi32, #tpu.memory_space<hbm>>
      %dma_start3A_2563 = arith.constant 0 : i32
      %dma_start3A_2564 = tpu.memref_slice %arg2[%mul3A_2, %dma_start3A_2563] : memref<4096x50xi32, #tpu.memory_space<hbm>> -> memref<128x50xi32, #tpu.memory_space<hbm>>
      tpu.enqueue_dma source(%dma_start3A_2564 : memref<128x50xi32, #tpu.memory_space<hbm>>) target(%arg5 : memref<128x50xi32, #tpu.memory_space<vmem>>) target_semaphore(%run_scoped3A : memref<!tpu.dma_semaphore, #tpu.memory_space<semaphore_mem>>)
      %dma_wait3A_2565 = arith.constant 0 : i32
      %dma_wait3A_2566 = tpu.memref_slice %arg2[%mul3A_2, %dma_wait3A_2565] : memref<4096x50xi32, #tpu.memory_space<hbm>> -> memref<128x50xi32, #tpu.memory_space<hbm>>
      %dma_wait3A_2567 = arith.constant 0 : i32
      %dma_wait3A_2568 = tpu.memref_slice %arg2[%mul3A_2, %dma_wait3A_2567] : memref<4096x50xi32, #tpu.memory_space<hbm>> -> memref<128x50xi32, #tpu.memory_space<hbm>>
      tpu.wait_dma2 semaphore(%run_scoped3A : memref<!tpu.dma_semaphore, #tpu.memory_space<semaphore_mem>>) src(%dma_wait3A_2568 : memref<128x50xi32, #tpu.memory_space<hbm>>) dst(%arg5 : memref<128x50xi32, #tpu.memory_space<vmem>>)
      tpu.yield
    }) : () -> ()
    %dma_start3A = arith.constant 0 : i32
    %dma_start3A_3 = arith.constant 0 : i32
    %dma_start3A_4 = arith.constant 0 : i32
    %dma_start3A_5 = arith.constant 0 : i32
    %dma_start3A_6 = arith.constant 0 : i32
    %dma_start3A_7 = arith.constant 0 : i32
    %dma_start3A_8 = tpu.memref_slice %arg6[%dma_start3A_3, %dma_start3A_4, %dma_start3A_6, %dma_start3A_7] : memref<2x16x50x64xf32, #tpu.memory_space<vmem>> -> memref<1x1x50x64xf32, #tpu.memory_space<vmem>>
    %dma_start3A_9 = tpu.memref_squeeze %dma_start3A_8 : memref<1x1x50x64xf32, #tpu.memory_space<vmem>> -> memref<50x64xf32, #tpu.memory_space<vmem>>
    %dma_start3A_10 = arith.constant 0 : i32
    %dma_start3A_11 = tpu.memref_slice %arg5[%dma_start3A, %dma_start3A_10] : memref<128x50xi32, #tpu.memory_space<vmem>> -> memref<1x50xi32, #tpu.memory_space<vmem>>
    %dma_start3A_12 = tpu.memref_squeeze %dma_start3A_11 : memref<1x50xi32, #tpu.memory_space<vmem>> -> memref<50xi32, #tpu.memory_space<vmem>>
    %dma_start3A_13 = arith.constant 0 : i32
    %dma_start3A_14 = arith.constant 0 : i32
    %dma_start3A_15 = tpu.memref_slice %arg3[%dma_start3A_13, %dma_start3A_14] : memref<1000000x64xf32, #tpu.memory_space<hbm>> -> memref<1000000x64xf32, #tpu.memory_space<hbm>>
    %dma_start3A_16 = tpu.memref_slice %arg7[%dma_start3A_5] : memref<2x!tpu.dma_semaphore, #tpu.memory_space<semaphore_mem>> -> memref<1x!tpu.dma_semaphore, #tpu.memory_space<semaphore_mem>>
    %dma_start3A_17 = tpu.memref_squeeze %dma_start3A_16 : memref<1x!tpu.dma_semaphore, #tpu.memory_space<semaphore_mem>> -> memref<!tpu.dma_semaphore, #tpu.memory_space<semaphore_mem>>
    tpu.enqueue_indirect_dma source(%dma_start3A_15 : memref<1000000x64xf32, #tpu.memory_space<hbm>>) target(%dma_start3A_9 : memref<50x64xf32, #tpu.memory_space<vmem>>) offsets(%dma_start3A_12 : memref<50xi32, #tpu.memory_space<vmem>>) semaphore(%dma_start3A_17 : memref<!tpu.dma_semaphore, #tpu.memory_space<semaphore_mem>>)
    %dma_start3A_18 = arith.constant 1 : i32
    %dma_start3A_19 = arith.constant 0 : i32
    %dma_start3A_20 = arith.constant 1 : i32
    %dma_start3A_21 = arith.constant 0 : i32
    %dma_start3A_22 = arith.constant 0 : i32
    %dma_start3A_23 = arith.constant 0 : i32
    %dma_start3A_24 = tpu.memref_slice %arg6[%dma_start3A_19, %dma_start3A_20, %dma_start3A_22, %dma_start3A_23] : memref<2x16x50x64xf32, #tpu.memory_space<vmem>> -> memref<1x1x50x64xf32, #tpu.memory_space<vmem>>
    %dma_start3A_25 = tpu.memref_squeeze %dma_start3A_24 : memref<1x1x50x64xf32, #tpu.memory_space<vmem>> -> memref<50x64xf32, #tpu.memory_space<vmem>>
    %dma_start3A_26 = arith.constant 0 : i32
    %dma_start3A_27 = tpu.memref_slice %arg5[%dma_start3A_18, %dma_start3A_26] : memref<128x50xi32, #tpu.memory_space<vmem>> -> memref<1x50xi32, #tpu.memory_space<vmem>>
    %dma_start3A_28 = tpu.memref_squeeze %dma_start3A_27 : memref<1x50xi32, #tpu.memory_space<vmem>> -> memref<50xi32, #tpu.memory_space<vmem>>
    %dma_start3A_29 = arith.constant 0 : i32
    %dma_start3A_30 = arith.constant 0 : i32
    %dma_start3A_31 = tpu.memref_slice %arg3[%dma_start3A_29, %dma_start3A_30] : memref<1000000x64xf32, #tpu.memory_space<hbm>> -> memref<1000000x64xf32, #tpu.memory_space<hbm>>
    %dma_start3A_32 = tpu.memref_slice %arg7[%dma_start3A_21] : memref<2x!tpu.dma_semaphore, #tpu.memory_space<semaphore_mem>> -> memref<1x!tpu.dma_semaphore, #tpu.memory_space<semaphore_mem>>
    %dma_start3A_33 = tpu.memref_squeeze %dma_start3A_32 : memref<1x!tpu.dma_semaphore, #tpu.memory_space<semaphore_mem>> -> memref<!tpu.dma_semaphore, #tpu.memory_space<semaphore_mem>>
    tpu.enqueue_indirect_dma source(%dma_start3A_31 : memref<1000000x64xf32, #tpu.memory_space<hbm>>) target(%dma_start3A_25 : memref<50x64xf32, #tpu.memory_space<vmem>>) offsets(%dma_start3A_28 : memref<50xi32, #tpu.memory_space<vmem>>) semaphore(%dma_start3A_33 : memref<!tpu.dma_semaphore, #tpu.memory_space<semaphore_mem>>)
    %dma_start3A_34 = arith.constant 2 : i32
    %dma_start3A_35 = arith.constant 0 : i32
    %dma_start3A_36 = arith.constant 2 : i32
    %dma_start3A_37 = arith.constant 0 : i32
    %dma_start3A_38 = arith.constant 0 : i32
    %dma_start3A_39 = arith.constant 0 : i32
    %dma_start3A_40 = tpu.memref_slice %arg6[%dma_start3A_35, %dma_start3A_36, %dma_start3A_38, %dma_start3A_39] : memref<2x16x50x64xf32, #tpu.memory_space<vmem>> -> memref<1x1x50x64xf32, #tpu.memory_space<vmem>>
    %dma_start3A_41 = tpu.memref_squeeze %dma_start3A_40 : memref<1x1x50x64xf32, #tpu.memory_space<vmem>> -> memref<50x64xf32, #tpu.memory_space<vmem>>
    %dma_start3A_42 = arith.constant 0 : i32
    %dma_start3A_43 = tpu.memref_slice %arg5[%dma_start3A_34, %dma_start3A_42] : memref<128x50xi32, #tpu.memory_space<vmem>> -> memref<1x50xi32, #tpu.memory_space<vmem>>
    %dma_start3A_44 = tpu.memref_squeeze %dma_start3A_43 : memref<1x50xi32, #tpu.memory_space<vmem>> -> memref<50xi32, #tpu.memory_space<vmem>>
    %dma_start3A_45 = arith.constant 0 : i32
    %dma_start3A_46 = arith.constant 0 : i32
    %dma_start3A_47 = tpu.memref_slice %arg3[%dma_start3A_45, %dma_start3A_46] : memref<1000000x64xf32, #tpu.memory_space<hbm>> -> memref<1000000x64xf32, #tpu.memory_space<hbm>>
    %dma_start3A_48 = tpu.memref_slice %arg7[%dma_start3A_37] : memref<2x!tpu.dma_semaphore, #tpu.memory_space<semaphore_mem>> -> memref<1x!tpu.dma_semaphore, #tpu.memory_space<semaphore_mem>>
    %dma_start3A_49 = tpu.memref_squeeze %dma_start3A_48 : memref<1x!tpu.dma_semaphore, #tpu.memory_space<semaphore_mem>> -> memref<!tpu.dma_semaphore, #tpu.memory_space<semaphore_mem>>
    tpu.enqueue_indirect_dma source(%dma_start3A_47 : memref<1000000x64xf32, #tpu.memory_space<hbm>>) target(%dma_start3A_41 : memref<50x64xf32, #tpu.memory_space<vmem>>) offsets(%dma_start3A_44 : memref<50xi32, #tpu.memory_space<vmem>>) semaphore(%dma_start3A_49 : memref<!tpu.dma_semaphore, #tpu.memory_space<semaphore_mem>>)
    %dma_start3A_50 = arith.constant 3 : i32
    %dma_start3A_51 = arith.constant 0 : i32
    %dma_start3A_52 = arith.constant 3 : i32
    %dma_start3A_53 = arith.constant 0 : i32
    %dma_start3A_54 = arith.constant 0 : i32
    %dma_start3A_55 = arith.constant 0 : i32
    %dma_start3A_56 = tpu.memref_slice %arg6[%dma_start3A_51, %dma_start3A_52, %dma_start3A_54, %dma_start3A_55] : memref<2x16x50x64xf32, #tpu.memory_space<vmem>> -> memref<1x1x50x64xf32, #tpu.memory_space<vmem>>
    %dma_start3A_57 = tpu.memref_squeeze %dma_start3A_56 : memref<1x1x50x64xf32, #tpu.memory_space<vmem>> -> memref<50x64xf32, #tpu.memory_space<vmem>>
    %dma_start3A_58 = arith.constant 0 : i32
    %dma_start3A_59 = tpu.memref_slice %arg5[%dma_start3A_50, %dma_start3A_58] : memref<128x50xi32, #tpu.memory_space<vmem>> -> memref<1x50xi32, #tpu.memory_space<vmem>>
    %dma_start3A_60 = tpu.memref_squeeze %dma_start3A_59 : memref<1x50xi32, #tpu.memory_space<vmem>> -> memref<50xi32, #tpu.memory_space<vmem>>
    %dma_start3A_61 = arith.constant 0 : i32
    %dma_start3A_62 = arith.constant 0 : i32
    %dma_start3A_63 = tpu.memref_slice %arg3[%dma_start3A_61, %dma_start3A_62] : memref<1000000x64xf32, #tpu.memory_space<hbm>> -> memref<1000000x64xf32, #tpu.memory_space<hbm>>
    %dma_start3A_64 = tpu.memref_slice %arg7[%dma_start3A_53] : memref<2x!tpu.dma_semaphore, #tpu.memory_space<semaphore_mem>> -> memref<1x!tpu.dma_semaphore, #tpu.memory_space<semaphore_mem>>
    %dma_start3A_65 = tpu.memref_squeeze %dma_start3A_64 : memref<1x!tpu.dma_semaphore, #tpu.memory_space<semaphore_mem>> -> memref<!tpu.dma_semaphore, #tpu.memory_space<semaphore_mem>>
    tpu.enqueue_indirect_dma source(%dma_start3A_63 : memref<1000000x64xf32, #tpu.memory_space<hbm>>) target(%dma_start3A_57 : memref<50x64xf32, #tpu.memory_space<vmem>>) offsets(%dma_start3A_60 : memref<50xi32, #tpu.memory_space<vmem>>) semaphore(%dma_start3A_65 : memref<!tpu.dma_semaphore, #tpu.memory_space<semaphore_mem>>)
    %dma_start3A_66 = arith.constant 4 : i32
    %dma_start3A_67 = arith.constant 0 : i32
    %dma_start3A_68 = arith.constant 4 : i32
    %dma_start3A_69 = arith.constant 0 : i32
    %dma_start3A_70 = arith.constant 0 : i32
    %dma_start3A_71 = arith.constant 0 : i32
    %dma_start3A_72 = tpu.memref_slice %arg6[%dma_start3A_67, %dma_start3A_68, %dma_start3A_70, %dma_start3A_71] : memref<2x16x50x64xf32, #tpu.memory_space<vmem>> -> memref<1x1x50x64xf32, #tpu.memory_space<vmem>>
    %dma_start3A_73 = tpu.memref_squeeze %dma_start3A_72 : memref<1x1x50x64xf32, #tpu.memory_space<vmem>> -> memref<50x64xf32, #tpu.memory_space<vmem>>
    %dma_start3A_74 = arith.constant 0 : i32
    %dma_start3A_75 = tpu.memref_slice %arg5[%dma_start3A_66, %dma_start3A_74] : memref<128x50xi32, #tpu.memory_space<vmem>> -> memref<1x50xi32, #tpu.memory_space<vmem>>
    %dma_start3A_76 = tpu.memref_squeeze %dma_start3A_75 : memref<1x50xi32, #tpu.memory_space<vmem>> -> memref<50xi32, #tpu.memory_space<vmem>>
    %dma_start3A_77 = arith.constant 0 : i32
    %dma_start3A_78 = arith.constant 0 : i32
    %dma_start3A_79 = tpu.memref_slice %arg3[%dma_start3A_77, %dma_start3A_78] : memref<1000000x64xf32, #tpu.memory_space<hbm>> -> memref<1000000x64xf32, #tpu.memory_space<hbm>>
    %dma_start3A_80 = tpu.memref_slice %arg7[%dma_start3A_69] : memref<2x!tpu.dma_semaphore, #tpu.memory_space<semaphore_mem>> -> memref<1x!tpu.dma_semaphore, #tpu.memory_space<semaphore_mem>>
    %dma_start3A_81 = tpu.memref_squeeze %dma_start3A_80 : memref<1x!tpu.dma_semaphore, #tpu.memory_space<semaphore_mem>> -> memref<!tpu.dma_semaphore, #tpu.memory_space<semaphore_mem>>
    tpu.enqueue_indirect_dma source(%dma_start3A_79 : memref<1000000x64xf32, #tpu.memory_space<hbm>>) target(%dma_start3A_73 : memref<50x64xf32, #tpu.memory_space<vmem>>) offsets(%dma_start3A_76 : memref<50xi32, #tpu.memory_space<vmem>>) semaphore(%dma_start3A_81 : memref<!tpu.dma_semaphore, #tpu.memory_space<semaphore_mem>>)
    %dma_start3A_82 = arith.constant 5 : i32
    %dma_start3A_83 = arith.constant 0 : i32
    %dma_start3A_84 = arith.constant 5 : i32
    %dma_start3A_85 = arith.constant 0 : i32
    %dma_start3A_86 = arith.constant 0 : i32
    %dma_start3A_87 = arith.constant 0 : i32
    %dma_start3A_88 = tpu.memref_slice %arg6[%dma_start3A_83, %dma_start3A_84, %dma_start3A_86, %dma_start3A_87] : memref<2x16x50x64xf32, #tpu.memory_space<vmem>> -> memref<1x1x50x64xf32, #tpu.memory_space<vmem>>
    %dma_start3A_89 = tpu.memref_squeeze %dma_start3A_88 : memref<1x1x50x64xf32, #tpu.memory_space<vmem>> -> memref<50x64xf32, #tpu.memory_space<vmem>>
    %dma_start3A_90 = arith.constant 0 : i32
    %dma_start3A_91 = tpu.memref_slice %arg5[%dma_start3A_82, %dma_start3A_90] : memref<128x50xi32, #tpu.memory_space<vmem>> -> memref<1x50xi32, #tpu.memory_space<vmem>>
    %dma_start3A_92 = tpu.memref_squeeze %dma_start3A_91 : memref<1x50xi32, #tpu.memory_space<vmem>> -> memref<50xi32, #tpu.memory_space<vmem>>
    %dma_start3A_93 = arith.constant 0 : i32
    %dma_start3A_94 = arith.constant 0 : i32
    %dma_start3A_95 = tpu.memref_slice %arg3[%dma_start3A_93, %dma_start3A_94] : memref<1000000x64xf32, #tpu.memory_space<hbm>> -> memref<1000000x64xf32, #tpu.memory_space<hbm>>
    %dma_start3A_96 = tpu.memref_slice %arg7[%dma_start3A_85] : memref<2x!tpu.dma_semaphore, #tpu.memory_space<semaphore_mem>> -> memref<1x!tpu.dma_semaphore, #tpu.memory_space<semaphore_mem>>
    %dma_start3A_97 = tpu.memref_squeeze %dma_start3A_96 : memref<1x!tpu.dma_semaphore, #tpu.memory_space<semaphore_mem>> -> memref<!tpu.dma_semaphore, #tpu.memory_space<semaphore_mem>>
    tpu.enqueue_indirect_dma source(%dma_start3A_95 : memref<1000000x64xf32, #tpu.memory_space<hbm>>) target(%dma_start3A_89 : memref<50x64xf32, #tpu.memory_space<vmem>>) offsets(%dma_start3A_92 : memref<50xi32, #tpu.memory_space<vmem>>) semaphore(%dma_start3A_97 : memref<!tpu.dma_semaphore, #tpu.memory_space<semaphore_mem>>)
    %dma_start3A_98 = arith.constant 6 : i32
    %dma_start3A_99 = arith.constant 0 : i32
    %dma_start3A_100 = arith.constant 6 : i32
    %dma_start3A_101 = arith.constant 0 : i32
    %dma_start3A_102 = arith.constant 0 : i32
    %dma_start3A_103 = arith.constant 0 : i32
    %dma_start3A_104 = tpu.memref_slice %arg6[%dma_start3A_99, %dma_start3A_100, %dma_start3A_102, %dma_start3A_103] : memref<2x16x50x64xf32, #tpu.memory_space<vmem>> -> memref<1x1x50x64xf32, #tpu.memory_space<vmem>>
    %dma_start3A_105 = tpu.memref_squeeze %dma_start3A_104 : memref<1x1x50x64xf32, #tpu.memory_space<vmem>> -> memref<50x64xf32, #tpu.memory_space<vmem>>
    %dma_start3A_106 = arith.constant 0 : i32
    %dma_start3A_107 = tpu.memref_slice %arg5[%dma_start3A_98, %dma_start3A_106] : memref<128x50xi32, #tpu.memory_space<vmem>> -> memref<1x50xi32, #tpu.memory_space<vmem>>
    %dma_start3A_108 = tpu.memref_squeeze %dma_start3A_107 : memref<1x50xi32, #tpu.memory_space<vmem>> -> memref<50xi32, #tpu.memory_space<vmem>>
    %dma_start3A_109 = arith.constant 0 : i32
    %dma_start3A_110 = arith.constant 0 : i32
    %dma_start3A_111 = tpu.memref_slice %arg3[%dma_start3A_109, %dma_start3A_110] : memref<1000000x64xf32, #tpu.memory_space<hbm>> -> memref<1000000x64xf32, #tpu.memory_space<hbm>>
    %dma_start3A_112 = tpu.memref_slice %arg7[%dma_start3A_101] : memref<2x!tpu.dma_semaphore, #tpu.memory_space<semaphore_mem>> -> memref<1x!tpu.dma_semaphore, #tpu.memory_space<semaphore_mem>>
    %dma_start3A_113 = tpu.memref_squeeze %dma_start3A_112 : memref<1x!tpu.dma_semaphore, #tpu.memory_space<semaphore_mem>> -> memref<!tpu.dma_semaphore, #tpu.memory_space<semaphore_mem>>
    tpu.enqueue_indirect_dma source(%dma_start3A_111 : memref<1000000x64xf32, #tpu.memory_space<hbm>>) target(%dma_start3A_105 : memref<50x64xf32, #tpu.memory_space<vmem>>) offsets(%dma_start3A_108 : memref<50xi32, #tpu.memory_space<vmem>>) semaphore(%dma_start3A_113 : memref<!tpu.dma_semaphore, #tpu.memory_space<semaphore_mem>>)
    %dma_start3A_114 = arith.constant 7 : i32
    %dma_start3A_115 = arith.constant 0 : i32
    %dma_start3A_116 = arith.constant 7 : i32
    %dma_start3A_117 = arith.constant 0 : i32
    %dma_start3A_118 = arith.constant 0 : i32
    %dma_start3A_119 = arith.constant 0 : i32
    %dma_start3A_120 = tpu.memref_slice %arg6[%dma_start3A_115, %dma_start3A_116, %dma_start3A_118, %dma_start3A_119] : memref<2x16x50x64xf32, #tpu.memory_space<vmem>> -> memref<1x1x50x64xf32, #tpu.memory_space<vmem>>
    %dma_start3A_121 = tpu.memref_squeeze %dma_start3A_120 : memref<1x1x50x64xf32, #tpu.memory_space<vmem>> -> memref<50x64xf32, #tpu.memory_space<vmem>>
    %dma_start3A_122 = arith.constant 0 : i32
    %dma_start3A_123 = tpu.memref_slice %arg5[%dma_start3A_114, %dma_start3A_122] : memref<128x50xi32, #tpu.memory_space<vmem>> -> memref<1x50xi32, #tpu.memory_space<vmem>>
    %dma_start3A_124 = tpu.memref_squeeze %dma_start3A_123 : memref<1x50xi32, #tpu.memory_space<vmem>> -> memref<50xi32, #tpu.memory_space<vmem>>
    %dma_start3A_125 = arith.constant 0 : i32
    %dma_start3A_126 = arith.constant 0 : i32
    %dma_start3A_127 = tpu.memref_slice %arg3[%dma_start3A_125, %dma_start3A_126] : memref<1000000x64xf32, #tpu.memory_space<hbm>> -> memref<1000000x64xf32, #tpu.memory_space<hbm>>
    %dma_start3A_128 = tpu.memref_slice %arg7[%dma_start3A_117] : memref<2x!tpu.dma_semaphore, #tpu.memory_space<semaphore_mem>> -> memref<1x!tpu.dma_semaphore, #tpu.memory_space<semaphore_mem>>
    %dma_start3A_129 = tpu.memref_squeeze %dma_start3A_128 : memref<1x!tpu.dma_semaphore, #tpu.memory_space<semaphore_mem>> -> memref<!tpu.dma_semaphore, #tpu.memory_space<semaphore_mem>>
    tpu.enqueue_indirect_dma source(%dma_start3A_127 : memref<1000000x64xf32, #tpu.memory_space<hbm>>) target(%dma_start3A_121 : memref<50x64xf32, #tpu.memory_space<vmem>>) offsets(%dma_start3A_124 : memref<50xi32, #tpu.memory_space<vmem>>) semaphore(%dma_start3A_129 : memref<!tpu.dma_semaphore, #tpu.memory_space<semaphore_mem>>)
    %dma_start3A_130 = arith.constant 8 : i32
    %dma_start3A_131 = arith.constant 0 : i32
    %dma_start3A_132 = arith.constant 8 : i32
    %dma_start3A_133 = arith.constant 0 : i32
    %dma_start3A_134 = arith.constant 0 : i32
    %dma_start3A_135 = arith.constant 0 : i32
    %dma_start3A_136 = tpu.memref_slice %arg6[%dma_start3A_131, %dma_start3A_132, %dma_start3A_134, %dma_start3A_135] : memref<2x16x50x64xf32, #tpu.memory_space<vmem>> -> memref<1x1x50x64xf32, #tpu.memory_space<vmem>>
    %dma_start3A_137 = tpu.memref_squeeze %dma_start3A_136 : memref<1x1x50x64xf32, #tpu.memory_space<vmem>> -> memref<50x64xf32, #tpu.memory_space<vmem>>
    %dma_start3A_138 = arith.constant 0 : i32
    %dma_start3A_139 = tpu.memref_slice %arg5[%dma_start3A_130, %dma_start3A_138] : memref<128x50xi32, #tpu.memory_space<vmem>> -> memref<1x50xi32, #tpu.memory_space<vmem>>
    %dma_start3A_140 = tpu.memref_squeeze %dma_start3A_139 : memref<1x50xi32, #tpu.memory_space<vmem>> -> memref<50xi32, #tpu.memory_space<vmem>>
    %dma_start3A_141 = arith.constant 0 : i32
    %dma_start3A_142 = arith.constant 0 : i32
    %dma_start3A_143 = tpu.memref_slice %arg3[%dma_start3A_141, %dma_start3A_142] : memref<1000000x64xf32, #tpu.memory_space<hbm>> -> memref<1000000x64xf32, #tpu.memory_space<hbm>>
    %dma_start3A_144 = tpu.memref_slice %arg7[%dma_start3A_133] : memref<2x!tpu.dma_semaphore, #tpu.memory_space<semaphore_mem>> -> memref<1x!tpu.dma_semaphore, #tpu.memory_space<semaphore_mem>>
    %dma_start3A_145 = tpu.memref_squeeze %dma_start3A_144 : memref<1x!tpu.dma_semaphore, #tpu.memory_space<semaphore_mem>> -> memref<!tpu.dma_semaphore, #tpu.memory_space<semaphore_mem>>
    tpu.enqueue_indirect_dma source(%dma_start3A_143 : memref<1000000x64xf32, #tpu.memory_space<hbm>>) target(%dma_start3A_137 : memref<50x64xf32, #tpu.memory_space<vmem>>) offsets(%dma_start3A_140 : memref<50xi32, #tpu.memory_space<vmem>>) semaphore(%dma_start3A_145 : memref<!tpu.dma_semaphore, #tpu.memory_space<semaphore_mem>>)
    %dma_start3A_146 = arith.constant 9 : i32
    %dma_start3A_147 = arith.constant 0 : i32
    %dma_start3A_148 = arith.constant 9 : i32
    %dma_start3A_149 = arith.constant 0 : i32
    %dma_start3A_150 = arith.constant 0 : i32
    %dma_start3A_151 = arith.constant 0 : i32
    %dma_start3A_152 = tpu.memref_slice %arg6[%dma_start3A_147, %dma_start3A_148, %dma_start3A_150, %dma_start3A_151] : memref<2x16x50x64xf32, #tpu.memory_space<vmem>> -> memref<1x1x50x64xf32, #tpu.memory_space<vmem>>
    %dma_start3A_153 = tpu.memref_squeeze %dma_start3A_152 : memref<1x1x50x64xf32, #tpu.memory_space<vmem>> -> memref<50x64xf32, #tpu.memory_space<vmem>>
    %dma_start3A_154 = arith.constant 0 : i32
    %dma_start3A_155 = tpu.memref_slice %arg5[%dma_start3A_146, %dma_start3A_154] : memref<128x50xi32, #tpu.memory_space<vmem>> -> memref<1x50xi32, #tpu.memory_space<vmem>>
    %dma_start3A_156 = tpu.memref_squeeze %dma_start3A_155 : memref<1x50xi32, #tpu.memory_space<vmem>> -> memref<50xi32, #tpu.memory_space<vmem>>
    %dma_start3A_157 = arith.constant 0 : i32
    %dma_start3A_158 = arith.constant 0 : i32
    %dma_start3A_159 = tpu.memref_slice %arg3[%dma_start3A_157, %dma_start3A_158] : memref<1000000x64xf32, #tpu.memory_space<hbm>> -> memref<1000000x64xf32, #tpu.memory_space<hbm>>
    %dma_start3A_160 = tpu.memref_slice %arg7[%dma_start3A_149] : memref<2x!tpu.dma_semaphore, #tpu.memory_space<semaphore_mem>> -> memref<1x!tpu.dma_semaphore, #tpu.memory_space<semaphore_mem>>
    %dma_start3A_161 = tpu.memref_squeeze %dma_start3A_160 : memref<1x!tpu.dma_semaphore, #tpu.memory_space<semaphore_mem>> -> memref<!tpu.dma_semaphore, #tpu.memory_space<semaphore_mem>>
    tpu.enqueue_indirect_dma source(%dma_start3A_159 : memref<1000000x64xf32, #tpu.memory_space<hbm>>) target(%dma_start3A_153 : memref<50x64xf32, #tpu.memory_space<vmem>>) offsets(%dma_start3A_156 : memref<50xi32, #tpu.memory_space<vmem>>) semaphore(%dma_start3A_161 : memref<!tpu.dma_semaphore, #tpu.memory_space<semaphore_mem>>)
    %dma_start3A_162 = arith.constant 10 : i32
    %dma_start3A_163 = arith.constant 0 : i32
    %dma_start3A_164 = arith.constant 10 : i32
    %dma_start3A_165 = arith.constant 0 : i32
    %dma_start3A_166 = arith.constant 0 : i32
    %dma_start3A_167 = arith.constant 0 : i32
    %dma_start3A_168 = tpu.memref_slice %arg6[%dma_start3A_163, %dma_start3A_164, %dma_start3A_166, %dma_start3A_167] : memref<2x16x50x64xf32, #tpu.memory_space<vmem>> -> memref<1x1x50x64xf32, #tpu.memory_space<vmem>>
    %dma_start3A_169 = tpu.memref_squeeze %dma_start3A_168 : memref<1x1x50x64xf32, #tpu.memory_space<vmem>> -> memref<50x64xf32, #tpu.memory_space<vmem>>
    %dma_start3A_170 = arith.constant 0 : i32
    %dma_start3A_171 = tpu.memref_slice %arg5[%dma_start3A_162, %dma_start3A_170] : memref<128x50xi32, #tpu.memory_space<vmem>> -> memref<1x50xi32, #tpu.memory_space<vmem>>
    %dma_start3A_172 = tpu.memref_squeeze %dma_start3A_171 : memref<1x50xi32, #tpu.memory_space<vmem>> -> memref<50xi32, #tpu.memory_space<vmem>>
    %dma_start3A_173 = arith.constant 0 : i32
    %dma_start3A_174 = arith.constant 0 : i32
    %dma_start3A_175 = tpu.memref_slice %arg3[%dma_start3A_173, %dma_start3A_174] : memref<1000000x64xf32, #tpu.memory_space<hbm>> -> memref<1000000x64xf32, #tpu.memory_space<hbm>>
    %dma_start3A_176 = tpu.memref_slice %arg7[%dma_start3A_165] : memref<2x!tpu.dma_semaphore, #tpu.memory_space<semaphore_mem>> -> memref<1x!tpu.dma_semaphore, #tpu.memory_space<semaphore_mem>>
    %dma_start3A_177 = tpu.memref_squeeze %dma_start3A_176 : memref<1x!tpu.dma_semaphore, #tpu.memory_space<semaphore_mem>> -> memref<!tpu.dma_semaphore, #tpu.memory_space<semaphore_mem>>
    tpu.enqueue_indirect_dma source(%dma_start3A_175 : memref<1000000x64xf32, #tpu.memory_space<hbm>>) target(%dma_start3A_169 : memref<50x64xf32, #tpu.memory_space<vmem>>) offsets(%dma_start3A_172 : memref<50xi32, #tpu.memory_space<vmem>>) semaphore(%dma_start3A_177 : memref<!tpu.dma_semaphore, #tpu.memory_space<semaphore_mem>>)
    %dma_start3A_178 = arith.constant 11 : i32
    %dma_start3A_179 = arith.constant 0 : i32
    %dma_start3A_180 = arith.constant 11 : i32
    %dma_start3A_181 = arith.constant 0 : i32
    %dma_start3A_182 = arith.constant 0 : i32
    %dma_start3A_183 = arith.constant 0 : i32
    %dma_start3A_184 = tpu.memref_slice %arg6[%dma_start3A_179, %dma_start3A_180, %dma_start3A_182, %dma_start3A_183] : memref<2x16x50x64xf32, #tpu.memory_space<vmem>> -> memref<1x1x50x64xf32, #tpu.memory_space<vmem>>
    %dma_start3A_185 = tpu.memref_squeeze %dma_start3A_184 : memref<1x1x50x64xf32, #tpu.memory_space<vmem>> -> memref<50x64xf32, #tpu.memory_space<vmem>>
    %dma_start3A_186 = arith.constant 0 : i32
    %dma_start3A_187 = tpu.memref_slice %arg5[%dma_start3A_178, %dma_start3A_186] : memref<128x50xi32, #tpu.memory_space<vmem>> -> memref<1x50xi32, #tpu.memory_space<vmem>>
    %dma_start3A_188 = tpu.memref_squeeze %dma_start3A_187 : memref<1x50xi32, #tpu.memory_space<vmem>> -> memref<50xi32, #tpu.memory_space<vmem>>
    %dma_start3A_189 = arith.constant 0 : i32
    %dma_start3A_190 = arith.constant 0 : i32
    %dma_start3A_191 = tpu.memref_slice %arg3[%dma_start3A_189, %dma_start3A_190] : memref<1000000x64xf32, #tpu.memory_space<hbm>> -> memref<1000000x64xf32, #tpu.memory_space<hbm>>
    %dma_start3A_192 = tpu.memref_slice %arg7[%dma_start3A_181] : memref<2x!tpu.dma_semaphore, #tpu.memory_space<semaphore_mem>> -> memref<1x!tpu.dma_semaphore, #tpu.memory_space<semaphore_mem>>
    %dma_start3A_193 = tpu.memref_squeeze %dma_start3A_192 : memref<1x!tpu.dma_semaphore, #tpu.memory_space<semaphore_mem>> -> memref<!tpu.dma_semaphore, #tpu.memory_space<semaphore_mem>>
    tpu.enqueue_indirect_dma source(%dma_start3A_191 : memref<1000000x64xf32, #tpu.memory_space<hbm>>) target(%dma_start3A_185 : memref<50x64xf32, #tpu.memory_space<vmem>>) offsets(%dma_start3A_188 : memref<50xi32, #tpu.memory_space<vmem>>) semaphore(%dma_start3A_193 : memref<!tpu.dma_semaphore, #tpu.memory_space<semaphore_mem>>)
    %dma_start3A_194 = arith.constant 12 : i32
    %dma_start3A_195 = arith.constant 0 : i32
    %dma_start3A_196 = arith.constant 12 : i32
    %dma_start3A_197 = arith.constant 0 : i32
    %dma_start3A_198 = arith.constant 0 : i32
    %dma_start3A_199 = arith.constant 0 : i32
    %dma_start3A_200 = tpu.memref_slice %arg6[%dma_start3A_195, %dma_start3A_196, %dma_start3A_198, %dma_start3A_199] : memref<2x16x50x64xf32, #tpu.memory_space<vmem>> -> memref<1x1x50x64xf32, #tpu.memory_space<vmem>>
    %dma_start3A_201 = tpu.memref_squeeze %dma_start3A_200 : memref<1x1x50x64xf32, #tpu.memory_space<vmem>> -> memref<50x64xf32, #tpu.memory_space<vmem>>
    %dma_start3A_202 = arith.constant 0 : i32
    %dma_start3A_203 = tpu.memref_slice %arg5[%dma_start3A_194, %dma_start3A_202] : memref<128x50xi32, #tpu.memory_space<vmem>> -> memref<1x50xi32, #tpu.memory_space<vmem>>
    %dma_start3A_204 = tpu.memref_squeeze %dma_start3A_203 : memref<1x50xi32, #tpu.memory_space<vmem>> -> memref<50xi32, #tpu.memory_space<vmem>>
    %dma_start3A_205 = arith.constant 0 : i32
    %dma_start3A_206 = arith.constant 0 : i32
    %dma_start3A_207 = tpu.memref_slice %arg3[%dma_start3A_205, %dma_start3A_206] : memref<1000000x64xf32, #tpu.memory_space<hbm>> -> memref<1000000x64xf32, #tpu.memory_space<hbm>>
    %dma_start3A_208 = tpu.memref_slice %arg7[%dma_start3A_197] : memref<2x!tpu.dma_semaphore, #tpu.memory_space<semaphore_mem>> -> memref<1x!tpu.dma_semaphore, #tpu.memory_space<semaphore_mem>>
    %dma_start3A_209 = tpu.memref_squeeze %dma_start3A_208 : memref<1x!tpu.dma_semaphore, #tpu.memory_space<semaphore_mem>> -> memref<!tpu.dma_semaphore, #tpu.memory_space<semaphore_mem>>
    tpu.enqueue_indirect_dma source(%dma_start3A_207 : memref<1000000x64xf32, #tpu.memory_space<hbm>>) target(%dma_start3A_201 : memref<50x64xf32, #tpu.memory_space<vmem>>) offsets(%dma_start3A_204 : memref<50xi32, #tpu.memory_space<vmem>>) semaphore(%dma_start3A_209 : memref<!tpu.dma_semaphore, #tpu.memory_space<semaphore_mem>>)
    %dma_start3A_210 = arith.constant 13 : i32
    %dma_start3A_211 = arith.constant 0 : i32
    %dma_start3A_212 = arith.constant 13 : i32
    %dma_start3A_213 = arith.constant 0 : i32
    %dma_start3A_214 = arith.constant 0 : i32
    %dma_start3A_215 = arith.constant 0 : i32
    %dma_start3A_216 = tpu.memref_slice %arg6[%dma_start3A_211, %dma_start3A_212, %dma_start3A_214, %dma_start3A_215] : memref<2x16x50x64xf32, #tpu.memory_space<vmem>> -> memref<1x1x50x64xf32, #tpu.memory_space<vmem>>
    %dma_start3A_217 = tpu.memref_squeeze %dma_start3A_216 : memref<1x1x50x64xf32, #tpu.memory_space<vmem>> -> memref<50x64xf32, #tpu.memory_space<vmem>>
    %dma_start3A_218 = arith.constant 0 : i32
    %dma_start3A_219 = tpu.memref_slice %arg5[%dma_start3A_210, %dma_start3A_218] : memref<128x50xi32, #tpu.memory_space<vmem>> -> memref<1x50xi32, #tpu.memory_space<vmem>>
    %dma_start3A_220 = tpu.memref_squeeze %dma_start3A_219 : memref<1x50xi32, #tpu.memory_space<vmem>> -> memref<50xi32, #tpu.memory_space<vmem>>
    %dma_start3A_221 = arith.constant 0 : i32
    %dma_start3A_222 = arith.constant 0 : i32
    %dma_start3A_223 = tpu.memref_slice %arg3[%dma_start3A_221, %dma_start3A_222] : memref<1000000x64xf32, #tpu.memory_space<hbm>> -> memref<1000000x64xf32, #tpu.memory_space<hbm>>
    %dma_start3A_224 = tpu.memref_slice %arg7[%dma_start3A_213] : memref<2x!tpu.dma_semaphore, #tpu.memory_space<semaphore_mem>> -> memref<1x!tpu.dma_semaphore, #tpu.memory_space<semaphore_mem>>
    %dma_start3A_225 = tpu.memref_squeeze %dma_start3A_224 : memref<1x!tpu.dma_semaphore, #tpu.memory_space<semaphore_mem>> -> memref<!tpu.dma_semaphore, #tpu.memory_space<semaphore_mem>>
    tpu.enqueue_indirect_dma source(%dma_start3A_223 : memref<1000000x64xf32, #tpu.memory_space<hbm>>) target(%dma_start3A_217 : memref<50x64xf32, #tpu.memory_space<vmem>>) offsets(%dma_start3A_220 : memref<50xi32, #tpu.memory_space<vmem>>) semaphore(%dma_start3A_225 : memref<!tpu.dma_semaphore, #tpu.memory_space<semaphore_mem>>)
    %dma_start3A_226 = arith.constant 14 : i32
    %dma_start3A_227 = arith.constant 0 : i32
    %dma_start3A_228 = arith.constant 14 : i32
    %dma_start3A_229 = arith.constant 0 : i32
    %dma_start3A_230 = arith.constant 0 : i32
    %dma_start3A_231 = arith.constant 0 : i32
    %dma_start3A_232 = tpu.memref_slice %arg6[%dma_start3A_227, %dma_start3A_228, %dma_start3A_230, %dma_start3A_231] : memref<2x16x50x64xf32, #tpu.memory_space<vmem>> -> memref<1x1x50x64xf32, #tpu.memory_space<vmem>>
    %dma_start3A_233 = tpu.memref_squeeze %dma_start3A_232 : memref<1x1x50x64xf32, #tpu.memory_space<vmem>> -> memref<50x64xf32, #tpu.memory_space<vmem>>
    %dma_start3A_234 = arith.constant 0 : i32
    %dma_start3A_235 = tpu.memref_slice %arg5[%dma_start3A_226, %dma_start3A_234] : memref<128x50xi32, #tpu.memory_space<vmem>> -> memref<1x50xi32, #tpu.memory_space<vmem>>
    %dma_start3A_236 = tpu.memref_squeeze %dma_start3A_235 : memref<1x50xi32, #tpu.memory_space<vmem>> -> memref<50xi32, #tpu.memory_space<vmem>>
    %dma_start3A_237 = arith.constant 0 : i32
    %dma_start3A_238 = arith.constant 0 : i32
    %dma_start3A_239 = tpu.memref_slice %arg3[%dma_start3A_237, %dma_start3A_238] : memref<1000000x64xf32, #tpu.memory_space<hbm>> -> memref<1000000x64xf32, #tpu.memory_space<hbm>>
    %dma_start3A_240 = tpu.memref_slice %arg7[%dma_start3A_229] : memref<2x!tpu.dma_semaphore, #tpu.memory_space<semaphore_mem>> -> memref<1x!tpu.dma_semaphore, #tpu.memory_space<semaphore_mem>>
    %dma_start3A_241 = tpu.memref_squeeze %dma_start3A_240 : memref<1x!tpu.dma_semaphore, #tpu.memory_space<semaphore_mem>> -> memref<!tpu.dma_semaphore, #tpu.memory_space<semaphore_mem>>
    tpu.enqueue_indirect_dma source(%dma_start3A_239 : memref<1000000x64xf32, #tpu.memory_space<hbm>>) target(%dma_start3A_233 : memref<50x64xf32, #tpu.memory_space<vmem>>) offsets(%dma_start3A_236 : memref<50xi32, #tpu.memory_space<vmem>>) semaphore(%dma_start3A_241 : memref<!tpu.dma_semaphore, #tpu.memory_space<semaphore_mem>>)
    %dma_start3A_242 = arith.constant 15 : i32
    %dma_start3A_243 = arith.constant 0 : i32
    %dma_start3A_244 = arith.constant 15 : i32
    %dma_start3A_245 = arith.constant 0 : i32
    %dma_start3A_246 = arith.constant 0 : i32
    %dma_start3A_247 = arith.constant 0 : i32
    %dma_start3A_248 = tpu.memref_slice %arg6[%dma_start3A_243, %dma_start3A_244, %dma_start3A_246, %dma_start3A_247] : memref<2x16x50x64xf32, #tpu.memory_space<vmem>> -> memref<1x1x50x64xf32, #tpu.memory_space<vmem>>
    %dma_start3A_249 = tpu.memref_squeeze %dma_start3A_248 : memref<1x1x50x64xf32, #tpu.memory_space<vmem>> -> memref<50x64xf32, #tpu.memory_space<vmem>>
    %dma_start3A_250 = arith.constant 0 : i32
    %dma_start3A_251 = tpu.memref_slice %arg5[%dma_start3A_242, %dma_start3A_250] : memref<128x50xi32, #tpu.memory_space<vmem>> -> memref<1x50xi32, #tpu.memory_space<vmem>>
    %dma_start3A_252 = tpu.memref_squeeze %dma_start3A_251 : memref<1x50xi32, #tpu.memory_space<vmem>> -> memref<50xi32, #tpu.memory_space<vmem>>
    %dma_start3A_253 = arith.constant 0 : i32
    %dma_start3A_254 = arith.constant 0 : i32
    %dma_start3A_255 = tpu.memref_slice %arg3[%dma_start3A_253, %dma_start3A_254] : memref<1000000x64xf32, #tpu.memory_space<hbm>> -> memref<1000000x64xf32, #tpu.memory_space<hbm>>
    %dma_start3A_256 = tpu.memref_slice %arg7[%dma_start3A_245] : memref<2x!tpu.dma_semaphore, #tpu.memory_space<semaphore_mem>> -> memref<1x!tpu.dma_semaphore, #tpu.memory_space<semaphore_mem>>
    %dma_start3A_257 = tpu.memref_squeeze %dma_start3A_256 : memref<1x!tpu.dma_semaphore, #tpu.memory_space<semaphore_mem>> -> memref<!tpu.dma_semaphore, #tpu.memory_space<semaphore_mem>>
    tpu.enqueue_indirect_dma source(%dma_start3A_255 : memref<1000000x64xf32, #tpu.memory_space<hbm>>) target(%dma_start3A_249 : memref<50x64xf32, #tpu.memory_space<vmem>>) offsets(%dma_start3A_252 : memref<50xi32, #tpu.memory_space<vmem>>) semaphore(%dma_start3A_257 : memref<!tpu.dma_semaphore, #tpu.memory_space<semaphore_mem>>)
    %dma_start3A_258 = arith.constant 16 : i32
    %dma_start3A_259 = arith.constant 1 : i32
    %dma_start3A_260 = arith.constant 0 : i32
    %dma_start3A_261 = arith.constant 1 : i32
    %dma_start3A_262 = arith.constant 0 : i32
    %dma_start3A_263 = arith.constant 0 : i32
    %dma_start3A_264 = tpu.memref_slice %arg6[%dma_start3A_259, %dma_start3A_260, %dma_start3A_262, %dma_start3A_263] : memref<2x16x50x64xf32, #tpu.memory_space<vmem>> -> memref<1x1x50x64xf32, #tpu.memory_space<vmem>>
    %dma_start3A_265 = tpu.memref_squeeze %dma_start3A_264 : memref<1x1x50x64xf32, #tpu.memory_space<vmem>> -> memref<50x64xf32, #tpu.memory_space<vmem>>
    %dma_start3A_266 = arith.constant 0 : i32
    %dma_start3A_267 = tpu.memref_slice %arg5[%dma_start3A_258, %dma_start3A_266] : memref<128x50xi32, #tpu.memory_space<vmem>> -> memref<1x50xi32, #tpu.memory_space<vmem>>
    %dma_start3A_268 = tpu.memref_squeeze %dma_start3A_267 : memref<1x50xi32, #tpu.memory_space<vmem>> -> memref<50xi32, #tpu.memory_space<vmem>>
    %dma_start3A_269 = arith.constant 0 : i32
    %dma_start3A_270 = arith.constant 0 : i32
    %dma_start3A_271 = tpu.memref_slice %arg3[%dma_start3A_269, %dma_start3A_270] : memref<1000000x64xf32, #tpu.memory_space<hbm>> -> memref<1000000x64xf32, #tpu.memory_space<hbm>>
    %dma_start3A_272 = tpu.memref_slice %arg7[%dma_start3A_261] : memref<2x!tpu.dma_semaphore, #tpu.memory_space<semaphore_mem>> -> memref<1x!tpu.dma_semaphore, #tpu.memory_space<semaphore_mem>>
    %dma_start3A_273 = tpu.memref_squeeze %dma_start3A_272 : memref<1x!tpu.dma_semaphore, #tpu.memory_space<semaphore_mem>> -> memref<!tpu.dma_semaphore, #tpu.memory_space<semaphore_mem>>
    tpu.enqueue_indirect_dma source(%dma_start3A_271 : memref<1000000x64xf32, #tpu.memory_space<hbm>>) target(%dma_start3A_265 : memref<50x64xf32, #tpu.memory_space<vmem>>) offsets(%dma_start3A_268 : memref<50xi32, #tpu.memory_space<vmem>>) semaphore(%dma_start3A_273 : memref<!tpu.dma_semaphore, #tpu.memory_space<semaphore_mem>>)
    %dma_start3A_274 = arith.constant 17 : i32
    %dma_start3A_275 = arith.constant 1 : i32
    %dma_start3A_276 = arith.constant 1 : i32
    %dma_start3A_277 = arith.constant 1 : i32
    %dma_start3A_278 = arith.constant 0 : i32
    %dma_start3A_279 = arith.constant 0 : i32
    %dma_start3A_280 = tpu.memref_slice %arg6[%dma_start3A_275, %dma_start3A_276, %dma_start3A_278, %dma_start3A_279] : memref<2x16x50x64xf32, #tpu.memory_space<vmem>> -> memref<1x1x50x64xf32, #tpu.memory_space<vmem>>
    %dma_start3A_281 = tpu.memref_squeeze %dma_start3A_280 : memref<1x1x50x64xf32, #tpu.memory_space<vmem>> -> memref<50x64xf32, #tpu.memory_space<vmem>>
    %dma_start3A_282 = arith.constant 0 : i32
    %dma_start3A_283 = tpu.memref_slice %arg5[%dma_start3A_274, %dma_start3A_282] : memref<128x50xi32, #tpu.memory_space<vmem>> -> memref<1x50xi32, #tpu.memory_space<vmem>>
    %dma_start3A_284 = tpu.memref_squeeze %dma_start3A_283 : memref<1x50xi32, #tpu.memory_space<vmem>> -> memref<50xi32, #tpu.memory_space<vmem>>
    %dma_start3A_285 = arith.constant 0 : i32
    %dma_start3A_286 = arith.constant 0 : i32
    %dma_start3A_287 = tpu.memref_slice %arg3[%dma_start3A_285, %dma_start3A_286] : memref<1000000x64xf32, #tpu.memory_space<hbm>> -> memref<1000000x64xf32, #tpu.memory_space<hbm>>
    %dma_start3A_288 = tpu.memref_slice %arg7[%dma_start3A_277] : memref<2x!tpu.dma_semaphore, #tpu.memory_space<semaphore_mem>> -> memref<1x!tpu.dma_semaphore, #tpu.memory_space<semaphore_mem>>
    %dma_start3A_289 = tpu.memref_squeeze %dma_start3A_288 : memref<1x!tpu.dma_semaphore, #tpu.memory_space<semaphore_mem>> -> memref<!tpu.dma_semaphore, #tpu.memory_space<semaphore_mem>>
    tpu.enqueue_indirect_dma source(%dma_start3A_287 : memref<1000000x64xf32, #tpu.memory_space<hbm>>) target(%dma_start3A_281 : memref<50x64xf32, #tpu.memory_space<vmem>>) offsets(%dma_start3A_284 : memref<50xi32, #tpu.memory_space<vmem>>) semaphore(%dma_start3A_289 : memref<!tpu.dma_semaphore, #tpu.memory_space<semaphore_mem>>)
    %dma_start3A_290 = arith.constant 18 : i32
    %dma_start3A_291 = arith.constant 1 : i32
    %dma_start3A_292 = arith.constant 2 : i32
    %dma_start3A_293 = arith.constant 1 : i32
    %dma_start3A_294 = arith.constant 0 : i32
    %dma_start3A_295 = arith.constant 0 : i32
    %dma_start3A_296 = tpu.memref_slice %arg6[%dma_start3A_291, %dma_start3A_292, %dma_start3A_294, %dma_start3A_295] : memref<2x16x50x64xf32, #tpu.memory_space<vmem>> -> memref<1x1x50x64xf32, #tpu.memory_space<vmem>>
    %dma_start3A_297 = tpu.memref_squeeze %dma_start3A_296 : memref<1x1x50x64xf32, #tpu.memory_space<vmem>> -> memref<50x64xf32, #tpu.memory_space<vmem>>
    %dma_start3A_298 = arith.constant 0 : i32
    %dma_start3A_299 = tpu.memref_slice %arg5[%dma_start3A_290, %dma_start3A_298] : memref<128x50xi32, #tpu.memory_space<vmem>> -> memref<1x50xi32, #tpu.memory_space<vmem>>
    %dma_start3A_300 = tpu.memref_squeeze %dma_start3A_299 : memref<1x50xi32, #tpu.memory_space<vmem>> -> memref<50xi32, #tpu.memory_space<vmem>>
    %dma_start3A_301 = arith.constant 0 : i32
    %dma_start3A_302 = arith.constant 0 : i32
    %dma_start3A_303 = tpu.memref_slice %arg3[%dma_start3A_301, %dma_start3A_302] : memref<1000000x64xf32, #tpu.memory_space<hbm>> -> memref<1000000x64xf32, #tpu.memory_space<hbm>>
    %dma_start3A_304 = tpu.memref_slice %arg7[%dma_start3A_293] : memref<2x!tpu.dma_semaphore, #tpu.memory_space<semaphore_mem>> -> memref<1x!tpu.dma_semaphore, #tpu.memory_space<semaphore_mem>>
    %dma_start3A_305 = tpu.memref_squeeze %dma_start3A_304 : memref<1x!tpu.dma_semaphore, #tpu.memory_space<semaphore_mem>> -> memref<!tpu.dma_semaphore, #tpu.memory_space<semaphore_mem>>
    tpu.enqueue_indirect_dma source(%dma_start3A_303 : memref<1000000x64xf32, #tpu.memory_space<hbm>>) target(%dma_start3A_297 : memref<50x64xf32, #tpu.memory_space<vmem>>) offsets(%dma_start3A_300 : memref<50xi32, #tpu.memory_space<vmem>>) semaphore(%dma_start3A_305 : memref<!tpu.dma_semaphore, #tpu.memory_space<semaphore_mem>>)
    %dma_start3A_306 = arith.constant 19 : i32
    %dma_start3A_307 = arith.constant 1 : i32
    %dma_start3A_308 = arith.constant 3 : i32
    %dma_start3A_309 = arith.constant 1 : i32
    %dma_start3A_310 = arith.constant 0 : i32
    %dma_start3A_311 = arith.constant 0 : i32
    %dma_start3A_312 = tpu.memref_slice %arg6[%dma_start3A_307, %dma_start3A_308, %dma_start3A_310, %dma_start3A_311] : memref<2x16x50x64xf32, #tpu.memory_space<vmem>> -> memref<1x1x50x64xf32, #tpu.memory_space<vmem>>
    %dma_start3A_313 = tpu.memref_squeeze %dma_start3A_312 : memref<1x1x50x64xf32, #tpu.memory_space<vmem>> -> memref<50x64xf32, #tpu.memory_space<vmem>>
    %dma_start3A_314 = arith.constant 0 : i32
    %dma_start3A_315 = tpu.memref_slice %arg5[%dma_start3A_306, %dma_start3A_314] : memref<128x50xi32, #tpu.memory_space<vmem>> -> memref<1x50xi32, #tpu.memory_space<vmem>>
    %dma_start3A_316 = tpu.memref_squeeze %dma_start3A_315 : memref<1x50xi32, #tpu.memory_space<vmem>> -> memref<50xi32, #tpu.memory_space<vmem>>
    %dma_start3A_317 = arith.constant 0 : i32
    %dma_start3A_318 = arith.constant 0 : i32
    %dma_start3A_319 = tpu.memref_slice %arg3[%dma_start3A_317, %dma_start3A_318] : memref<1000000x64xf32, #tpu.memory_space<hbm>> -> memref<1000000x64xf32, #tpu.memory_space<hbm>>
    %dma_start3A_320 = tpu.memref_slice %arg7[%dma_start3A_309] : memref<2x!tpu.dma_semaphore, #tpu.memory_space<semaphore_mem>> -> memref<1x!tpu.dma_semaphore, #tpu.memory_space<semaphore_mem>>
    %dma_start3A_321 = tpu.memref_squeeze %dma_start3A_320 : memref<1x!tpu.dma_semaphore, #tpu.memory_space<semaphore_mem>> -> memref<!tpu.dma_semaphore, #tpu.memory_space<semaphore_mem>>
    tpu.enqueue_indirect_dma source(%dma_start3A_319 : memref<1000000x64xf32, #tpu.memory_space<hbm>>) target(%dma_start3A_313 : memref<50x64xf32, #tpu.memory_space<vmem>>) offsets(%dma_start3A_316 : memref<50xi32, #tpu.memory_space<vmem>>) semaphore(%dma_start3A_321 : memref<!tpu.dma_semaphore, #tpu.memory_space<semaphore_mem>>)
    %dma_start3A_322 = arith.constant 20 : i32
    %dma_start3A_323 = arith.constant 1 : i32
    %dma_start3A_324 = arith.constant 4 : i32
    %dma_start3A_325 = arith.constant 1 : i32
    %dma_start3A_326 = arith.constant 0 : i32
    %dma_start3A_327 = arith.constant 0 : i32
    %dma_start3A_328 = tpu.memref_slice %arg6[%dma_start3A_323, %dma_start3A_324, %dma_start3A_326, %dma_start3A_327] : memref<2x16x50x64xf32, #tpu.memory_space<vmem>> -> memref<1x1x50x64xf32, #tpu.memory_space<vmem>>
    %dma_start3A_329 = tpu.memref_squeeze %dma_start3A_328 : memref<1x1x50x64xf32, #tpu.memory_space<vmem>> -> memref<50x64xf32, #tpu.memory_space<vmem>>
    %dma_start3A_330 = arith.constant 0 : i32
    %dma_start3A_331 = tpu.memref_slice %arg5[%dma_start3A_322, %dma_start3A_330] : memref<128x50xi32, #tpu.memory_space<vmem>> -> memref<1x50xi32, #tpu.memory_space<vmem>>
    %dma_start3A_332 = tpu.memref_squeeze %dma_start3A_331 : memref<1x50xi32, #tpu.memory_space<vmem>> -> memref<50xi32, #tpu.memory_space<vmem>>
    %dma_start3A_333 = arith.constant 0 : i32
    %dma_start3A_334 = arith.constant 0 : i32
    %dma_start3A_335 = tpu.memref_slice %arg3[%dma_start3A_333, %dma_start3A_334] : memref<1000000x64xf32, #tpu.memory_space<hbm>> -> memref<1000000x64xf32, #tpu.memory_space<hbm>>
    %dma_start3A_336 = tpu.memref_slice %arg7[%dma_start3A_325] : memref<2x!tpu.dma_semaphore, #tpu.memory_space<semaphore_mem>> -> memref<1x!tpu.dma_semaphore, #tpu.memory_space<semaphore_mem>>
    %dma_start3A_337 = tpu.memref_squeeze %dma_start3A_336 : memref<1x!tpu.dma_semaphore, #tpu.memory_space<semaphore_mem>> -> memref<!tpu.dma_semaphore, #tpu.memory_space<semaphore_mem>>
    tpu.enqueue_indirect_dma source(%dma_start3A_335 : memref<1000000x64xf32, #tpu.memory_space<hbm>>) target(%dma_start3A_329 : memref<50x64xf32, #tpu.memory_space<vmem>>) offsets(%dma_start3A_332 : memref<50xi32, #tpu.memory_space<vmem>>) semaphore(%dma_start3A_337 : memref<!tpu.dma_semaphore, #tpu.memory_space<semaphore_mem>>)
    %dma_start3A_338 = arith.constant 21 : i32
    %dma_start3A_339 = arith.constant 1 : i32
    %dma_start3A_340 = arith.constant 5 : i32
    %dma_start3A_341 = arith.constant 1 : i32
    %dma_start3A_342 = arith.constant 0 : i32
    %dma_start3A_343 = arith.constant 0 : i32
    %dma_start3A_344 = tpu.memref_slice %arg6[%dma_start3A_339, %dma_start3A_340, %dma_start3A_342, %dma_start3A_343] : memref<2x16x50x64xf32, #tpu.memory_space<vmem>> -> memref<1x1x50x64xf32, #tpu.memory_space<vmem>>
    %dma_start3A_345 = tpu.memref_squeeze %dma_start3A_344 : memref<1x1x50x64xf32, #tpu.memory_space<vmem>> -> memref<50x64xf32, #tpu.memory_space<vmem>>
    %dma_start3A_346 = arith.constant 0 : i32
    %dma_start3A_347 = tpu.memref_slice %arg5[%dma_start3A_338, %dma_start3A_346] : memref<128x50xi32, #tpu.memory_space<vmem>> -> memref<1x50xi32, #tpu.memory_space<vmem>>
    %dma_start3A_348 = tpu.memref_squeeze %dma_start3A_347 : memref<1x50xi32, #tpu.memory_space<vmem>> -> memref<50xi32, #tpu.memory_space<vmem>>
    %dma_start3A_349 = arith.constant 0 : i32
    %dma_start3A_350 = arith.constant 0 : i32
    %dma_start3A_351 = tpu.memref_slice %arg3[%dma_start3A_349, %dma_start3A_350] : memref<1000000x64xf32, #tpu.memory_space<hbm>> -> memref<1000000x64xf32, #tpu.memory_space<hbm>>
    %dma_start3A_352 = tpu.memref_slice %arg7[%dma_start3A_341] : memref<2x!tpu.dma_semaphore, #tpu.memory_space<semaphore_mem>> -> memref<1x!tpu.dma_semaphore, #tpu.memory_space<semaphore_mem>>
    %dma_start3A_353 = tpu.memref_squeeze %dma_start3A_352 : memref<1x!tpu.dma_semaphore, #tpu.memory_space<semaphore_mem>> -> memref<!tpu.dma_semaphore, #tpu.memory_space<semaphore_mem>>
    tpu.enqueue_indirect_dma source(%dma_start3A_351 : memref<1000000x64xf32, #tpu.memory_space<hbm>>) target(%dma_start3A_345 : memref<50x64xf32, #tpu.memory_space<vmem>>) offsets(%dma_start3A_348 : memref<50xi32, #tpu.memory_space<vmem>>) semaphore(%dma_start3A_353 : memref<!tpu.dma_semaphore, #tpu.memory_space<semaphore_mem>>)
    %dma_start3A_354 = arith.constant 22 : i32
    %dma_start3A_355 = arith.constant 1 : i32
    %dma_start3A_356 = arith.constant 6 : i32
    %dma_start3A_357 = arith.constant 1 : i32
    %dma_start3A_358 = arith.constant 0 : i32
    %dma_start3A_359 = arith.constant 0 : i32
    %dma_start3A_360 = tpu.memref_slice %arg6[%dma_start3A_355, %dma_start3A_356, %dma_start3A_358, %dma_start3A_359] : memref<2x16x50x64xf32, #tpu.memory_space<vmem>> -> memref<1x1x50x64xf32, #tpu.memory_space<vmem>>
    %dma_start3A_361 = tpu.memref_squeeze %dma_start3A_360 : memref<1x1x50x64xf32, #tpu.memory_space<vmem>> -> memref<50x64xf32, #tpu.memory_space<vmem>>
    %dma_start3A_362 = arith.constant 0 : i32
    %dma_start3A_363 = tpu.memref_slice %arg5[%dma_start3A_354, %dma_start3A_362] : memref<128x50xi32, #tpu.memory_space<vmem>> -> memref<1x50xi32, #tpu.memory_space<vmem>>
    %dma_start3A_364 = tpu.memref_squeeze %dma_start3A_363 : memref<1x50xi32, #tpu.memory_space<vmem>> -> memref<50xi32, #tpu.memory_space<vmem>>
    %dma_start3A_365 = arith.constant 0 : i32
    %dma_start3A_366 = arith.constant 0 : i32
    %dma_start3A_367 = tpu.memref_slice %arg3[%dma_start3A_365, %dma_start3A_366] : memref<1000000x64xf32, #tpu.memory_space<hbm>> -> memref<1000000x64xf32, #tpu.memory_space<hbm>>
    %dma_start3A_368 = tpu.memref_slice %arg7[%dma_start3A_357] : memref<2x!tpu.dma_semaphore, #tpu.memory_space<semaphore_mem>> -> memref<1x!tpu.dma_semaphore, #tpu.memory_space<semaphore_mem>>
    %dma_start3A_369 = tpu.memref_squeeze %dma_start3A_368 : memref<1x!tpu.dma_semaphore, #tpu.memory_space<semaphore_mem>> -> memref<!tpu.dma_semaphore, #tpu.memory_space<semaphore_mem>>
    tpu.enqueue_indirect_dma source(%dma_start3A_367 : memref<1000000x64xf32, #tpu.memory_space<hbm>>) target(%dma_start3A_361 : memref<50x64xf32, #tpu.memory_space<vmem>>) offsets(%dma_start3A_364 : memref<50xi32, #tpu.memory_space<vmem>>) semaphore(%dma_start3A_369 : memref<!tpu.dma_semaphore, #tpu.memory_space<semaphore_mem>>)
    %dma_start3A_370 = arith.constant 23 : i32
    %dma_start3A_371 = arith.constant 1 : i32
    %dma_start3A_372 = arith.constant 7 : i32
    %dma_start3A_373 = arith.constant 1 : i32
    %dma_start3A_374 = arith.constant 0 : i32
    %dma_start3A_375 = arith.constant 0 : i32
    %dma_start3A_376 = tpu.memref_slice %arg6[%dma_start3A_371, %dma_start3A_372, %dma_start3A_374, %dma_start3A_375] : memref<2x16x50x64xf32, #tpu.memory_space<vmem>> -> memref<1x1x50x64xf32, #tpu.memory_space<vmem>>
    %dma_start3A_377 = tpu.memref_squeeze %dma_start3A_376 : memref<1x1x50x64xf32, #tpu.memory_space<vmem>> -> memref<50x64xf32, #tpu.memory_space<vmem>>
    %dma_start3A_378 = arith.constant 0 : i32
    %dma_start3A_379 = tpu.memref_slice %arg5[%dma_start3A_370, %dma_start3A_378] : memref<128x50xi32, #tpu.memory_space<vmem>> -> memref<1x50xi32, #tpu.memory_space<vmem>>
    %dma_start3A_380 = tpu.memref_squeeze %dma_start3A_379 : memref<1x50xi32, #tpu.memory_space<vmem>> -> memref<50xi32, #tpu.memory_space<vmem>>
    %dma_start3A_381 = arith.constant 0 : i32
    %dma_start3A_382 = arith.constant 0 : i32
    %dma_start3A_383 = tpu.memref_slice %arg3[%dma_start3A_381, %dma_start3A_382] : memref<1000000x64xf32, #tpu.memory_space<hbm>> -> memref<1000000x64xf32, #tpu.memory_space<hbm>>
    %dma_start3A_384 = tpu.memref_slice %arg7[%dma_start3A_373] : memref<2x!tpu.dma_semaphore, #tpu.memory_space<semaphore_mem>> -> memref<1x!tpu.dma_semaphore, #tpu.memory_space<semaphore_mem>>
    %dma_start3A_385 = tpu.memref_squeeze %dma_start3A_384 : memref<1x!tpu.dma_semaphore, #tpu.memory_space<semaphore_mem>> -> memref<!tpu.dma_semaphore, #tpu.memory_space<semaphore_mem>>
    tpu.enqueue_indirect_dma source(%dma_start3A_383 : memref<1000000x64xf32, #tpu.memory_space<hbm>>) target(%dma_start3A_377 : memref<50x64xf32, #tpu.memory_space<vmem>>) offsets(%dma_start3A_380 : memref<50xi32, #tpu.memory_space<vmem>>) semaphore(%dma_start3A_385 : memref<!tpu.dma_semaphore, #tpu.memory_space<semaphore_mem>>)
    %dma_start3A_386 = arith.constant 24 : i32
    %dma_start3A_387 = arith.constant 1 : i32
    %dma_start3A_388 = arith.constant 8 : i32
    %dma_start3A_389 = arith.constant 1 : i32
    %dma_start3A_390 = arith.constant 0 : i32
    %dma_start3A_391 = arith.constant 0 : i32
    %dma_start3A_392 = tpu.memref_slice %arg6[%dma_start3A_387, %dma_start3A_388, %dma_start3A_390, %dma_start3A_391] : memref<2x16x50x64xf32, #tpu.memory_space<vmem>> -> memref<1x1x50x64xf32, #tpu.memory_space<vmem>>
    %dma_start3A_393 = tpu.memref_squeeze %dma_start3A_392 : memref<1x1x50x64xf32, #tpu.memory_space<vmem>> -> memref<50x64xf32, #tpu.memory_space<vmem>>
    %dma_start3A_394 = arith.constant 0 : i32
    %dma_start3A_395 = tpu.memref_slice %arg5[%dma_start3A_386, %dma_start3A_394] : memref<128x50xi32, #tpu.memory_space<vmem>> -> memref<1x50xi32, #tpu.memory_space<vmem>>
    %dma_start3A_396 = tpu.memref_squeeze %dma_start3A_395 : memref<1x50xi32, #tpu.memory_space<vmem>> -> memref<50xi32, #tpu.memory_space<vmem>>
    %dma_start3A_397 = arith.constant 0 : i32
    %dma_start3A_398 = arith.constant 0 : i32
    %dma_start3A_399 = tpu.memref_slice %arg3[%dma_start3A_397, %dma_start3A_398] : memref<1000000x64xf32, #tpu.memory_space<hbm>> -> memref<1000000x64xf32, #tpu.memory_space<hbm>>
    %dma_start3A_400 = tpu.memref_slice %arg7[%dma_start3A_389] : memref<2x!tpu.dma_semaphore, #tpu.memory_space<semaphore_mem>> -> memref<1x!tpu.dma_semaphore, #tpu.memory_space<semaphore_mem>>
    %dma_start3A_401 = tpu.memref_squeeze %dma_start3A_400 : memref<1x!tpu.dma_semaphore, #tpu.memory_space<semaphore_mem>> -> memref<!tpu.dma_semaphore, #tpu.memory_space<semaphore_mem>>
    tpu.enqueue_indirect_dma source(%dma_start3A_399 : memref<1000000x64xf32, #tpu.memory_space<hbm>>) target(%dma_start3A_393 : memref<50x64xf32, #tpu.memory_space<vmem>>) offsets(%dma_start3A_396 : memref<50xi32, #tpu.memory_space<vmem>>) semaphore(%dma_start3A_401 : memref<!tpu.dma_semaphore, #tpu.memory_space<semaphore_mem>>)
    %dma_start3A_402 = arith.constant 25 : i32
    %dma_start3A_403 = arith.constant 1 : i32
    %dma_start3A_404 = arith.constant 9 : i32
    %dma_start3A_405 = arith.constant 1 : i32
    %dma_start3A_406 = arith.constant 0 : i32
    %dma_start3A_407 = arith.constant 0 : i32
    %dma_start3A_408 = tpu.memref_slice %arg6[%dma_start3A_403, %dma_start3A_404, %dma_start3A_406, %dma_start3A_407] : memref<2x16x50x64xf32, #tpu.memory_space<vmem>> -> memref<1x1x50x64xf32, #tpu.memory_space<vmem>>
    %dma_start3A_409 = tpu.memref_squeeze %dma_start3A_408 : memref<1x1x50x64xf32, #tpu.memory_space<vmem>> -> memref<50x64xf32, #tpu.memory_space<vmem>>
    %dma_start3A_410 = arith.constant 0 : i32
    %dma_start3A_411 = tpu.memref_slice %arg5[%dma_start3A_402, %dma_start3A_410] : memref<128x50xi32, #tpu.memory_space<vmem>> -> memref<1x50xi32, #tpu.memory_space<vmem>>
    %dma_start3A_412 = tpu.memref_squeeze %dma_start3A_411 : memref<1x50xi32, #tpu.memory_space<vmem>> -> memref<50xi32, #tpu.memory_space<vmem>>
    %dma_start3A_413 = arith.constant 0 : i32
    %dma_start3A_414 = arith.constant 0 : i32
    %dma_start3A_415 = tpu.memref_slice %arg3[%dma_start3A_413, %dma_start3A_414] : memref<1000000x64xf32, #tpu.memory_space<hbm>> -> memref<1000000x64xf32, #tpu.memory_space<hbm>>
    %dma_start3A_416 = tpu.memref_slice %arg7[%dma_start3A_405] : memref<2x!tpu.dma_semaphore, #tpu.memory_space<semaphore_mem>> -> memref<1x!tpu.dma_semaphore, #tpu.memory_space<semaphore_mem>>
    %dma_start3A_417 = tpu.memref_squeeze %dma_start3A_416 : memref<1x!tpu.dma_semaphore, #tpu.memory_space<semaphore_mem>> -> memref<!tpu.dma_semaphore, #tpu.memory_space<semaphore_mem>>
    tpu.enqueue_indirect_dma source(%dma_start3A_415 : memref<1000000x64xf32, #tpu.memory_space<hbm>>) target(%dma_start3A_409 : memref<50x64xf32, #tpu.memory_space<vmem>>) offsets(%dma_start3A_412 : memref<50xi32, #tpu.memory_space<vmem>>) semaphore(%dma_start3A_417 : memref<!tpu.dma_semaphore, #tpu.memory_space<semaphore_mem>>)
    %dma_start3A_418 = arith.constant 26 : i32
    %dma_start3A_419 = arith.constant 1 : i32
    %dma_start3A_420 = arith.constant 10 : i32
    %dma_start3A_421 = arith.constant 1 : i32
    %dma_start3A_422 = arith.constant 0 : i32
    %dma_start3A_423 = arith.constant 0 : i32
    %dma_start3A_424 = tpu.memref_slice %arg6[%dma_start3A_419, %dma_start3A_420, %dma_start3A_422, %dma_start3A_423] : memref<2x16x50x64xf32, #tpu.memory_space<vmem>> -> memref<1x1x50x64xf32, #tpu.memory_space<vmem>>
    %dma_start3A_425 = tpu.memref_squeeze %dma_start3A_424 : memref<1x1x50x64xf32, #tpu.memory_space<vmem>> -> memref<50x64xf32, #tpu.memory_space<vmem>>
    %dma_start3A_426 = arith.constant 0 : i32
    %dma_start3A_427 = tpu.memref_slice %arg5[%dma_start3A_418, %dma_start3A_426] : memref<128x50xi32, #tpu.memory_space<vmem>> -> memref<1x50xi32, #tpu.memory_space<vmem>>
    %dma_start3A_428 = tpu.memref_squeeze %dma_start3A_427 : memref<1x50xi32, #tpu.memory_space<vmem>> -> memref<50xi32, #tpu.memory_space<vmem>>
    %dma_start3A_429 = arith.constant 0 : i32
    %dma_start3A_430 = arith.constant 0 : i32
    %dma_start3A_431 = tpu.memref_slice %arg3[%dma_start3A_429, %dma_start3A_430] : memref<1000000x64xf32, #tpu.memory_space<hbm>> -> memref<1000000x64xf32, #tpu.memory_space<hbm>>
    %dma_start3A_432 = tpu.memref_slice %arg7[%dma_start3A_421] : memref<2x!tpu.dma_semaphore, #tpu.memory_space<semaphore_mem>> -> memref<1x!tpu.dma_semaphore, #tpu.memory_space<semaphore_mem>>
    %dma_start3A_433 = tpu.memref_squeeze %dma_start3A_432 : memref<1x!tpu.dma_semaphore, #tpu.memory_space<semaphore_mem>> -> memref<!tpu.dma_semaphore, #tpu.memory_space<semaphore_mem>>
    tpu.enqueue_indirect_dma source(%dma_start3A_431 : memref<1000000x64xf32, #tpu.memory_space<hbm>>) target(%dma_start3A_425 : memref<50x64xf32, #tpu.memory_space<vmem>>) offsets(%dma_start3A_428 : memref<50xi32, #tpu.memory_space<vmem>>) semaphore(%dma_start3A_433 : memref<!tpu.dma_semaphore, #tpu.memory_space<semaphore_mem>>)
    %dma_start3A_434 = arith.constant 27 : i32
    %dma_start3A_435 = arith.constant 1 : i32
    %dma_start3A_436 = arith.constant 11 : i32
    %dma_start3A_437 = arith.constant 1 : i32
    %dma_start3A_438 = arith.constant 0 : i32
    %dma_start3A_439 = arith.constant 0 : i32
    %dma_start3A_440 = tpu.memref_slice %arg6[%dma_start3A_435, %dma_start3A_436, %dma_start3A_438, %dma_start3A_439] : memref<2x16x50x64xf32, #tpu.memory_space<vmem>> -> memref<1x1x50x64xf32, #tpu.memory_space<vmem>>
    %dma_start3A_441 = tpu.memref_squeeze %dma_start3A_440 : memref<1x1x50x64xf32, #tpu.memory_space<vmem>> -> memref<50x64xf32, #tpu.memory_space<vmem>>
    %dma_start3A_442 = arith.constant 0 : i32
    %dma_start3A_443 = tpu.memref_slice %arg5[%dma_start3A_434, %dma_start3A_442] : memref<128x50xi32, #tpu.memory_space<vmem>> -> memref<1x50xi32, #tpu.memory_space<vmem>>
    %dma_start3A_444 = tpu.memref_squeeze %dma_start3A_443 : memref<1x50xi32, #tpu.memory_space<vmem>> -> memref<50xi32, #tpu.memory_space<vmem>>
    %dma_start3A_445 = arith.constant 0 : i32
    %dma_start3A_446 = arith.constant 0 : i32
    %dma_start3A_447 = tpu.memref_slice %arg3[%dma_start3A_445, %dma_start3A_446] : memref<1000000x64xf32, #tpu.memory_space<hbm>> -> memref<1000000x64xf32, #tpu.memory_space<hbm>>
    %dma_start3A_448 = tpu.memref_slice %arg7[%dma_start3A_437] : memref<2x!tpu.dma_semaphore, #tpu.memory_space<semaphore_mem>> -> memref<1x!tpu.dma_semaphore, #tpu.memory_space<semaphore_mem>>
    %dma_start3A_449 = tpu.memref_squeeze %dma_start3A_448 : memref<1x!tpu.dma_semaphore, #tpu.memory_space<semaphore_mem>> -> memref<!tpu.dma_semaphore, #tpu.memory_space<semaphore_mem>>
    tpu.enqueue_indirect_dma source(%dma_start3A_447 : memref<1000000x64xf32, #tpu.memory_space<hbm>>) target(%dma_start3A_441 : memref<50x64xf32, #tpu.memory_space<vmem>>) offsets(%dma_start3A_444 : memref<50xi32, #tpu.memory_space<vmem>>) semaphore(%dma_start3A_449 : memref<!tpu.dma_semaphore, #tpu.memory_space<semaphore_mem>>)
    %dma_start3A_450 = arith.constant 28 : i32
    %dma_start3A_451 = arith.constant 1 : i32
    %dma_start3A_452 = arith.constant 12 : i32
    %dma_start3A_453 = arith.constant 1 : i32
    %dma_start3A_454 = arith.constant 0 : i32
    %dma_start3A_455 = arith.constant 0 : i32
    %dma_start3A_456 = tpu.memref_slice %arg6[%dma_start3A_451, %dma_start3A_452, %dma_start3A_454, %dma_start3A_455] : memref<2x16x50x64xf32, #tpu.memory_space<vmem>> -> memref<1x1x50x64xf32, #tpu.memory_space<vmem>>
    %dma_start3A_457 = tpu.memref_squeeze %dma_start3A_456 : memref<1x1x50x64xf32, #tpu.memory_space<vmem>> -> memref<50x64xf32, #tpu.memory_space<vmem>>
    %dma_start3A_458 = arith.constant 0 : i32
    %dma_start3A_459 = tpu.memref_slice %arg5[%dma_start3A_450, %dma_start3A_458] : memref<128x50xi32, #tpu.memory_space<vmem>> -> memref<1x50xi32, #tpu.memory_space<vmem>>
    %dma_start3A_460 = tpu.memref_squeeze %dma_start3A_459 : memref<1x50xi32, #tpu.memory_space<vmem>> -> memref<50xi32, #tpu.memory_space<vmem>>
    %dma_start3A_461 = arith.constant 0 : i32
    %dma_start3A_462 = arith.constant 0 : i32
    %dma_start3A_463 = tpu.memref_slice %arg3[%dma_start3A_461, %dma_start3A_462] : memref<1000000x64xf32, #tpu.memory_space<hbm>> -> memref<1000000x64xf32, #tpu.memory_space<hbm>>
    %dma_start3A_464 = tpu.memref_slice %arg7[%dma_start3A_453] : memref<2x!tpu.dma_semaphore, #tpu.memory_space<semaphore_mem>> -> memref<1x!tpu.dma_semaphore, #tpu.memory_space<semaphore_mem>>
    %dma_start3A_465 = tpu.memref_squeeze %dma_start3A_464 : memref<1x!tpu.dma_semaphore, #tpu.memory_space<semaphore_mem>> -> memref<!tpu.dma_semaphore, #tpu.memory_space<semaphore_mem>>
    tpu.enqueue_indirect_dma source(%dma_start3A_463 : memref<1000000x64xf32, #tpu.memory_space<hbm>>) target(%dma_start3A_457 : memref<50x64xf32, #tpu.memory_space<vmem>>) offsets(%dma_start3A_460 : memref<50xi32, #tpu.memory_space<vmem>>) semaphore(%dma_start3A_465 : memref<!tpu.dma_semaphore, #tpu.memory_space<semaphore_mem>>)
    %dma_start3A_466 = arith.constant 29 : i32
    %dma_start3A_467 = arith.constant 1 : i32
    %dma_start3A_468 = arith.constant 13 : i32
    %dma_start3A_469 = arith.constant 1 : i32
    %dma_start3A_470 = arith.constant 0 : i32
    %dma_start3A_471 = arith.constant 0 : i32
    %dma_start3A_472 = tpu.memref_slice %arg6[%dma_start3A_467, %dma_start3A_468, %dma_start3A_470, %dma_start3A_471] : memref<2x16x50x64xf32, #tpu.memory_space<vmem>> -> memref<1x1x50x64xf32, #tpu.memory_space<vmem>>
    %dma_start3A_473 = tpu.memref_squeeze %dma_start3A_472 : memref<1x1x50x64xf32, #tpu.memory_space<vmem>> -> memref<50x64xf32, #tpu.memory_space<vmem>>
    %dma_start3A_474 = arith.constant 0 : i32
    %dma_start3A_475 = tpu.memref_slice %arg5[%dma_start3A_466, %dma_start3A_474] : memref<128x50xi32, #tpu.memory_space<vmem>> -> memref<1x50xi32, #tpu.memory_space<vmem>>
    %dma_start3A_476 = tpu.memref_squeeze %dma_start3A_475 : memref<1x50xi32, #tpu.memory_space<vmem>> -> memref<50xi32, #tpu.memory_space<vmem>>
    %dma_start3A_477 = arith.constant 0 : i32
    %dma_start3A_478 = arith.constant 0 : i32
    %dma_start3A_479 = tpu.memref_slice %arg3[%dma_start3A_477, %dma_start3A_478] : memref<1000000x64xf32, #tpu.memory_space<hbm>> -> memref<1000000x64xf32, #tpu.memory_space<hbm>>
    %dma_start3A_480 = tpu.memref_slice %arg7[%dma_start3A_469] : memref<2x!tpu.dma_semaphore, #tpu.memory_space<semaphore_mem>> -> memref<1x!tpu.dma_semaphore, #tpu.memory_space<semaphore_mem>>
    %dma_start3A_481 = tpu.memref_squeeze %dma_start3A_480 : memref<1x!tpu.dma_semaphore, #tpu.memory_space<semaphore_mem>> -> memref<!tpu.dma_semaphore, #tpu.memory_space<semaphore_mem>>
    tpu.enqueue_indirect_dma source(%dma_start3A_479 : memref<1000000x64xf32, #tpu.memory_space<hbm>>) target(%dma_start3A_473 : memref<50x64xf32, #tpu.memory_space<vmem>>) offsets(%dma_start3A_476 : memref<50xi32, #tpu.memory_space<vmem>>) semaphore(%dma_start3A_481 : memref<!tpu.dma_semaphore, #tpu.memory_space<semaphore_mem>>)
    %dma_start3A_482 = arith.constant 30 : i32
    %dma_start3A_483 = arith.constant 1 : i32
    %dma_start3A_484 = arith.constant 14 : i32
    %dma_start3A_485 = arith.constant 1 : i32
    %dma_start3A_486 = arith.constant 0 : i32
    %dma_start3A_487 = arith.constant 0 : i32
    %dma_start3A_488 = tpu.memref_slice %arg6[%dma_start3A_483, %dma_start3A_484, %dma_start3A_486, %dma_start3A_487] : memref<2x16x50x64xf32, #tpu.memory_space<vmem>> -> memref<1x1x50x64xf32, #tpu.memory_space<vmem>>
    %dma_start3A_489 = tpu.memref_squeeze %dma_start3A_488 : memref<1x1x50x64xf32, #tpu.memory_space<vmem>> -> memref<50x64xf32, #tpu.memory_space<vmem>>
    %dma_start3A_490 = arith.constant 0 : i32
    %dma_start3A_491 = tpu.memref_slice %arg5[%dma_start3A_482, %dma_start3A_490] : memref<128x50xi32, #tpu.memory_space<vmem>> -> memref<1x50xi32, #tpu.memory_space<vmem>>
    %dma_start3A_492 = tpu.memref_squeeze %dma_start3A_491 : memref<1x50xi32, #tpu.memory_space<vmem>> -> memref<50xi32, #tpu.memory_space<vmem>>
    %dma_start3A_493 = arith.constant 0 : i32
    %dma_start3A_494 = arith.constant 0 : i32
    %dma_start3A_495 = tpu.memref_slice %arg3[%dma_start3A_493, %dma_start3A_494] : memref<1000000x64xf32, #tpu.memory_space<hbm>> -> memref<1000000x64xf32, #tpu.memory_space<hbm>>
    %dma_start3A_496 = tpu.memref_slice %arg7[%dma_start3A_485] : memref<2x!tpu.dma_semaphore, #tpu.memory_space<semaphore_mem>> -> memref<1x!tpu.dma_semaphore, #tpu.memory_space<semaphore_mem>>
    %dma_start3A_497 = tpu.memref_squeeze %dma_start3A_496 : memref<1x!tpu.dma_semaphore, #tpu.memory_space<semaphore_mem>> -> memref<!tpu.dma_semaphore, #tpu.memory_space<semaphore_mem>>
    tpu.enqueue_indirect_dma source(%dma_start3A_495 : memref<1000000x64xf32, #tpu.memory_space<hbm>>) target(%dma_start3A_489 : memref<50x64xf32, #tpu.memory_space<vmem>>) offsets(%dma_start3A_492 : memref<50xi32, #tpu.memory_space<vmem>>) semaphore(%dma_start3A_497 : memref<!tpu.dma_semaphore, #tpu.memory_space<semaphore_mem>>)
    %dma_start3A_498 = arith.constant 31 : i32
    %dma_start3A_499 = arith.constant 1 : i32
    %dma_start3A_500 = arith.constant 15 : i32
    %dma_start3A_501 = arith.constant 1 : i32
    %dma_start3A_502 = arith.constant 0 : i32
    %dma_start3A_503 = arith.constant 0 : i32
    %dma_start3A_504 = tpu.memref_slice %arg6[%dma_start3A_499, %dma_start3A_500, %dma_start3A_502, %dma_start3A_503] : memref<2x16x50x64xf32, #tpu.memory_space<vmem>> -> memref<1x1x50x64xf32, #tpu.memory_space<vmem>>
    %dma_start3A_505 = tpu.memref_squeeze %dma_start3A_504 : memref<1x1x50x64xf32, #tpu.memory_space<vmem>> -> memref<50x64xf32, #tpu.memory_space<vmem>>
    %dma_start3A_506 = arith.constant 0 : i32
    %dma_start3A_507 = tpu.memref_slice %arg5[%dma_start3A_498, %dma_start3A_506] : memref<128x50xi32, #tpu.memory_space<vmem>> -> memref<1x50xi32, #tpu.memory_space<vmem>>
    %dma_start3A_508 = tpu.memref_squeeze %dma_start3A_507 : memref<1x50xi32, #tpu.memory_space<vmem>> -> memref<50xi32, #tpu.memory_space<vmem>>
    %dma_start3A_509 = arith.constant 0 : i32
    %dma_start3A_510 = arith.constant 0 : i32
    %dma_start3A_511 = tpu.memref_slice %arg3[%dma_start3A_509, %dma_start3A_510] : memref<1000000x64xf32, #tpu.memory_space<hbm>> -> memref<1000000x64xf32, #tpu.memory_space<hbm>>
    %dma_start3A_512 = tpu.memref_slice %arg7[%dma_start3A_501] : memref<2x!tpu.dma_semaphore, #tpu.memory_space<semaphore_mem>> -> memref<1x!tpu.dma_semaphore, #tpu.memory_space<semaphore_mem>>
    %dma_start3A_513 = tpu.memref_squeeze %dma_start3A_512 : memref<1x!tpu.dma_semaphore, #tpu.memory_space<semaphore_mem>> -> memref<!tpu.dma_semaphore, #tpu.memory_space<semaphore_mem>>
    tpu.enqueue_indirect_dma source(%dma_start3A_511 : memref<1000000x64xf32, #tpu.memory_space<hbm>>) target(%dma_start3A_505 : memref<50x64xf32, #tpu.memory_space<vmem>>) offsets(%dma_start3A_508 : memref<50xi32, #tpu.memory_space<vmem>>) semaphore(%dma_start3A_513 : memref<!tpu.dma_semaphore, #tpu.memory_space<semaphore_mem>>)
    %dma_wait3A = arith.constant 0 : i32
    %dma_wait3A_514 = arith.constant 0 : i32
    %dma_wait3A_515 = arith.constant 0 : i32
    %dma_wait3A_516 = arith.constant 0 : i32
    %dma_wait3A_517 = arith.constant 0 : i32
    %dma_wait3A_518 = tpu.memref_slice %arg6[%dma_wait3A, %dma_wait3A_515, %dma_wait3A_516, %dma_wait3A_517] : memref<2x16x50x64xf32, #tpu.memory_space<vmem>> -> memref<1x16x50x64xf32, #tpu.memory_space<vmem>>
    %dma_wait3A_519 = tpu.memref_squeeze %dma_wait3A_518 : memref<1x16x50x64xf32, #tpu.memory_space<vmem>> -> memref<16x50x64xf32, #tpu.memory_space<vmem>>
    %dma_wait3A_520 = arith.constant 0 : i32
    %dma_wait3A_521 = arith.constant 0 : i32
    %dma_wait3A_522 = arith.constant 0 : i32
    %dma_wait3A_523 = tpu.memref_slice %arg4[%dma_wait3A_520, %dma_wait3A_521, %dma_wait3A_522] : memref<4096x50x64xf32, #tpu.memory_space<hbm>> -> memref<16x50x64xf32, #tpu.memory_space<hbm>>
    %dma_wait3A_524 = tpu.memref_slice %arg7[%dma_wait3A_514] : memref<2x!tpu.dma_semaphore, #tpu.memory_space<semaphore_mem>> -> memref<1x!tpu.dma_semaphore, #tpu.memory_space<semaphore_mem>>
    %dma_wait3A_525 = tpu.memref_squeeze %dma_wait3A_524 : memref<1x!tpu.dma_semaphore, #tpu.memory_space<semaphore_mem>> -> memref<!tpu.dma_semaphore, #tpu.memory_space<semaphore_mem>>
    %dma_wait3A_526 = arith.constant 0 : i32
    %dma_wait3A_527 = arith.constant 0 : i32
    %dma_wait3A_528 = arith.constant 0 : i32
    %dma_wait3A_529 = tpu.memref_slice %arg6[%dma_wait3A, %dma_wait3A_526, %dma_wait3A_527, %dma_wait3A_528] : memref<2x16x50x64xf32, #tpu.memory_space<vmem>> -> memref<1x16x50x64xf32, #tpu.memory_space<vmem>>
    %dma_wait3A_530 = tpu.memref_squeeze %dma_wait3A_529 : memref<1x16x50x64xf32, #tpu.memory_space<vmem>> -> memref<16x50x64xf32, #tpu.memory_space<vmem>>
    %dma_wait3A_531 = arith.constant 0 : i32
    %dma_wait3A_532 = arith.constant 0 : i32
    %dma_wait3A_533 = arith.constant 0 : i32
    %dma_wait3A_534 = tpu.memref_slice %arg4[%dma_wait3A_531, %dma_wait3A_532, %dma_wait3A_533] : memref<4096x50x64xf32, #tpu.memory_space<hbm>> -> memref<16x50x64xf32, #tpu.memory_space<hbm>>
    tpu.wait_dma2 semaphore(%dma_wait3A_525 : memref<!tpu.dma_semaphore, #tpu.memory_space<semaphore_mem>>) src(%dma_wait3A_534 : memref<16x50x64xf32, #tpu.memory_space<hbm>>) dst(%dma_wait3A_530 : memref<16x50x64xf32, #tpu.memory_space<vmem>>)
    %add3A_535 = arith.constant 0 : i32
    %add3A_536 = arith.addi %mul3A_2, %add3A_535 : i32
    %dma_start3A_537 = arith.constant 0 : i32
    %dma_start3A_538 = arith.constant 0 : i32
    %dma_start3A_539 = arith.constant 0 : i32
    %dma_start3A_540 = arith.constant 0 : i32
    %dma_start3A_541 = arith.constant 0 : i32
    %dma_start3A_542 = tpu.memref_slice %arg6[%dma_start3A_537, %dma_start3A_539, %dma_start3A_540, %dma_start3A_541] : memref<2x16x50x64xf32, #tpu.memory_space<vmem>> -> memref<1x16x50x64xf32, #tpu.memory_space<vmem>>
    %dma_start3A_543 = tpu.memref_squeeze %dma_start3A_542 : memref<1x16x50x64xf32, #tpu.memory_space<vmem>> -> memref<16x50x64xf32, #tpu.memory_space<vmem>>
    %dma_start3A_544 = arith.constant 0 : i32
    %dma_start3A_545 = arith.constant 0 : i32
    %dma_start3A_546 = tpu.memref_slice %arg4[%add3A_536, %dma_start3A_544, %dma_start3A_545] : memref<4096x50x64xf32, #tpu.memory_space<hbm>> -> memref<16x50x64xf32, #tpu.memory_space<hbm>>
    %dma_start3A_547 = tpu.memref_slice %arg8[%dma_start3A_538] : memref<2x!tpu.dma_semaphore, #tpu.memory_space<semaphore_mem>> -> memref<1x!tpu.dma_semaphore, #tpu.memory_space<semaphore_mem>>
    %dma_start3A_548 = tpu.memref_squeeze %dma_start3A_547 : memref<1x!tpu.dma_semaphore, #tpu.memory_space<semaphore_mem>> -> memref<!tpu.dma_semaphore, #tpu.memory_space<semaphore_mem>>
    %dma_start3A_549 = arith.constant 0 : i32
    %dma_start3A_550 = arith.constant 0 : i32
    %dma_start3A_551 = tpu.memref_slice %arg4[%add3A_536, %dma_start3A_549, %dma_start3A_550] : memref<4096x50x64xf32, #tpu.memory_space<hbm>> -> memref<16x50x64xf32, #tpu.memory_space<hbm>>
    %dma_start3A_552 = arith.constant 0 : i32
    %dma_start3A_553 = arith.constant 0 : i32
    %dma_start3A_554 = arith.constant 0 : i32
    %dma_start3A_555 = tpu.memref_slice %arg6[%dma_start3A_537, %dma_start3A_552, %dma_start3A_553, %dma_start3A_554] : memref<2x16x50x64xf32, #tpu.memory_space<vmem>> -> memref<1x16x50x64xf32, #tpu.memory_space<vmem>>
    %dma_start3A_556 = tpu.memref_squeeze %dma_start3A_555 : memref<1x16x50x64xf32, #tpu.memory_space<vmem>> -> memref<16x50x64xf32, #tpu.memory_space<vmem>>
    tpu.enqueue_dma source(%dma_start3A_556 : memref<16x50x64xf32, #tpu.memory_space<vmem>>) target(%dma_start3A_551 : memref<16x50x64xf32, #tpu.memory_space<hbm>>) target_semaphore(%dma_start3A_548 : memref<!tpu.dma_semaphore, #tpu.memory_space<semaphore_mem>>)
    %dma_wait3A_557 = arith.constant 0 : i32
    %dma_wait3A_558 = arith.constant 0 : i32
    %dma_wait3A_559 = arith.constant 0 : i32
    %dma_wait3A_560 = arith.constant 0 : i32
    %dma_wait3A_561 = arith.constant 0 : i32
    %dma_wait3A_562 = tpu.memref_slice %arg6[%dma_wait3A_557, %dma_wait3A_559, %dma_wait3A_560, %dma_wait3A_561] : memref<2x16x50x64xf32, #tpu.memory_space<vmem>> -> memref<1x16x50x64xf32, #tpu.memory_space<vmem>>
    %dma_wait3A_563 = tpu.memref_squeeze %dma_wait3A_562 : memref<1x16x50x64xf32, #tpu.memory_space<vmem>> -> memref<16x50x64xf32, #tpu.memory_space<vmem>>
    %dma_wait3A_564 = arith.constant 0 : i32
    %dma_wait3A_565 = arith.constant 0 : i32
    %dma_wait3A_566 = tpu.memref_slice %arg4[%mul3A_2, %dma_wait3A_564, %dma_wait3A_565] : memref<4096x50x64xf32, #tpu.memory_space<hbm>> -> memref<16x50x64xf32, #tpu.memory_space<hbm>>
    %dma_wait3A_567 = tpu.memref_slice %arg8[%dma_wait3A_558] : memref<2x!tpu.dma_semaphore, #tpu.memory_space<semaphore_mem>> -> memref<1x!tpu.dma_semaphore, #tpu.memory_space<semaphore_mem>>
    %dma_wait3A_568 = tpu.memref_squeeze %dma_wait3A_567 : memref<1x!tpu.dma_semaphore, #tpu.memory_space<semaphore_mem>> -> memref<!tpu.dma_semaphore, #tpu.memory_space<semaphore_mem>>
    %dma_wait3A_569 = arith.constant 0 : i32
    %dma_wait3A_570 = arith.constant 0 : i32
    %dma_wait3A_571 = tpu.memref_slice %arg4[%mul3A_2, %dma_wait3A_569, %dma_wait3A_570] : memref<4096x50x64xf32, #tpu.memory_space<hbm>> -> memref<16x50x64xf32, #tpu.memory_space<hbm>>
    %dma_wait3A_572 = arith.constant 0 : i32
    %dma_wait3A_573 = arith.constant 0 : i32
    %dma_wait3A_574 = arith.constant 0 : i32
    %dma_wait3A_575 = tpu.memref_slice %arg6[%dma_wait3A_557, %dma_wait3A_572, %dma_wait3A_573, %dma_wait3A_574] : memref<2x16x50x64xf32, #tpu.memory_space<vmem>> -> memref<1x16x50x64xf32, #tpu.memory_space<vmem>>
    %dma_wait3A_576 = tpu.memref_squeeze %dma_wait3A_575 : memref<1x16x50x64xf32, #tpu.memory_space<vmem>> -> memref<16x50x64xf32, #tpu.memory_space<vmem>>
    tpu.wait_dma2 semaphore(%dma_wait3A_568 : memref<!tpu.dma_semaphore, #tpu.memory_space<semaphore_mem>>) src(%dma_wait3A_576 : memref<16x50x64xf32, #tpu.memory_space<vmem>>) dst(%dma_wait3A_571 : memref<16x50x64xf32, #tpu.memory_space<hbm>>)
    %dma_start3A_577 = arith.constant 32 : i32
    %dma_start3A_578 = arith.constant 0 : i32
    %dma_start3A_579 = arith.constant 0 : i32
    %dma_start3A_580 = arith.constant 0 : i32
    %dma_start3A_581 = arith.constant 0 : i32
    %dma_start3A_582 = arith.constant 0 : i32
    %dma_start3A_583 = tpu.memref_slice %arg6[%dma_start3A_578, %dma_start3A_579, %dma_start3A_581, %dma_start3A_582] : memref<2x16x50x64xf32, #tpu.memory_space<vmem>> -> memref<1x1x50x64xf32, #tpu.memory_space<vmem>>
    %dma_start3A_584 = tpu.memref_squeeze %dma_start3A_583 : memref<1x1x50x64xf32, #tpu.memory_space<vmem>> -> memref<50x64xf32, #tpu.memory_space<vmem>>
    %dma_start3A_585 = arith.constant 0 : i32
    %dma_start3A_586 = tpu.memref_slice %arg5[%dma_start3A_577, %dma_start3A_585] : memref<128x50xi32, #tpu.memory_space<vmem>> -> memref<1x50xi32, #tpu.memory_space<vmem>>
    %dma_start3A_587 = tpu.memref_squeeze %dma_start3A_586 : memref<1x50xi32, #tpu.memory_space<vmem>> -> memref<50xi32, #tpu.memory_space<vmem>>
    %dma_start3A_588 = arith.constant 0 : i32
    %dma_start3A_589 = arith.constant 0 : i32
    %dma_start3A_590 = tpu.memref_slice %arg3[%dma_start3A_588, %dma_start3A_589] : memref<1000000x64xf32, #tpu.memory_space<hbm>> -> memref<1000000x64xf32, #tpu.memory_space<hbm>>
    %dma_start3A_591 = tpu.memref_slice %arg7[%dma_start3A_580] : memref<2x!tpu.dma_semaphore, #tpu.memory_space<semaphore_mem>> -> memref<1x!tpu.dma_semaphore, #tpu.memory_space<semaphore_mem>>
    %dma_start3A_592 = tpu.memref_squeeze %dma_start3A_591 : memref<1x!tpu.dma_semaphore, #tpu.memory_space<semaphore_mem>> -> memref<!tpu.dma_semaphore, #tpu.memory_space<semaphore_mem>>
    tpu.enqueue_indirect_dma source(%dma_start3A_590 : memref<1000000x64xf32, #tpu.memory_space<hbm>>) target(%dma_start3A_584 : memref<50x64xf32, #tpu.memory_space<vmem>>) offsets(%dma_start3A_587 : memref<50xi32, #tpu.memory_space<vmem>>) semaphore(%dma_start3A_592 : memref<!tpu.dma_semaphore, #tpu.memory_space<semaphore_mem>>)
    %dma_start3A_593 = arith.constant 33 : i32
    %dma_start3A_594 = arith.constant 0 : i32
    %dma_start3A_595 = arith.constant 1 : i32
    %dma_start3A_596 = arith.constant 0 : i32
    %dma_start3A_597 = arith.constant 0 : i32
    %dma_start3A_598 = arith.constant 0 : i32
    %dma_start3A_599 = tpu.memref_slice %arg6[%dma_start3A_594, %dma_start3A_595, %dma_start3A_597, %dma_start3A_598] : memref<2x16x50x64xf32, #tpu.memory_space<vmem>> -> memref<1x1x50x64xf32, #tpu.memory_space<vmem>>
    %dma_start3A_600 = tpu.memref_squeeze %dma_start3A_599 : memref<1x1x50x64xf32, #tpu.memory_space<vmem>> -> memref<50x64xf32, #tpu.memory_space<vmem>>
    %dma_start3A_601 = arith.constant 0 : i32
    %dma_start3A_602 = tpu.memref_slice %arg5[%dma_start3A_593, %dma_start3A_601] : memref<128x50xi32, #tpu.memory_space<vmem>> -> memref<1x50xi32, #tpu.memory_space<vmem>>
    %dma_start3A_603 = tpu.memref_squeeze %dma_start3A_602 : memref<1x50xi32, #tpu.memory_space<vmem>> -> memref<50xi32, #tpu.memory_space<vmem>>
    %dma_start3A_604 = arith.constant 0 : i32
    %dma_start3A_605 = arith.constant 0 : i32
    %dma_start3A_606 = tpu.memref_slice %arg3[%dma_start3A_604, %dma_start3A_605] : memref<1000000x64xf32, #tpu.memory_space<hbm>> -> memref<1000000x64xf32, #tpu.memory_space<hbm>>
    %dma_start3A_607 = tpu.memref_slice %arg7[%dma_start3A_596] : memref<2x!tpu.dma_semaphore, #tpu.memory_space<semaphore_mem>> -> memref<1x!tpu.dma_semaphore, #tpu.memory_space<semaphore_mem>>
    %dma_start3A_608 = tpu.memref_squeeze %dma_start3A_607 : memref<1x!tpu.dma_semaphore, #tpu.memory_space<semaphore_mem>> -> memref<!tpu.dma_semaphore, #tpu.memory_space<semaphore_mem>>
    tpu.enqueue_indirect_dma source(%dma_start3A_606 : memref<1000000x64xf32, #tpu.memory_space<hbm>>) target(%dma_start3A_600 : memref<50x64xf32, #tpu.memory_space<vmem>>) offsets(%dma_start3A_603 : memref<50xi32, #tpu.memory_space<vmem>>) semaphore(%dma_start3A_608 : memref<!tpu.dma_semaphore, #tpu.memory_space<semaphore_mem>>)
    %dma_start3A_609 = arith.constant 34 : i32
    %dma_start3A_610 = arith.constant 0 : i32
    %dma_start3A_611 = arith.constant 2 : i32
    %dma_start3A_612 = arith.constant 0 : i32
    %dma_start3A_613 = arith.constant 0 : i32
    %dma_start3A_614 = arith.constant 0 : i32
    %dma_start3A_615 = tpu.memref_slice %arg6[%dma_start3A_610, %dma_start3A_611, %dma_start3A_613, %dma_start3A_614] : memref<2x16x50x64xf32, #tpu.memory_space<vmem>> -> memref<1x1x50x64xf32, #tpu.memory_space<vmem>>
    %dma_start3A_616 = tpu.memref_squeeze %dma_start3A_615 : memref<1x1x50x64xf32, #tpu.memory_space<vmem>> -> memref<50x64xf32, #tpu.memory_space<vmem>>
    %dma_start3A_617 = arith.constant 0 : i32
    %dma_start3A_618 = tpu.memref_slice %arg5[%dma_start3A_609, %dma_start3A_617] : memref<128x50xi32, #tpu.memory_space<vmem>> -> memref<1x50xi32, #tpu.memory_space<vmem>>
    %dma_start3A_619 = tpu.memref_squeeze %dma_start3A_618 : memref<1x50xi32, #tpu.memory_space<vmem>> -> memref<50xi32, #tpu.memory_space<vmem>>
    %dma_start3A_620 = arith.constant 0 : i32
    %dma_start3A_621 = arith.constant 0 : i32
    %dma_start3A_622 = tpu.memref_slice %arg3[%dma_start3A_620, %dma_start3A_621] : memref<1000000x64xf32, #tpu.memory_space<hbm>> -> memref<1000000x64xf32, #tpu.memory_space<hbm>>
    %dma_start3A_623 = tpu.memref_slice %arg7[%dma_start3A_612] : memref<2x!tpu.dma_semaphore, #tpu.memory_space<semaphore_mem>> -> memref<1x!tpu.dma_semaphore, #tpu.memory_space<semaphore_mem>>
    %dma_start3A_624 = tpu.memref_squeeze %dma_start3A_623 : memref<1x!tpu.dma_semaphore, #tpu.memory_space<semaphore_mem>> -> memref<!tpu.dma_semaphore, #tpu.memory_space<semaphore_mem>>
    tpu.enqueue_indirect_dma source(%dma_start3A_622 : memref<1000000x64xf32, #tpu.memory_space<hbm>>) target(%dma_start3A_616 : memref<50x64xf32, #tpu.memory_space<vmem>>) offsets(%dma_start3A_619 : memref<50xi32, #tpu.memory_space<vmem>>) semaphore(%dma_start3A_624 : memref<!tpu.dma_semaphore, #tpu.memory_space<semaphore_mem>>)
    %dma_start3A_625 = arith.constant 35 : i32
    %dma_start3A_626 = arith.constant 0 : i32
    %dma_start3A_627 = arith.constant 3 : i32
    %dma_start3A_628 = arith.constant 0 : i32
    %dma_start3A_629 = arith.constant 0 : i32
    %dma_start3A_630 = arith.constant 0 : i32
    %dma_start3A_631 = tpu.memref_slice %arg6[%dma_start3A_626, %dma_start3A_627, %dma_start3A_629, %dma_start3A_630] : memref<2x16x50x64xf32, #tpu.memory_space<vmem>> -> memref<1x1x50x64xf32, #tpu.memory_space<vmem>>
    %dma_start3A_632 = tpu.memref_squeeze %dma_start3A_631 : memref<1x1x50x64xf32, #tpu.memory_space<vmem>> -> memref<50x64xf32, #tpu.memory_space<vmem>>
    %dma_start3A_633 = arith.constant 0 : i32
    %dma_start3A_634 = tpu.memref_slice %arg5[%dma_start3A_625, %dma_start3A_633] : memref<128x50xi32, #tpu.memory_space<vmem>> -> memref<1x50xi32, #tpu.memory_space<vmem>>
    %dma_start3A_635 = tpu.memref_squeeze %dma_start3A_634 : memref<1x50xi32, #tpu.memory_space<vmem>> -> memref<50xi32, #tpu.memory_space<vmem>>
    %dma_start3A_636 = arith.constant 0 : i32
    %dma_start3A_637 = arith.constant 0 : i32
    %dma_start3A_638 = tpu.memref_slice %arg3[%dma_start3A_636, %dma_start3A_637] : memref<1000000x64xf32, #tpu.memory_space<hbm>> -> memref<1000000x64xf32, #tpu.memory_space<hbm>>
    %dma_start3A_639 = tpu.memref_slice %arg7[%dma_start3A_628] : memref<2x!tpu.dma_semaphore, #tpu.memory_space<semaphore_mem>> -> memref<1x!tpu.dma_semaphore, #tpu.memory_space<semaphore_mem>>
    %dma_start3A_640 = tpu.memref_squeeze %dma_start3A_639 : memref<1x!tpu.dma_semaphore, #tpu.memory_space<semaphore_mem>> -> memref<!tpu.dma_semaphore, #tpu.memory_space<semaphore_mem>>
    tpu.enqueue_indirect_dma source(%dma_start3A_638 : memref<1000000x64xf32, #tpu.memory_space<hbm>>) target(%dma_start3A_632 : memref<50x64xf32, #tpu.memory_space<vmem>>) offsets(%dma_start3A_635 : memref<50xi32, #tpu.memory_space<vmem>>) semaphore(%dma_start3A_640 : memref<!tpu.dma_semaphore, #tpu.memory_space<semaphore_mem>>)
    %dma_start3A_641 = arith.constant 36 : i32
    %dma_start3A_642 = arith.constant 0 : i32
    %dma_start3A_643 = arith.constant 4 : i32
    %dma_start3A_644 = arith.constant 0 : i32
    %dma_start3A_645 = arith.constant 0 : i32
    %dma_start3A_646 = arith.constant 0 : i32
    %dma_start3A_647 = tpu.memref_slice %arg6[%dma_start3A_642, %dma_start3A_643, %dma_start3A_645, %dma_start3A_646] : memref<2x16x50x64xf32, #tpu.memory_space<vmem>> -> memref<1x1x50x64xf32, #tpu.memory_space<vmem>>
    %dma_start3A_648 = tpu.memref_squeeze %dma_start3A_647 : memref<1x1x50x64xf32, #tpu.memory_space<vmem>> -> memref<50x64xf32, #tpu.memory_space<vmem>>
    %dma_start3A_649 = arith.constant 0 : i32
    %dma_start3A_650 = tpu.memref_slice %arg5[%dma_start3A_641, %dma_start3A_649] : memref<128x50xi32, #tpu.memory_space<vmem>> -> memref<1x50xi32, #tpu.memory_space<vmem>>
    %dma_start3A_651 = tpu.memref_squeeze %dma_start3A_650 : memref<1x50xi32, #tpu.memory_space<vmem>> -> memref<50xi32, #tpu.memory_space<vmem>>
    %dma_start3A_652 = arith.constant 0 : i32
    %dma_start3A_653 = arith.constant 0 : i32
    %dma_start3A_654 = tpu.memref_slice %arg3[%dma_start3A_652, %dma_start3A_653] : memref<1000000x64xf32, #tpu.memory_space<hbm>> -> memref<1000000x64xf32, #tpu.memory_space<hbm>>
    %dma_start3A_655 = tpu.memref_slice %arg7[%dma_start3A_644] : memref<2x!tpu.dma_semaphore, #tpu.memory_space<semaphore_mem>> -> memref<1x!tpu.dma_semaphore, #tpu.memory_space<semaphore_mem>>
    %dma_start3A_656 = tpu.memref_squeeze %dma_start3A_655 : memref<1x!tpu.dma_semaphore, #tpu.memory_space<semaphore_mem>> -> memref<!tpu.dma_semaphore, #tpu.memory_space<semaphore_mem>>
    tpu.enqueue_indirect_dma source(%dma_start3A_654 : memref<1000000x64xf32, #tpu.memory_space<hbm>>) target(%dma_start3A_648 : memref<50x64xf32, #tpu.memory_space<vmem>>) offsets(%dma_start3A_651 : memref<50xi32, #tpu.memory_space<vmem>>) semaphore(%dma_start3A_656 : memref<!tpu.dma_semaphore, #tpu.memory_space<semaphore_mem>>)
    %dma_start3A_657 = arith.constant 37 : i32
    %dma_start3A_658 = arith.constant 0 : i32
    %dma_start3A_659 = arith.constant 5 : i32
    %dma_start3A_660 = arith.constant 0 : i32
    %dma_start3A_661 = arith.constant 0 : i32
    %dma_start3A_662 = arith.constant 0 : i32
    %dma_start3A_663 = tpu.memref_slice %arg6[%dma_start3A_658, %dma_start3A_659, %dma_start3A_661, %dma_start3A_662] : memref<2x16x50x64xf32, #tpu.memory_space<vmem>> -> memref<1x1x50x64xf32, #tpu.memory_space<vmem>>
    %dma_start3A_664 = tpu.memref_squeeze %dma_start3A_663 : memref<1x1x50x64xf32, #tpu.memory_space<vmem>> -> memref<50x64xf32, #tpu.memory_space<vmem>>
    %dma_start3A_665 = arith.constant 0 : i32
    %dma_start3A_666 = tpu.memref_slice %arg5[%dma_start3A_657, %dma_start3A_665] : memref<128x50xi32, #tpu.memory_space<vmem>> -> memref<1x50xi32, #tpu.memory_space<vmem>>
    %dma_start3A_667 = tpu.memref_squeeze %dma_start3A_666 : memref<1x50xi32, #tpu.memory_space<vmem>> -> memref<50xi32, #tpu.memory_space<vmem>>
    %dma_start3A_668 = arith.constant 0 : i32
    %dma_start3A_669 = arith.constant 0 : i32
    %dma_start3A_670 = tpu.memref_slice %arg3[%dma_start3A_668, %dma_start3A_669] : memref<1000000x64xf32, #tpu.memory_space<hbm>> -> memref<1000000x64xf32, #tpu.memory_space<hbm>>
    %dma_start3A_671 = tpu.memref_slice %arg7[%dma_start3A_660] : memref<2x!tpu.dma_semaphore, #tpu.memory_space<semaphore_mem>> -> memref<1x!tpu.dma_semaphore, #tpu.memory_space<semaphore_mem>>
    %dma_start3A_672 = tpu.memref_squeeze %dma_start3A_671 : memref<1x!tpu.dma_semaphore, #tpu.memory_space<semaphore_mem>> -> memref<!tpu.dma_semaphore, #tpu.memory_space<semaphore_mem>>
    tpu.enqueue_indirect_dma source(%dma_start3A_670 : memref<1000000x64xf32, #tpu.memory_space<hbm>>) target(%dma_start3A_664 : memref<50x64xf32, #tpu.memory_space<vmem>>) offsets(%dma_start3A_667 : memref<50xi32, #tpu.memory_space<vmem>>) semaphore(%dma_start3A_672 : memref<!tpu.dma_semaphore, #tpu.memory_space<semaphore_mem>>)
    %dma_start3A_673 = arith.constant 38 : i32
    %dma_start3A_674 = arith.constant 0 : i32
    %dma_start3A_675 = arith.constant 6 : i32
    %dma_start3A_676 = arith.constant 0 : i32
    %dma_start3A_677 = arith.constant 0 : i32
    %dma_start3A_678 = arith.constant 0 : i32
    %dma_start3A_679 = tpu.memref_slice %arg6[%dma_start3A_674, %dma_start3A_675, %dma_start3A_677, %dma_start3A_678] : memref<2x16x50x64xf32, #tpu.memory_space<vmem>> -> memref<1x1x50x64xf32, #tpu.memory_space<vmem>>
    %dma_start3A_680 = tpu.memref_squeeze %dma_start3A_679 : memref<1x1x50x64xf32, #tpu.memory_space<vmem>> -> memref<50x64xf32, #tpu.memory_space<vmem>>
    %dma_start3A_681 = arith.constant 0 : i32
    %dma_start3A_682 = tpu.memref_slice %arg5[%dma_start3A_673, %dma_start3A_681] : memref<128x50xi32, #tpu.memory_space<vmem>> -> memref<1x50xi32, #tpu.memory_space<vmem>>
    %dma_start3A_683 = tpu.memref_squeeze %dma_start3A_682 : memref<1x50xi32, #tpu.memory_space<vmem>> -> memref<50xi32, #tpu.memory_space<vmem>>
    %dma_start3A_684 = arith.constant 0 : i32
    %dma_start3A_685 = arith.constant 0 : i32
    %dma_start3A_686 = tpu.memref_slice %arg3[%dma_start3A_684, %dma_start3A_685] : memref<1000000x64xf32, #tpu.memory_space<hbm>> -> memref<1000000x64xf32, #tpu.memory_space<hbm>>
    %dma_start3A_687 = tpu.memref_slice %arg7[%dma_start3A_676] : memref<2x!tpu.dma_semaphore, #tpu.memory_space<semaphore_mem>> -> memref<1x!tpu.dma_semaphore, #tpu.memory_space<semaphore_mem>>
    %dma_start3A_688 = tpu.memref_squeeze %dma_start3A_687 : memref<1x!tpu.dma_semaphore, #tpu.memory_space<semaphore_mem>> -> memref<!tpu.dma_semaphore, #tpu.memory_space<semaphore_mem>>
    tpu.enqueue_indirect_dma source(%dma_start3A_686 : memref<1000000x64xf32, #tpu.memory_space<hbm>>) target(%dma_start3A_680 : memref<50x64xf32, #tpu.memory_space<vmem>>) offsets(%dma_start3A_683 : memref<50xi32, #tpu.memory_space<vmem>>) semaphore(%dma_start3A_688 : memref<!tpu.dma_semaphore, #tpu.memory_space<semaphore_mem>>)
    %dma_start3A_689 = arith.constant 39 : i32
    %dma_start3A_690 = arith.constant 0 : i32
    %dma_start3A_691 = arith.constant 7 : i32
    %dma_start3A_692 = arith.constant 0 : i32
    %dma_start3A_693 = arith.constant 0 : i32
    %dma_start3A_694 = arith.constant 0 : i32
    %dma_start3A_695 = tpu.memref_slice %arg6[%dma_start3A_690, %dma_start3A_691, %dma_start3A_693, %dma_start3A_694] : memref<2x16x50x64xf32, #tpu.memory_space<vmem>> -> memref<1x1x50x64xf32, #tpu.memory_space<vmem>>
    %dma_start3A_696 = tpu.memref_squeeze %dma_start3A_695 : memref<1x1x50x64xf32, #tpu.memory_space<vmem>> -> memref<50x64xf32, #tpu.memory_space<vmem>>
    %dma_start3A_697 = arith.constant 0 : i32
    %dma_start3A_698 = tpu.memref_slice %arg5[%dma_start3A_689, %dma_start3A_697] : memref<128x50xi32, #tpu.memory_space<vmem>> -> memref<1x50xi32, #tpu.memory_space<vmem>>
    %dma_start3A_699 = tpu.memref_squeeze %dma_start3A_698 : memref<1x50xi32, #tpu.memory_space<vmem>> -> memref<50xi32, #tpu.memory_space<vmem>>
    %dma_start3A_700 = arith.constant 0 : i32
    %dma_start3A_701 = arith.constant 0 : i32
    %dma_start3A_702 = tpu.memref_slice %arg3[%dma_start3A_700, %dma_start3A_701] : memref<1000000x64xf32, #tpu.memory_space<hbm>> -> memref<1000000x64xf32, #tpu.memory_space<hbm>>
    %dma_start3A_703 = tpu.memref_slice %arg7[%dma_start3A_692] : memref<2x!tpu.dma_semaphore, #tpu.memory_space<semaphore_mem>> -> memref<1x!tpu.dma_semaphore, #tpu.memory_space<semaphore_mem>>
    %dma_start3A_704 = tpu.memref_squeeze %dma_start3A_703 : memref<1x!tpu.dma_semaphore, #tpu.memory_space<semaphore_mem>> -> memref<!tpu.dma_semaphore, #tpu.memory_space<semaphore_mem>>
    tpu.enqueue_indirect_dma source(%dma_start3A_702 : memref<1000000x64xf32, #tpu.memory_space<hbm>>) target(%dma_start3A_696 : memref<50x64xf32, #tpu.memory_space<vmem>>) offsets(%dma_start3A_699 : memref<50xi32, #tpu.memory_space<vmem>>) semaphore(%dma_start3A_704 : memref<!tpu.dma_semaphore, #tpu.memory_space<semaphore_mem>>)
    %dma_start3A_705 = arith.constant 40 : i32
    %dma_start3A_706 = arith.constant 0 : i32
    %dma_start3A_707 = arith.constant 8 : i32
    %dma_start3A_708 = arith.constant 0 : i32
    %dma_start3A_709 = arith.constant 0 : i32
    %dma_start3A_710 = arith.constant 0 : i32
    %dma_start3A_711 = tpu.memref_slice %arg6[%dma_start3A_706, %dma_start3A_707, %dma_start3A_709, %dma_start3A_710] : memref<2x16x50x64xf32, #tpu.memory_space<vmem>> -> memref<1x1x50x64xf32, #tpu.memory_space<vmem>>
    %dma_start3A_712 = tpu.memref_squeeze %dma_start3A_711 : memref<1x1x50x64xf32, #tpu.memory_space<vmem>> -> memref<50x64xf32, #tpu.memory_space<vmem>>
    %dma_start3A_713 = arith.constant 0 : i32
    %dma_start3A_714 = tpu.memref_slice %arg5[%dma_start3A_705, %dma_start3A_713] : memref<128x50xi32, #tpu.memory_space<vmem>> -> memref<1x50xi32, #tpu.memory_space<vmem>>
    %dma_start3A_715 = tpu.memref_squeeze %dma_start3A_714 : memref<1x50xi32, #tpu.memory_space<vmem>> -> memref<50xi32, #tpu.memory_space<vmem>>
    %dma_start3A_716 = arith.constant 0 : i32
    %dma_start3A_717 = arith.constant 0 : i32
    %dma_start3A_718 = tpu.memref_slice %arg3[%dma_start3A_716, %dma_start3A_717] : memref<1000000x64xf32, #tpu.memory_space<hbm>> -> memref<1000000x64xf32, #tpu.memory_space<hbm>>
    %dma_start3A_719 = tpu.memref_slice %arg7[%dma_start3A_708] : memref<2x!tpu.dma_semaphore, #tpu.memory_space<semaphore_mem>> -> memref<1x!tpu.dma_semaphore, #tpu.memory_space<semaphore_mem>>
    %dma_start3A_720 = tpu.memref_squeeze %dma_start3A_719 : memref<1x!tpu.dma_semaphore, #tpu.memory_space<semaphore_mem>> -> memref<!tpu.dma_semaphore, #tpu.memory_space<semaphore_mem>>
    tpu.enqueue_indirect_dma source(%dma_start3A_718 : memref<1000000x64xf32, #tpu.memory_space<hbm>>) target(%dma_start3A_712 : memref<50x64xf32, #tpu.memory_space<vmem>>) offsets(%dma_start3A_715 : memref<50xi32, #tpu.memory_space<vmem>>) semaphore(%dma_start3A_720 : memref<!tpu.dma_semaphore, #tpu.memory_space<semaphore_mem>>)
    %dma_start3A_721 = arith.constant 41 : i32
    %dma_start3A_722 = arith.constant 0 : i32
    %dma_start3A_723 = arith.constant 9 : i32
    %dma_start3A_724 = arith.constant 0 : i32
    %dma_start3A_725 = arith.constant 0 : i32
    %dma_start3A_726 = arith.constant 0 : i32
    %dma_start3A_727 = tpu.memref_slice %arg6[%dma_start3A_722, %dma_start3A_723, %dma_start3A_725, %dma_start3A_726] : memref<2x16x50x64xf32, #tpu.memory_space<vmem>> -> memref<1x1x50x64xf32, #tpu.memory_space<vmem>>
    %dma_start3A_728 = tpu.memref_squeeze %dma_start3A_727 : memref<1x1x50x64xf32, #tpu.memory_space<vmem>> -> memref<50x64xf32, #tpu.memory_space<vmem>>
    %dma_start3A_729 = arith.constant 0 : i32
    %dma_start3A_730 = tpu.memref_slice %arg5[%dma_start3A_721, %dma_start3A_729] : memref<128x50xi32, #tpu.memory_space<vmem>> -> memref<1x50xi32, #tpu.memory_space<vmem>>
    %dma_start3A_731 = tpu.memref_squeeze %dma_start3A_730 : memref<1x50xi32, #tpu.memory_space<vmem>> -> memref<50xi32, #tpu.memory_space<vmem>>
    %dma_start3A_732 = arith.constant 0 : i32
    %dma_start3A_733 = arith.constant 0 : i32
    %dma_start3A_734 = tpu.memref_slice %arg3[%dma_start3A_732, %dma_start3A_733] : memref<1000000x64xf32, #tpu.memory_space<hbm>> -> memref<1000000x64xf32, #tpu.memory_space<hbm>>
    %dma_start3A_735 = tpu.memref_slice %arg7[%dma_start3A_724] : memref<2x!tpu.dma_semaphore, #tpu.memory_space<semaphore_mem>> -> memref<1x!tpu.dma_semaphore, #tpu.memory_space<semaphore_mem>>
    %dma_start3A_736 = tpu.memref_squeeze %dma_start3A_735 : memref<1x!tpu.dma_semaphore, #tpu.memory_space<semaphore_mem>> -> memref<!tpu.dma_semaphore, #tpu.memory_space<semaphore_mem>>
    tpu.enqueue_indirect_dma source(%dma_start3A_734 : memref<1000000x64xf32, #tpu.memory_space<hbm>>) target(%dma_start3A_728 : memref<50x64xf32, #tpu.memory_space<vmem>>) offsets(%dma_start3A_731 : memref<50xi32, #tpu.memory_space<vmem>>) semaphore(%dma_start3A_736 : memref<!tpu.dma_semaphore, #tpu.memory_space<semaphore_mem>>)
    %dma_start3A_737 = arith.constant 42 : i32
    %dma_start3A_738 = arith.constant 0 : i32
    %dma_start3A_739 = arith.constant 10 : i32
    %dma_start3A_740 = arith.constant 0 : i32
    %dma_start3A_741 = arith.constant 0 : i32
    %dma_start3A_742 = arith.constant 0 : i32
    %dma_start3A_743 = tpu.memref_slice %arg6[%dma_start3A_738, %dma_start3A_739, %dma_start3A_741, %dma_start3A_742] : memref<2x16x50x64xf32, #tpu.memory_space<vmem>> -> memref<1x1x50x64xf32, #tpu.memory_space<vmem>>
    %dma_start3A_744 = tpu.memref_squeeze %dma_start3A_743 : memref<1x1x50x64xf32, #tpu.memory_space<vmem>> -> memref<50x64xf32, #tpu.memory_space<vmem>>
    %dma_start3A_745 = arith.constant 0 : i32
    %dma_start3A_746 = tpu.memref_slice %arg5[%dma_start3A_737, %dma_start3A_745] : memref<128x50xi32, #tpu.memory_space<vmem>> -> memref<1x50xi32, #tpu.memory_space<vmem>>
    %dma_start3A_747 = tpu.memref_squeeze %dma_start3A_746 : memref<1x50xi32, #tpu.memory_space<vmem>> -> memref<50xi32, #tpu.memory_space<vmem>>
    %dma_start3A_748 = arith.constant 0 : i32
    %dma_start3A_749 = arith.constant 0 : i32
    %dma_start3A_750 = tpu.memref_slice %arg3[%dma_start3A_748, %dma_start3A_749] : memref<1000000x64xf32, #tpu.memory_space<hbm>> -> memref<1000000x64xf32, #tpu.memory_space<hbm>>
    %dma_start3A_751 = tpu.memref_slice %arg7[%dma_start3A_740] : memref<2x!tpu.dma_semaphore, #tpu.memory_space<semaphore_mem>> -> memref<1x!tpu.dma_semaphore, #tpu.memory_space<semaphore_mem>>
    %dma_start3A_752 = tpu.memref_squeeze %dma_start3A_751 : memref<1x!tpu.dma_semaphore, #tpu.memory_space<semaphore_mem>> -> memref<!tpu.dma_semaphore, #tpu.memory_space<semaphore_mem>>
    tpu.enqueue_indirect_dma source(%dma_start3A_750 : memref<1000000x64xf32, #tpu.memory_space<hbm>>) target(%dma_start3A_744 : memref<50x64xf32, #tpu.memory_space<vmem>>) offsets(%dma_start3A_747 : memref<50xi32, #tpu.memory_space<vmem>>) semaphore(%dma_start3A_752 : memref<!tpu.dma_semaphore, #tpu.memory_space<semaphore_mem>>)
    %dma_start3A_753 = arith.constant 43 : i32
    %dma_start3A_754 = arith.constant 0 : i32
    %dma_start3A_755 = arith.constant 11 : i32
    %dma_start3A_756 = arith.constant 0 : i32
    %dma_start3A_757 = arith.constant 0 : i32
    %dma_start3A_758 = arith.constant 0 : i32
    %dma_start3A_759 = tpu.memref_slice %arg6[%dma_start3A_754, %dma_start3A_755, %dma_start3A_757, %dma_start3A_758] : memref<2x16x50x64xf32, #tpu.memory_space<vmem>> -> memref<1x1x50x64xf32, #tpu.memory_space<vmem>>
    %dma_start3A_760 = tpu.memref_squeeze %dma_start3A_759 : memref<1x1x50x64xf32, #tpu.memory_space<vmem>> -> memref<50x64xf32, #tpu.memory_space<vmem>>
    %dma_start3A_761 = arith.constant 0 : i32
    %dma_start3A_762 = tpu.memref_slice %arg5[%dma_start3A_753, %dma_start3A_761] : memref<128x50xi32, #tpu.memory_space<vmem>> -> memref<1x50xi32, #tpu.memory_space<vmem>>
    %dma_start3A_763 = tpu.memref_squeeze %dma_start3A_762 : memref<1x50xi32, #tpu.memory_space<vmem>> -> memref<50xi32, #tpu.memory_space<vmem>>
    %dma_start3A_764 = arith.constant 0 : i32
    %dma_start3A_765 = arith.constant 0 : i32
    %dma_start3A_766 = tpu.memref_slice %arg3[%dma_start3A_764, %dma_start3A_765] : memref<1000000x64xf32, #tpu.memory_space<hbm>> -> memref<1000000x64xf32, #tpu.memory_space<hbm>>
    %dma_start3A_767 = tpu.memref_slice %arg7[%dma_start3A_756] : memref<2x!tpu.dma_semaphore, #tpu.memory_space<semaphore_mem>> -> memref<1x!tpu.dma_semaphore, #tpu.memory_space<semaphore_mem>>
    %dma_start3A_768 = tpu.memref_squeeze %dma_start3A_767 : memref<1x!tpu.dma_semaphore, #tpu.memory_space<semaphore_mem>> -> memref<!tpu.dma_semaphore, #tpu.memory_space<semaphore_mem>>
    tpu.enqueue_indirect_dma source(%dma_start3A_766 : memref<1000000x64xf32, #tpu.memory_space<hbm>>) target(%dma_start3A_760 : memref<50x64xf32, #tpu.memory_space<vmem>>) offsets(%dma_start3A_763 : memref<50xi32, #tpu.memory_space<vmem>>) semaphore(%dma_start3A_768 : memref<!tpu.dma_semaphore, #tpu.memory_space<semaphore_mem>>)
    %dma_start3A_769 = arith.constant 44 : i32
    %dma_start3A_770 = arith.constant 0 : i32
    %dma_start3A_771 = arith.constant 12 : i32
    %dma_start3A_772 = arith.constant 0 : i32
    %dma_start3A_773 = arith.constant 0 : i32
    %dma_start3A_774 = arith.constant 0 : i32
    %dma_start3A_775 = tpu.memref_slice %arg6[%dma_start3A_770, %dma_start3A_771, %dma_start3A_773, %dma_start3A_774] : memref<2x16x50x64xf32, #tpu.memory_space<vmem>> -> memref<1x1x50x64xf32, #tpu.memory_space<vmem>>
    %dma_start3A_776 = tpu.memref_squeeze %dma_start3A_775 : memref<1x1x50x64xf32, #tpu.memory_space<vmem>> -> memref<50x64xf32, #tpu.memory_space<vmem>>
    %dma_start3A_777 = arith.constant 0 : i32
    %dma_start3A_778 = tpu.memref_slice %arg5[%dma_start3A_769, %dma_start3A_777] : memref<128x50xi32, #tpu.memory_space<vmem>> -> memref<1x50xi32, #tpu.memory_space<vmem>>
    %dma_start3A_779 = tpu.memref_squeeze %dma_start3A_778 : memref<1x50xi32, #tpu.memory_space<vmem>> -> memref<50xi32, #tpu.memory_space<vmem>>
    %dma_start3A_780 = arith.constant 0 : i32
    %dma_start3A_781 = arith.constant 0 : i32
    %dma_start3A_782 = tpu.memref_slice %arg3[%dma_start3A_780, %dma_start3A_781] : memref<1000000x64xf32, #tpu.memory_space<hbm>> -> memref<1000000x64xf32, #tpu.memory_space<hbm>>
    %dma_start3A_783 = tpu.memref_slice %arg7[%dma_start3A_772] : memref<2x!tpu.dma_semaphore, #tpu.memory_space<semaphore_mem>> -> memref<1x!tpu.dma_semaphore, #tpu.memory_space<semaphore_mem>>
    %dma_start3A_784 = tpu.memref_squeeze %dma_start3A_783 : memref<1x!tpu.dma_semaphore, #tpu.memory_space<semaphore_mem>> -> memref<!tpu.dma_semaphore, #tpu.memory_space<semaphore_mem>>
    tpu.enqueue_indirect_dma source(%dma_start3A_782 : memref<1000000x64xf32, #tpu.memory_space<hbm>>) target(%dma_start3A_776 : memref<50x64xf32, #tpu.memory_space<vmem>>) offsets(%dma_start3A_779 : memref<50xi32, #tpu.memory_space<vmem>>) semaphore(%dma_start3A_784 : memref<!tpu.dma_semaphore, #tpu.memory_space<semaphore_mem>>)
    %dma_start3A_785 = arith.constant 45 : i32
    %dma_start3A_786 = arith.constant 0 : i32
    %dma_start3A_787 = arith.constant 13 : i32
    %dma_start3A_788 = arith.constant 0 : i32
    %dma_start3A_789 = arith.constant 0 : i32
    %dma_start3A_790 = arith.constant 0 : i32
    %dma_start3A_791 = tpu.memref_slice %arg6[%dma_start3A_786, %dma_start3A_787, %dma_start3A_789, %dma_start3A_790] : memref<2x16x50x64xf32, #tpu.memory_space<vmem>> -> memref<1x1x50x64xf32, #tpu.memory_space<vmem>>
    %dma_start3A_792 = tpu.memref_squeeze %dma_start3A_791 : memref<1x1x50x64xf32, #tpu.memory_space<vmem>> -> memref<50x64xf32, #tpu.memory_space<vmem>>
    %dma_start3A_793 = arith.constant 0 : i32
    %dma_start3A_794 = tpu.memref_slice %arg5[%dma_start3A_785, %dma_start3A_793] : memref<128x50xi32, #tpu.memory_space<vmem>> -> memref<1x50xi32, #tpu.memory_space<vmem>>
    %dma_start3A_795 = tpu.memref_squeeze %dma_start3A_794 : memref<1x50xi32, #tpu.memory_space<vmem>> -> memref<50xi32, #tpu.memory_space<vmem>>
    %dma_start3A_796 = arith.constant 0 : i32
    %dma_start3A_797 = arith.constant 0 : i32
    %dma_start3A_798 = tpu.memref_slice %arg3[%dma_start3A_796, %dma_start3A_797] : memref<1000000x64xf32, #tpu.memory_space<hbm>> -> memref<1000000x64xf32, #tpu.memory_space<hbm>>
    %dma_start3A_799 = tpu.memref_slice %arg7[%dma_start3A_788] : memref<2x!tpu.dma_semaphore, #tpu.memory_space<semaphore_mem>> -> memref<1x!tpu.dma_semaphore, #tpu.memory_space<semaphore_mem>>
    %dma_start3A_800 = tpu.memref_squeeze %dma_start3A_799 : memref<1x!tpu.dma_semaphore, #tpu.memory_space<semaphore_mem>> -> memref<!tpu.dma_semaphore, #tpu.memory_space<semaphore_mem>>
    tpu.enqueue_indirect_dma source(%dma_start3A_798 : memref<1000000x64xf32, #tpu.memory_space<hbm>>) target(%dma_start3A_792 : memref<50x64xf32, #tpu.memory_space<vmem>>) offsets(%dma_start3A_795 : memref<50xi32, #tpu.memory_space<vmem>>) semaphore(%dma_start3A_800 : memref<!tpu.dma_semaphore, #tpu.memory_space<semaphore_mem>>)
    %dma_start3A_801 = arith.constant 46 : i32
    %dma_start3A_802 = arith.constant 0 : i32
    %dma_start3A_803 = arith.constant 14 : i32
    %dma_start3A_804 = arith.constant 0 : i32
    %dma_start3A_805 = arith.constant 0 : i32
    %dma_start3A_806 = arith.constant 0 : i32
    %dma_start3A_807 = tpu.memref_slice %arg6[%dma_start3A_802, %dma_start3A_803, %dma_start3A_805, %dma_start3A_806] : memref<2x16x50x64xf32, #tpu.memory_space<vmem>> -> memref<1x1x50x64xf32, #tpu.memory_space<vmem>>
    %dma_start3A_808 = tpu.memref_squeeze %dma_start3A_807 : memref<1x1x50x64xf32, #tpu.memory_space<vmem>> -> memref<50x64xf32, #tpu.memory_space<vmem>>
    %dma_start3A_809 = arith.constant 0 : i32
    %dma_start3A_810 = tpu.memref_slice %arg5[%dma_start3A_801, %dma_start3A_809] : memref<128x50xi32, #tpu.memory_space<vmem>> -> memref<1x50xi32, #tpu.memory_space<vmem>>
    %dma_start3A_811 = tpu.memref_squeeze %dma_start3A_810 : memref<1x50xi32, #tpu.memory_space<vmem>> -> memref<50xi32, #tpu.memory_space<vmem>>
    %dma_start3A_812 = arith.constant 0 : i32
    %dma_start3A_813 = arith.constant 0 : i32
    %dma_start3A_814 = tpu.memref_slice %arg3[%dma_start3A_812, %dma_start3A_813] : memref<1000000x64xf32, #tpu.memory_space<hbm>> -> memref<1000000x64xf32, #tpu.memory_space<hbm>>
    %dma_start3A_815 = tpu.memref_slice %arg7[%dma_start3A_804] : memref<2x!tpu.dma_semaphore, #tpu.memory_space<semaphore_mem>> -> memref<1x!tpu.dma_semaphore, #tpu.memory_space<semaphore_mem>>
    %dma_start3A_816 = tpu.memref_squeeze %dma_start3A_815 : memref<1x!tpu.dma_semaphore, #tpu.memory_space<semaphore_mem>> -> memref<!tpu.dma_semaphore, #tpu.memory_space<semaphore_mem>>
    tpu.enqueue_indirect_dma source(%dma_start3A_814 : memref<1000000x64xf32, #tpu.memory_space<hbm>>) target(%dma_start3A_808 : memref<50x64xf32, #tpu.memory_space<vmem>>) offsets(%dma_start3A_811 : memref<50xi32, #tpu.memory_space<vmem>>) semaphore(%dma_start3A_816 : memref<!tpu.dma_semaphore, #tpu.memory_space<semaphore_mem>>)
    %dma_start3A_817 = arith.constant 47 : i32
    %dma_start3A_818 = arith.constant 0 : i32
    %dma_start3A_819 = arith.constant 15 : i32
    %dma_start3A_820 = arith.constant 0 : i32
    %dma_start3A_821 = arith.constant 0 : i32
    %dma_start3A_822 = arith.constant 0 : i32
    %dma_start3A_823 = tpu.memref_slice %arg6[%dma_start3A_818, %dma_start3A_819, %dma_start3A_821, %dma_start3A_822] : memref<2x16x50x64xf32, #tpu.memory_space<vmem>> -> memref<1x1x50x64xf32, #tpu.memory_space<vmem>>
    %dma_start3A_824 = tpu.memref_squeeze %dma_start3A_823 : memref<1x1x50x64xf32, #tpu.memory_space<vmem>> -> memref<50x64xf32, #tpu.memory_space<vmem>>
    %dma_start3A_825 = arith.constant 0 : i32
    %dma_start3A_826 = tpu.memref_slice %arg5[%dma_start3A_817, %dma_start3A_825] : memref<128x50xi32, #tpu.memory_space<vmem>> -> memref<1x50xi32, #tpu.memory_space<vmem>>
    %dma_start3A_827 = tpu.memref_squeeze %dma_start3A_826 : memref<1x50xi32, #tpu.memory_space<vmem>> -> memref<50xi32, #tpu.memory_space<vmem>>
    %dma_start3A_828 = arith.constant 0 : i32
    %dma_start3A_829 = arith.constant 0 : i32
    %dma_start3A_830 = tpu.memref_slice %arg3[%dma_start3A_828, %dma_start3A_829] : memref<1000000x64xf32, #tpu.memory_space<hbm>> -> memref<1000000x64xf32, #tpu.memory_space<hbm>>
    %dma_start3A_831 = tpu.memref_slice %arg7[%dma_start3A_820] : memref<2x!tpu.dma_semaphore, #tpu.memory_space<semaphore_mem>> -> memref<1x!tpu.dma_semaphore, #tpu.memory_space<semaphore_mem>>
    %dma_start3A_832 = tpu.memref_squeeze %dma_start3A_831 : memref<1x!tpu.dma_semaphore, #tpu.memory_space<semaphore_mem>> -> memref<!tpu.dma_semaphore, #tpu.memory_space<semaphore_mem>>
    tpu.enqueue_indirect_dma source(%dma_start3A_830 : memref<1000000x64xf32, #tpu.memory_space<hbm>>) target(%dma_start3A_824 : memref<50x64xf32, #tpu.memory_space<vmem>>) offsets(%dma_start3A_827 : memref<50xi32, #tpu.memory_space<vmem>>) semaphore(%dma_start3A_832 : memref<!tpu.dma_semaphore, #tpu.memory_space<semaphore_mem>>)
    %dma_wait3A_833 = arith.constant 1 : i32
    %dma_wait3A_834 = arith.constant 1 : i32
    %dma_wait3A_835 = arith.constant 0 : i32
    %dma_wait3A_836 = arith.constant 0 : i32
    %dma_wait3A_837 = arith.constant 0 : i32
    %dma_wait3A_838 = tpu.memref_slice %arg6[%dma_wait3A_833, %dma_wait3A_835, %dma_wait3A_836, %dma_wait3A_837] : memref<2x16x50x64xf32, #tpu.memory_space<vmem>> -> memref<1x16x50x64xf32, #tpu.memory_space<vmem>>
    %dma_wait3A_839 = tpu.memref_squeeze %dma_wait3A_838 : memref<1x16x50x64xf32, #tpu.memory_space<vmem>> -> memref<16x50x64xf32, #tpu.memory_space<vmem>>
    %dma_wait3A_840 = arith.constant 0 : i32
    %dma_wait3A_841 = arith.constant 0 : i32
    %dma_wait3A_842 = arith.constant 0 : i32
    %dma_wait3A_843 = tpu.memref_slice %arg4[%dma_wait3A_840, %dma_wait3A_841, %dma_wait3A_842] : memref<4096x50x64xf32, #tpu.memory_space<hbm>> -> memref<16x50x64xf32, #tpu.memory_space<hbm>>
    %dma_wait3A_844 = tpu.memref_slice %arg7[%dma_wait3A_834] : memref<2x!tpu.dma_semaphore, #tpu.memory_space<semaphore_mem>> -> memref<1x!tpu.dma_semaphore, #tpu.memory_space<semaphore_mem>>
    %dma_wait3A_845 = tpu.memref_squeeze %dma_wait3A_844 : memref<1x!tpu.dma_semaphore, #tpu.memory_space<semaphore_mem>> -> memref<!tpu.dma_semaphore, #tpu.memory_space<semaphore_mem>>
    %dma_wait3A_846 = arith.constant 0 : i32
    %dma_wait3A_847 = arith.constant 0 : i32
    %dma_wait3A_848 = arith.constant 0 : i32
    %dma_wait3A_849 = tpu.memref_slice %arg6[%dma_wait3A_833, %dma_wait3A_846, %dma_wait3A_847, %dma_wait3A_848] : memref<2x16x50x64xf32, #tpu.memory_space<vmem>> -> memref<1x16x50x64xf32, #tpu.memory_space<vmem>>
    %dma_wait3A_850 = tpu.memref_squeeze %dma_wait3A_849 : memref<1x16x50x64xf32, #tpu.memory_space<vmem>> -> memref<16x50x64xf32, #tpu.memory_space<vmem>>
    %dma_wait3A_851 = arith.constant 0 : i32
    %dma_wait3A_852 = arith.constant 0 : i32
    %dma_wait3A_853 = arith.constant 0 : i32
    %dma_wait3A_854 = tpu.memref_slice %arg4[%dma_wait3A_851, %dma_wait3A_852, %dma_wait3A_853] : memref<4096x50x64xf32, #tpu.memory_space<hbm>> -> memref<16x50x64xf32, #tpu.memory_space<hbm>>
    tpu.wait_dma2 semaphore(%dma_wait3A_845 : memref<!tpu.dma_semaphore, #tpu.memory_space<semaphore_mem>>) src(%dma_wait3A_854 : memref<16x50x64xf32, #tpu.memory_space<hbm>>) dst(%dma_wait3A_850 : memref<16x50x64xf32, #tpu.memory_space<vmem>>)
    %add3A_855 = arith.constant 16 : i32
    %add3A_856 = arith.addi %mul3A_2, %add3A_855 : i32
    %dma_start3A_857 = arith.constant 1 : i32
    %dma_start3A_858 = arith.constant 1 : i32
    %dma_start3A_859 = arith.constant 0 : i32
    %dma_start3A_860 = arith.constant 0 : i32
    %dma_start3A_861 = arith.constant 0 : i32
    %dma_start3A_862 = tpu.memref_slice %arg6[%dma_start3A_857, %dma_start3A_859, %dma_start3A_860, %dma_start3A_861] : memref<2x16x50x64xf32, #tpu.memory_space<vmem>> -> memref<1x16x50x64xf32, #tpu.memory_space<vmem>>
    %dma_start3A_863 = tpu.memref_squeeze %dma_start3A_862 : memref<1x16x50x64xf32, #tpu.memory_space<vmem>> -> memref<16x50x64xf32, #tpu.memory_space<vmem>>
    %dma_start3A_864 = arith.constant 0 : i32
    %dma_start3A_865 = arith.constant 0 : i32
    %dma_start3A_866 = tpu.memref_slice %arg4[%add3A_856, %dma_start3A_864, %dma_start3A_865] : memref<4096x50x64xf32, #tpu.memory_space<hbm>> -> memref<16x50x64xf32, #tpu.memory_space<hbm>>
    %dma_start3A_867 = tpu.memref_slice %arg8[%dma_start3A_858] : memref<2x!tpu.dma_semaphore, #tpu.memory_space<semaphore_mem>> -> memref<1x!tpu.dma_semaphore, #tpu.memory_space<semaphore_mem>>
    %dma_start3A_868 = tpu.memref_squeeze %dma_start3A_867 : memref<1x!tpu.dma_semaphore, #tpu.memory_space<semaphore_mem>> -> memref<!tpu.dma_semaphore, #tpu.memory_space<semaphore_mem>>
    %dma_start3A_869 = arith.constant 0 : i32
    %dma_start3A_870 = arith.constant 0 : i32
    %dma_start3A_871 = tpu.memref_slice %arg4[%add3A_856, %dma_start3A_869, %dma_start3A_870] : memref<4096x50x64xf32, #tpu.memory_space<hbm>> -> memref<16x50x64xf32, #tpu.memory_space<hbm>>
    %dma_start3A_872 = arith.constant 0 : i32
    %dma_start3A_873 = arith.constant 0 : i32
    %dma_start3A_874 = arith.constant 0 : i32
    %dma_start3A_875 = tpu.memref_slice %arg6[%dma_start3A_857, %dma_start3A_872, %dma_start3A_873, %dma_start3A_874] : memref<2x16x50x64xf32, #tpu.memory_space<vmem>> -> memref<1x16x50x64xf32, #tpu.memory_space<vmem>>
    %dma_start3A_876 = tpu.memref_squeeze %dma_start3A_875 : memref<1x16x50x64xf32, #tpu.memory_space<vmem>> -> memref<16x50x64xf32, #tpu.memory_space<vmem>>
    tpu.enqueue_dma source(%dma_start3A_876 : memref<16x50x64xf32, #tpu.memory_space<vmem>>) target(%dma_start3A_871 : memref<16x50x64xf32, #tpu.memory_space<hbm>>) target_semaphore(%dma_start3A_868 : memref<!tpu.dma_semaphore, #tpu.memory_space<semaphore_mem>>)
    %dma_wait3A_877 = arith.constant 1 : i32
    %dma_wait3A_878 = arith.constant 1 : i32
    %dma_wait3A_879 = arith.constant 0 : i32
    %dma_wait3A_880 = arith.constant 0 : i32
    %dma_wait3A_881 = arith.constant 0 : i32
    %dma_wait3A_882 = tpu.memref_slice %arg6[%dma_wait3A_877, %dma_wait3A_879, %dma_wait3A_880, %dma_wait3A_881] : memref<2x16x50x64xf32, #tpu.memory_space<vmem>> -> memref<1x16x50x64xf32, #tpu.memory_space<vmem>>
    %dma_wait3A_883 = tpu.memref_squeeze %dma_wait3A_882 : memref<1x16x50x64xf32, #tpu.memory_space<vmem>> -> memref<16x50x64xf32, #tpu.memory_space<vmem>>
    %dma_wait3A_884 = arith.constant 0 : i32
    %dma_wait3A_885 = arith.constant 0 : i32
    %dma_wait3A_886 = tpu.memref_slice %arg4[%mul3A_2, %dma_wait3A_884, %dma_wait3A_885] : memref<4096x50x64xf32, #tpu.memory_space<hbm>> -> memref<16x50x64xf32, #tpu.memory_space<hbm>>
    %dma_wait3A_887 = tpu.memref_slice %arg8[%dma_wait3A_878] : memref<2x!tpu.dma_semaphore, #tpu.memory_space<semaphore_mem>> -> memref<1x!tpu.dma_semaphore, #tpu.memory_space<semaphore_mem>>
    %dma_wait3A_888 = tpu.memref_squeeze %dma_wait3A_887 : memref<1x!tpu.dma_semaphore, #tpu.memory_space<semaphore_mem>> -> memref<!tpu.dma_semaphore, #tpu.memory_space<semaphore_mem>>
    %dma_wait3A_889 = arith.constant 0 : i32
    %dma_wait3A_890 = arith.constant 0 : i32
    %dma_wait3A_891 = tpu.memref_slice %arg4[%mul3A_2, %dma_wait3A_889, %dma_wait3A_890] : memref<4096x50x64xf32, #tpu.memory_space<hbm>> -> memref<16x50x64xf32, #tpu.memory_space<hbm>>
    %dma_wait3A_892 = arith.constant 0 : i32
    %dma_wait3A_893 = arith.constant 0 : i32
    %dma_wait3A_894 = arith.constant 0 : i32
    %dma_wait3A_895 = tpu.memref_slice %arg6[%dma_wait3A_877, %dma_wait3A_892, %dma_wait3A_893, %dma_wait3A_894] : memref<2x16x50x64xf32, #tpu.memory_space<vmem>> -> memref<1x16x50x64xf32, #tpu.memory_space<vmem>>
    %dma_wait3A_896 = tpu.memref_squeeze %dma_wait3A_895 : memref<1x16x50x64xf32, #tpu.memory_space<vmem>> -> memref<16x50x64xf32, #tpu.memory_space<vmem>>
    tpu.wait_dma2 semaphore(%dma_wait3A_888 : memref<!tpu.dma_semaphore, #tpu.memory_space<semaphore_mem>>) src(%dma_wait3A_896 : memref<16x50x64xf32, #tpu.memory_space<vmem>>) dst(%dma_wait3A_891 : memref<16x50x64xf32, #tpu.memory_space<hbm>>)
    %dma_start3A_897 = arith.constant 48 : i32
    %dma_start3A_898 = arith.constant 1 : i32
    %dma_start3A_899 = arith.constant 0 : i32
    %dma_start3A_900 = arith.constant 1 : i32
    %dma_start3A_901 = arith.constant 0 : i32
    %dma_start3A_902 = arith.constant 0 : i32
    %dma_start3A_903 = tpu.memref_slice %arg6[%dma_start3A_898, %dma_start3A_899, %dma_start3A_901, %dma_start3A_902] : memref<2x16x50x64xf32, #tpu.memory_space<vmem>> -> memref<1x1x50x64xf32, #tpu.memory_space<vmem>>
    %dma_start3A_904 = tpu.memref_squeeze %dma_start3A_903 : memref<1x1x50x64xf32, #tpu.memory_space<vmem>> -> memref<50x64xf32, #tpu.memory_space<vmem>>
    %dma_start3A_905 = arith.constant 0 : i32
    %dma_start3A_906 = tpu.memref_slice %arg5[%dma_start3A_897, %dma_start3A_905] : memref<128x50xi32, #tpu.memory_space<vmem>> -> memref<1x50xi32, #tpu.memory_space<vmem>>
    %dma_start3A_907 = tpu.memref_squeeze %dma_start3A_906 : memref<1x50xi32, #tpu.memory_space<vmem>> -> memref<50xi32, #tpu.memory_space<vmem>>
    %dma_start3A_908 = arith.constant 0 : i32
    %dma_start3A_909 = arith.constant 0 : i32
    %dma_start3A_910 = tpu.memref_slice %arg3[%dma_start3A_908, %dma_start3A_909] : memref<1000000x64xf32, #tpu.memory_space<hbm>> -> memref<1000000x64xf32, #tpu.memory_space<hbm>>
    %dma_start3A_911 = tpu.memref_slice %arg7[%dma_start3A_900] : memref<2x!tpu.dma_semaphore, #tpu.memory_space<semaphore_mem>> -> memref<1x!tpu.dma_semaphore, #tpu.memory_space<semaphore_mem>>
    %dma_start3A_912 = tpu.memref_squeeze %dma_start3A_911 : memref<1x!tpu.dma_semaphore, #tpu.memory_space<semaphore_mem>> -> memref<!tpu.dma_semaphore, #tpu.memory_space<semaphore_mem>>
    tpu.enqueue_indirect_dma source(%dma_start3A_910 : memref<1000000x64xf32, #tpu.memory_space<hbm>>) target(%dma_start3A_904 : memref<50x64xf32, #tpu.memory_space<vmem>>) offsets(%dma_start3A_907 : memref<50xi32, #tpu.memory_space<vmem>>) semaphore(%dma_start3A_912 : memref<!tpu.dma_semaphore, #tpu.memory_space<semaphore_mem>>)
    %dma_start3A_913 = arith.constant 49 : i32
    %dma_start3A_914 = arith.constant 1 : i32
    %dma_start3A_915 = arith.constant 1 : i32
    %dma_start3A_916 = arith.constant 1 : i32
    %dma_start3A_917 = arith.constant 0 : i32
    %dma_start3A_918 = arith.constant 0 : i32
    %dma_start3A_919 = tpu.memref_slice %arg6[%dma_start3A_914, %dma_start3A_915, %dma_start3A_917, %dma_start3A_918] : memref<2x16x50x64xf32, #tpu.memory_space<vmem>> -> memref<1x1x50x64xf32, #tpu.memory_space<vmem>>
    %dma_start3A_920 = tpu.memref_squeeze %dma_start3A_919 : memref<1x1x50x64xf32, #tpu.memory_space<vmem>> -> memref<50x64xf32, #tpu.memory_space<vmem>>
    %dma_start3A_921 = arith.constant 0 : i32
    %dma_start3A_922 = tpu.memref_slice %arg5[%dma_start3A_913, %dma_start3A_921] : memref<128x50xi32, #tpu.memory_space<vmem>> -> memref<1x50xi32, #tpu.memory_space<vmem>>
    %dma_start3A_923 = tpu.memref_squeeze %dma_start3A_922 : memref<1x50xi32, #tpu.memory_space<vmem>> -> memref<50xi32, #tpu.memory_space<vmem>>
    %dma_start3A_924 = arith.constant 0 : i32
    %dma_start3A_925 = arith.constant 0 : i32
    %dma_start3A_926 = tpu.memref_slice %arg3[%dma_start3A_924, %dma_start3A_925] : memref<1000000x64xf32, #tpu.memory_space<hbm>> -> memref<1000000x64xf32, #tpu.memory_space<hbm>>
    %dma_start3A_927 = tpu.memref_slice %arg7[%dma_start3A_916] : memref<2x!tpu.dma_semaphore, #tpu.memory_space<semaphore_mem>> -> memref<1x!tpu.dma_semaphore, #tpu.memory_space<semaphore_mem>>
    %dma_start3A_928 = tpu.memref_squeeze %dma_start3A_927 : memref<1x!tpu.dma_semaphore, #tpu.memory_space<semaphore_mem>> -> memref<!tpu.dma_semaphore, #tpu.memory_space<semaphore_mem>>
    tpu.enqueue_indirect_dma source(%dma_start3A_926 : memref<1000000x64xf32, #tpu.memory_space<hbm>>) target(%dma_start3A_920 : memref<50x64xf32, #tpu.memory_space<vmem>>) offsets(%dma_start3A_923 : memref<50xi32, #tpu.memory_space<vmem>>) semaphore(%dma_start3A_928 : memref<!tpu.dma_semaphore, #tpu.memory_space<semaphore_mem>>)
    %dma_start3A_929 = arith.constant 50 : i32
    %dma_start3A_930 = arith.constant 1 : i32
    %dma_start3A_931 = arith.constant 2 : i32
    %dma_start3A_932 = arith.constant 1 : i32
    %dma_start3A_933 = arith.constant 0 : i32
    %dma_start3A_934 = arith.constant 0 : i32
    %dma_start3A_935 = tpu.memref_slice %arg6[%dma_start3A_930, %dma_start3A_931, %dma_start3A_933, %dma_start3A_934] : memref<2x16x50x64xf32, #tpu.memory_space<vmem>> -> memref<1x1x50x64xf32, #tpu.memory_space<vmem>>
    %dma_start3A_936 = tpu.memref_squeeze %dma_start3A_935 : memref<1x1x50x64xf32, #tpu.memory_space<vmem>> -> memref<50x64xf32, #tpu.memory_space<vmem>>
    %dma_start3A_937 = arith.constant 0 : i32
    %dma_start3A_938 = tpu.memref_slice %arg5[%dma_start3A_929, %dma_start3A_937] : memref<128x50xi32, #tpu.memory_space<vmem>> -> memref<1x50xi32, #tpu.memory_space<vmem>>
    %dma_start3A_939 = tpu.memref_squeeze %dma_start3A_938 : memref<1x50xi32, #tpu.memory_space<vmem>> -> memref<50xi32, #tpu.memory_space<vmem>>
    %dma_start3A_940 = arith.constant 0 : i32
    %dma_start3A_941 = arith.constant 0 : i32
    %dma_start3A_942 = tpu.memref_slice %arg3[%dma_start3A_940, %dma_start3A_941] : memref<1000000x64xf32, #tpu.memory_space<hbm>> -> memref<1000000x64xf32, #tpu.memory_space<hbm>>
    %dma_start3A_943 = tpu.memref_slice %arg7[%dma_start3A_932] : memref<2x!tpu.dma_semaphore, #tpu.memory_space<semaphore_mem>> -> memref<1x!tpu.dma_semaphore, #tpu.memory_space<semaphore_mem>>
    %dma_start3A_944 = tpu.memref_squeeze %dma_start3A_943 : memref<1x!tpu.dma_semaphore, #tpu.memory_space<semaphore_mem>> -> memref<!tpu.dma_semaphore, #tpu.memory_space<semaphore_mem>>
    tpu.enqueue_indirect_dma source(%dma_start3A_942 : memref<1000000x64xf32, #tpu.memory_space<hbm>>) target(%dma_start3A_936 : memref<50x64xf32, #tpu.memory_space<vmem>>) offsets(%dma_start3A_939 : memref<50xi32, #tpu.memory_space<vmem>>) semaphore(%dma_start3A_944 : memref<!tpu.dma_semaphore, #tpu.memory_space<semaphore_mem>>)
    %dma_start3A_945 = arith.constant 51 : i32
    %dma_start3A_946 = arith.constant 1 : i32
    %dma_start3A_947 = arith.constant 3 : i32
    %dma_start3A_948 = arith.constant 1 : i32
    %dma_start3A_949 = arith.constant 0 : i32
    %dma_start3A_950 = arith.constant 0 : i32
    %dma_start3A_951 = tpu.memref_slice %arg6[%dma_start3A_946, %dma_start3A_947, %dma_start3A_949, %dma_start3A_950] : memref<2x16x50x64xf32, #tpu.memory_space<vmem>> -> memref<1x1x50x64xf32, #tpu.memory_space<vmem>>
    %dma_start3A_952 = tpu.memref_squeeze %dma_start3A_951 : memref<1x1x50x64xf32, #tpu.memory_space<vmem>> -> memref<50x64xf32, #tpu.memory_space<vmem>>
    %dma_start3A_953 = arith.constant 0 : i32
    %dma_start3A_954 = tpu.memref_slice %arg5[%dma_start3A_945, %dma_start3A_953] : memref<128x50xi32, #tpu.memory_space<vmem>> -> memref<1x50xi32, #tpu.memory_space<vmem>>
    %dma_start3A_955 = tpu.memref_squeeze %dma_start3A_954 : memref<1x50xi32, #tpu.memory_space<vmem>> -> memref<50xi32, #tpu.memory_space<vmem>>
    %dma_start3A_956 = arith.constant 0 : i32
    %dma_start3A_957 = arith.constant 0 : i32
    %dma_start3A_958 = tpu.memref_slice %arg3[%dma_start3A_956, %dma_start3A_957] : memref<1000000x64xf32, #tpu.memory_space<hbm>> -> memref<1000000x64xf32, #tpu.memory_space<hbm>>
    %dma_start3A_959 = tpu.memref_slice %arg7[%dma_start3A_948] : memref<2x!tpu.dma_semaphore, #tpu.memory_space<semaphore_mem>> -> memref<1x!tpu.dma_semaphore, #tpu.memory_space<semaphore_mem>>
    %dma_start3A_960 = tpu.memref_squeeze %dma_start3A_959 : memref<1x!tpu.dma_semaphore, #tpu.memory_space<semaphore_mem>> -> memref<!tpu.dma_semaphore, #tpu.memory_space<semaphore_mem>>
    tpu.enqueue_indirect_dma source(%dma_start3A_958 : memref<1000000x64xf32, #tpu.memory_space<hbm>>) target(%dma_start3A_952 : memref<50x64xf32, #tpu.memory_space<vmem>>) offsets(%dma_start3A_955 : memref<50xi32, #tpu.memory_space<vmem>>) semaphore(%dma_start3A_960 : memref<!tpu.dma_semaphore, #tpu.memory_space<semaphore_mem>>)
    %dma_start3A_961 = arith.constant 52 : i32
    %dma_start3A_962 = arith.constant 1 : i32
    %dma_start3A_963 = arith.constant 4 : i32
    %dma_start3A_964 = arith.constant 1 : i32
    %dma_start3A_965 = arith.constant 0 : i32
    %dma_start3A_966 = arith.constant 0 : i32
    %dma_start3A_967 = tpu.memref_slice %arg6[%dma_start3A_962, %dma_start3A_963, %dma_start3A_965, %dma_start3A_966] : memref<2x16x50x64xf32, #tpu.memory_space<vmem>> -> memref<1x1x50x64xf32, #tpu.memory_space<vmem>>
    %dma_start3A_968 = tpu.memref_squeeze %dma_start3A_967 : memref<1x1x50x64xf32, #tpu.memory_space<vmem>> -> memref<50x64xf32, #tpu.memory_space<vmem>>
    %dma_start3A_969 = arith.constant 0 : i32
    %dma_start3A_970 = tpu.memref_slice %arg5[%dma_start3A_961, %dma_start3A_969] : memref<128x50xi32, #tpu.memory_space<vmem>> -> memref<1x50xi32, #tpu.memory_space<vmem>>
    %dma_start3A_971 = tpu.memref_squeeze %dma_start3A_970 : memref<1x50xi32, #tpu.memory_space<vmem>> -> memref<50xi32, #tpu.memory_space<vmem>>
    %dma_start3A_972 = arith.constant 0 : i32
    %dma_start3A_973 = arith.constant 0 : i32
    %dma_start3A_974 = tpu.memref_slice %arg3[%dma_start3A_972, %dma_start3A_973] : memref<1000000x64xf32, #tpu.memory_space<hbm>> -> memref<1000000x64xf32, #tpu.memory_space<hbm>>
    %dma_start3A_975 = tpu.memref_slice %arg7[%dma_start3A_964] : memref<2x!tpu.dma_semaphore, #tpu.memory_space<semaphore_mem>> -> memref<1x!tpu.dma_semaphore, #tpu.memory_space<semaphore_mem>>
    %dma_start3A_976 = tpu.memref_squeeze %dma_start3A_975 : memref<1x!tpu.dma_semaphore, #tpu.memory_space<semaphore_mem>> -> memref<!tpu.dma_semaphore, #tpu.memory_space<semaphore_mem>>
    tpu.enqueue_indirect_dma source(%dma_start3A_974 : memref<1000000x64xf32, #tpu.memory_space<hbm>>) target(%dma_start3A_968 : memref<50x64xf32, #tpu.memory_space<vmem>>) offsets(%dma_start3A_971 : memref<50xi32, #tpu.memory_space<vmem>>) semaphore(%dma_start3A_976 : memref<!tpu.dma_semaphore, #tpu.memory_space<semaphore_mem>>)
    %dma_start3A_977 = arith.constant 53 : i32
    %dma_start3A_978 = arith.constant 1 : i32
    %dma_start3A_979 = arith.constant 5 : i32
    %dma_start3A_980 = arith.constant 1 : i32
    %dma_start3A_981 = arith.constant 0 : i32
    %dma_start3A_982 = arith.constant 0 : i32
    %dma_start3A_983 = tpu.memref_slice %arg6[%dma_start3A_978, %dma_start3A_979, %dma_start3A_981, %dma_start3A_982] : memref<2x16x50x64xf32, #tpu.memory_space<vmem>> -> memref<1x1x50x64xf32, #tpu.memory_space<vmem>>
    %dma_start3A_984 = tpu.memref_squeeze %dma_start3A_983 : memref<1x1x50x64xf32, #tpu.memory_space<vmem>> -> memref<50x64xf32, #tpu.memory_space<vmem>>
    %dma_start3A_985 = arith.constant 0 : i32
    %dma_start3A_986 = tpu.memref_slice %arg5[%dma_start3A_977, %dma_start3A_985] : memref<128x50xi32, #tpu.memory_space<vmem>> -> memref<1x50xi32, #tpu.memory_space<vmem>>
    %dma_start3A_987 = tpu.memref_squeeze %dma_start3A_986 : memref<1x50xi32, #tpu.memory_space<vmem>> -> memref<50xi32, #tpu.memory_space<vmem>>
    %dma_start3A_988 = arith.constant 0 : i32
    %dma_start3A_989 = arith.constant 0 : i32
    %dma_start3A_990 = tpu.memref_slice %arg3[%dma_start3A_988, %dma_start3A_989] : memref<1000000x64xf32, #tpu.memory_space<hbm>> -> memref<1000000x64xf32, #tpu.memory_space<hbm>>
    %dma_start3A_991 = tpu.memref_slice %arg7[%dma_start3A_980] : memref<2x!tpu.dma_semaphore, #tpu.memory_space<semaphore_mem>> -> memref<1x!tpu.dma_semaphore, #tpu.memory_space<semaphore_mem>>
    %dma_start3A_992 = tpu.memref_squeeze %dma_start3A_991 : memref<1x!tpu.dma_semaphore, #tpu.memory_space<semaphore_mem>> -> memref<!tpu.dma_semaphore, #tpu.memory_space<semaphore_mem>>
    tpu.enqueue_indirect_dma source(%dma_start3A_990 : memref<1000000x64xf32, #tpu.memory_space<hbm>>) target(%dma_start3A_984 : memref<50x64xf32, #tpu.memory_space<vmem>>) offsets(%dma_start3A_987 : memref<50xi32, #tpu.memory_space<vmem>>) semaphore(%dma_start3A_992 : memref<!tpu.dma_semaphore, #tpu.memory_space<semaphore_mem>>)
    %dma_start3A_993 = arith.constant 54 : i32
    %dma_start3A_994 = arith.constant 1 : i32
    %dma_start3A_995 = arith.constant 6 : i32
    %dma_start3A_996 = arith.constant 1 : i32
    %dma_start3A_997 = arith.constant 0 : i32
    %dma_start3A_998 = arith.constant 0 : i32
    %dma_start3A_999 = tpu.memref_slice %arg6[%dma_start3A_994, %dma_start3A_995, %dma_start3A_997, %dma_start3A_998] : memref<2x16x50x64xf32, #tpu.memory_space<vmem>> -> memref<1x1x50x64xf32, #tpu.memory_space<vmem>>
    %dma_start3A_1000 = tpu.memref_squeeze %dma_start3A_999 : memref<1x1x50x64xf32, #tpu.memory_space<vmem>> -> memref<50x64xf32, #tpu.memory_space<vmem>>
    %dma_start3A_1001 = arith.constant 0 : i32
    %dma_start3A_1002 = tpu.memref_slice %arg5[%dma_start3A_993, %dma_start3A_1001] : memref<128x50xi32, #tpu.memory_space<vmem>> -> memref<1x50xi32, #tpu.memory_space<vmem>>
    %dma_start3A_1003 = tpu.memref_squeeze %dma_start3A_1002 : memref<1x50xi32, #tpu.memory_space<vmem>> -> memref<50xi32, #tpu.memory_space<vmem>>
    %dma_start3A_1004 = arith.constant 0 : i32
    %dma_start3A_1005 = arith.constant 0 : i32
    %dma_start3A_1006 = tpu.memref_slice %arg3[%dma_start3A_1004, %dma_start3A_1005] : memref<1000000x64xf32, #tpu.memory_space<hbm>> -> memref<1000000x64xf32, #tpu.memory_space<hbm>>
    %dma_start3A_1007 = tpu.memref_slice %arg7[%dma_start3A_996] : memref<2x!tpu.dma_semaphore, #tpu.memory_space<semaphore_mem>> -> memref<1x!tpu.dma_semaphore, #tpu.memory_space<semaphore_mem>>
    %dma_start3A_1008 = tpu.memref_squeeze %dma_start3A_1007 : memref<1x!tpu.dma_semaphore, #tpu.memory_space<semaphore_mem>> -> memref<!tpu.dma_semaphore, #tpu.memory_space<semaphore_mem>>
    tpu.enqueue_indirect_dma source(%dma_start3A_1006 : memref<1000000x64xf32, #tpu.memory_space<hbm>>) target(%dma_start3A_1000 : memref<50x64xf32, #tpu.memory_space<vmem>>) offsets(%dma_start3A_1003 : memref<50xi32, #tpu.memory_space<vmem>>) semaphore(%dma_start3A_1008 : memref<!tpu.dma_semaphore, #tpu.memory_space<semaphore_mem>>)
    %dma_start3A_1009 = arith.constant 55 : i32
    %dma_start3A_1010 = arith.constant 1 : i32
    %dma_start3A_1011 = arith.constant 7 : i32
    %dma_start3A_1012 = arith.constant 1 : i32
    %dma_start3A_1013 = arith.constant 0 : i32
    %dma_start3A_1014 = arith.constant 0 : i32
    %dma_start3A_1015 = tpu.memref_slice %arg6[%dma_start3A_1010, %dma_start3A_1011, %dma_start3A_1013, %dma_start3A_1014] : memref<2x16x50x64xf32, #tpu.memory_space<vmem>> -> memref<1x1x50x64xf32, #tpu.memory_space<vmem>>
    %dma_start3A_1016 = tpu.memref_squeeze %dma_start3A_1015 : memref<1x1x50x64xf32, #tpu.memory_space<vmem>> -> memref<50x64xf32, #tpu.memory_space<vmem>>
    %dma_start3A_1017 = arith.constant 0 : i32
    %dma_start3A_1018 = tpu.memref_slice %arg5[%dma_start3A_1009, %dma_start3A_1017] : memref<128x50xi32, #tpu.memory_space<vmem>> -> memref<1x50xi32, #tpu.memory_space<vmem>>
    %dma_start3A_1019 = tpu.memref_squeeze %dma_start3A_1018 : memref<1x50xi32, #tpu.memory_space<vmem>> -> memref<50xi32, #tpu.memory_space<vmem>>
    %dma_start3A_1020 = arith.constant 0 : i32
    %dma_start3A_1021 = arith.constant 0 : i32
    %dma_start3A_1022 = tpu.memref_slice %arg3[%dma_start3A_1020, %dma_start3A_1021] : memref<1000000x64xf32, #tpu.memory_space<hbm>> -> memref<1000000x64xf32, #tpu.memory_space<hbm>>
    %dma_start3A_1023 = tpu.memref_slice %arg7[%dma_start3A_1012] : memref<2x!tpu.dma_semaphore, #tpu.memory_space<semaphore_mem>> -> memref<1x!tpu.dma_semaphore, #tpu.memory_space<semaphore_mem>>
    %dma_start3A_1024 = tpu.memref_squeeze %dma_start3A_1023 : memref<1x!tpu.dma_semaphore, #tpu.memory_space<semaphore_mem>> -> memref<!tpu.dma_semaphore, #tpu.memory_space<semaphore_mem>>
    tpu.enqueue_indirect_dma source(%dma_start3A_1022 : memref<1000000x64xf32, #tpu.memory_space<hbm>>) target(%dma_start3A_1016 : memref<50x64xf32, #tpu.memory_space<vmem>>) offsets(%dma_start3A_1019 : memref<50xi32, #tpu.memory_space<vmem>>) semaphore(%dma_start3A_1024 : memref<!tpu.dma_semaphore, #tpu.memory_space<semaphore_mem>>)
    %dma_start3A_1025 = arith.constant 56 : i32
    %dma_start3A_1026 = arith.constant 1 : i32
    %dma_start3A_1027 = arith.constant 8 : i32
    %dma_start3A_1028 = arith.constant 1 : i32
    %dma_start3A_1029 = arith.constant 0 : i32
    %dma_start3A_1030 = arith.constant 0 : i32
    %dma_start3A_1031 = tpu.memref_slice %arg6[%dma_start3A_1026, %dma_start3A_1027, %dma_start3A_1029, %dma_start3A_1030] : memref<2x16x50x64xf32, #tpu.memory_space<vmem>> -> memref<1x1x50x64xf32, #tpu.memory_space<vmem>>
    %dma_start3A_1032 = tpu.memref_squeeze %dma_start3A_1031 : memref<1x1x50x64xf32, #tpu.memory_space<vmem>> -> memref<50x64xf32, #tpu.memory_space<vmem>>
    %dma_start3A_1033 = arith.constant 0 : i32
    %dma_start3A_1034 = tpu.memref_slice %arg5[%dma_start3A_1025, %dma_start3A_1033] : memref<128x50xi32, #tpu.memory_space<vmem>> -> memref<1x50xi32, #tpu.memory_space<vmem>>
    %dma_start3A_1035 = tpu.memref_squeeze %dma_start3A_1034 : memref<1x50xi32, #tpu.memory_space<vmem>> -> memref<50xi32, #tpu.memory_space<vmem>>
    %dma_start3A_1036 = arith.constant 0 : i32
    %dma_start3A_1037 = arith.constant 0 : i32
    %dma_start3A_1038 = tpu.memref_slice %arg3[%dma_start3A_1036, %dma_start3A_1037] : memref<1000000x64xf32, #tpu.memory_space<hbm>> -> memref<1000000x64xf32, #tpu.memory_space<hbm>>
    %dma_start3A_1039 = tpu.memref_slice %arg7[%dma_start3A_1028] : memref<2x!tpu.dma_semaphore, #tpu.memory_space<semaphore_mem>> -> memref<1x!tpu.dma_semaphore, #tpu.memory_space<semaphore_mem>>
    %dma_start3A_1040 = tpu.memref_squeeze %dma_start3A_1039 : memref<1x!tpu.dma_semaphore, #tpu.memory_space<semaphore_mem>> -> memref<!tpu.dma_semaphore, #tpu.memory_space<semaphore_mem>>
    tpu.enqueue_indirect_dma source(%dma_start3A_1038 : memref<1000000x64xf32, #tpu.memory_space<hbm>>) target(%dma_start3A_1032 : memref<50x64xf32, #tpu.memory_space<vmem>>) offsets(%dma_start3A_1035 : memref<50xi32, #tpu.memory_space<vmem>>) semaphore(%dma_start3A_1040 : memref<!tpu.dma_semaphore, #tpu.memory_space<semaphore_mem>>)
    %dma_start3A_1041 = arith.constant 57 : i32
    %dma_start3A_1042 = arith.constant 1 : i32
    %dma_start3A_1043 = arith.constant 9 : i32
    %dma_start3A_1044 = arith.constant 1 : i32
    %dma_start3A_1045 = arith.constant 0 : i32
    %dma_start3A_1046 = arith.constant 0 : i32
    %dma_start3A_1047 = tpu.memref_slice %arg6[%dma_start3A_1042, %dma_start3A_1043, %dma_start3A_1045, %dma_start3A_1046] : memref<2x16x50x64xf32, #tpu.memory_space<vmem>> -> memref<1x1x50x64xf32, #tpu.memory_space<vmem>>
    %dma_start3A_1048 = tpu.memref_squeeze %dma_start3A_1047 : memref<1x1x50x64xf32, #tpu.memory_space<vmem>> -> memref<50x64xf32, #tpu.memory_space<vmem>>
    %dma_start3A_1049 = arith.constant 0 : i32
    %dma_start3A_1050 = tpu.memref_slice %arg5[%dma_start3A_1041, %dma_start3A_1049] : memref<128x50xi32, #tpu.memory_space<vmem>> -> memref<1x50xi32, #tpu.memory_space<vmem>>
    %dma_start3A_1051 = tpu.memref_squeeze %dma_start3A_1050 : memref<1x50xi32, #tpu.memory_space<vmem>> -> memref<50xi32, #tpu.memory_space<vmem>>
    %dma_start3A_1052 = arith.constant 0 : i32
    %dma_start3A_1053 = arith.constant 0 : i32
    %dma_start3A_1054 = tpu.memref_slice %arg3[%dma_start3A_1052, %dma_start3A_1053] : memref<1000000x64xf32, #tpu.memory_space<hbm>> -> memref<1000000x64xf32, #tpu.memory_space<hbm>>
    %dma_start3A_1055 = tpu.memref_slice %arg7[%dma_start3A_1044] : memref<2x!tpu.dma_semaphore, #tpu.memory_space<semaphore_mem>> -> memref<1x!tpu.dma_semaphore, #tpu.memory_space<semaphore_mem>>
    %dma_start3A_1056 = tpu.memref_squeeze %dma_start3A_1055 : memref<1x!tpu.dma_semaphore, #tpu.memory_space<semaphore_mem>> -> memref<!tpu.dma_semaphore, #tpu.memory_space<semaphore_mem>>
    tpu.enqueue_indirect_dma source(%dma_start3A_1054 : memref<1000000x64xf32, #tpu.memory_space<hbm>>) target(%dma_start3A_1048 : memref<50x64xf32, #tpu.memory_space<vmem>>) offsets(%dma_start3A_1051 : memref<50xi32, #tpu.memory_space<vmem>>) semaphore(%dma_start3A_1056 : memref<!tpu.dma_semaphore, #tpu.memory_space<semaphore_mem>>)
    %dma_start3A_1057 = arith.constant 58 : i32
    %dma_start3A_1058 = arith.constant 1 : i32
    %dma_start3A_1059 = arith.constant 10 : i32
    %dma_start3A_1060 = arith.constant 1 : i32
    %dma_start3A_1061 = arith.constant 0 : i32
    %dma_start3A_1062 = arith.constant 0 : i32
    %dma_start3A_1063 = tpu.memref_slice %arg6[%dma_start3A_1058, %dma_start3A_1059, %dma_start3A_1061, %dma_start3A_1062] : memref<2x16x50x64xf32, #tpu.memory_space<vmem>> -> memref<1x1x50x64xf32, #tpu.memory_space<vmem>>
    %dma_start3A_1064 = tpu.memref_squeeze %dma_start3A_1063 : memref<1x1x50x64xf32, #tpu.memory_space<vmem>> -> memref<50x64xf32, #tpu.memory_space<vmem>>
    %dma_start3A_1065 = arith.constant 0 : i32
    %dma_start3A_1066 = tpu.memref_slice %arg5[%dma_start3A_1057, %dma_start3A_1065] : memref<128x50xi32, #tpu.memory_space<vmem>> -> memref<1x50xi32, #tpu.memory_space<vmem>>
    %dma_start3A_1067 = tpu.memref_squeeze %dma_start3A_1066 : memref<1x50xi32, #tpu.memory_space<vmem>> -> memref<50xi32, #tpu.memory_space<vmem>>
    %dma_start3A_1068 = arith.constant 0 : i32
    %dma_start3A_1069 = arith.constant 0 : i32
    %dma_start3A_1070 = tpu.memref_slice %arg3[%dma_start3A_1068, %dma_start3A_1069] : memref<1000000x64xf32, #tpu.memory_space<hbm>> -> memref<1000000x64xf32, #tpu.memory_space<hbm>>
    %dma_start3A_1071 = tpu.memref_slice %arg7[%dma_start3A_1060] : memref<2x!tpu.dma_semaphore, #tpu.memory_space<semaphore_mem>> -> memref<1x!tpu.dma_semaphore, #tpu.memory_space<semaphore_mem>>
    %dma_start3A_1072 = tpu.memref_squeeze %dma_start3A_1071 : memref<1x!tpu.dma_semaphore, #tpu.memory_space<semaphore_mem>> -> memref<!tpu.dma_semaphore, #tpu.memory_space<semaphore_mem>>
    tpu.enqueue_indirect_dma source(%dma_start3A_1070 : memref<1000000x64xf32, #tpu.memory_space<hbm>>) target(%dma_start3A_1064 : memref<50x64xf32, #tpu.memory_space<vmem>>) offsets(%dma_start3A_1067 : memref<50xi32, #tpu.memory_space<vmem>>) semaphore(%dma_start3A_1072 : memref<!tpu.dma_semaphore, #tpu.memory_space<semaphore_mem>>)
    %dma_start3A_1073 = arith.constant 59 : i32
    %dma_start3A_1074 = arith.constant 1 : i32
    %dma_start3A_1075 = arith.constant 11 : i32
    %dma_start3A_1076 = arith.constant 1 : i32
    %dma_start3A_1077 = arith.constant 0 : i32
    %dma_start3A_1078 = arith.constant 0 : i32
    %dma_start3A_1079 = tpu.memref_slice %arg6[%dma_start3A_1074, %dma_start3A_1075, %dma_start3A_1077, %dma_start3A_1078] : memref<2x16x50x64xf32, #tpu.memory_space<vmem>> -> memref<1x1x50x64xf32, #tpu.memory_space<vmem>>
    %dma_start3A_1080 = tpu.memref_squeeze %dma_start3A_1079 : memref<1x1x50x64xf32, #tpu.memory_space<vmem>> -> memref<50x64xf32, #tpu.memory_space<vmem>>
    %dma_start3A_1081 = arith.constant 0 : i32
    %dma_start3A_1082 = tpu.memref_slice %arg5[%dma_start3A_1073, %dma_start3A_1081] : memref<128x50xi32, #tpu.memory_space<vmem>> -> memref<1x50xi32, #tpu.memory_space<vmem>>
    %dma_start3A_1083 = tpu.memref_squeeze %dma_start3A_1082 : memref<1x50xi32, #tpu.memory_space<vmem>> -> memref<50xi32, #tpu.memory_space<vmem>>
    %dma_start3A_1084 = arith.constant 0 : i32
    %dma_start3A_1085 = arith.constant 0 : i32
    %dma_start3A_1086 = tpu.memref_slice %arg3[%dma_start3A_1084, %dma_start3A_1085] : memref<1000000x64xf32, #tpu.memory_space<hbm>> -> memref<1000000x64xf32, #tpu.memory_space<hbm>>
    %dma_start3A_1087 = tpu.memref_slice %arg7[%dma_start3A_1076] : memref<2x!tpu.dma_semaphore, #tpu.memory_space<semaphore_mem>> -> memref<1x!tpu.dma_semaphore, #tpu.memory_space<semaphore_mem>>
    %dma_start3A_1088 = tpu.memref_squeeze %dma_start3A_1087 : memref<1x!tpu.dma_semaphore, #tpu.memory_space<semaphore_mem>> -> memref<!tpu.dma_semaphore, #tpu.memory_space<semaphore_mem>>
    tpu.enqueue_indirect_dma source(%dma_start3A_1086 : memref<1000000x64xf32, #tpu.memory_space<hbm>>) target(%dma_start3A_1080 : memref<50x64xf32, #tpu.memory_space<vmem>>) offsets(%dma_start3A_1083 : memref<50xi32, #tpu.memory_space<vmem>>) semaphore(%dma_start3A_1088 : memref<!tpu.dma_semaphore, #tpu.memory_space<semaphore_mem>>)
    %dma_start3A_1089 = arith.constant 60 : i32
    %dma_start3A_1090 = arith.constant 1 : i32
    %dma_start3A_1091 = arith.constant 12 : i32
    %dma_start3A_1092 = arith.constant 1 : i32
    %dma_start3A_1093 = arith.constant 0 : i32
    %dma_start3A_1094 = arith.constant 0 : i32
    %dma_start3A_1095 = tpu.memref_slice %arg6[%dma_start3A_1090, %dma_start3A_1091, %dma_start3A_1093, %dma_start3A_1094] : memref<2x16x50x64xf32, #tpu.memory_space<vmem>> -> memref<1x1x50x64xf32, #tpu.memory_space<vmem>>
    %dma_start3A_1096 = tpu.memref_squeeze %dma_start3A_1095 : memref<1x1x50x64xf32, #tpu.memory_space<vmem>> -> memref<50x64xf32, #tpu.memory_space<vmem>>
    %dma_start3A_1097 = arith.constant 0 : i32
    %dma_start3A_1098 = tpu.memref_slice %arg5[%dma_start3A_1089, %dma_start3A_1097] : memref<128x50xi32, #tpu.memory_space<vmem>> -> memref<1x50xi32, #tpu.memory_space<vmem>>
    %dma_start3A_1099 = tpu.memref_squeeze %dma_start3A_1098 : memref<1x50xi32, #tpu.memory_space<vmem>> -> memref<50xi32, #tpu.memory_space<vmem>>
    %dma_start3A_1100 = arith.constant 0 : i32
    %dma_start3A_1101 = arith.constant 0 : i32
    %dma_start3A_1102 = tpu.memref_slice %arg3[%dma_start3A_1100, %dma_start3A_1101] : memref<1000000x64xf32, #tpu.memory_space<hbm>> -> memref<1000000x64xf32, #tpu.memory_space<hbm>>
    %dma_start3A_1103 = tpu.memref_slice %arg7[%dma_start3A_1092] : memref<2x!tpu.dma_semaphore, #tpu.memory_space<semaphore_mem>> -> memref<1x!tpu.dma_semaphore, #tpu.memory_space<semaphore_mem>>
    %dma_start3A_1104 = tpu.memref_squeeze %dma_start3A_1103 : memref<1x!tpu.dma_semaphore, #tpu.memory_space<semaphore_mem>> -> memref<!tpu.dma_semaphore, #tpu.memory_space<semaphore_mem>>
    tpu.enqueue_indirect_dma source(%dma_start3A_1102 : memref<1000000x64xf32, #tpu.memory_space<hbm>>) target(%dma_start3A_1096 : memref<50x64xf32, #tpu.memory_space<vmem>>) offsets(%dma_start3A_1099 : memref<50xi32, #tpu.memory_space<vmem>>) semaphore(%dma_start3A_1104 : memref<!tpu.dma_semaphore, #tpu.memory_space<semaphore_mem>>)
    %dma_start3A_1105 = arith.constant 61 : i32
    %dma_start3A_1106 = arith.constant 1 : i32
    %dma_start3A_1107 = arith.constant 13 : i32
    %dma_start3A_1108 = arith.constant 1 : i32
    %dma_start3A_1109 = arith.constant 0 : i32
    %dma_start3A_1110 = arith.constant 0 : i32
    %dma_start3A_1111 = tpu.memref_slice %arg6[%dma_start3A_1106, %dma_start3A_1107, %dma_start3A_1109, %dma_start3A_1110] : memref<2x16x50x64xf32, #tpu.memory_space<vmem>> -> memref<1x1x50x64xf32, #tpu.memory_space<vmem>>
    %dma_start3A_1112 = tpu.memref_squeeze %dma_start3A_1111 : memref<1x1x50x64xf32, #tpu.memory_space<vmem>> -> memref<50x64xf32, #tpu.memory_space<vmem>>
    %dma_start3A_1113 = arith.constant 0 : i32
    %dma_start3A_1114 = tpu.memref_slice %arg5[%dma_start3A_1105, %dma_start3A_1113] : memref<128x50xi32, #tpu.memory_space<vmem>> -> memref<1x50xi32, #tpu.memory_space<vmem>>
    %dma_start3A_1115 = tpu.memref_squeeze %dma_start3A_1114 : memref<1x50xi32, #tpu.memory_space<vmem>> -> memref<50xi32, #tpu.memory_space<vmem>>
    %dma_start3A_1116 = arith.constant 0 : i32
    %dma_start3A_1117 = arith.constant 0 : i32
    %dma_start3A_1118 = tpu.memref_slice %arg3[%dma_start3A_1116, %dma_start3A_1117] : memref<1000000x64xf32, #tpu.memory_space<hbm>> -> memref<1000000x64xf32, #tpu.memory_space<hbm>>
    %dma_start3A_1119 = tpu.memref_slice %arg7[%dma_start3A_1108] : memref<2x!tpu.dma_semaphore, #tpu.memory_space<semaphore_mem>> -> memref<1x!tpu.dma_semaphore, #tpu.memory_space<semaphore_mem>>
    %dma_start3A_1120 = tpu.memref_squeeze %dma_start3A_1119 : memref<1x!tpu.dma_semaphore, #tpu.memory_space<semaphore_mem>> -> memref<!tpu.dma_semaphore, #tpu.memory_space<semaphore_mem>>
    tpu.enqueue_indirect_dma source(%dma_start3A_1118 : memref<1000000x64xf32, #tpu.memory_space<hbm>>) target(%dma_start3A_1112 : memref<50x64xf32, #tpu.memory_space<vmem>>) offsets(%dma_start3A_1115 : memref<50xi32, #tpu.memory_space<vmem>>) semaphore(%dma_start3A_1120 : memref<!tpu.dma_semaphore, #tpu.memory_space<semaphore_mem>>)
    %dma_start3A_1121 = arith.constant 62 : i32
    %dma_start3A_1122 = arith.constant 1 : i32
    %dma_start3A_1123 = arith.constant 14 : i32
    %dma_start3A_1124 = arith.constant 1 : i32
    %dma_start3A_1125 = arith.constant 0 : i32
    %dma_start3A_1126 = arith.constant 0 : i32
    %dma_start3A_1127 = tpu.memref_slice %arg6[%dma_start3A_1122, %dma_start3A_1123, %dma_start3A_1125, %dma_start3A_1126] : memref<2x16x50x64xf32, #tpu.memory_space<vmem>> -> memref<1x1x50x64xf32, #tpu.memory_space<vmem>>
    %dma_start3A_1128 = tpu.memref_squeeze %dma_start3A_1127 : memref<1x1x50x64xf32, #tpu.memory_space<vmem>> -> memref<50x64xf32, #tpu.memory_space<vmem>>
    %dma_start3A_1129 = arith.constant 0 : i32
    %dma_start3A_1130 = tpu.memref_slice %arg5[%dma_start3A_1121, %dma_start3A_1129] : memref<128x50xi32, #tpu.memory_space<vmem>> -> memref<1x50xi32, #tpu.memory_space<vmem>>
    %dma_start3A_1131 = tpu.memref_squeeze %dma_start3A_1130 : memref<1x50xi32, #tpu.memory_space<vmem>> -> memref<50xi32, #tpu.memory_space<vmem>>
    %dma_start3A_1132 = arith.constant 0 : i32
    %dma_start3A_1133 = arith.constant 0 : i32
    %dma_start3A_1134 = tpu.memref_slice %arg3[%dma_start3A_1132, %dma_start3A_1133] : memref<1000000x64xf32, #tpu.memory_space<hbm>> -> memref<1000000x64xf32, #tpu.memory_space<hbm>>
    %dma_start3A_1135 = tpu.memref_slice %arg7[%dma_start3A_1124] : memref<2x!tpu.dma_semaphore, #tpu.memory_space<semaphore_mem>> -> memref<1x!tpu.dma_semaphore, #tpu.memory_space<semaphore_mem>>
    %dma_start3A_1136 = tpu.memref_squeeze %dma_start3A_1135 : memref<1x!tpu.dma_semaphore, #tpu.memory_space<semaphore_mem>> -> memref<!tpu.dma_semaphore, #tpu.memory_space<semaphore_mem>>
    tpu.enqueue_indirect_dma source(%dma_start3A_1134 : memref<1000000x64xf32, #tpu.memory_space<hbm>>) target(%dma_start3A_1128 : memref<50x64xf32, #tpu.memory_space<vmem>>) offsets(%dma_start3A_1131 : memref<50xi32, #tpu.memory_space<vmem>>) semaphore(%dma_start3A_1136 : memref<!tpu.dma_semaphore, #tpu.memory_space<semaphore_mem>>)
    %dma_start3A_1137 = arith.constant 63 : i32
    %dma_start3A_1138 = arith.constant 1 : i32
    %dma_start3A_1139 = arith.constant 15 : i32
    %dma_start3A_1140 = arith.constant 1 : i32
    %dma_start3A_1141 = arith.constant 0 : i32
    %dma_start3A_1142 = arith.constant 0 : i32
    %dma_start3A_1143 = tpu.memref_slice %arg6[%dma_start3A_1138, %dma_start3A_1139, %dma_start3A_1141, %dma_start3A_1142] : memref<2x16x50x64xf32, #tpu.memory_space<vmem>> -> memref<1x1x50x64xf32, #tpu.memory_space<vmem>>
    %dma_start3A_1144 = tpu.memref_squeeze %dma_start3A_1143 : memref<1x1x50x64xf32, #tpu.memory_space<vmem>> -> memref<50x64xf32, #tpu.memory_space<vmem>>
    %dma_start3A_1145 = arith.constant 0 : i32
    %dma_start3A_1146 = tpu.memref_slice %arg5[%dma_start3A_1137, %dma_start3A_1145] : memref<128x50xi32, #tpu.memory_space<vmem>> -> memref<1x50xi32, #tpu.memory_space<vmem>>
    %dma_start3A_1147 = tpu.memref_squeeze %dma_start3A_1146 : memref<1x50xi32, #tpu.memory_space<vmem>> -> memref<50xi32, #tpu.memory_space<vmem>>
    %dma_start3A_1148 = arith.constant 0 : i32
    %dma_start3A_1149 = arith.constant 0 : i32
    %dma_start3A_1150 = tpu.memref_slice %arg3[%dma_start3A_1148, %dma_start3A_1149] : memref<1000000x64xf32, #tpu.memory_space<hbm>> -> memref<1000000x64xf32, #tpu.memory_space<hbm>>
    %dma_start3A_1151 = tpu.memref_slice %arg7[%dma_start3A_1140] : memref<2x!tpu.dma_semaphore, #tpu.memory_space<semaphore_mem>> -> memref<1x!tpu.dma_semaphore, #tpu.memory_space<semaphore_mem>>
    %dma_start3A_1152 = tpu.memref_squeeze %dma_start3A_1151 : memref<1x!tpu.dma_semaphore, #tpu.memory_space<semaphore_mem>> -> memref<!tpu.dma_semaphore, #tpu.memory_space<semaphore_mem>>
    tpu.enqueue_indirect_dma source(%dma_start3A_1150 : memref<1000000x64xf32, #tpu.memory_space<hbm>>) target(%dma_start3A_1144 : memref<50x64xf32, #tpu.memory_space<vmem>>) offsets(%dma_start3A_1147 : memref<50xi32, #tpu.memory_space<vmem>>) semaphore(%dma_start3A_1152 : memref<!tpu.dma_semaphore, #tpu.memory_space<semaphore_mem>>)
    %dma_wait3A_1153 = arith.constant 0 : i32
    %dma_wait3A_1154 = arith.constant 0 : i32
    %dma_wait3A_1155 = arith.constant 0 : i32
    %dma_wait3A_1156 = arith.constant 0 : i32
    %dma_wait3A_1157 = arith.constant 0 : i32
    %dma_wait3A_1158 = tpu.memref_slice %arg6[%dma_wait3A_1153, %dma_wait3A_1155, %dma_wait3A_1156, %dma_wait3A_1157] : memref<2x16x50x64xf32, #tpu.memory_space<vmem>> -> memref<1x16x50x64xf32, #tpu.memory_space<vmem>>
    %dma_wait3A_1159 = tpu.memref_squeeze %dma_wait3A_1158 : memref<1x16x50x64xf32, #tpu.memory_space<vmem>> -> memref<16x50x64xf32, #tpu.memory_space<vmem>>
    %dma_wait3A_1160 = arith.constant 0 : i32
    %dma_wait3A_1161 = arith.constant 0 : i32
    %dma_wait3A_1162 = arith.constant 0 : i32
    %dma_wait3A_1163 = tpu.memref_slice %arg4[%dma_wait3A_1160, %dma_wait3A_1161, %dma_wait3A_1162] : memref<4096x50x64xf32, #tpu.memory_space<hbm>> -> memref<16x50x64xf32, #tpu.memory_space<hbm>>
    %dma_wait3A_1164 = tpu.memref_slice %arg7[%dma_wait3A_1154] : memref<2x!tpu.dma_semaphore, #tpu.memory_space<semaphore_mem>> -> memref<1x!tpu.dma_semaphore, #tpu.memory_space<semaphore_mem>>
    %dma_wait3A_1165 = tpu.memref_squeeze %dma_wait3A_1164 : memref<1x!tpu.dma_semaphore, #tpu.memory_space<semaphore_mem>> -> memref<!tpu.dma_semaphore, #tpu.memory_space<semaphore_mem>>
    %dma_wait3A_1166 = arith.constant 0 : i32
    %dma_wait3A_1167 = arith.constant 0 : i32
    %dma_wait3A_1168 = arith.constant 0 : i32
    %dma_wait3A_1169 = tpu.memref_slice %arg6[%dma_wait3A_1153, %dma_wait3A_1166, %dma_wait3A_1167, %dma_wait3A_1168] : memref<2x16x50x64xf32, #tpu.memory_space<vmem>> -> memref<1x16x50x64xf32, #tpu.memory_space<vmem>>
    %dma_wait3A_1170 = tpu.memref_squeeze %dma_wait3A_1169 : memref<1x16x50x64xf32, #tpu.memory_space<vmem>> -> memref<16x50x64xf32, #tpu.memory_space<vmem>>
    %dma_wait3A_1171 = arith.constant 0 : i32
    %dma_wait3A_1172 = arith.constant 0 : i32
    %dma_wait3A_1173 = arith.constant 0 : i32
    %dma_wait3A_1174 = tpu.memref_slice %arg4[%dma_wait3A_1171, %dma_wait3A_1172, %dma_wait3A_1173] : memref<4096x50x64xf32, #tpu.memory_space<hbm>> -> memref<16x50x64xf32, #tpu.memory_space<hbm>>
    tpu.wait_dma2 semaphore(%dma_wait3A_1165 : memref<!tpu.dma_semaphore, #tpu.memory_space<semaphore_mem>>) src(%dma_wait3A_1174 : memref<16x50x64xf32, #tpu.memory_space<hbm>>) dst(%dma_wait3A_1170 : memref<16x50x64xf32, #tpu.memory_space<vmem>>)
    %add3A_1175 = arith.constant 32 : i32
    %add3A_1176 = arith.addi %mul3A_2, %add3A_1175 : i32
    %dma_start3A_1177 = arith.constant 0 : i32
    %dma_start3A_1178 = arith.constant 0 : i32
    %dma_start3A_1179 = arith.constant 0 : i32
    %dma_start3A_1180 = arith.constant 0 : i32
    %dma_start3A_1181 = arith.constant 0 : i32
    %dma_start3A_1182 = tpu.memref_slice %arg6[%dma_start3A_1177, %dma_start3A_1179, %dma_start3A_1180, %dma_start3A_1181] : memref<2x16x50x64xf32, #tpu.memory_space<vmem>> -> memref<1x16x50x64xf32, #tpu.memory_space<vmem>>
    %dma_start3A_1183 = tpu.memref_squeeze %dma_start3A_1182 : memref<1x16x50x64xf32, #tpu.memory_space<vmem>> -> memref<16x50x64xf32, #tpu.memory_space<vmem>>
    %dma_start3A_1184 = arith.constant 0 : i32
    %dma_start3A_1185 = arith.constant 0 : i32
    %dma_start3A_1186 = tpu.memref_slice %arg4[%add3A_1176, %dma_start3A_1184, %dma_start3A_1185] : memref<4096x50x64xf32, #tpu.memory_space<hbm>> -> memref<16x50x64xf32, #tpu.memory_space<hbm>>
    %dma_start3A_1187 = tpu.memref_slice %arg8[%dma_start3A_1178] : memref<2x!tpu.dma_semaphore, #tpu.memory_space<semaphore_mem>> -> memref<1x!tpu.dma_semaphore, #tpu.memory_space<semaphore_mem>>
    %dma_start3A_1188 = tpu.memref_squeeze %dma_start3A_1187 : memref<1x!tpu.dma_semaphore, #tpu.memory_space<semaphore_mem>> -> memref<!tpu.dma_semaphore, #tpu.memory_space<semaphore_mem>>
    %dma_start3A_1189 = arith.constant 0 : i32
    %dma_start3A_1190 = arith.constant 0 : i32
    %dma_start3A_1191 = tpu.memref_slice %arg4[%add3A_1176, %dma_start3A_1189, %dma_start3A_1190] : memref<4096x50x64xf32, #tpu.memory_space<hbm>> -> memref<16x50x64xf32, #tpu.memory_space<hbm>>
    %dma_start3A_1192 = arith.constant 0 : i32
    %dma_start3A_1193 = arith.constant 0 : i32
    %dma_start3A_1194 = arith.constant 0 : i32
    %dma_start3A_1195 = tpu.memref_slice %arg6[%dma_start3A_1177, %dma_start3A_1192, %dma_start3A_1193, %dma_start3A_1194] : memref<2x16x50x64xf32, #tpu.memory_space<vmem>> -> memref<1x16x50x64xf32, #tpu.memory_space<vmem>>
    %dma_start3A_1196 = tpu.memref_squeeze %dma_start3A_1195 : memref<1x16x50x64xf32, #tpu.memory_space<vmem>> -> memref<16x50x64xf32, #tpu.memory_space<vmem>>
    tpu.enqueue_dma source(%dma_start3A_1196 : memref<16x50x64xf32, #tpu.memory_space<vmem>>) target(%dma_start3A_1191 : memref<16x50x64xf32, #tpu.memory_space<hbm>>) target_semaphore(%dma_start3A_1188 : memref<!tpu.dma_semaphore, #tpu.memory_space<semaphore_mem>>)
    %dma_wait3A_1197 = arith.constant 0 : i32
    %dma_wait3A_1198 = arith.constant 0 : i32
    %dma_wait3A_1199 = arith.constant 0 : i32
    %dma_wait3A_1200 = arith.constant 0 : i32
    %dma_wait3A_1201 = arith.constant 0 : i32
    %dma_wait3A_1202 = tpu.memref_slice %arg6[%dma_wait3A_1197, %dma_wait3A_1199, %dma_wait3A_1200, %dma_wait3A_1201] : memref<2x16x50x64xf32, #tpu.memory_space<vmem>> -> memref<1x16x50x64xf32, #tpu.memory_space<vmem>>
    %dma_wait3A_1203 = tpu.memref_squeeze %dma_wait3A_1202 : memref<1x16x50x64xf32, #tpu.memory_space<vmem>> -> memref<16x50x64xf32, #tpu.memory_space<vmem>>
    %dma_wait3A_1204 = arith.constant 0 : i32
    %dma_wait3A_1205 = arith.constant 0 : i32
    %dma_wait3A_1206 = tpu.memref_slice %arg4[%mul3A_2, %dma_wait3A_1204, %dma_wait3A_1205] : memref<4096x50x64xf32, #tpu.memory_space<hbm>> -> memref<16x50x64xf32, #tpu.memory_space<hbm>>
    %dma_wait3A_1207 = tpu.memref_slice %arg8[%dma_wait3A_1198] : memref<2x!tpu.dma_semaphore, #tpu.memory_space<semaphore_mem>> -> memref<1x!tpu.dma_semaphore, #tpu.memory_space<semaphore_mem>>
    %dma_wait3A_1208 = tpu.memref_squeeze %dma_wait3A_1207 : memref<1x!tpu.dma_semaphore, #tpu.memory_space<semaphore_mem>> -> memref<!tpu.dma_semaphore, #tpu.memory_space<semaphore_mem>>
    %dma_wait3A_1209 = arith.constant 0 : i32
    %dma_wait3A_1210 = arith.constant 0 : i32
    %dma_wait3A_1211 = tpu.memref_slice %arg4[%mul3A_2, %dma_wait3A_1209, %dma_wait3A_1210] : memref<4096x50x64xf32, #tpu.memory_space<hbm>> -> memref<16x50x64xf32, #tpu.memory_space<hbm>>
    %dma_wait3A_1212 = arith.constant 0 : i32
    %dma_wait3A_1213 = arith.constant 0 : i32
    %dma_wait3A_1214 = arith.constant 0 : i32
    %dma_wait3A_1215 = tpu.memref_slice %arg6[%dma_wait3A_1197, %dma_wait3A_1212, %dma_wait3A_1213, %dma_wait3A_1214] : memref<2x16x50x64xf32, #tpu.memory_space<vmem>> -> memref<1x16x50x64xf32, #tpu.memory_space<vmem>>
    %dma_wait3A_1216 = tpu.memref_squeeze %dma_wait3A_1215 : memref<1x16x50x64xf32, #tpu.memory_space<vmem>> -> memref<16x50x64xf32, #tpu.memory_space<vmem>>
    tpu.wait_dma2 semaphore(%dma_wait3A_1208 : memref<!tpu.dma_semaphore, #tpu.memory_space<semaphore_mem>>) src(%dma_wait3A_1216 : memref<16x50x64xf32, #tpu.memory_space<vmem>>) dst(%dma_wait3A_1211 : memref<16x50x64xf32, #tpu.memory_space<hbm>>)
    %dma_start3A_1217 = arith.constant 64 : i32
    %dma_start3A_1218 = arith.constant 0 : i32
    %dma_start3A_1219 = arith.constant 0 : i32
    %dma_start3A_1220 = arith.constant 0 : i32
    %dma_start3A_1221 = arith.constant 0 : i32
    %dma_start3A_1222 = arith.constant 0 : i32
    %dma_start3A_1223 = tpu.memref_slice %arg6[%dma_start3A_1218, %dma_start3A_1219, %dma_start3A_1221, %dma_start3A_1222] : memref<2x16x50x64xf32, #tpu.memory_space<vmem>> -> memref<1x1x50x64xf32, #tpu.memory_space<vmem>>
    %dma_start3A_1224 = tpu.memref_squeeze %dma_start3A_1223 : memref<1x1x50x64xf32, #tpu.memory_space<vmem>> -> memref<50x64xf32, #tpu.memory_space<vmem>>
    %dma_start3A_1225 = arith.constant 0 : i32
    %dma_start3A_1226 = tpu.memref_slice %arg5[%dma_start3A_1217, %dma_start3A_1225] : memref<128x50xi32, #tpu.memory_space<vmem>> -> memref<1x50xi32, #tpu.memory_space<vmem>>
    %dma_start3A_1227 = tpu.memref_squeeze %dma_start3A_1226 : memref<1x50xi32, #tpu.memory_space<vmem>> -> memref<50xi32, #tpu.memory_space<vmem>>
    %dma_start3A_1228 = arith.constant 0 : i32
    %dma_start3A_1229 = arith.constant 0 : i32
    %dma_start3A_1230 = tpu.memref_slice %arg3[%dma_start3A_1228, %dma_start3A_1229] : memref<1000000x64xf32, #tpu.memory_space<hbm>> -> memref<1000000x64xf32, #tpu.memory_space<hbm>>
    %dma_start3A_1231 = tpu.memref_slice %arg7[%dma_start3A_1220] : memref<2x!tpu.dma_semaphore, #tpu.memory_space<semaphore_mem>> -> memref<1x!tpu.dma_semaphore, #tpu.memory_space<semaphore_mem>>
    %dma_start3A_1232 = tpu.memref_squeeze %dma_start3A_1231 : memref<1x!tpu.dma_semaphore, #tpu.memory_space<semaphore_mem>> -> memref<!tpu.dma_semaphore, #tpu.memory_space<semaphore_mem>>
    tpu.enqueue_indirect_dma source(%dma_start3A_1230 : memref<1000000x64xf32, #tpu.memory_space<hbm>>) target(%dma_start3A_1224 : memref<50x64xf32, #tpu.memory_space<vmem>>) offsets(%dma_start3A_1227 : memref<50xi32, #tpu.memory_space<vmem>>) semaphore(%dma_start3A_1232 : memref<!tpu.dma_semaphore, #tpu.memory_space<semaphore_mem>>)
    %dma_start3A_1233 = arith.constant 65 : i32
    %dma_start3A_1234 = arith.constant 0 : i32
    %dma_start3A_1235 = arith.constant 1 : i32
    %dma_start3A_1236 = arith.constant 0 : i32
    %dma_start3A_1237 = arith.constant 0 : i32
    %dma_start3A_1238 = arith.constant 0 : i32
    %dma_start3A_1239 = tpu.memref_slice %arg6[%dma_start3A_1234, %dma_start3A_1235, %dma_start3A_1237, %dma_start3A_1238] : memref<2x16x50x64xf32, #tpu.memory_space<vmem>> -> memref<1x1x50x64xf32, #tpu.memory_space<vmem>>
    %dma_start3A_1240 = tpu.memref_squeeze %dma_start3A_1239 : memref<1x1x50x64xf32, #tpu.memory_space<vmem>> -> memref<50x64xf32, #tpu.memory_space<vmem>>
    %dma_start3A_1241 = arith.constant 0 : i32
    %dma_start3A_1242 = tpu.memref_slice %arg5[%dma_start3A_1233, %dma_start3A_1241] : memref<128x50xi32, #tpu.memory_space<vmem>> -> memref<1x50xi32, #tpu.memory_space<vmem>>
    %dma_start3A_1243 = tpu.memref_squeeze %dma_start3A_1242 : memref<1x50xi32, #tpu.memory_space<vmem>> -> memref<50xi32, #tpu.memory_space<vmem>>
    %dma_start3A_1244 = arith.constant 0 : i32
    %dma_start3A_1245 = arith.constant 0 : i32
    %dma_start3A_1246 = tpu.memref_slice %arg3[%dma_start3A_1244, %dma_start3A_1245] : memref<1000000x64xf32, #tpu.memory_space<hbm>> -> memref<1000000x64xf32, #tpu.memory_space<hbm>>
    %dma_start3A_1247 = tpu.memref_slice %arg7[%dma_start3A_1236] : memref<2x!tpu.dma_semaphore, #tpu.memory_space<semaphore_mem>> -> memref<1x!tpu.dma_semaphore, #tpu.memory_space<semaphore_mem>>
    %dma_start3A_1248 = tpu.memref_squeeze %dma_start3A_1247 : memref<1x!tpu.dma_semaphore, #tpu.memory_space<semaphore_mem>> -> memref<!tpu.dma_semaphore, #tpu.memory_space<semaphore_mem>>
    tpu.enqueue_indirect_dma source(%dma_start3A_1246 : memref<1000000x64xf32, #tpu.memory_space<hbm>>) target(%dma_start3A_1240 : memref<50x64xf32, #tpu.memory_space<vmem>>) offsets(%dma_start3A_1243 : memref<50xi32, #tpu.memory_space<vmem>>) semaphore(%dma_start3A_1248 : memref<!tpu.dma_semaphore, #tpu.memory_space<semaphore_mem>>)
    %dma_start3A_1249 = arith.constant 66 : i32
    %dma_start3A_1250 = arith.constant 0 : i32
    %dma_start3A_1251 = arith.constant 2 : i32
    %dma_start3A_1252 = arith.constant 0 : i32
    %dma_start3A_1253 = arith.constant 0 : i32
    %dma_start3A_1254 = arith.constant 0 : i32
    %dma_start3A_1255 = tpu.memref_slice %arg6[%dma_start3A_1250, %dma_start3A_1251, %dma_start3A_1253, %dma_start3A_1254] : memref<2x16x50x64xf32, #tpu.memory_space<vmem>> -> memref<1x1x50x64xf32, #tpu.memory_space<vmem>>
    %dma_start3A_1256 = tpu.memref_squeeze %dma_start3A_1255 : memref<1x1x50x64xf32, #tpu.memory_space<vmem>> -> memref<50x64xf32, #tpu.memory_space<vmem>>
    %dma_start3A_1257 = arith.constant 0 : i32
    %dma_start3A_1258 = tpu.memref_slice %arg5[%dma_start3A_1249, %dma_start3A_1257] : memref<128x50xi32, #tpu.memory_space<vmem>> -> memref<1x50xi32, #tpu.memory_space<vmem>>
    %dma_start3A_1259 = tpu.memref_squeeze %dma_start3A_1258 : memref<1x50xi32, #tpu.memory_space<vmem>> -> memref<50xi32, #tpu.memory_space<vmem>>
    %dma_start3A_1260 = arith.constant 0 : i32
    %dma_start3A_1261 = arith.constant 0 : i32
    %dma_start3A_1262 = tpu.memref_slice %arg3[%dma_start3A_1260, %dma_start3A_1261] : memref<1000000x64xf32, #tpu.memory_space<hbm>> -> memref<1000000x64xf32, #tpu.memory_space<hbm>>
    %dma_start3A_1263 = tpu.memref_slice %arg7[%dma_start3A_1252] : memref<2x!tpu.dma_semaphore, #tpu.memory_space<semaphore_mem>> -> memref<1x!tpu.dma_semaphore, #tpu.memory_space<semaphore_mem>>
    %dma_start3A_1264 = tpu.memref_squeeze %dma_start3A_1263 : memref<1x!tpu.dma_semaphore, #tpu.memory_space<semaphore_mem>> -> memref<!tpu.dma_semaphore, #tpu.memory_space<semaphore_mem>>
    tpu.enqueue_indirect_dma source(%dma_start3A_1262 : memref<1000000x64xf32, #tpu.memory_space<hbm>>) target(%dma_start3A_1256 : memref<50x64xf32, #tpu.memory_space<vmem>>) offsets(%dma_start3A_1259 : memref<50xi32, #tpu.memory_space<vmem>>) semaphore(%dma_start3A_1264 : memref<!tpu.dma_semaphore, #tpu.memory_space<semaphore_mem>>)
    %dma_start3A_1265 = arith.constant 67 : i32
    %dma_start3A_1266 = arith.constant 0 : i32
    %dma_start3A_1267 = arith.constant 3 : i32
    %dma_start3A_1268 = arith.constant 0 : i32
    %dma_start3A_1269 = arith.constant 0 : i32
    %dma_start3A_1270 = arith.constant 0 : i32
    %dma_start3A_1271 = tpu.memref_slice %arg6[%dma_start3A_1266, %dma_start3A_1267, %dma_start3A_1269, %dma_start3A_1270] : memref<2x16x50x64xf32, #tpu.memory_space<vmem>> -> memref<1x1x50x64xf32, #tpu.memory_space<vmem>>
    %dma_start3A_1272 = tpu.memref_squeeze %dma_start3A_1271 : memref<1x1x50x64xf32, #tpu.memory_space<vmem>> -> memref<50x64xf32, #tpu.memory_space<vmem>>
    %dma_start3A_1273 = arith.constant 0 : i32
    %dma_start3A_1274 = tpu.memref_slice %arg5[%dma_start3A_1265, %dma_start3A_1273] : memref<128x50xi32, #tpu.memory_space<vmem>> -> memref<1x50xi32, #tpu.memory_space<vmem>>
    %dma_start3A_1275 = tpu.memref_squeeze %dma_start3A_1274 : memref<1x50xi32, #tpu.memory_space<vmem>> -> memref<50xi32, #tpu.memory_space<vmem>>
    %dma_start3A_1276 = arith.constant 0 : i32
    %dma_start3A_1277 = arith.constant 0 : i32
    %dma_start3A_1278 = tpu.memref_slice %arg3[%dma_start3A_1276, %dma_start3A_1277] : memref<1000000x64xf32, #tpu.memory_space<hbm>> -> memref<1000000x64xf32, #tpu.memory_space<hbm>>
    %dma_start3A_1279 = tpu.memref_slice %arg7[%dma_start3A_1268] : memref<2x!tpu.dma_semaphore, #tpu.memory_space<semaphore_mem>> -> memref<1x!tpu.dma_semaphore, #tpu.memory_space<semaphore_mem>>
    %dma_start3A_1280 = tpu.memref_squeeze %dma_start3A_1279 : memref<1x!tpu.dma_semaphore, #tpu.memory_space<semaphore_mem>> -> memref<!tpu.dma_semaphore, #tpu.memory_space<semaphore_mem>>
    tpu.enqueue_indirect_dma source(%dma_start3A_1278 : memref<1000000x64xf32, #tpu.memory_space<hbm>>) target(%dma_start3A_1272 : memref<50x64xf32, #tpu.memory_space<vmem>>) offsets(%dma_start3A_1275 : memref<50xi32, #tpu.memory_space<vmem>>) semaphore(%dma_start3A_1280 : memref<!tpu.dma_semaphore, #tpu.memory_space<semaphore_mem>>)
    %dma_start3A_1281 = arith.constant 68 : i32
    %dma_start3A_1282 = arith.constant 0 : i32
    %dma_start3A_1283 = arith.constant 4 : i32
    %dma_start3A_1284 = arith.constant 0 : i32
    %dma_start3A_1285 = arith.constant 0 : i32
    %dma_start3A_1286 = arith.constant 0 : i32
    %dma_start3A_1287 = tpu.memref_slice %arg6[%dma_start3A_1282, %dma_start3A_1283, %dma_start3A_1285, %dma_start3A_1286] : memref<2x16x50x64xf32, #tpu.memory_space<vmem>> -> memref<1x1x50x64xf32, #tpu.memory_space<vmem>>
    %dma_start3A_1288 = tpu.memref_squeeze %dma_start3A_1287 : memref<1x1x50x64xf32, #tpu.memory_space<vmem>> -> memref<50x64xf32, #tpu.memory_space<vmem>>
    %dma_start3A_1289 = arith.constant 0 : i32
    %dma_start3A_1290 = tpu.memref_slice %arg5[%dma_start3A_1281, %dma_start3A_1289] : memref<128x50xi32, #tpu.memory_space<vmem>> -> memref<1x50xi32, #tpu.memory_space<vmem>>
    %dma_start3A_1291 = tpu.memref_squeeze %dma_start3A_1290 : memref<1x50xi32, #tpu.memory_space<vmem>> -> memref<50xi32, #tpu.memory_space<vmem>>
    %dma_start3A_1292 = arith.constant 0 : i32
    %dma_start3A_1293 = arith.constant 0 : i32
    %dma_start3A_1294 = tpu.memref_slice %arg3[%dma_start3A_1292, %dma_start3A_1293] : memref<1000000x64xf32, #tpu.memory_space<hbm>> -> memref<1000000x64xf32, #tpu.memory_space<hbm>>
    %dma_start3A_1295 = tpu.memref_slice %arg7[%dma_start3A_1284] : memref<2x!tpu.dma_semaphore, #tpu.memory_space<semaphore_mem>> -> memref<1x!tpu.dma_semaphore, #tpu.memory_space<semaphore_mem>>
    %dma_start3A_1296 = tpu.memref_squeeze %dma_start3A_1295 : memref<1x!tpu.dma_semaphore, #tpu.memory_space<semaphore_mem>> -> memref<!tpu.dma_semaphore, #tpu.memory_space<semaphore_mem>>
    tpu.enqueue_indirect_dma source(%dma_start3A_1294 : memref<1000000x64xf32, #tpu.memory_space<hbm>>) target(%dma_start3A_1288 : memref<50x64xf32, #tpu.memory_space<vmem>>) offsets(%dma_start3A_1291 : memref<50xi32, #tpu.memory_space<vmem>>) semaphore(%dma_start3A_1296 : memref<!tpu.dma_semaphore, #tpu.memory_space<semaphore_mem>>)
    %dma_start3A_1297 = arith.constant 69 : i32
    %dma_start3A_1298 = arith.constant 0 : i32
    %dma_start3A_1299 = arith.constant 5 : i32
    %dma_start3A_1300 = arith.constant 0 : i32
    %dma_start3A_1301 = arith.constant 0 : i32
    %dma_start3A_1302 = arith.constant 0 : i32
    %dma_start3A_1303 = tpu.memref_slice %arg6[%dma_start3A_1298, %dma_start3A_1299, %dma_start3A_1301, %dma_start3A_1302] : memref<2x16x50x64xf32, #tpu.memory_space<vmem>> -> memref<1x1x50x64xf32, #tpu.memory_space<vmem>>
    %dma_start3A_1304 = tpu.memref_squeeze %dma_start3A_1303 : memref<1x1x50x64xf32, #tpu.memory_space<vmem>> -> memref<50x64xf32, #tpu.memory_space<vmem>>
    %dma_start3A_1305 = arith.constant 0 : i32
    %dma_start3A_1306 = tpu.memref_slice %arg5[%dma_start3A_1297, %dma_start3A_1305] : memref<128x50xi32, #tpu.memory_space<vmem>> -> memref<1x50xi32, #tpu.memory_space<vmem>>
    %dma_start3A_1307 = tpu.memref_squeeze %dma_start3A_1306 : memref<1x50xi32, #tpu.memory_space<vmem>> -> memref<50xi32, #tpu.memory_space<vmem>>
    %dma_start3A_1308 = arith.constant 0 : i32
    %dma_start3A_1309 = arith.constant 0 : i32
    %dma_start3A_1310 = tpu.memref_slice %arg3[%dma_start3A_1308, %dma_start3A_1309] : memref<1000000x64xf32, #tpu.memory_space<hbm>> -> memref<1000000x64xf32, #tpu.memory_space<hbm>>
    %dma_start3A_1311 = tpu.memref_slice %arg7[%dma_start3A_1300] : memref<2x!tpu.dma_semaphore, #tpu.memory_space<semaphore_mem>> -> memref<1x!tpu.dma_semaphore, #tpu.memory_space<semaphore_mem>>
    %dma_start3A_1312 = tpu.memref_squeeze %dma_start3A_1311 : memref<1x!tpu.dma_semaphore, #tpu.memory_space<semaphore_mem>> -> memref<!tpu.dma_semaphore, #tpu.memory_space<semaphore_mem>>
    tpu.enqueue_indirect_dma source(%dma_start3A_1310 : memref<1000000x64xf32, #tpu.memory_space<hbm>>) target(%dma_start3A_1304 : memref<50x64xf32, #tpu.memory_space<vmem>>) offsets(%dma_start3A_1307 : memref<50xi32, #tpu.memory_space<vmem>>) semaphore(%dma_start3A_1312 : memref<!tpu.dma_semaphore, #tpu.memory_space<semaphore_mem>>)
    %dma_start3A_1313 = arith.constant 70 : i32
    %dma_start3A_1314 = arith.constant 0 : i32
    %dma_start3A_1315 = arith.constant 6 : i32
    %dma_start3A_1316 = arith.constant 0 : i32
    %dma_start3A_1317 = arith.constant 0 : i32
    %dma_start3A_1318 = arith.constant 0 : i32
    %dma_start3A_1319 = tpu.memref_slice %arg6[%dma_start3A_1314, %dma_start3A_1315, %dma_start3A_1317, %dma_start3A_1318] : memref<2x16x50x64xf32, #tpu.memory_space<vmem>> -> memref<1x1x50x64xf32, #tpu.memory_space<vmem>>
    %dma_start3A_1320 = tpu.memref_squeeze %dma_start3A_1319 : memref<1x1x50x64xf32, #tpu.memory_space<vmem>> -> memref<50x64xf32, #tpu.memory_space<vmem>>
    %dma_start3A_1321 = arith.constant 0 : i32
    %dma_start3A_1322 = tpu.memref_slice %arg5[%dma_start3A_1313, %dma_start3A_1321] : memref<128x50xi32, #tpu.memory_space<vmem>> -> memref<1x50xi32, #tpu.memory_space<vmem>>
    %dma_start3A_1323 = tpu.memref_squeeze %dma_start3A_1322 : memref<1x50xi32, #tpu.memory_space<vmem>> -> memref<50xi32, #tpu.memory_space<vmem>>
    %dma_start3A_1324 = arith.constant 0 : i32
    %dma_start3A_1325 = arith.constant 0 : i32
    %dma_start3A_1326 = tpu.memref_slice %arg3[%dma_start3A_1324, %dma_start3A_1325] : memref<1000000x64xf32, #tpu.memory_space<hbm>> -> memref<1000000x64xf32, #tpu.memory_space<hbm>>
    %dma_start3A_1327 = tpu.memref_slice %arg7[%dma_start3A_1316] : memref<2x!tpu.dma_semaphore, #tpu.memory_space<semaphore_mem>> -> memref<1x!tpu.dma_semaphore, #tpu.memory_space<semaphore_mem>>
    %dma_start3A_1328 = tpu.memref_squeeze %dma_start3A_1327 : memref<1x!tpu.dma_semaphore, #tpu.memory_space<semaphore_mem>> -> memref<!tpu.dma_semaphore, #tpu.memory_space<semaphore_mem>>
    tpu.enqueue_indirect_dma source(%dma_start3A_1326 : memref<1000000x64xf32, #tpu.memory_space<hbm>>) target(%dma_start3A_1320 : memref<50x64xf32, #tpu.memory_space<vmem>>) offsets(%dma_start3A_1323 : memref<50xi32, #tpu.memory_space<vmem>>) semaphore(%dma_start3A_1328 : memref<!tpu.dma_semaphore, #tpu.memory_space<semaphore_mem>>)
    %dma_start3A_1329 = arith.constant 71 : i32
    %dma_start3A_1330 = arith.constant 0 : i32
    %dma_start3A_1331 = arith.constant 7 : i32
    %dma_start3A_1332 = arith.constant 0 : i32
    %dma_start3A_1333 = arith.constant 0 : i32
    %dma_start3A_1334 = arith.constant 0 : i32
    %dma_start3A_1335 = tpu.memref_slice %arg6[%dma_start3A_1330, %dma_start3A_1331, %dma_start3A_1333, %dma_start3A_1334] : memref<2x16x50x64xf32, #tpu.memory_space<vmem>> -> memref<1x1x50x64xf32, #tpu.memory_space<vmem>>
    %dma_start3A_1336 = tpu.memref_squeeze %dma_start3A_1335 : memref<1x1x50x64xf32, #tpu.memory_space<vmem>> -> memref<50x64xf32, #tpu.memory_space<vmem>>
    %dma_start3A_1337 = arith.constant 0 : i32
    %dma_start3A_1338 = tpu.memref_slice %arg5[%dma_start3A_1329, %dma_start3A_1337] : memref<128x50xi32, #tpu.memory_space<vmem>> -> memref<1x50xi32, #tpu.memory_space<vmem>>
    %dma_start3A_1339 = tpu.memref_squeeze %dma_start3A_1338 : memref<1x50xi32, #tpu.memory_space<vmem>> -> memref<50xi32, #tpu.memory_space<vmem>>
    %dma_start3A_1340 = arith.constant 0 : i32
    %dma_start3A_1341 = arith.constant 0 : i32
    %dma_start3A_1342 = tpu.memref_slice %arg3[%dma_start3A_1340, %dma_start3A_1341] : memref<1000000x64xf32, #tpu.memory_space<hbm>> -> memref<1000000x64xf32, #tpu.memory_space<hbm>>
    %dma_start3A_1343 = tpu.memref_slice %arg7[%dma_start3A_1332] : memref<2x!tpu.dma_semaphore, #tpu.memory_space<semaphore_mem>> -> memref<1x!tpu.dma_semaphore, #tpu.memory_space<semaphore_mem>>
    %dma_start3A_1344 = tpu.memref_squeeze %dma_start3A_1343 : memref<1x!tpu.dma_semaphore, #tpu.memory_space<semaphore_mem>> -> memref<!tpu.dma_semaphore, #tpu.memory_space<semaphore_mem>>
    tpu.enqueue_indirect_dma source(%dma_start3A_1342 : memref<1000000x64xf32, #tpu.memory_space<hbm>>) target(%dma_start3A_1336 : memref<50x64xf32, #tpu.memory_space<vmem>>) offsets(%dma_start3A_1339 : memref<50xi32, #tpu.memory_space<vmem>>) semaphore(%dma_start3A_1344 : memref<!tpu.dma_semaphore, #tpu.memory_space<semaphore_mem>>)
    %dma_start3A_1345 = arith.constant 72 : i32
    %dma_start3A_1346 = arith.constant 0 : i32
    %dma_start3A_1347 = arith.constant 8 : i32
    %dma_start3A_1348 = arith.constant 0 : i32
    %dma_start3A_1349 = arith.constant 0 : i32
    %dma_start3A_1350 = arith.constant 0 : i32
    %dma_start3A_1351 = tpu.memref_slice %arg6[%dma_start3A_1346, %dma_start3A_1347, %dma_start3A_1349, %dma_start3A_1350] : memref<2x16x50x64xf32, #tpu.memory_space<vmem>> -> memref<1x1x50x64xf32, #tpu.memory_space<vmem>>
    %dma_start3A_1352 = tpu.memref_squeeze %dma_start3A_1351 : memref<1x1x50x64xf32, #tpu.memory_space<vmem>> -> memref<50x64xf32, #tpu.memory_space<vmem>>
    %dma_start3A_1353 = arith.constant 0 : i32
    %dma_start3A_1354 = tpu.memref_slice %arg5[%dma_start3A_1345, %dma_start3A_1353] : memref<128x50xi32, #tpu.memory_space<vmem>> -> memref<1x50xi32, #tpu.memory_space<vmem>>
    %dma_start3A_1355 = tpu.memref_squeeze %dma_start3A_1354 : memref<1x50xi32, #tpu.memory_space<vmem>> -> memref<50xi32, #tpu.memory_space<vmem>>
    %dma_start3A_1356 = arith.constant 0 : i32
    %dma_start3A_1357 = arith.constant 0 : i32
    %dma_start3A_1358 = tpu.memref_slice %arg3[%dma_start3A_1356, %dma_start3A_1357] : memref<1000000x64xf32, #tpu.memory_space<hbm>> -> memref<1000000x64xf32, #tpu.memory_space<hbm>>
    %dma_start3A_1359 = tpu.memref_slice %arg7[%dma_start3A_1348] : memref<2x!tpu.dma_semaphore, #tpu.memory_space<semaphore_mem>> -> memref<1x!tpu.dma_semaphore, #tpu.memory_space<semaphore_mem>>
    %dma_start3A_1360 = tpu.memref_squeeze %dma_start3A_1359 : memref<1x!tpu.dma_semaphore, #tpu.memory_space<semaphore_mem>> -> memref<!tpu.dma_semaphore, #tpu.memory_space<semaphore_mem>>
    tpu.enqueue_indirect_dma source(%dma_start3A_1358 : memref<1000000x64xf32, #tpu.memory_space<hbm>>) target(%dma_start3A_1352 : memref<50x64xf32, #tpu.memory_space<vmem>>) offsets(%dma_start3A_1355 : memref<50xi32, #tpu.memory_space<vmem>>) semaphore(%dma_start3A_1360 : memref<!tpu.dma_semaphore, #tpu.memory_space<semaphore_mem>>)
    %dma_start3A_1361 = arith.constant 73 : i32
    %dma_start3A_1362 = arith.constant 0 : i32
    %dma_start3A_1363 = arith.constant 9 : i32
    %dma_start3A_1364 = arith.constant 0 : i32
    %dma_start3A_1365 = arith.constant 0 : i32
    %dma_start3A_1366 = arith.constant 0 : i32
    %dma_start3A_1367 = tpu.memref_slice %arg6[%dma_start3A_1362, %dma_start3A_1363, %dma_start3A_1365, %dma_start3A_1366] : memref<2x16x50x64xf32, #tpu.memory_space<vmem>> -> memref<1x1x50x64xf32, #tpu.memory_space<vmem>>
    %dma_start3A_1368 = tpu.memref_squeeze %dma_start3A_1367 : memref<1x1x50x64xf32, #tpu.memory_space<vmem>> -> memref<50x64xf32, #tpu.memory_space<vmem>>
    %dma_start3A_1369 = arith.constant 0 : i32
    %dma_start3A_1370 = tpu.memref_slice %arg5[%dma_start3A_1361, %dma_start3A_1369] : memref<128x50xi32, #tpu.memory_space<vmem>> -> memref<1x50xi32, #tpu.memory_space<vmem>>
    %dma_start3A_1371 = tpu.memref_squeeze %dma_start3A_1370 : memref<1x50xi32, #tpu.memory_space<vmem>> -> memref<50xi32, #tpu.memory_space<vmem>>
    %dma_start3A_1372 = arith.constant 0 : i32
    %dma_start3A_1373 = arith.constant 0 : i32
    %dma_start3A_1374 = tpu.memref_slice %arg3[%dma_start3A_1372, %dma_start3A_1373] : memref<1000000x64xf32, #tpu.memory_space<hbm>> -> memref<1000000x64xf32, #tpu.memory_space<hbm>>
    %dma_start3A_1375 = tpu.memref_slice %arg7[%dma_start3A_1364] : memref<2x!tpu.dma_semaphore, #tpu.memory_space<semaphore_mem>> -> memref<1x!tpu.dma_semaphore, #tpu.memory_space<semaphore_mem>>
    %dma_start3A_1376 = tpu.memref_squeeze %dma_start3A_1375 : memref<1x!tpu.dma_semaphore, #tpu.memory_space<semaphore_mem>> -> memref<!tpu.dma_semaphore, #tpu.memory_space<semaphore_mem>>
    tpu.enqueue_indirect_dma source(%dma_start3A_1374 : memref<1000000x64xf32, #tpu.memory_space<hbm>>) target(%dma_start3A_1368 : memref<50x64xf32, #tpu.memory_space<vmem>>) offsets(%dma_start3A_1371 : memref<50xi32, #tpu.memory_space<vmem>>) semaphore(%dma_start3A_1376 : memref<!tpu.dma_semaphore, #tpu.memory_space<semaphore_mem>>)
    %dma_start3A_1377 = arith.constant 74 : i32
    %dma_start3A_1378 = arith.constant 0 : i32
    %dma_start3A_1379 = arith.constant 10 : i32
    %dma_start3A_1380 = arith.constant 0 : i32
    %dma_start3A_1381 = arith.constant 0 : i32
    %dma_start3A_1382 = arith.constant 0 : i32
    %dma_start3A_1383 = tpu.memref_slice %arg6[%dma_start3A_1378, %dma_start3A_1379, %dma_start3A_1381, %dma_start3A_1382] : memref<2x16x50x64xf32, #tpu.memory_space<vmem>> -> memref<1x1x50x64xf32, #tpu.memory_space<vmem>>
    %dma_start3A_1384 = tpu.memref_squeeze %dma_start3A_1383 : memref<1x1x50x64xf32, #tpu.memory_space<vmem>> -> memref<50x64xf32, #tpu.memory_space<vmem>>
    %dma_start3A_1385 = arith.constant 0 : i32
    %dma_start3A_1386 = tpu.memref_slice %arg5[%dma_start3A_1377, %dma_start3A_1385] : memref<128x50xi32, #tpu.memory_space<vmem>> -> memref<1x50xi32, #tpu.memory_space<vmem>>
    %dma_start3A_1387 = tpu.memref_squeeze %dma_start3A_1386 : memref<1x50xi32, #tpu.memory_space<vmem>> -> memref<50xi32, #tpu.memory_space<vmem>>
    %dma_start3A_1388 = arith.constant 0 : i32
    %dma_start3A_1389 = arith.constant 0 : i32
    %dma_start3A_1390 = tpu.memref_slice %arg3[%dma_start3A_1388, %dma_start3A_1389] : memref<1000000x64xf32, #tpu.memory_space<hbm>> -> memref<1000000x64xf32, #tpu.memory_space<hbm>>
    %dma_start3A_1391 = tpu.memref_slice %arg7[%dma_start3A_1380] : memref<2x!tpu.dma_semaphore, #tpu.memory_space<semaphore_mem>> -> memref<1x!tpu.dma_semaphore, #tpu.memory_space<semaphore_mem>>
    %dma_start3A_1392 = tpu.memref_squeeze %dma_start3A_1391 : memref<1x!tpu.dma_semaphore, #tpu.memory_space<semaphore_mem>> -> memref<!tpu.dma_semaphore, #tpu.memory_space<semaphore_mem>>
    tpu.enqueue_indirect_dma source(%dma_start3A_1390 : memref<1000000x64xf32, #tpu.memory_space<hbm>>) target(%dma_start3A_1384 : memref<50x64xf32, #tpu.memory_space<vmem>>) offsets(%dma_start3A_1387 : memref<50xi32, #tpu.memory_space<vmem>>) semaphore(%dma_start3A_1392 : memref<!tpu.dma_semaphore, #tpu.memory_space<semaphore_mem>>)
    %dma_start3A_1393 = arith.constant 75 : i32
    %dma_start3A_1394 = arith.constant 0 : i32
    %dma_start3A_1395 = arith.constant 11 : i32
    %dma_start3A_1396 = arith.constant 0 : i32
    %dma_start3A_1397 = arith.constant 0 : i32
    %dma_start3A_1398 = arith.constant 0 : i32
    %dma_start3A_1399 = tpu.memref_slice %arg6[%dma_start3A_1394, %dma_start3A_1395, %dma_start3A_1397, %dma_start3A_1398] : memref<2x16x50x64xf32, #tpu.memory_space<vmem>> -> memref<1x1x50x64xf32, #tpu.memory_space<vmem>>
    %dma_start3A_1400 = tpu.memref_squeeze %dma_start3A_1399 : memref<1x1x50x64xf32, #tpu.memory_space<vmem>> -> memref<50x64xf32, #tpu.memory_space<vmem>>
    %dma_start3A_1401 = arith.constant 0 : i32
    %dma_start3A_1402 = tpu.memref_slice %arg5[%dma_start3A_1393, %dma_start3A_1401] : memref<128x50xi32, #tpu.memory_space<vmem>> -> memref<1x50xi32, #tpu.memory_space<vmem>>
    %dma_start3A_1403 = tpu.memref_squeeze %dma_start3A_1402 : memref<1x50xi32, #tpu.memory_space<vmem>> -> memref<50xi32, #tpu.memory_space<vmem>>
    %dma_start3A_1404 = arith.constant 0 : i32
    %dma_start3A_1405 = arith.constant 0 : i32
    %dma_start3A_1406 = tpu.memref_slice %arg3[%dma_start3A_1404, %dma_start3A_1405] : memref<1000000x64xf32, #tpu.memory_space<hbm>> -> memref<1000000x64xf32, #tpu.memory_space<hbm>>
    %dma_start3A_1407 = tpu.memref_slice %arg7[%dma_start3A_1396] : memref<2x!tpu.dma_semaphore, #tpu.memory_space<semaphore_mem>> -> memref<1x!tpu.dma_semaphore, #tpu.memory_space<semaphore_mem>>
    %dma_start3A_1408 = tpu.memref_squeeze %dma_start3A_1407 : memref<1x!tpu.dma_semaphore, #tpu.memory_space<semaphore_mem>> -> memref<!tpu.dma_semaphore, #tpu.memory_space<semaphore_mem>>
    tpu.enqueue_indirect_dma source(%dma_start3A_1406 : memref<1000000x64xf32, #tpu.memory_space<hbm>>) target(%dma_start3A_1400 : memref<50x64xf32, #tpu.memory_space<vmem>>) offsets(%dma_start3A_1403 : memref<50xi32, #tpu.memory_space<vmem>>) semaphore(%dma_start3A_1408 : memref<!tpu.dma_semaphore, #tpu.memory_space<semaphore_mem>>)
    %dma_start3A_1409 = arith.constant 76 : i32
    %dma_start3A_1410 = arith.constant 0 : i32
    %dma_start3A_1411 = arith.constant 12 : i32
    %dma_start3A_1412 = arith.constant 0 : i32
    %dma_start3A_1413 = arith.constant 0 : i32
    %dma_start3A_1414 = arith.constant 0 : i32
    %dma_start3A_1415 = tpu.memref_slice %arg6[%dma_start3A_1410, %dma_start3A_1411, %dma_start3A_1413, %dma_start3A_1414] : memref<2x16x50x64xf32, #tpu.memory_space<vmem>> -> memref<1x1x50x64xf32, #tpu.memory_space<vmem>>
    %dma_start3A_1416 = tpu.memref_squeeze %dma_start3A_1415 : memref<1x1x50x64xf32, #tpu.memory_space<vmem>> -> memref<50x64xf32, #tpu.memory_space<vmem>>
    %dma_start3A_1417 = arith.constant 0 : i32
    %dma_start3A_1418 = tpu.memref_slice %arg5[%dma_start3A_1409, %dma_start3A_1417] : memref<128x50xi32, #tpu.memory_space<vmem>> -> memref<1x50xi32, #tpu.memory_space<vmem>>
    %dma_start3A_1419 = tpu.memref_squeeze %dma_start3A_1418 : memref<1x50xi32, #tpu.memory_space<vmem>> -> memref<50xi32, #tpu.memory_space<vmem>>
    %dma_start3A_1420 = arith.constant 0 : i32
    %dma_start3A_1421 = arith.constant 0 : i32
    %dma_start3A_1422 = tpu.memref_slice %arg3[%dma_start3A_1420, %dma_start3A_1421] : memref<1000000x64xf32, #tpu.memory_space<hbm>> -> memref<1000000x64xf32, #tpu.memory_space<hbm>>
    %dma_start3A_1423 = tpu.memref_slice %arg7[%dma_start3A_1412] : memref<2x!tpu.dma_semaphore, #tpu.memory_space<semaphore_mem>> -> memref<1x!tpu.dma_semaphore, #tpu.memory_space<semaphore_mem>>
    %dma_start3A_1424 = tpu.memref_squeeze %dma_start3A_1423 : memref<1x!tpu.dma_semaphore, #tpu.memory_space<semaphore_mem>> -> memref<!tpu.dma_semaphore, #tpu.memory_space<semaphore_mem>>
    tpu.enqueue_indirect_dma source(%dma_start3A_1422 : memref<1000000x64xf32, #tpu.memory_space<hbm>>) target(%dma_start3A_1416 : memref<50x64xf32, #tpu.memory_space<vmem>>) offsets(%dma_start3A_1419 : memref<50xi32, #tpu.memory_space<vmem>>) semaphore(%dma_start3A_1424 : memref<!tpu.dma_semaphore, #tpu.memory_space<semaphore_mem>>)
    %dma_start3A_1425 = arith.constant 77 : i32
    %dma_start3A_1426 = arith.constant 0 : i32
    %dma_start3A_1427 = arith.constant 13 : i32
    %dma_start3A_1428 = arith.constant 0 : i32
    %dma_start3A_1429 = arith.constant 0 : i32
    %dma_start3A_1430 = arith.constant 0 : i32
    %dma_start3A_1431 = tpu.memref_slice %arg6[%dma_start3A_1426, %dma_start3A_1427, %dma_start3A_1429, %dma_start3A_1430] : memref<2x16x50x64xf32, #tpu.memory_space<vmem>> -> memref<1x1x50x64xf32, #tpu.memory_space<vmem>>
    %dma_start3A_1432 = tpu.memref_squeeze %dma_start3A_1431 : memref<1x1x50x64xf32, #tpu.memory_space<vmem>> -> memref<50x64xf32, #tpu.memory_space<vmem>>
    %dma_start3A_1433 = arith.constant 0 : i32
    %dma_start3A_1434 = tpu.memref_slice %arg5[%dma_start3A_1425, %dma_start3A_1433] : memref<128x50xi32, #tpu.memory_space<vmem>> -> memref<1x50xi32, #tpu.memory_space<vmem>>
    %dma_start3A_1435 = tpu.memref_squeeze %dma_start3A_1434 : memref<1x50xi32, #tpu.memory_space<vmem>> -> memref<50xi32, #tpu.memory_space<vmem>>
    %dma_start3A_1436 = arith.constant 0 : i32
    %dma_start3A_1437 = arith.constant 0 : i32
    %dma_start3A_1438 = tpu.memref_slice %arg3[%dma_start3A_1436, %dma_start3A_1437] : memref<1000000x64xf32, #tpu.memory_space<hbm>> -> memref<1000000x64xf32, #tpu.memory_space<hbm>>
    %dma_start3A_1439 = tpu.memref_slice %arg7[%dma_start3A_1428] : memref<2x!tpu.dma_semaphore, #tpu.memory_space<semaphore_mem>> -> memref<1x!tpu.dma_semaphore, #tpu.memory_space<semaphore_mem>>
    %dma_start3A_1440 = tpu.memref_squeeze %dma_start3A_1439 : memref<1x!tpu.dma_semaphore, #tpu.memory_space<semaphore_mem>> -> memref<!tpu.dma_semaphore, #tpu.memory_space<semaphore_mem>>
    tpu.enqueue_indirect_dma source(%dma_start3A_1438 : memref<1000000x64xf32, #tpu.memory_space<hbm>>) target(%dma_start3A_1432 : memref<50x64xf32, #tpu.memory_space<vmem>>) offsets(%dma_start3A_1435 : memref<50xi32, #tpu.memory_space<vmem>>) semaphore(%dma_start3A_1440 : memref<!tpu.dma_semaphore, #tpu.memory_space<semaphore_mem>>)
    %dma_start3A_1441 = arith.constant 78 : i32
    %dma_start3A_1442 = arith.constant 0 : i32
    %dma_start3A_1443 = arith.constant 14 : i32
    %dma_start3A_1444 = arith.constant 0 : i32
    %dma_start3A_1445 = arith.constant 0 : i32
    %dma_start3A_1446 = arith.constant 0 : i32
    %dma_start3A_1447 = tpu.memref_slice %arg6[%dma_start3A_1442, %dma_start3A_1443, %dma_start3A_1445, %dma_start3A_1446] : memref<2x16x50x64xf32, #tpu.memory_space<vmem>> -> memref<1x1x50x64xf32, #tpu.memory_space<vmem>>
    %dma_start3A_1448 = tpu.memref_squeeze %dma_start3A_1447 : memref<1x1x50x64xf32, #tpu.memory_space<vmem>> -> memref<50x64xf32, #tpu.memory_space<vmem>>
    %dma_start3A_1449 = arith.constant 0 : i32
    %dma_start3A_1450 = tpu.memref_slice %arg5[%dma_start3A_1441, %dma_start3A_1449] : memref<128x50xi32, #tpu.memory_space<vmem>> -> memref<1x50xi32, #tpu.memory_space<vmem>>
    %dma_start3A_1451 = tpu.memref_squeeze %dma_start3A_1450 : memref<1x50xi32, #tpu.memory_space<vmem>> -> memref<50xi32, #tpu.memory_space<vmem>>
    %dma_start3A_1452 = arith.constant 0 : i32
    %dma_start3A_1453 = arith.constant 0 : i32
    %dma_start3A_1454 = tpu.memref_slice %arg3[%dma_start3A_1452, %dma_start3A_1453] : memref<1000000x64xf32, #tpu.memory_space<hbm>> -> memref<1000000x64xf32, #tpu.memory_space<hbm>>
    %dma_start3A_1455 = tpu.memref_slice %arg7[%dma_start3A_1444] : memref<2x!tpu.dma_semaphore, #tpu.memory_space<semaphore_mem>> -> memref<1x!tpu.dma_semaphore, #tpu.memory_space<semaphore_mem>>
    %dma_start3A_1456 = tpu.memref_squeeze %dma_start3A_1455 : memref<1x!tpu.dma_semaphore, #tpu.memory_space<semaphore_mem>> -> memref<!tpu.dma_semaphore, #tpu.memory_space<semaphore_mem>>
    tpu.enqueue_indirect_dma source(%dma_start3A_1454 : memref<1000000x64xf32, #tpu.memory_space<hbm>>) target(%dma_start3A_1448 : memref<50x64xf32, #tpu.memory_space<vmem>>) offsets(%dma_start3A_1451 : memref<50xi32, #tpu.memory_space<vmem>>) semaphore(%dma_start3A_1456 : memref<!tpu.dma_semaphore, #tpu.memory_space<semaphore_mem>>)
    %dma_start3A_1457 = arith.constant 79 : i32
    %dma_start3A_1458 = arith.constant 0 : i32
    %dma_start3A_1459 = arith.constant 15 : i32
    %dma_start3A_1460 = arith.constant 0 : i32
    %dma_start3A_1461 = arith.constant 0 : i32
    %dma_start3A_1462 = arith.constant 0 : i32
    %dma_start3A_1463 = tpu.memref_slice %arg6[%dma_start3A_1458, %dma_start3A_1459, %dma_start3A_1461, %dma_start3A_1462] : memref<2x16x50x64xf32, #tpu.memory_space<vmem>> -> memref<1x1x50x64xf32, #tpu.memory_space<vmem>>
    %dma_start3A_1464 = tpu.memref_squeeze %dma_start3A_1463 : memref<1x1x50x64xf32, #tpu.memory_space<vmem>> -> memref<50x64xf32, #tpu.memory_space<vmem>>
    %dma_start3A_1465 = arith.constant 0 : i32
    %dma_start3A_1466 = tpu.memref_slice %arg5[%dma_start3A_1457, %dma_start3A_1465] : memref<128x50xi32, #tpu.memory_space<vmem>> -> memref<1x50xi32, #tpu.memory_space<vmem>>
    %dma_start3A_1467 = tpu.memref_squeeze %dma_start3A_1466 : memref<1x50xi32, #tpu.memory_space<vmem>> -> memref<50xi32, #tpu.memory_space<vmem>>
    %dma_start3A_1468 = arith.constant 0 : i32
    %dma_start3A_1469 = arith.constant 0 : i32
    %dma_start3A_1470 = tpu.memref_slice %arg3[%dma_start3A_1468, %dma_start3A_1469] : memref<1000000x64xf32, #tpu.memory_space<hbm>> -> memref<1000000x64xf32, #tpu.memory_space<hbm>>
    %dma_start3A_1471 = tpu.memref_slice %arg7[%dma_start3A_1460] : memref<2x!tpu.dma_semaphore, #tpu.memory_space<semaphore_mem>> -> memref<1x!tpu.dma_semaphore, #tpu.memory_space<semaphore_mem>>
    %dma_start3A_1472 = tpu.memref_squeeze %dma_start3A_1471 : memref<1x!tpu.dma_semaphore, #tpu.memory_space<semaphore_mem>> -> memref<!tpu.dma_semaphore, #tpu.memory_space<semaphore_mem>>
    tpu.enqueue_indirect_dma source(%dma_start3A_1470 : memref<1000000x64xf32, #tpu.memory_space<hbm>>) target(%dma_start3A_1464 : memref<50x64xf32, #tpu.memory_space<vmem>>) offsets(%dma_start3A_1467 : memref<50xi32, #tpu.memory_space<vmem>>) semaphore(%dma_start3A_1472 : memref<!tpu.dma_semaphore, #tpu.memory_space<semaphore_mem>>)
    %dma_wait3A_1473 = arith.constant 1 : i32
    %dma_wait3A_1474 = arith.constant 1 : i32
    %dma_wait3A_1475 = arith.constant 0 : i32
    %dma_wait3A_1476 = arith.constant 0 : i32
    %dma_wait3A_1477 = arith.constant 0 : i32
    %dma_wait3A_1478 = tpu.memref_slice %arg6[%dma_wait3A_1473, %dma_wait3A_1475, %dma_wait3A_1476, %dma_wait3A_1477] : memref<2x16x50x64xf32, #tpu.memory_space<vmem>> -> memref<1x16x50x64xf32, #tpu.memory_space<vmem>>
    %dma_wait3A_1479 = tpu.memref_squeeze %dma_wait3A_1478 : memref<1x16x50x64xf32, #tpu.memory_space<vmem>> -> memref<16x50x64xf32, #tpu.memory_space<vmem>>
    %dma_wait3A_1480 = arith.constant 0 : i32
    %dma_wait3A_1481 = arith.constant 0 : i32
    %dma_wait3A_1482 = arith.constant 0 : i32
    %dma_wait3A_1483 = tpu.memref_slice %arg4[%dma_wait3A_1480, %dma_wait3A_1481, %dma_wait3A_1482] : memref<4096x50x64xf32, #tpu.memory_space<hbm>> -> memref<16x50x64xf32, #tpu.memory_space<hbm>>
    %dma_wait3A_1484 = tpu.memref_slice %arg7[%dma_wait3A_1474] : memref<2x!tpu.dma_semaphore, #tpu.memory_space<semaphore_mem>> -> memref<1x!tpu.dma_semaphore, #tpu.memory_space<semaphore_mem>>
    %dma_wait3A_1485 = tpu.memref_squeeze %dma_wait3A_1484 : memref<1x!tpu.dma_semaphore, #tpu.memory_space<semaphore_mem>> -> memref<!tpu.dma_semaphore, #tpu.memory_space<semaphore_mem>>
    %dma_wait3A_1486 = arith.constant 0 : i32
    %dma_wait3A_1487 = arith.constant 0 : i32
    %dma_wait3A_1488 = arith.constant 0 : i32
    %dma_wait3A_1489 = tpu.memref_slice %arg6[%dma_wait3A_1473, %dma_wait3A_1486, %dma_wait3A_1487, %dma_wait3A_1488] : memref<2x16x50x64xf32, #tpu.memory_space<vmem>> -> memref<1x16x50x64xf32, #tpu.memory_space<vmem>>
    %dma_wait3A_1490 = tpu.memref_squeeze %dma_wait3A_1489 : memref<1x16x50x64xf32, #tpu.memory_space<vmem>> -> memref<16x50x64xf32, #tpu.memory_space<vmem>>
    %dma_wait3A_1491 = arith.constant 0 : i32
    %dma_wait3A_1492 = arith.constant 0 : i32
    %dma_wait3A_1493 = arith.constant 0 : i32
    %dma_wait3A_1494 = tpu.memref_slice %arg4[%dma_wait3A_1491, %dma_wait3A_1492, %dma_wait3A_1493] : memref<4096x50x64xf32, #tpu.memory_space<hbm>> -> memref<16x50x64xf32, #tpu.memory_space<hbm>>
    tpu.wait_dma2 semaphore(%dma_wait3A_1485 : memref<!tpu.dma_semaphore, #tpu.memory_space<semaphore_mem>>) src(%dma_wait3A_1494 : memref<16x50x64xf32, #tpu.memory_space<hbm>>) dst(%dma_wait3A_1490 : memref<16x50x64xf32, #tpu.memory_space<vmem>>)
    %add3A_1495 = arith.constant 48 : i32
    %add3A_1496 = arith.addi %mul3A_2, %add3A_1495 : i32
    %dma_start3A_1497 = arith.constant 1 : i32
    %dma_start3A_1498 = arith.constant 1 : i32
    %dma_start3A_1499 = arith.constant 0 : i32
    %dma_start3A_1500 = arith.constant 0 : i32
    %dma_start3A_1501 = arith.constant 0 : i32
    %dma_start3A_1502 = tpu.memref_slice %arg6[%dma_start3A_1497, %dma_start3A_1499, %dma_start3A_1500, %dma_start3A_1501] : memref<2x16x50x64xf32, #tpu.memory_space<vmem>> -> memref<1x16x50x64xf32, #tpu.memory_space<vmem>>
    %dma_start3A_1503 = tpu.memref_squeeze %dma_start3A_1502 : memref<1x16x50x64xf32, #tpu.memory_space<vmem>> -> memref<16x50x64xf32, #tpu.memory_space<vmem>>
    %dma_start3A_1504 = arith.constant 0 : i32
    %dma_start3A_1505 = arith.constant 0 : i32
    %dma_start3A_1506 = tpu.memref_slice %arg4[%add3A_1496, %dma_start3A_1504, %dma_start3A_1505] : memref<4096x50x64xf32, #tpu.memory_space<hbm>> -> memref<16x50x64xf32, #tpu.memory_space<hbm>>
    %dma_start3A_1507 = tpu.memref_slice %arg8[%dma_start3A_1498] : memref<2x!tpu.dma_semaphore, #tpu.memory_space<semaphore_mem>> -> memref<1x!tpu.dma_semaphore, #tpu.memory_space<semaphore_mem>>
    %dma_start3A_1508 = tpu.memref_squeeze %dma_start3A_1507 : memref<1x!tpu.dma_semaphore, #tpu.memory_space<semaphore_mem>> -> memref<!tpu.dma_semaphore, #tpu.memory_space<semaphore_mem>>
    %dma_start3A_1509 = arith.constant 0 : i32
    %dma_start3A_1510 = arith.constant 0 : i32
    %dma_start3A_1511 = tpu.memref_slice %arg4[%add3A_1496, %dma_start3A_1509, %dma_start3A_1510] : memref<4096x50x64xf32, #tpu.memory_space<hbm>> -> memref<16x50x64xf32, #tpu.memory_space<hbm>>
    %dma_start3A_1512 = arith.constant 0 : i32
    %dma_start3A_1513 = arith.constant 0 : i32
    %dma_start3A_1514 = arith.constant 0 : i32
    %dma_start3A_1515 = tpu.memref_slice %arg6[%dma_start3A_1497, %dma_start3A_1512, %dma_start3A_1513, %dma_start3A_1514] : memref<2x16x50x64xf32, #tpu.memory_space<vmem>> -> memref<1x16x50x64xf32, #tpu.memory_space<vmem>>
    %dma_start3A_1516 = tpu.memref_squeeze %dma_start3A_1515 : memref<1x16x50x64xf32, #tpu.memory_space<vmem>> -> memref<16x50x64xf32, #tpu.memory_space<vmem>>
    tpu.enqueue_dma source(%dma_start3A_1516 : memref<16x50x64xf32, #tpu.memory_space<vmem>>) target(%dma_start3A_1511 : memref<16x50x64xf32, #tpu.memory_space<hbm>>) target_semaphore(%dma_start3A_1508 : memref<!tpu.dma_semaphore, #tpu.memory_space<semaphore_mem>>)
    %dma_wait3A_1517 = arith.constant 1 : i32
    %dma_wait3A_1518 = arith.constant 1 : i32
    %dma_wait3A_1519 = arith.constant 0 : i32
    %dma_wait3A_1520 = arith.constant 0 : i32
    %dma_wait3A_1521 = arith.constant 0 : i32
    %dma_wait3A_1522 = tpu.memref_slice %arg6[%dma_wait3A_1517, %dma_wait3A_1519, %dma_wait3A_1520, %dma_wait3A_1521] : memref<2x16x50x64xf32, #tpu.memory_space<vmem>> -> memref<1x16x50x64xf32, #tpu.memory_space<vmem>>
    %dma_wait3A_1523 = tpu.memref_squeeze %dma_wait3A_1522 : memref<1x16x50x64xf32, #tpu.memory_space<vmem>> -> memref<16x50x64xf32, #tpu.memory_space<vmem>>
    %dma_wait3A_1524 = arith.constant 0 : i32
    %dma_wait3A_1525 = arith.constant 0 : i32
    %dma_wait3A_1526 = tpu.memref_slice %arg4[%mul3A_2, %dma_wait3A_1524, %dma_wait3A_1525] : memref<4096x50x64xf32, #tpu.memory_space<hbm>> -> memref<16x50x64xf32, #tpu.memory_space<hbm>>
    %dma_wait3A_1527 = tpu.memref_slice %arg8[%dma_wait3A_1518] : memref<2x!tpu.dma_semaphore, #tpu.memory_space<semaphore_mem>> -> memref<1x!tpu.dma_semaphore, #tpu.memory_space<semaphore_mem>>
    %dma_wait3A_1528 = tpu.memref_squeeze %dma_wait3A_1527 : memref<1x!tpu.dma_semaphore, #tpu.memory_space<semaphore_mem>> -> memref<!tpu.dma_semaphore, #tpu.memory_space<semaphore_mem>>
    %dma_wait3A_1529 = arith.constant 0 : i32
    %dma_wait3A_1530 = arith.constant 0 : i32
    %dma_wait3A_1531 = tpu.memref_slice %arg4[%mul3A_2, %dma_wait3A_1529, %dma_wait3A_1530] : memref<4096x50x64xf32, #tpu.memory_space<hbm>> -> memref<16x50x64xf32, #tpu.memory_space<hbm>>
    %dma_wait3A_1532 = arith.constant 0 : i32
    %dma_wait3A_1533 = arith.constant 0 : i32
    %dma_wait3A_1534 = arith.constant 0 : i32
    %dma_wait3A_1535 = tpu.memref_slice %arg6[%dma_wait3A_1517, %dma_wait3A_1532, %dma_wait3A_1533, %dma_wait3A_1534] : memref<2x16x50x64xf32, #tpu.memory_space<vmem>> -> memref<1x16x50x64xf32, #tpu.memory_space<vmem>>
    %dma_wait3A_1536 = tpu.memref_squeeze %dma_wait3A_1535 : memref<1x16x50x64xf32, #tpu.memory_space<vmem>> -> memref<16x50x64xf32, #tpu.memory_space<vmem>>
    tpu.wait_dma2 semaphore(%dma_wait3A_1528 : memref<!tpu.dma_semaphore, #tpu.memory_space<semaphore_mem>>) src(%dma_wait3A_1536 : memref<16x50x64xf32, #tpu.memory_space<vmem>>) dst(%dma_wait3A_1531 : memref<16x50x64xf32, #tpu.memory_space<hbm>>)
    %dma_start3A_1537 = arith.constant 80 : i32
    %dma_start3A_1538 = arith.constant 1 : i32
    %dma_start3A_1539 = arith.constant 0 : i32
    %dma_start3A_1540 = arith.constant 1 : i32
    %dma_start3A_1541 = arith.constant 0 : i32
    %dma_start3A_1542 = arith.constant 0 : i32
    %dma_start3A_1543 = tpu.memref_slice %arg6[%dma_start3A_1538, %dma_start3A_1539, %dma_start3A_1541, %dma_start3A_1542] : memref<2x16x50x64xf32, #tpu.memory_space<vmem>> -> memref<1x1x50x64xf32, #tpu.memory_space<vmem>>
    %dma_start3A_1544 = tpu.memref_squeeze %dma_start3A_1543 : memref<1x1x50x64xf32, #tpu.memory_space<vmem>> -> memref<50x64xf32, #tpu.memory_space<vmem>>
    %dma_start3A_1545 = arith.constant 0 : i32
    %dma_start3A_1546 = tpu.memref_slice %arg5[%dma_start3A_1537, %dma_start3A_1545] : memref<128x50xi32, #tpu.memory_space<vmem>> -> memref<1x50xi32, #tpu.memory_space<vmem>>
    %dma_start3A_1547 = tpu.memref_squeeze %dma_start3A_1546 : memref<1x50xi32, #tpu.memory_space<vmem>> -> memref<50xi32, #tpu.memory_space<vmem>>
    %dma_start3A_1548 = arith.constant 0 : i32
    %dma_start3A_1549 = arith.constant 0 : i32
    %dma_start3A_1550 = tpu.memref_slice %arg3[%dma_start3A_1548, %dma_start3A_1549] : memref<1000000x64xf32, #tpu.memory_space<hbm>> -> memref<1000000x64xf32, #tpu.memory_space<hbm>>
    %dma_start3A_1551 = tpu.memref_slice %arg7[%dma_start3A_1540] : memref<2x!tpu.dma_semaphore, #tpu.memory_space<semaphore_mem>> -> memref<1x!tpu.dma_semaphore, #tpu.memory_space<semaphore_mem>>
    %dma_start3A_1552 = tpu.memref_squeeze %dma_start3A_1551 : memref<1x!tpu.dma_semaphore, #tpu.memory_space<semaphore_mem>> -> memref<!tpu.dma_semaphore, #tpu.memory_space<semaphore_mem>>
    tpu.enqueue_indirect_dma source(%dma_start3A_1550 : memref<1000000x64xf32, #tpu.memory_space<hbm>>) target(%dma_start3A_1544 : memref<50x64xf32, #tpu.memory_space<vmem>>) offsets(%dma_start3A_1547 : memref<50xi32, #tpu.memory_space<vmem>>) semaphore(%dma_start3A_1552 : memref<!tpu.dma_semaphore, #tpu.memory_space<semaphore_mem>>)
    %dma_start3A_1553 = arith.constant 81 : i32
    %dma_start3A_1554 = arith.constant 1 : i32
    %dma_start3A_1555 = arith.constant 1 : i32
    %dma_start3A_1556 = arith.constant 1 : i32
    %dma_start3A_1557 = arith.constant 0 : i32
    %dma_start3A_1558 = arith.constant 0 : i32
    %dma_start3A_1559 = tpu.memref_slice %arg6[%dma_start3A_1554, %dma_start3A_1555, %dma_start3A_1557, %dma_start3A_1558] : memref<2x16x50x64xf32, #tpu.memory_space<vmem>> -> memref<1x1x50x64xf32, #tpu.memory_space<vmem>>
    %dma_start3A_1560 = tpu.memref_squeeze %dma_start3A_1559 : memref<1x1x50x64xf32, #tpu.memory_space<vmem>> -> memref<50x64xf32, #tpu.memory_space<vmem>>
    %dma_start3A_1561 = arith.constant 0 : i32
    %dma_start3A_1562 = tpu.memref_slice %arg5[%dma_start3A_1553, %dma_start3A_1561] : memref<128x50xi32, #tpu.memory_space<vmem>> -> memref<1x50xi32, #tpu.memory_space<vmem>>
    %dma_start3A_1563 = tpu.memref_squeeze %dma_start3A_1562 : memref<1x50xi32, #tpu.memory_space<vmem>> -> memref<50xi32, #tpu.memory_space<vmem>>
    %dma_start3A_1564 = arith.constant 0 : i32
    %dma_start3A_1565 = arith.constant 0 : i32
    %dma_start3A_1566 = tpu.memref_slice %arg3[%dma_start3A_1564, %dma_start3A_1565] : memref<1000000x64xf32, #tpu.memory_space<hbm>> -> memref<1000000x64xf32, #tpu.memory_space<hbm>>
    %dma_start3A_1567 = tpu.memref_slice %arg7[%dma_start3A_1556] : memref<2x!tpu.dma_semaphore, #tpu.memory_space<semaphore_mem>> -> memref<1x!tpu.dma_semaphore, #tpu.memory_space<semaphore_mem>>
    %dma_start3A_1568 = tpu.memref_squeeze %dma_start3A_1567 : memref<1x!tpu.dma_semaphore, #tpu.memory_space<semaphore_mem>> -> memref<!tpu.dma_semaphore, #tpu.memory_space<semaphore_mem>>
    tpu.enqueue_indirect_dma source(%dma_start3A_1566 : memref<1000000x64xf32, #tpu.memory_space<hbm>>) target(%dma_start3A_1560 : memref<50x64xf32, #tpu.memory_space<vmem>>) offsets(%dma_start3A_1563 : memref<50xi32, #tpu.memory_space<vmem>>) semaphore(%dma_start3A_1568 : memref<!tpu.dma_semaphore, #tpu.memory_space<semaphore_mem>>)
    %dma_start3A_1569 = arith.constant 82 : i32
    %dma_start3A_1570 = arith.constant 1 : i32
    %dma_start3A_1571 = arith.constant 2 : i32
    %dma_start3A_1572 = arith.constant 1 : i32
    %dma_start3A_1573 = arith.constant 0 : i32
    %dma_start3A_1574 = arith.constant 0 : i32
    %dma_start3A_1575 = tpu.memref_slice %arg6[%dma_start3A_1570, %dma_start3A_1571, %dma_start3A_1573, %dma_start3A_1574] : memref<2x16x50x64xf32, #tpu.memory_space<vmem>> -> memref<1x1x50x64xf32, #tpu.memory_space<vmem>>
    %dma_start3A_1576 = tpu.memref_squeeze %dma_start3A_1575 : memref<1x1x50x64xf32, #tpu.memory_space<vmem>> -> memref<50x64xf32, #tpu.memory_space<vmem>>
    %dma_start3A_1577 = arith.constant 0 : i32
    %dma_start3A_1578 = tpu.memref_slice %arg5[%dma_start3A_1569, %dma_start3A_1577] : memref<128x50xi32, #tpu.memory_space<vmem>> -> memref<1x50xi32, #tpu.memory_space<vmem>>
    %dma_start3A_1579 = tpu.memref_squeeze %dma_start3A_1578 : memref<1x50xi32, #tpu.memory_space<vmem>> -> memref<50xi32, #tpu.memory_space<vmem>>
    %dma_start3A_1580 = arith.constant 0 : i32
    %dma_start3A_1581 = arith.constant 0 : i32
    %dma_start3A_1582 = tpu.memref_slice %arg3[%dma_start3A_1580, %dma_start3A_1581] : memref<1000000x64xf32, #tpu.memory_space<hbm>> -> memref<1000000x64xf32, #tpu.memory_space<hbm>>
    %dma_start3A_1583 = tpu.memref_slice %arg7[%dma_start3A_1572] : memref<2x!tpu.dma_semaphore, #tpu.memory_space<semaphore_mem>> -> memref<1x!tpu.dma_semaphore, #tpu.memory_space<semaphore_mem>>
    %dma_start3A_1584 = tpu.memref_squeeze %dma_start3A_1583 : memref<1x!tpu.dma_semaphore, #tpu.memory_space<semaphore_mem>> -> memref<!tpu.dma_semaphore, #tpu.memory_space<semaphore_mem>>
    tpu.enqueue_indirect_dma source(%dma_start3A_1582 : memref<1000000x64xf32, #tpu.memory_space<hbm>>) target(%dma_start3A_1576 : memref<50x64xf32, #tpu.memory_space<vmem>>) offsets(%dma_start3A_1579 : memref<50xi32, #tpu.memory_space<vmem>>) semaphore(%dma_start3A_1584 : memref<!tpu.dma_semaphore, #tpu.memory_space<semaphore_mem>>)
    %dma_start3A_1585 = arith.constant 83 : i32
    %dma_start3A_1586 = arith.constant 1 : i32
    %dma_start3A_1587 = arith.constant 3 : i32
    %dma_start3A_1588 = arith.constant 1 : i32
    %dma_start3A_1589 = arith.constant 0 : i32
    %dma_start3A_1590 = arith.constant 0 : i32
    %dma_start3A_1591 = tpu.memref_slice %arg6[%dma_start3A_1586, %dma_start3A_1587, %dma_start3A_1589, %dma_start3A_1590] : memref<2x16x50x64xf32, #tpu.memory_space<vmem>> -> memref<1x1x50x64xf32, #tpu.memory_space<vmem>>
    %dma_start3A_1592 = tpu.memref_squeeze %dma_start3A_1591 : memref<1x1x50x64xf32, #tpu.memory_space<vmem>> -> memref<50x64xf32, #tpu.memory_space<vmem>>
    %dma_start3A_1593 = arith.constant 0 : i32
    %dma_start3A_1594 = tpu.memref_slice %arg5[%dma_start3A_1585, %dma_start3A_1593] : memref<128x50xi32, #tpu.memory_space<vmem>> -> memref<1x50xi32, #tpu.memory_space<vmem>>
    %dma_start3A_1595 = tpu.memref_squeeze %dma_start3A_1594 : memref<1x50xi32, #tpu.memory_space<vmem>> -> memref<50xi32, #tpu.memory_space<vmem>>
    %dma_start3A_1596 = arith.constant 0 : i32
    %dma_start3A_1597 = arith.constant 0 : i32
    %dma_start3A_1598 = tpu.memref_slice %arg3[%dma_start3A_1596, %dma_start3A_1597] : memref<1000000x64xf32, #tpu.memory_space<hbm>> -> memref<1000000x64xf32, #tpu.memory_space<hbm>>
    %dma_start3A_1599 = tpu.memref_slice %arg7[%dma_start3A_1588] : memref<2x!tpu.dma_semaphore, #tpu.memory_space<semaphore_mem>> -> memref<1x!tpu.dma_semaphore, #tpu.memory_space<semaphore_mem>>
    %dma_start3A_1600 = tpu.memref_squeeze %dma_start3A_1599 : memref<1x!tpu.dma_semaphore, #tpu.memory_space<semaphore_mem>> -> memref<!tpu.dma_semaphore, #tpu.memory_space<semaphore_mem>>
    tpu.enqueue_indirect_dma source(%dma_start3A_1598 : memref<1000000x64xf32, #tpu.memory_space<hbm>>) target(%dma_start3A_1592 : memref<50x64xf32, #tpu.memory_space<vmem>>) offsets(%dma_start3A_1595 : memref<50xi32, #tpu.memory_space<vmem>>) semaphore(%dma_start3A_1600 : memref<!tpu.dma_semaphore, #tpu.memory_space<semaphore_mem>>)
    %dma_start3A_1601 = arith.constant 84 : i32
    %dma_start3A_1602 = arith.constant 1 : i32
    %dma_start3A_1603 = arith.constant 4 : i32
    %dma_start3A_1604 = arith.constant 1 : i32
    %dma_start3A_1605 = arith.constant 0 : i32
    %dma_start3A_1606 = arith.constant 0 : i32
    %dma_start3A_1607 = tpu.memref_slice %arg6[%dma_start3A_1602, %dma_start3A_1603, %dma_start3A_1605, %dma_start3A_1606] : memref<2x16x50x64xf32, #tpu.memory_space<vmem>> -> memref<1x1x50x64xf32, #tpu.memory_space<vmem>>
    %dma_start3A_1608 = tpu.memref_squeeze %dma_start3A_1607 : memref<1x1x50x64xf32, #tpu.memory_space<vmem>> -> memref<50x64xf32, #tpu.memory_space<vmem>>
    %dma_start3A_1609 = arith.constant 0 : i32
    %dma_start3A_1610 = tpu.memref_slice %arg5[%dma_start3A_1601, %dma_start3A_1609] : memref<128x50xi32, #tpu.memory_space<vmem>> -> memref<1x50xi32, #tpu.memory_space<vmem>>
    %dma_start3A_1611 = tpu.memref_squeeze %dma_start3A_1610 : memref<1x50xi32, #tpu.memory_space<vmem>> -> memref<50xi32, #tpu.memory_space<vmem>>
    %dma_start3A_1612 = arith.constant 0 : i32
    %dma_start3A_1613 = arith.constant 0 : i32
    %dma_start3A_1614 = tpu.memref_slice %arg3[%dma_start3A_1612, %dma_start3A_1613] : memref<1000000x64xf32, #tpu.memory_space<hbm>> -> memref<1000000x64xf32, #tpu.memory_space<hbm>>
    %dma_start3A_1615 = tpu.memref_slice %arg7[%dma_start3A_1604] : memref<2x!tpu.dma_semaphore, #tpu.memory_space<semaphore_mem>> -> memref<1x!tpu.dma_semaphore, #tpu.memory_space<semaphore_mem>>
    %dma_start3A_1616 = tpu.memref_squeeze %dma_start3A_1615 : memref<1x!tpu.dma_semaphore, #tpu.memory_space<semaphore_mem>> -> memref<!tpu.dma_semaphore, #tpu.memory_space<semaphore_mem>>
    tpu.enqueue_indirect_dma source(%dma_start3A_1614 : memref<1000000x64xf32, #tpu.memory_space<hbm>>) target(%dma_start3A_1608 : memref<50x64xf32, #tpu.memory_space<vmem>>) offsets(%dma_start3A_1611 : memref<50xi32, #tpu.memory_space<vmem>>) semaphore(%dma_start3A_1616 : memref<!tpu.dma_semaphore, #tpu.memory_space<semaphore_mem>>)
    %dma_start3A_1617 = arith.constant 85 : i32
    %dma_start3A_1618 = arith.constant 1 : i32
    %dma_start3A_1619 = arith.constant 5 : i32
    %dma_start3A_1620 = arith.constant 1 : i32
    %dma_start3A_1621 = arith.constant 0 : i32
    %dma_start3A_1622 = arith.constant 0 : i32
    %dma_start3A_1623 = tpu.memref_slice %arg6[%dma_start3A_1618, %dma_start3A_1619, %dma_start3A_1621, %dma_start3A_1622] : memref<2x16x50x64xf32, #tpu.memory_space<vmem>> -> memref<1x1x50x64xf32, #tpu.memory_space<vmem>>
    %dma_start3A_1624 = tpu.memref_squeeze %dma_start3A_1623 : memref<1x1x50x64xf32, #tpu.memory_space<vmem>> -> memref<50x64xf32, #tpu.memory_space<vmem>>
    %dma_start3A_1625 = arith.constant 0 : i32
    %dma_start3A_1626 = tpu.memref_slice %arg5[%dma_start3A_1617, %dma_start3A_1625] : memref<128x50xi32, #tpu.memory_space<vmem>> -> memref<1x50xi32, #tpu.memory_space<vmem>>
    %dma_start3A_1627 = tpu.memref_squeeze %dma_start3A_1626 : memref<1x50xi32, #tpu.memory_space<vmem>> -> memref<50xi32, #tpu.memory_space<vmem>>
    %dma_start3A_1628 = arith.constant 0 : i32
    %dma_start3A_1629 = arith.constant 0 : i32
    %dma_start3A_1630 = tpu.memref_slice %arg3[%dma_start3A_1628, %dma_start3A_1629] : memref<1000000x64xf32, #tpu.memory_space<hbm>> -> memref<1000000x64xf32, #tpu.memory_space<hbm>>
    %dma_start3A_1631 = tpu.memref_slice %arg7[%dma_start3A_1620] : memref<2x!tpu.dma_semaphore, #tpu.memory_space<semaphore_mem>> -> memref<1x!tpu.dma_semaphore, #tpu.memory_space<semaphore_mem>>
    %dma_start3A_1632 = tpu.memref_squeeze %dma_start3A_1631 : memref<1x!tpu.dma_semaphore, #tpu.memory_space<semaphore_mem>> -> memref<!tpu.dma_semaphore, #tpu.memory_space<semaphore_mem>>
    tpu.enqueue_indirect_dma source(%dma_start3A_1630 : memref<1000000x64xf32, #tpu.memory_space<hbm>>) target(%dma_start3A_1624 : memref<50x64xf32, #tpu.memory_space<vmem>>) offsets(%dma_start3A_1627 : memref<50xi32, #tpu.memory_space<vmem>>) semaphore(%dma_start3A_1632 : memref<!tpu.dma_semaphore, #tpu.memory_space<semaphore_mem>>)
    %dma_start3A_1633 = arith.constant 86 : i32
    %dma_start3A_1634 = arith.constant 1 : i32
    %dma_start3A_1635 = arith.constant 6 : i32
    %dma_start3A_1636 = arith.constant 1 : i32
    %dma_start3A_1637 = arith.constant 0 : i32
    %dma_start3A_1638 = arith.constant 0 : i32
    %dma_start3A_1639 = tpu.memref_slice %arg6[%dma_start3A_1634, %dma_start3A_1635, %dma_start3A_1637, %dma_start3A_1638] : memref<2x16x50x64xf32, #tpu.memory_space<vmem>> -> memref<1x1x50x64xf32, #tpu.memory_space<vmem>>
    %dma_start3A_1640 = tpu.memref_squeeze %dma_start3A_1639 : memref<1x1x50x64xf32, #tpu.memory_space<vmem>> -> memref<50x64xf32, #tpu.memory_space<vmem>>
    %dma_start3A_1641 = arith.constant 0 : i32
    %dma_start3A_1642 = tpu.memref_slice %arg5[%dma_start3A_1633, %dma_start3A_1641] : memref<128x50xi32, #tpu.memory_space<vmem>> -> memref<1x50xi32, #tpu.memory_space<vmem>>
    %dma_start3A_1643 = tpu.memref_squeeze %dma_start3A_1642 : memref<1x50xi32, #tpu.memory_space<vmem>> -> memref<50xi32, #tpu.memory_space<vmem>>
    %dma_start3A_1644 = arith.constant 0 : i32
    %dma_start3A_1645 = arith.constant 0 : i32
    %dma_start3A_1646 = tpu.memref_slice %arg3[%dma_start3A_1644, %dma_start3A_1645] : memref<1000000x64xf32, #tpu.memory_space<hbm>> -> memref<1000000x64xf32, #tpu.memory_space<hbm>>
    %dma_start3A_1647 = tpu.memref_slice %arg7[%dma_start3A_1636] : memref<2x!tpu.dma_semaphore, #tpu.memory_space<semaphore_mem>> -> memref<1x!tpu.dma_semaphore, #tpu.memory_space<semaphore_mem>>
    %dma_start3A_1648 = tpu.memref_squeeze %dma_start3A_1647 : memref<1x!tpu.dma_semaphore, #tpu.memory_space<semaphore_mem>> -> memref<!tpu.dma_semaphore, #tpu.memory_space<semaphore_mem>>
    tpu.enqueue_indirect_dma source(%dma_start3A_1646 : memref<1000000x64xf32, #tpu.memory_space<hbm>>) target(%dma_start3A_1640 : memref<50x64xf32, #tpu.memory_space<vmem>>) offsets(%dma_start3A_1643 : memref<50xi32, #tpu.memory_space<vmem>>) semaphore(%dma_start3A_1648 : memref<!tpu.dma_semaphore, #tpu.memory_space<semaphore_mem>>)
    %dma_start3A_1649 = arith.constant 87 : i32
    %dma_start3A_1650 = arith.constant 1 : i32
    %dma_start3A_1651 = arith.constant 7 : i32
    %dma_start3A_1652 = arith.constant 1 : i32
    %dma_start3A_1653 = arith.constant 0 : i32
    %dma_start3A_1654 = arith.constant 0 : i32
    %dma_start3A_1655 = tpu.memref_slice %arg6[%dma_start3A_1650, %dma_start3A_1651, %dma_start3A_1653, %dma_start3A_1654] : memref<2x16x50x64xf32, #tpu.memory_space<vmem>> -> memref<1x1x50x64xf32, #tpu.memory_space<vmem>>
    %dma_start3A_1656 = tpu.memref_squeeze %dma_start3A_1655 : memref<1x1x50x64xf32, #tpu.memory_space<vmem>> -> memref<50x64xf32, #tpu.memory_space<vmem>>
    %dma_start3A_1657 = arith.constant 0 : i32
    %dma_start3A_1658 = tpu.memref_slice %arg5[%dma_start3A_1649, %dma_start3A_1657] : memref<128x50xi32, #tpu.memory_space<vmem>> -> memref<1x50xi32, #tpu.memory_space<vmem>>
    %dma_start3A_1659 = tpu.memref_squeeze %dma_start3A_1658 : memref<1x50xi32, #tpu.memory_space<vmem>> -> memref<50xi32, #tpu.memory_space<vmem>>
    %dma_start3A_1660 = arith.constant 0 : i32
    %dma_start3A_1661 = arith.constant 0 : i32
    %dma_start3A_1662 = tpu.memref_slice %arg3[%dma_start3A_1660, %dma_start3A_1661] : memref<1000000x64xf32, #tpu.memory_space<hbm>> -> memref<1000000x64xf32, #tpu.memory_space<hbm>>
    %dma_start3A_1663 = tpu.memref_slice %arg7[%dma_start3A_1652] : memref<2x!tpu.dma_semaphore, #tpu.memory_space<semaphore_mem>> -> memref<1x!tpu.dma_semaphore, #tpu.memory_space<semaphore_mem>>
    %dma_start3A_1664 = tpu.memref_squeeze %dma_start3A_1663 : memref<1x!tpu.dma_semaphore, #tpu.memory_space<semaphore_mem>> -> memref<!tpu.dma_semaphore, #tpu.memory_space<semaphore_mem>>
    tpu.enqueue_indirect_dma source(%dma_start3A_1662 : memref<1000000x64xf32, #tpu.memory_space<hbm>>) target(%dma_start3A_1656 : memref<50x64xf32, #tpu.memory_space<vmem>>) offsets(%dma_start3A_1659 : memref<50xi32, #tpu.memory_space<vmem>>) semaphore(%dma_start3A_1664 : memref<!tpu.dma_semaphore, #tpu.memory_space<semaphore_mem>>)
    %dma_start3A_1665 = arith.constant 88 : i32
    %dma_start3A_1666 = arith.constant 1 : i32
    %dma_start3A_1667 = arith.constant 8 : i32
    %dma_start3A_1668 = arith.constant 1 : i32
    %dma_start3A_1669 = arith.constant 0 : i32
    %dma_start3A_1670 = arith.constant 0 : i32
    %dma_start3A_1671 = tpu.memref_slice %arg6[%dma_start3A_1666, %dma_start3A_1667, %dma_start3A_1669, %dma_start3A_1670] : memref<2x16x50x64xf32, #tpu.memory_space<vmem>> -> memref<1x1x50x64xf32, #tpu.memory_space<vmem>>
    %dma_start3A_1672 = tpu.memref_squeeze %dma_start3A_1671 : memref<1x1x50x64xf32, #tpu.memory_space<vmem>> -> memref<50x64xf32, #tpu.memory_space<vmem>>
    %dma_start3A_1673 = arith.constant 0 : i32
    %dma_start3A_1674 = tpu.memref_slice %arg5[%dma_start3A_1665, %dma_start3A_1673] : memref<128x50xi32, #tpu.memory_space<vmem>> -> memref<1x50xi32, #tpu.memory_space<vmem>>
    %dma_start3A_1675 = tpu.memref_squeeze %dma_start3A_1674 : memref<1x50xi32, #tpu.memory_space<vmem>> -> memref<50xi32, #tpu.memory_space<vmem>>
    %dma_start3A_1676 = arith.constant 0 : i32
    %dma_start3A_1677 = arith.constant 0 : i32
    %dma_start3A_1678 = tpu.memref_slice %arg3[%dma_start3A_1676, %dma_start3A_1677] : memref<1000000x64xf32, #tpu.memory_space<hbm>> -> memref<1000000x64xf32, #tpu.memory_space<hbm>>
    %dma_start3A_1679 = tpu.memref_slice %arg7[%dma_start3A_1668] : memref<2x!tpu.dma_semaphore, #tpu.memory_space<semaphore_mem>> -> memref<1x!tpu.dma_semaphore, #tpu.memory_space<semaphore_mem>>
    %dma_start3A_1680 = tpu.memref_squeeze %dma_start3A_1679 : memref<1x!tpu.dma_semaphore, #tpu.memory_space<semaphore_mem>> -> memref<!tpu.dma_semaphore, #tpu.memory_space<semaphore_mem>>
    tpu.enqueue_indirect_dma source(%dma_start3A_1678 : memref<1000000x64xf32, #tpu.memory_space<hbm>>) target(%dma_start3A_1672 : memref<50x64xf32, #tpu.memory_space<vmem>>) offsets(%dma_start3A_1675 : memref<50xi32, #tpu.memory_space<vmem>>) semaphore(%dma_start3A_1680 : memref<!tpu.dma_semaphore, #tpu.memory_space<semaphore_mem>>)
    %dma_start3A_1681 = arith.constant 89 : i32
    %dma_start3A_1682 = arith.constant 1 : i32
    %dma_start3A_1683 = arith.constant 9 : i32
    %dma_start3A_1684 = arith.constant 1 : i32
    %dma_start3A_1685 = arith.constant 0 : i32
    %dma_start3A_1686 = arith.constant 0 : i32
    %dma_start3A_1687 = tpu.memref_slice %arg6[%dma_start3A_1682, %dma_start3A_1683, %dma_start3A_1685, %dma_start3A_1686] : memref<2x16x50x64xf32, #tpu.memory_space<vmem>> -> memref<1x1x50x64xf32, #tpu.memory_space<vmem>>
    %dma_start3A_1688 = tpu.memref_squeeze %dma_start3A_1687 : memref<1x1x50x64xf32, #tpu.memory_space<vmem>> -> memref<50x64xf32, #tpu.memory_space<vmem>>
    %dma_start3A_1689 = arith.constant 0 : i32
    %dma_start3A_1690 = tpu.memref_slice %arg5[%dma_start3A_1681, %dma_start3A_1689] : memref<128x50xi32, #tpu.memory_space<vmem>> -> memref<1x50xi32, #tpu.memory_space<vmem>>
    %dma_start3A_1691 = tpu.memref_squeeze %dma_start3A_1690 : memref<1x50xi32, #tpu.memory_space<vmem>> -> memref<50xi32, #tpu.memory_space<vmem>>
    %dma_start3A_1692 = arith.constant 0 : i32
    %dma_start3A_1693 = arith.constant 0 : i32
    %dma_start3A_1694 = tpu.memref_slice %arg3[%dma_start3A_1692, %dma_start3A_1693] : memref<1000000x64xf32, #tpu.memory_space<hbm>> -> memref<1000000x64xf32, #tpu.memory_space<hbm>>
    %dma_start3A_1695 = tpu.memref_slice %arg7[%dma_start3A_1684] : memref<2x!tpu.dma_semaphore, #tpu.memory_space<semaphore_mem>> -> memref<1x!tpu.dma_semaphore, #tpu.memory_space<semaphore_mem>>
    %dma_start3A_1696 = tpu.memref_squeeze %dma_start3A_1695 : memref<1x!tpu.dma_semaphore, #tpu.memory_space<semaphore_mem>> -> memref<!tpu.dma_semaphore, #tpu.memory_space<semaphore_mem>>
    tpu.enqueue_indirect_dma source(%dma_start3A_1694 : memref<1000000x64xf32, #tpu.memory_space<hbm>>) target(%dma_start3A_1688 : memref<50x64xf32, #tpu.memory_space<vmem>>) offsets(%dma_start3A_1691 : memref<50xi32, #tpu.memory_space<vmem>>) semaphore(%dma_start3A_1696 : memref<!tpu.dma_semaphore, #tpu.memory_space<semaphore_mem>>)
    %dma_start3A_1697 = arith.constant 90 : i32
    %dma_start3A_1698 = arith.constant 1 : i32
    %dma_start3A_1699 = arith.constant 10 : i32
    %dma_start3A_1700 = arith.constant 1 : i32
    %dma_start3A_1701 = arith.constant 0 : i32
    %dma_start3A_1702 = arith.constant 0 : i32
    %dma_start3A_1703 = tpu.memref_slice %arg6[%dma_start3A_1698, %dma_start3A_1699, %dma_start3A_1701, %dma_start3A_1702] : memref<2x16x50x64xf32, #tpu.memory_space<vmem>> -> memref<1x1x50x64xf32, #tpu.memory_space<vmem>>
    %dma_start3A_1704 = tpu.memref_squeeze %dma_start3A_1703 : memref<1x1x50x64xf32, #tpu.memory_space<vmem>> -> memref<50x64xf32, #tpu.memory_space<vmem>>
    %dma_start3A_1705 = arith.constant 0 : i32
    %dma_start3A_1706 = tpu.memref_slice %arg5[%dma_start3A_1697, %dma_start3A_1705] : memref<128x50xi32, #tpu.memory_space<vmem>> -> memref<1x50xi32, #tpu.memory_space<vmem>>
    %dma_start3A_1707 = tpu.memref_squeeze %dma_start3A_1706 : memref<1x50xi32, #tpu.memory_space<vmem>> -> memref<50xi32, #tpu.memory_space<vmem>>
    %dma_start3A_1708 = arith.constant 0 : i32
    %dma_start3A_1709 = arith.constant 0 : i32
    %dma_start3A_1710 = tpu.memref_slice %arg3[%dma_start3A_1708, %dma_start3A_1709] : memref<1000000x64xf32, #tpu.memory_space<hbm>> -> memref<1000000x64xf32, #tpu.memory_space<hbm>>
    %dma_start3A_1711 = tpu.memref_slice %arg7[%dma_start3A_1700] : memref<2x!tpu.dma_semaphore, #tpu.memory_space<semaphore_mem>> -> memref<1x!tpu.dma_semaphore, #tpu.memory_space<semaphore_mem>>
    %dma_start3A_1712 = tpu.memref_squeeze %dma_start3A_1711 : memref<1x!tpu.dma_semaphore, #tpu.memory_space<semaphore_mem>> -> memref<!tpu.dma_semaphore, #tpu.memory_space<semaphore_mem>>
    tpu.enqueue_indirect_dma source(%dma_start3A_1710 : memref<1000000x64xf32, #tpu.memory_space<hbm>>) target(%dma_start3A_1704 : memref<50x64xf32, #tpu.memory_space<vmem>>) offsets(%dma_start3A_1707 : memref<50xi32, #tpu.memory_space<vmem>>) semaphore(%dma_start3A_1712 : memref<!tpu.dma_semaphore, #tpu.memory_space<semaphore_mem>>)
    %dma_start3A_1713 = arith.constant 91 : i32
    %dma_start3A_1714 = arith.constant 1 : i32
    %dma_start3A_1715 = arith.constant 11 : i32
    %dma_start3A_1716 = arith.constant 1 : i32
    %dma_start3A_1717 = arith.constant 0 : i32
    %dma_start3A_1718 = arith.constant 0 : i32
    %dma_start3A_1719 = tpu.memref_slice %arg6[%dma_start3A_1714, %dma_start3A_1715, %dma_start3A_1717, %dma_start3A_1718] : memref<2x16x50x64xf32, #tpu.memory_space<vmem>> -> memref<1x1x50x64xf32, #tpu.memory_space<vmem>>
    %dma_start3A_1720 = tpu.memref_squeeze %dma_start3A_1719 : memref<1x1x50x64xf32, #tpu.memory_space<vmem>> -> memref<50x64xf32, #tpu.memory_space<vmem>>
    %dma_start3A_1721 = arith.constant 0 : i32
    %dma_start3A_1722 = tpu.memref_slice %arg5[%dma_start3A_1713, %dma_start3A_1721] : memref<128x50xi32, #tpu.memory_space<vmem>> -> memref<1x50xi32, #tpu.memory_space<vmem>>
    %dma_start3A_1723 = tpu.memref_squeeze %dma_start3A_1722 : memref<1x50xi32, #tpu.memory_space<vmem>> -> memref<50xi32, #tpu.memory_space<vmem>>
    %dma_start3A_1724 = arith.constant 0 : i32
    %dma_start3A_1725 = arith.constant 0 : i32
    %dma_start3A_1726 = tpu.memref_slice %arg3[%dma_start3A_1724, %dma_start3A_1725] : memref<1000000x64xf32, #tpu.memory_space<hbm>> -> memref<1000000x64xf32, #tpu.memory_space<hbm>>
    %dma_start3A_1727 = tpu.memref_slice %arg7[%dma_start3A_1716] : memref<2x!tpu.dma_semaphore, #tpu.memory_space<semaphore_mem>> -> memref<1x!tpu.dma_semaphore, #tpu.memory_space<semaphore_mem>>
    %dma_start3A_1728 = tpu.memref_squeeze %dma_start3A_1727 : memref<1x!tpu.dma_semaphore, #tpu.memory_space<semaphore_mem>> -> memref<!tpu.dma_semaphore, #tpu.memory_space<semaphore_mem>>
    tpu.enqueue_indirect_dma source(%dma_start3A_1726 : memref<1000000x64xf32, #tpu.memory_space<hbm>>) target(%dma_start3A_1720 : memref<50x64xf32, #tpu.memory_space<vmem>>) offsets(%dma_start3A_1723 : memref<50xi32, #tpu.memory_space<vmem>>) semaphore(%dma_start3A_1728 : memref<!tpu.dma_semaphore, #tpu.memory_space<semaphore_mem>>)
    %dma_start3A_1729 = arith.constant 92 : i32
    %dma_start3A_1730 = arith.constant 1 : i32
    %dma_start3A_1731 = arith.constant 12 : i32
    %dma_start3A_1732 = arith.constant 1 : i32
    %dma_start3A_1733 = arith.constant 0 : i32
    %dma_start3A_1734 = arith.constant 0 : i32
    %dma_start3A_1735 = tpu.memref_slice %arg6[%dma_start3A_1730, %dma_start3A_1731, %dma_start3A_1733, %dma_start3A_1734] : memref<2x16x50x64xf32, #tpu.memory_space<vmem>> -> memref<1x1x50x64xf32, #tpu.memory_space<vmem>>
    %dma_start3A_1736 = tpu.memref_squeeze %dma_start3A_1735 : memref<1x1x50x64xf32, #tpu.memory_space<vmem>> -> memref<50x64xf32, #tpu.memory_space<vmem>>
    %dma_start3A_1737 = arith.constant 0 : i32
    %dma_start3A_1738 = tpu.memref_slice %arg5[%dma_start3A_1729, %dma_start3A_1737] : memref<128x50xi32, #tpu.memory_space<vmem>> -> memref<1x50xi32, #tpu.memory_space<vmem>>
    %dma_start3A_1739 = tpu.memref_squeeze %dma_start3A_1738 : memref<1x50xi32, #tpu.memory_space<vmem>> -> memref<50xi32, #tpu.memory_space<vmem>>
    %dma_start3A_1740 = arith.constant 0 : i32
    %dma_start3A_1741 = arith.constant 0 : i32
    %dma_start3A_1742 = tpu.memref_slice %arg3[%dma_start3A_1740, %dma_start3A_1741] : memref<1000000x64xf32, #tpu.memory_space<hbm>> -> memref<1000000x64xf32, #tpu.memory_space<hbm>>
    %dma_start3A_1743 = tpu.memref_slice %arg7[%dma_start3A_1732] : memref<2x!tpu.dma_semaphore, #tpu.memory_space<semaphore_mem>> -> memref<1x!tpu.dma_semaphore, #tpu.memory_space<semaphore_mem>>
    %dma_start3A_1744 = tpu.memref_squeeze %dma_start3A_1743 : memref<1x!tpu.dma_semaphore, #tpu.memory_space<semaphore_mem>> -> memref<!tpu.dma_semaphore, #tpu.memory_space<semaphore_mem>>
    tpu.enqueue_indirect_dma source(%dma_start3A_1742 : memref<1000000x64xf32, #tpu.memory_space<hbm>>) target(%dma_start3A_1736 : memref<50x64xf32, #tpu.memory_space<vmem>>) offsets(%dma_start3A_1739 : memref<50xi32, #tpu.memory_space<vmem>>) semaphore(%dma_start3A_1744 : memref<!tpu.dma_semaphore, #tpu.memory_space<semaphore_mem>>)
    %dma_start3A_1745 = arith.constant 93 : i32
    %dma_start3A_1746 = arith.constant 1 : i32
    %dma_start3A_1747 = arith.constant 13 : i32
    %dma_start3A_1748 = arith.constant 1 : i32
    %dma_start3A_1749 = arith.constant 0 : i32
    %dma_start3A_1750 = arith.constant 0 : i32
    %dma_start3A_1751 = tpu.memref_slice %arg6[%dma_start3A_1746, %dma_start3A_1747, %dma_start3A_1749, %dma_start3A_1750] : memref<2x16x50x64xf32, #tpu.memory_space<vmem>> -> memref<1x1x50x64xf32, #tpu.memory_space<vmem>>
    %dma_start3A_1752 = tpu.memref_squeeze %dma_start3A_1751 : memref<1x1x50x64xf32, #tpu.memory_space<vmem>> -> memref<50x64xf32, #tpu.memory_space<vmem>>
    %dma_start3A_1753 = arith.constant 0 : i32
    %dma_start3A_1754 = tpu.memref_slice %arg5[%dma_start3A_1745, %dma_start3A_1753] : memref<128x50xi32, #tpu.memory_space<vmem>> -> memref<1x50xi32, #tpu.memory_space<vmem>>
    %dma_start3A_1755 = tpu.memref_squeeze %dma_start3A_1754 : memref<1x50xi32, #tpu.memory_space<vmem>> -> memref<50xi32, #tpu.memory_space<vmem>>
    %dma_start3A_1756 = arith.constant 0 : i32
    %dma_start3A_1757 = arith.constant 0 : i32
    %dma_start3A_1758 = tpu.memref_slice %arg3[%dma_start3A_1756, %dma_start3A_1757] : memref<1000000x64xf32, #tpu.memory_space<hbm>> -> memref<1000000x64xf32, #tpu.memory_space<hbm>>
    %dma_start3A_1759 = tpu.memref_slice %arg7[%dma_start3A_1748] : memref<2x!tpu.dma_semaphore, #tpu.memory_space<semaphore_mem>> -> memref<1x!tpu.dma_semaphore, #tpu.memory_space<semaphore_mem>>
    %dma_start3A_1760 = tpu.memref_squeeze %dma_start3A_1759 : memref<1x!tpu.dma_semaphore, #tpu.memory_space<semaphore_mem>> -> memref<!tpu.dma_semaphore, #tpu.memory_space<semaphore_mem>>
    tpu.enqueue_indirect_dma source(%dma_start3A_1758 : memref<1000000x64xf32, #tpu.memory_space<hbm>>) target(%dma_start3A_1752 : memref<50x64xf32, #tpu.memory_space<vmem>>) offsets(%dma_start3A_1755 : memref<50xi32, #tpu.memory_space<vmem>>) semaphore(%dma_start3A_1760 : memref<!tpu.dma_semaphore, #tpu.memory_space<semaphore_mem>>)
    %dma_start3A_1761 = arith.constant 94 : i32
    %dma_start3A_1762 = arith.constant 1 : i32
    %dma_start3A_1763 = arith.constant 14 : i32
    %dma_start3A_1764 = arith.constant 1 : i32
    %dma_start3A_1765 = arith.constant 0 : i32
    %dma_start3A_1766 = arith.constant 0 : i32
    %dma_start3A_1767 = tpu.memref_slice %arg6[%dma_start3A_1762, %dma_start3A_1763, %dma_start3A_1765, %dma_start3A_1766] : memref<2x16x50x64xf32, #tpu.memory_space<vmem>> -> memref<1x1x50x64xf32, #tpu.memory_space<vmem>>
    %dma_start3A_1768 = tpu.memref_squeeze %dma_start3A_1767 : memref<1x1x50x64xf32, #tpu.memory_space<vmem>> -> memref<50x64xf32, #tpu.memory_space<vmem>>
    %dma_start3A_1769 = arith.constant 0 : i32
    %dma_start3A_1770 = tpu.memref_slice %arg5[%dma_start3A_1761, %dma_start3A_1769] : memref<128x50xi32, #tpu.memory_space<vmem>> -> memref<1x50xi32, #tpu.memory_space<vmem>>
    %dma_start3A_1771 = tpu.memref_squeeze %dma_start3A_1770 : memref<1x50xi32, #tpu.memory_space<vmem>> -> memref<50xi32, #tpu.memory_space<vmem>>
    %dma_start3A_1772 = arith.constant 0 : i32
    %dma_start3A_1773 = arith.constant 0 : i32
    %dma_start3A_1774 = tpu.memref_slice %arg3[%dma_start3A_1772, %dma_start3A_1773] : memref<1000000x64xf32, #tpu.memory_space<hbm>> -> memref<1000000x64xf32, #tpu.memory_space<hbm>>
    %dma_start3A_1775 = tpu.memref_slice %arg7[%dma_start3A_1764] : memref<2x!tpu.dma_semaphore, #tpu.memory_space<semaphore_mem>> -> memref<1x!tpu.dma_semaphore, #tpu.memory_space<semaphore_mem>>
    %dma_start3A_1776 = tpu.memref_squeeze %dma_start3A_1775 : memref<1x!tpu.dma_semaphore, #tpu.memory_space<semaphore_mem>> -> memref<!tpu.dma_semaphore, #tpu.memory_space<semaphore_mem>>
    tpu.enqueue_indirect_dma source(%dma_start3A_1774 : memref<1000000x64xf32, #tpu.memory_space<hbm>>) target(%dma_start3A_1768 : memref<50x64xf32, #tpu.memory_space<vmem>>) offsets(%dma_start3A_1771 : memref<50xi32, #tpu.memory_space<vmem>>) semaphore(%dma_start3A_1776 : memref<!tpu.dma_semaphore, #tpu.memory_space<semaphore_mem>>)
    %dma_start3A_1777 = arith.constant 95 : i32
    %dma_start3A_1778 = arith.constant 1 : i32
    %dma_start3A_1779 = arith.constant 15 : i32
    %dma_start3A_1780 = arith.constant 1 : i32
    %dma_start3A_1781 = arith.constant 0 : i32
    %dma_start3A_1782 = arith.constant 0 : i32
    %dma_start3A_1783 = tpu.memref_slice %arg6[%dma_start3A_1778, %dma_start3A_1779, %dma_start3A_1781, %dma_start3A_1782] : memref<2x16x50x64xf32, #tpu.memory_space<vmem>> -> memref<1x1x50x64xf32, #tpu.memory_space<vmem>>
    %dma_start3A_1784 = tpu.memref_squeeze %dma_start3A_1783 : memref<1x1x50x64xf32, #tpu.memory_space<vmem>> -> memref<50x64xf32, #tpu.memory_space<vmem>>
    %dma_start3A_1785 = arith.constant 0 : i32
    %dma_start3A_1786 = tpu.memref_slice %arg5[%dma_start3A_1777, %dma_start3A_1785] : memref<128x50xi32, #tpu.memory_space<vmem>> -> memref<1x50xi32, #tpu.memory_space<vmem>>
    %dma_start3A_1787 = tpu.memref_squeeze %dma_start3A_1786 : memref<1x50xi32, #tpu.memory_space<vmem>> -> memref<50xi32, #tpu.memory_space<vmem>>
    %dma_start3A_1788 = arith.constant 0 : i32
    %dma_start3A_1789 = arith.constant 0 : i32
    %dma_start3A_1790 = tpu.memref_slice %arg3[%dma_start3A_1788, %dma_start3A_1789] : memref<1000000x64xf32, #tpu.memory_space<hbm>> -> memref<1000000x64xf32, #tpu.memory_space<hbm>>
    %dma_start3A_1791 = tpu.memref_slice %arg7[%dma_start3A_1780] : memref<2x!tpu.dma_semaphore, #tpu.memory_space<semaphore_mem>> -> memref<1x!tpu.dma_semaphore, #tpu.memory_space<semaphore_mem>>
    %dma_start3A_1792 = tpu.memref_squeeze %dma_start3A_1791 : memref<1x!tpu.dma_semaphore, #tpu.memory_space<semaphore_mem>> -> memref<!tpu.dma_semaphore, #tpu.memory_space<semaphore_mem>>
    tpu.enqueue_indirect_dma source(%dma_start3A_1790 : memref<1000000x64xf32, #tpu.memory_space<hbm>>) target(%dma_start3A_1784 : memref<50x64xf32, #tpu.memory_space<vmem>>) offsets(%dma_start3A_1787 : memref<50xi32, #tpu.memory_space<vmem>>) semaphore(%dma_start3A_1792 : memref<!tpu.dma_semaphore, #tpu.memory_space<semaphore_mem>>)
    %dma_wait3A_1793 = arith.constant 0 : i32
    %dma_wait3A_1794 = arith.constant 0 : i32
    %dma_wait3A_1795 = arith.constant 0 : i32
    %dma_wait3A_1796 = arith.constant 0 : i32
    %dma_wait3A_1797 = arith.constant 0 : i32
    %dma_wait3A_1798 = tpu.memref_slice %arg6[%dma_wait3A_1793, %dma_wait3A_1795, %dma_wait3A_1796, %dma_wait3A_1797] : memref<2x16x50x64xf32, #tpu.memory_space<vmem>> -> memref<1x16x50x64xf32, #tpu.memory_space<vmem>>
    %dma_wait3A_1799 = tpu.memref_squeeze %dma_wait3A_1798 : memref<1x16x50x64xf32, #tpu.memory_space<vmem>> -> memref<16x50x64xf32, #tpu.memory_space<vmem>>
    %dma_wait3A_1800 = arith.constant 0 : i32
    %dma_wait3A_1801 = arith.constant 0 : i32
    %dma_wait3A_1802 = arith.constant 0 : i32
    %dma_wait3A_1803 = tpu.memref_slice %arg4[%dma_wait3A_1800, %dma_wait3A_1801, %dma_wait3A_1802] : memref<4096x50x64xf32, #tpu.memory_space<hbm>> -> memref<16x50x64xf32, #tpu.memory_space<hbm>>
    %dma_wait3A_1804 = tpu.memref_slice %arg7[%dma_wait3A_1794] : memref<2x!tpu.dma_semaphore, #tpu.memory_space<semaphore_mem>> -> memref<1x!tpu.dma_semaphore, #tpu.memory_space<semaphore_mem>>
    %dma_wait3A_1805 = tpu.memref_squeeze %dma_wait3A_1804 : memref<1x!tpu.dma_semaphore, #tpu.memory_space<semaphore_mem>> -> memref<!tpu.dma_semaphore, #tpu.memory_space<semaphore_mem>>
    %dma_wait3A_1806 = arith.constant 0 : i32
    %dma_wait3A_1807 = arith.constant 0 : i32
    %dma_wait3A_1808 = arith.constant 0 : i32
    %dma_wait3A_1809 = tpu.memref_slice %arg6[%dma_wait3A_1793, %dma_wait3A_1806, %dma_wait3A_1807, %dma_wait3A_1808] : memref<2x16x50x64xf32, #tpu.memory_space<vmem>> -> memref<1x16x50x64xf32, #tpu.memory_space<vmem>>
    %dma_wait3A_1810 = tpu.memref_squeeze %dma_wait3A_1809 : memref<1x16x50x64xf32, #tpu.memory_space<vmem>> -> memref<16x50x64xf32, #tpu.memory_space<vmem>>
    %dma_wait3A_1811 = arith.constant 0 : i32
    %dma_wait3A_1812 = arith.constant 0 : i32
    %dma_wait3A_1813 = arith.constant 0 : i32
    %dma_wait3A_1814 = tpu.memref_slice %arg4[%dma_wait3A_1811, %dma_wait3A_1812, %dma_wait3A_1813] : memref<4096x50x64xf32, #tpu.memory_space<hbm>> -> memref<16x50x64xf32, #tpu.memory_space<hbm>>
    tpu.wait_dma2 semaphore(%dma_wait3A_1805 : memref<!tpu.dma_semaphore, #tpu.memory_space<semaphore_mem>>) src(%dma_wait3A_1814 : memref<16x50x64xf32, #tpu.memory_space<hbm>>) dst(%dma_wait3A_1810 : memref<16x50x64xf32, #tpu.memory_space<vmem>>)
    %add3A_1815 = arith.constant 64 : i32
    %add3A_1816 = arith.addi %mul3A_2, %add3A_1815 : i32
    %dma_start3A_1817 = arith.constant 0 : i32
    %dma_start3A_1818 = arith.constant 0 : i32
    %dma_start3A_1819 = arith.constant 0 : i32
    %dma_start3A_1820 = arith.constant 0 : i32
    %dma_start3A_1821 = arith.constant 0 : i32
    %dma_start3A_1822 = tpu.memref_slice %arg6[%dma_start3A_1817, %dma_start3A_1819, %dma_start3A_1820, %dma_start3A_1821] : memref<2x16x50x64xf32, #tpu.memory_space<vmem>> -> memref<1x16x50x64xf32, #tpu.memory_space<vmem>>
    %dma_start3A_1823 = tpu.memref_squeeze %dma_start3A_1822 : memref<1x16x50x64xf32, #tpu.memory_space<vmem>> -> memref<16x50x64xf32, #tpu.memory_space<vmem>>
    %dma_start3A_1824 = arith.constant 0 : i32
    %dma_start3A_1825 = arith.constant 0 : i32
    %dma_start3A_1826 = tpu.memref_slice %arg4[%add3A_1816, %dma_start3A_1824, %dma_start3A_1825] : memref<4096x50x64xf32, #tpu.memory_space<hbm>> -> memref<16x50x64xf32, #tpu.memory_space<hbm>>
    %dma_start3A_1827 = tpu.memref_slice %arg8[%dma_start3A_1818] : memref<2x!tpu.dma_semaphore, #tpu.memory_space<semaphore_mem>> -> memref<1x!tpu.dma_semaphore, #tpu.memory_space<semaphore_mem>>
    %dma_start3A_1828 = tpu.memref_squeeze %dma_start3A_1827 : memref<1x!tpu.dma_semaphore, #tpu.memory_space<semaphore_mem>> -> memref<!tpu.dma_semaphore, #tpu.memory_space<semaphore_mem>>
    %dma_start3A_1829 = arith.constant 0 : i32
    %dma_start3A_1830 = arith.constant 0 : i32
    %dma_start3A_1831 = tpu.memref_slice %arg4[%add3A_1816, %dma_start3A_1829, %dma_start3A_1830] : memref<4096x50x64xf32, #tpu.memory_space<hbm>> -> memref<16x50x64xf32, #tpu.memory_space<hbm>>
    %dma_start3A_1832 = arith.constant 0 : i32
    %dma_start3A_1833 = arith.constant 0 : i32
    %dma_start3A_1834 = arith.constant 0 : i32
    %dma_start3A_1835 = tpu.memref_slice %arg6[%dma_start3A_1817, %dma_start3A_1832, %dma_start3A_1833, %dma_start3A_1834] : memref<2x16x50x64xf32, #tpu.memory_space<vmem>> -> memref<1x16x50x64xf32, #tpu.memory_space<vmem>>
    %dma_start3A_1836 = tpu.memref_squeeze %dma_start3A_1835 : memref<1x16x50x64xf32, #tpu.memory_space<vmem>> -> memref<16x50x64xf32, #tpu.memory_space<vmem>>
    tpu.enqueue_dma source(%dma_start3A_1836 : memref<16x50x64xf32, #tpu.memory_space<vmem>>) target(%dma_start3A_1831 : memref<16x50x64xf32, #tpu.memory_space<hbm>>) target_semaphore(%dma_start3A_1828 : memref<!tpu.dma_semaphore, #tpu.memory_space<semaphore_mem>>)
    %dma_wait3A_1837 = arith.constant 0 : i32
    %dma_wait3A_1838 = arith.constant 0 : i32
    %dma_wait3A_1839 = arith.constant 0 : i32
    %dma_wait3A_1840 = arith.constant 0 : i32
    %dma_wait3A_1841 = arith.constant 0 : i32
    %dma_wait3A_1842 = tpu.memref_slice %arg6[%dma_wait3A_1837, %dma_wait3A_1839, %dma_wait3A_1840, %dma_wait3A_1841] : memref<2x16x50x64xf32, #tpu.memory_space<vmem>> -> memref<1x16x50x64xf32, #tpu.memory_space<vmem>>
    %dma_wait3A_1843 = tpu.memref_squeeze %dma_wait3A_1842 : memref<1x16x50x64xf32, #tpu.memory_space<vmem>> -> memref<16x50x64xf32, #tpu.memory_space<vmem>>
    %dma_wait3A_1844 = arith.constant 0 : i32
    %dma_wait3A_1845 = arith.constant 0 : i32
    %dma_wait3A_1846 = tpu.memref_slice %arg4[%mul3A_2, %dma_wait3A_1844, %dma_wait3A_1845] : memref<4096x50x64xf32, #tpu.memory_space<hbm>> -> memref<16x50x64xf32, #tpu.memory_space<hbm>>
    %dma_wait3A_1847 = tpu.memref_slice %arg8[%dma_wait3A_1838] : memref<2x!tpu.dma_semaphore, #tpu.memory_space<semaphore_mem>> -> memref<1x!tpu.dma_semaphore, #tpu.memory_space<semaphore_mem>>
    %dma_wait3A_1848 = tpu.memref_squeeze %dma_wait3A_1847 : memref<1x!tpu.dma_semaphore, #tpu.memory_space<semaphore_mem>> -> memref<!tpu.dma_semaphore, #tpu.memory_space<semaphore_mem>>
    %dma_wait3A_1849 = arith.constant 0 : i32
    %dma_wait3A_1850 = arith.constant 0 : i32
    %dma_wait3A_1851 = tpu.memref_slice %arg4[%mul3A_2, %dma_wait3A_1849, %dma_wait3A_1850] : memref<4096x50x64xf32, #tpu.memory_space<hbm>> -> memref<16x50x64xf32, #tpu.memory_space<hbm>>
    %dma_wait3A_1852 = arith.constant 0 : i32
    %dma_wait3A_1853 = arith.constant 0 : i32
    %dma_wait3A_1854 = arith.constant 0 : i32
    %dma_wait3A_1855 = tpu.memref_slice %arg6[%dma_wait3A_1837, %dma_wait3A_1852, %dma_wait3A_1853, %dma_wait3A_1854] : memref<2x16x50x64xf32, #tpu.memory_space<vmem>> -> memref<1x16x50x64xf32, #tpu.memory_space<vmem>>
    %dma_wait3A_1856 = tpu.memref_squeeze %dma_wait3A_1855 : memref<1x16x50x64xf32, #tpu.memory_space<vmem>> -> memref<16x50x64xf32, #tpu.memory_space<vmem>>
    tpu.wait_dma2 semaphore(%dma_wait3A_1848 : memref<!tpu.dma_semaphore, #tpu.memory_space<semaphore_mem>>) src(%dma_wait3A_1856 : memref<16x50x64xf32, #tpu.memory_space<vmem>>) dst(%dma_wait3A_1851 : memref<16x50x64xf32, #tpu.memory_space<hbm>>)
    %dma_start3A_1857 = arith.constant 96 : i32
    %dma_start3A_1858 = arith.constant 0 : i32
    %dma_start3A_1859 = arith.constant 0 : i32
    %dma_start3A_1860 = arith.constant 0 : i32
    %dma_start3A_1861 = arith.constant 0 : i32
    %dma_start3A_1862 = arith.constant 0 : i32
    %dma_start3A_1863 = tpu.memref_slice %arg6[%dma_start3A_1858, %dma_start3A_1859, %dma_start3A_1861, %dma_start3A_1862] : memref<2x16x50x64xf32, #tpu.memory_space<vmem>> -> memref<1x1x50x64xf32, #tpu.memory_space<vmem>>
    %dma_start3A_1864 = tpu.memref_squeeze %dma_start3A_1863 : memref<1x1x50x64xf32, #tpu.memory_space<vmem>> -> memref<50x64xf32, #tpu.memory_space<vmem>>
    %dma_start3A_1865 = arith.constant 0 : i32
    %dma_start3A_1866 = tpu.memref_slice %arg5[%dma_start3A_1857, %dma_start3A_1865] : memref<128x50xi32, #tpu.memory_space<vmem>> -> memref<1x50xi32, #tpu.memory_space<vmem>>
    %dma_start3A_1867 = tpu.memref_squeeze %dma_start3A_1866 : memref<1x50xi32, #tpu.memory_space<vmem>> -> memref<50xi32, #tpu.memory_space<vmem>>
    %dma_start3A_1868 = arith.constant 0 : i32
    %dma_start3A_1869 = arith.constant 0 : i32
    %dma_start3A_1870 = tpu.memref_slice %arg3[%dma_start3A_1868, %dma_start3A_1869] : memref<1000000x64xf32, #tpu.memory_space<hbm>> -> memref<1000000x64xf32, #tpu.memory_space<hbm>>
    %dma_start3A_1871 = tpu.memref_slice %arg7[%dma_start3A_1860] : memref<2x!tpu.dma_semaphore, #tpu.memory_space<semaphore_mem>> -> memref<1x!tpu.dma_semaphore, #tpu.memory_space<semaphore_mem>>
    %dma_start3A_1872 = tpu.memref_squeeze %dma_start3A_1871 : memref<1x!tpu.dma_semaphore, #tpu.memory_space<semaphore_mem>> -> memref<!tpu.dma_semaphore, #tpu.memory_space<semaphore_mem>>
    tpu.enqueue_indirect_dma source(%dma_start3A_1870 : memref<1000000x64xf32, #tpu.memory_space<hbm>>) target(%dma_start3A_1864 : memref<50x64xf32, #tpu.memory_space<vmem>>) offsets(%dma_start3A_1867 : memref<50xi32, #tpu.memory_space<vmem>>) semaphore(%dma_start3A_1872 : memref<!tpu.dma_semaphore, #tpu.memory_space<semaphore_mem>>)
    %dma_start3A_1873 = arith.constant 97 : i32
    %dma_start3A_1874 = arith.constant 0 : i32
    %dma_start3A_1875 = arith.constant 1 : i32
    %dma_start3A_1876 = arith.constant 0 : i32
    %dma_start3A_1877 = arith.constant 0 : i32
    %dma_start3A_1878 = arith.constant 0 : i32
    %dma_start3A_1879 = tpu.memref_slice %arg6[%dma_start3A_1874, %dma_start3A_1875, %dma_start3A_1877, %dma_start3A_1878] : memref<2x16x50x64xf32, #tpu.memory_space<vmem>> -> memref<1x1x50x64xf32, #tpu.memory_space<vmem>>
    %dma_start3A_1880 = tpu.memref_squeeze %dma_start3A_1879 : memref<1x1x50x64xf32, #tpu.memory_space<vmem>> -> memref<50x64xf32, #tpu.memory_space<vmem>>
    %dma_start3A_1881 = arith.constant 0 : i32
    %dma_start3A_1882 = tpu.memref_slice %arg5[%dma_start3A_1873, %dma_start3A_1881] : memref<128x50xi32, #tpu.memory_space<vmem>> -> memref<1x50xi32, #tpu.memory_space<vmem>>
    %dma_start3A_1883 = tpu.memref_squeeze %dma_start3A_1882 : memref<1x50xi32, #tpu.memory_space<vmem>> -> memref<50xi32, #tpu.memory_space<vmem>>
    %dma_start3A_1884 = arith.constant 0 : i32
    %dma_start3A_1885 = arith.constant 0 : i32
    %dma_start3A_1886 = tpu.memref_slice %arg3[%dma_start3A_1884, %dma_start3A_1885] : memref<1000000x64xf32, #tpu.memory_space<hbm>> -> memref<1000000x64xf32, #tpu.memory_space<hbm>>
    %dma_start3A_1887 = tpu.memref_slice %arg7[%dma_start3A_1876] : memref<2x!tpu.dma_semaphore, #tpu.memory_space<semaphore_mem>> -> memref<1x!tpu.dma_semaphore, #tpu.memory_space<semaphore_mem>>
    %dma_start3A_1888 = tpu.memref_squeeze %dma_start3A_1887 : memref<1x!tpu.dma_semaphore, #tpu.memory_space<semaphore_mem>> -> memref<!tpu.dma_semaphore, #tpu.memory_space<semaphore_mem>>
    tpu.enqueue_indirect_dma source(%dma_start3A_1886 : memref<1000000x64xf32, #tpu.memory_space<hbm>>) target(%dma_start3A_1880 : memref<50x64xf32, #tpu.memory_space<vmem>>) offsets(%dma_start3A_1883 : memref<50xi32, #tpu.memory_space<vmem>>) semaphore(%dma_start3A_1888 : memref<!tpu.dma_semaphore, #tpu.memory_space<semaphore_mem>>)
    %dma_start3A_1889 = arith.constant 98 : i32
    %dma_start3A_1890 = arith.constant 0 : i32
    %dma_start3A_1891 = arith.constant 2 : i32
    %dma_start3A_1892 = arith.constant 0 : i32
    %dma_start3A_1893 = arith.constant 0 : i32
    %dma_start3A_1894 = arith.constant 0 : i32
    %dma_start3A_1895 = tpu.memref_slice %arg6[%dma_start3A_1890, %dma_start3A_1891, %dma_start3A_1893, %dma_start3A_1894] : memref<2x16x50x64xf32, #tpu.memory_space<vmem>> -> memref<1x1x50x64xf32, #tpu.memory_space<vmem>>
    %dma_start3A_1896 = tpu.memref_squeeze %dma_start3A_1895 : memref<1x1x50x64xf32, #tpu.memory_space<vmem>> -> memref<50x64xf32, #tpu.memory_space<vmem>>
    %dma_start3A_1897 = arith.constant 0 : i32
    %dma_start3A_1898 = tpu.memref_slice %arg5[%dma_start3A_1889, %dma_start3A_1897] : memref<128x50xi32, #tpu.memory_space<vmem>> -> memref<1x50xi32, #tpu.memory_space<vmem>>
    %dma_start3A_1899 = tpu.memref_squeeze %dma_start3A_1898 : memref<1x50xi32, #tpu.memory_space<vmem>> -> memref<50xi32, #tpu.memory_space<vmem>>
    %dma_start3A_1900 = arith.constant 0 : i32
    %dma_start3A_1901 = arith.constant 0 : i32
    %dma_start3A_1902 = tpu.memref_slice %arg3[%dma_start3A_1900, %dma_start3A_1901] : memref<1000000x64xf32, #tpu.memory_space<hbm>> -> memref<1000000x64xf32, #tpu.memory_space<hbm>>
    %dma_start3A_1903 = tpu.memref_slice %arg7[%dma_start3A_1892] : memref<2x!tpu.dma_semaphore, #tpu.memory_space<semaphore_mem>> -> memref<1x!tpu.dma_semaphore, #tpu.memory_space<semaphore_mem>>
    %dma_start3A_1904 = tpu.memref_squeeze %dma_start3A_1903 : memref<1x!tpu.dma_semaphore, #tpu.memory_space<semaphore_mem>> -> memref<!tpu.dma_semaphore, #tpu.memory_space<semaphore_mem>>
    tpu.enqueue_indirect_dma source(%dma_start3A_1902 : memref<1000000x64xf32, #tpu.memory_space<hbm>>) target(%dma_start3A_1896 : memref<50x64xf32, #tpu.memory_space<vmem>>) offsets(%dma_start3A_1899 : memref<50xi32, #tpu.memory_space<vmem>>) semaphore(%dma_start3A_1904 : memref<!tpu.dma_semaphore, #tpu.memory_space<semaphore_mem>>)
    %dma_start3A_1905 = arith.constant 99 : i32
    %dma_start3A_1906 = arith.constant 0 : i32
    %dma_start3A_1907 = arith.constant 3 : i32
    %dma_start3A_1908 = arith.constant 0 : i32
    %dma_start3A_1909 = arith.constant 0 : i32
    %dma_start3A_1910 = arith.constant 0 : i32
    %dma_start3A_1911 = tpu.memref_slice %arg6[%dma_start3A_1906, %dma_start3A_1907, %dma_start3A_1909, %dma_start3A_1910] : memref<2x16x50x64xf32, #tpu.memory_space<vmem>> -> memref<1x1x50x64xf32, #tpu.memory_space<vmem>>
    %dma_start3A_1912 = tpu.memref_squeeze %dma_start3A_1911 : memref<1x1x50x64xf32, #tpu.memory_space<vmem>> -> memref<50x64xf32, #tpu.memory_space<vmem>>
    %dma_start3A_1913 = arith.constant 0 : i32
    %dma_start3A_1914 = tpu.memref_slice %arg5[%dma_start3A_1905, %dma_start3A_1913] : memref<128x50xi32, #tpu.memory_space<vmem>> -> memref<1x50xi32, #tpu.memory_space<vmem>>
    %dma_start3A_1915 = tpu.memref_squeeze %dma_start3A_1914 : memref<1x50xi32, #tpu.memory_space<vmem>> -> memref<50xi32, #tpu.memory_space<vmem>>
    %dma_start3A_1916 = arith.constant 0 : i32
    %dma_start3A_1917 = arith.constant 0 : i32
    %dma_start3A_1918 = tpu.memref_slice %arg3[%dma_start3A_1916, %dma_start3A_1917] : memref<1000000x64xf32, #tpu.memory_space<hbm>> -> memref<1000000x64xf32, #tpu.memory_space<hbm>>
    %dma_start3A_1919 = tpu.memref_slice %arg7[%dma_start3A_1908] : memref<2x!tpu.dma_semaphore, #tpu.memory_space<semaphore_mem>> -> memref<1x!tpu.dma_semaphore, #tpu.memory_space<semaphore_mem>>
    %dma_start3A_1920 = tpu.memref_squeeze %dma_start3A_1919 : memref<1x!tpu.dma_semaphore, #tpu.memory_space<semaphore_mem>> -> memref<!tpu.dma_semaphore, #tpu.memory_space<semaphore_mem>>
    tpu.enqueue_indirect_dma source(%dma_start3A_1918 : memref<1000000x64xf32, #tpu.memory_space<hbm>>) target(%dma_start3A_1912 : memref<50x64xf32, #tpu.memory_space<vmem>>) offsets(%dma_start3A_1915 : memref<50xi32, #tpu.memory_space<vmem>>) semaphore(%dma_start3A_1920 : memref<!tpu.dma_semaphore, #tpu.memory_space<semaphore_mem>>)
    %dma_start3A_1921 = arith.constant 100 : i32
    %dma_start3A_1922 = arith.constant 0 : i32
    %dma_start3A_1923 = arith.constant 4 : i32
    %dma_start3A_1924 = arith.constant 0 : i32
    %dma_start3A_1925 = arith.constant 0 : i32
    %dma_start3A_1926 = arith.constant 0 : i32
    %dma_start3A_1927 = tpu.memref_slice %arg6[%dma_start3A_1922, %dma_start3A_1923, %dma_start3A_1925, %dma_start3A_1926] : memref<2x16x50x64xf32, #tpu.memory_space<vmem>> -> memref<1x1x50x64xf32, #tpu.memory_space<vmem>>
    %dma_start3A_1928 = tpu.memref_squeeze %dma_start3A_1927 : memref<1x1x50x64xf32, #tpu.memory_space<vmem>> -> memref<50x64xf32, #tpu.memory_space<vmem>>
    %dma_start3A_1929 = arith.constant 0 : i32
    %dma_start3A_1930 = tpu.memref_slice %arg5[%dma_start3A_1921, %dma_start3A_1929] : memref<128x50xi32, #tpu.memory_space<vmem>> -> memref<1x50xi32, #tpu.memory_space<vmem>>
    %dma_start3A_1931 = tpu.memref_squeeze %dma_start3A_1930 : memref<1x50xi32, #tpu.memory_space<vmem>> -> memref<50xi32, #tpu.memory_space<vmem>>
    %dma_start3A_1932 = arith.constant 0 : i32
    %dma_start3A_1933 = arith.constant 0 : i32
    %dma_start3A_1934 = tpu.memref_slice %arg3[%dma_start3A_1932, %dma_start3A_1933] : memref<1000000x64xf32, #tpu.memory_space<hbm>> -> memref<1000000x64xf32, #tpu.memory_space<hbm>>
    %dma_start3A_1935 = tpu.memref_slice %arg7[%dma_start3A_1924] : memref<2x!tpu.dma_semaphore, #tpu.memory_space<semaphore_mem>> -> memref<1x!tpu.dma_semaphore, #tpu.memory_space<semaphore_mem>>
    %dma_start3A_1936 = tpu.memref_squeeze %dma_start3A_1935 : memref<1x!tpu.dma_semaphore, #tpu.memory_space<semaphore_mem>> -> memref<!tpu.dma_semaphore, #tpu.memory_space<semaphore_mem>>
    tpu.enqueue_indirect_dma source(%dma_start3A_1934 : memref<1000000x64xf32, #tpu.memory_space<hbm>>) target(%dma_start3A_1928 : memref<50x64xf32, #tpu.memory_space<vmem>>) offsets(%dma_start3A_1931 : memref<50xi32, #tpu.memory_space<vmem>>) semaphore(%dma_start3A_1936 : memref<!tpu.dma_semaphore, #tpu.memory_space<semaphore_mem>>)
    %dma_start3A_1937 = arith.constant 101 : i32
    %dma_start3A_1938 = arith.constant 0 : i32
    %dma_start3A_1939 = arith.constant 5 : i32
    %dma_start3A_1940 = arith.constant 0 : i32
    %dma_start3A_1941 = arith.constant 0 : i32
    %dma_start3A_1942 = arith.constant 0 : i32
    %dma_start3A_1943 = tpu.memref_slice %arg6[%dma_start3A_1938, %dma_start3A_1939, %dma_start3A_1941, %dma_start3A_1942] : memref<2x16x50x64xf32, #tpu.memory_space<vmem>> -> memref<1x1x50x64xf32, #tpu.memory_space<vmem>>
    %dma_start3A_1944 = tpu.memref_squeeze %dma_start3A_1943 : memref<1x1x50x64xf32, #tpu.memory_space<vmem>> -> memref<50x64xf32, #tpu.memory_space<vmem>>
    %dma_start3A_1945 = arith.constant 0 : i32
    %dma_start3A_1946 = tpu.memref_slice %arg5[%dma_start3A_1937, %dma_start3A_1945] : memref<128x50xi32, #tpu.memory_space<vmem>> -> memref<1x50xi32, #tpu.memory_space<vmem>>
    %dma_start3A_1947 = tpu.memref_squeeze %dma_start3A_1946 : memref<1x50xi32, #tpu.memory_space<vmem>> -> memref<50xi32, #tpu.memory_space<vmem>>
    %dma_start3A_1948 = arith.constant 0 : i32
    %dma_start3A_1949 = arith.constant 0 : i32
    %dma_start3A_1950 = tpu.memref_slice %arg3[%dma_start3A_1948, %dma_start3A_1949] : memref<1000000x64xf32, #tpu.memory_space<hbm>> -> memref<1000000x64xf32, #tpu.memory_space<hbm>>
    %dma_start3A_1951 = tpu.memref_slice %arg7[%dma_start3A_1940] : memref<2x!tpu.dma_semaphore, #tpu.memory_space<semaphore_mem>> -> memref<1x!tpu.dma_semaphore, #tpu.memory_space<semaphore_mem>>
    %dma_start3A_1952 = tpu.memref_squeeze %dma_start3A_1951 : memref<1x!tpu.dma_semaphore, #tpu.memory_space<semaphore_mem>> -> memref<!tpu.dma_semaphore, #tpu.memory_space<semaphore_mem>>
    tpu.enqueue_indirect_dma source(%dma_start3A_1950 : memref<1000000x64xf32, #tpu.memory_space<hbm>>) target(%dma_start3A_1944 : memref<50x64xf32, #tpu.memory_space<vmem>>) offsets(%dma_start3A_1947 : memref<50xi32, #tpu.memory_space<vmem>>) semaphore(%dma_start3A_1952 : memref<!tpu.dma_semaphore, #tpu.memory_space<semaphore_mem>>)
    %dma_start3A_1953 = arith.constant 102 : i32
    %dma_start3A_1954 = arith.constant 0 : i32
    %dma_start3A_1955 = arith.constant 6 : i32
    %dma_start3A_1956 = arith.constant 0 : i32
    %dma_start3A_1957 = arith.constant 0 : i32
    %dma_start3A_1958 = arith.constant 0 : i32
    %dma_start3A_1959 = tpu.memref_slice %arg6[%dma_start3A_1954, %dma_start3A_1955, %dma_start3A_1957, %dma_start3A_1958] : memref<2x16x50x64xf32, #tpu.memory_space<vmem>> -> memref<1x1x50x64xf32, #tpu.memory_space<vmem>>
    %dma_start3A_1960 = tpu.memref_squeeze %dma_start3A_1959 : memref<1x1x50x64xf32, #tpu.memory_space<vmem>> -> memref<50x64xf32, #tpu.memory_space<vmem>>
    %dma_start3A_1961 = arith.constant 0 : i32
    %dma_start3A_1962 = tpu.memref_slice %arg5[%dma_start3A_1953, %dma_start3A_1961] : memref<128x50xi32, #tpu.memory_space<vmem>> -> memref<1x50xi32, #tpu.memory_space<vmem>>
    %dma_start3A_1963 = tpu.memref_squeeze %dma_start3A_1962 : memref<1x50xi32, #tpu.memory_space<vmem>> -> memref<50xi32, #tpu.memory_space<vmem>>
    %dma_start3A_1964 = arith.constant 0 : i32
    %dma_start3A_1965 = arith.constant 0 : i32
    %dma_start3A_1966 = tpu.memref_slice %arg3[%dma_start3A_1964, %dma_start3A_1965] : memref<1000000x64xf32, #tpu.memory_space<hbm>> -> memref<1000000x64xf32, #tpu.memory_space<hbm>>
    %dma_start3A_1967 = tpu.memref_slice %arg7[%dma_start3A_1956] : memref<2x!tpu.dma_semaphore, #tpu.memory_space<semaphore_mem>> -> memref<1x!tpu.dma_semaphore, #tpu.memory_space<semaphore_mem>>
    %dma_start3A_1968 = tpu.memref_squeeze %dma_start3A_1967 : memref<1x!tpu.dma_semaphore, #tpu.memory_space<semaphore_mem>> -> memref<!tpu.dma_semaphore, #tpu.memory_space<semaphore_mem>>
    tpu.enqueue_indirect_dma source(%dma_start3A_1966 : memref<1000000x64xf32, #tpu.memory_space<hbm>>) target(%dma_start3A_1960 : memref<50x64xf32, #tpu.memory_space<vmem>>) offsets(%dma_start3A_1963 : memref<50xi32, #tpu.memory_space<vmem>>) semaphore(%dma_start3A_1968 : memref<!tpu.dma_semaphore, #tpu.memory_space<semaphore_mem>>)
    %dma_start3A_1969 = arith.constant 103 : i32
    %dma_start3A_1970 = arith.constant 0 : i32
    %dma_start3A_1971 = arith.constant 7 : i32
    %dma_start3A_1972 = arith.constant 0 : i32
    %dma_start3A_1973 = arith.constant 0 : i32
    %dma_start3A_1974 = arith.constant 0 : i32
    %dma_start3A_1975 = tpu.memref_slice %arg6[%dma_start3A_1970, %dma_start3A_1971, %dma_start3A_1973, %dma_start3A_1974] : memref<2x16x50x64xf32, #tpu.memory_space<vmem>> -> memref<1x1x50x64xf32, #tpu.memory_space<vmem>>
    %dma_start3A_1976 = tpu.memref_squeeze %dma_start3A_1975 : memref<1x1x50x64xf32, #tpu.memory_space<vmem>> -> memref<50x64xf32, #tpu.memory_space<vmem>>
    %dma_start3A_1977 = arith.constant 0 : i32
    %dma_start3A_1978 = tpu.memref_slice %arg5[%dma_start3A_1969, %dma_start3A_1977] : memref<128x50xi32, #tpu.memory_space<vmem>> -> memref<1x50xi32, #tpu.memory_space<vmem>>
    %dma_start3A_1979 = tpu.memref_squeeze %dma_start3A_1978 : memref<1x50xi32, #tpu.memory_space<vmem>> -> memref<50xi32, #tpu.memory_space<vmem>>
    %dma_start3A_1980 = arith.constant 0 : i32
    %dma_start3A_1981 = arith.constant 0 : i32
    %dma_start3A_1982 = tpu.memref_slice %arg3[%dma_start3A_1980, %dma_start3A_1981] : memref<1000000x64xf32, #tpu.memory_space<hbm>> -> memref<1000000x64xf32, #tpu.memory_space<hbm>>
    %dma_start3A_1983 = tpu.memref_slice %arg7[%dma_start3A_1972] : memref<2x!tpu.dma_semaphore, #tpu.memory_space<semaphore_mem>> -> memref<1x!tpu.dma_semaphore, #tpu.memory_space<semaphore_mem>>
    %dma_start3A_1984 = tpu.memref_squeeze %dma_start3A_1983 : memref<1x!tpu.dma_semaphore, #tpu.memory_space<semaphore_mem>> -> memref<!tpu.dma_semaphore, #tpu.memory_space<semaphore_mem>>
    tpu.enqueue_indirect_dma source(%dma_start3A_1982 : memref<1000000x64xf32, #tpu.memory_space<hbm>>) target(%dma_start3A_1976 : memref<50x64xf32, #tpu.memory_space<vmem>>) offsets(%dma_start3A_1979 : memref<50xi32, #tpu.memory_space<vmem>>) semaphore(%dma_start3A_1984 : memref<!tpu.dma_semaphore, #tpu.memory_space<semaphore_mem>>)
    %dma_start3A_1985 = arith.constant 104 : i32
    %dma_start3A_1986 = arith.constant 0 : i32
    %dma_start3A_1987 = arith.constant 8 : i32
    %dma_start3A_1988 = arith.constant 0 : i32
    %dma_start3A_1989 = arith.constant 0 : i32
    %dma_start3A_1990 = arith.constant 0 : i32
    %dma_start3A_1991 = tpu.memref_slice %arg6[%dma_start3A_1986, %dma_start3A_1987, %dma_start3A_1989, %dma_start3A_1990] : memref<2x16x50x64xf32, #tpu.memory_space<vmem>> -> memref<1x1x50x64xf32, #tpu.memory_space<vmem>>
    %dma_start3A_1992 = tpu.memref_squeeze %dma_start3A_1991 : memref<1x1x50x64xf32, #tpu.memory_space<vmem>> -> memref<50x64xf32, #tpu.memory_space<vmem>>
    %dma_start3A_1993 = arith.constant 0 : i32
    %dma_start3A_1994 = tpu.memref_slice %arg5[%dma_start3A_1985, %dma_start3A_1993] : memref<128x50xi32, #tpu.memory_space<vmem>> -> memref<1x50xi32, #tpu.memory_space<vmem>>
    %dma_start3A_1995 = tpu.memref_squeeze %dma_start3A_1994 : memref<1x50xi32, #tpu.memory_space<vmem>> -> memref<50xi32, #tpu.memory_space<vmem>>
    %dma_start3A_1996 = arith.constant 0 : i32
    %dma_start3A_1997 = arith.constant 0 : i32
    %dma_start3A_1998 = tpu.memref_slice %arg3[%dma_start3A_1996, %dma_start3A_1997] : memref<1000000x64xf32, #tpu.memory_space<hbm>> -> memref<1000000x64xf32, #tpu.memory_space<hbm>>
    %dma_start3A_1999 = tpu.memref_slice %arg7[%dma_start3A_1988] : memref<2x!tpu.dma_semaphore, #tpu.memory_space<semaphore_mem>> -> memref<1x!tpu.dma_semaphore, #tpu.memory_space<semaphore_mem>>
    %dma_start3A_2000 = tpu.memref_squeeze %dma_start3A_1999 : memref<1x!tpu.dma_semaphore, #tpu.memory_space<semaphore_mem>> -> memref<!tpu.dma_semaphore, #tpu.memory_space<semaphore_mem>>
    tpu.enqueue_indirect_dma source(%dma_start3A_1998 : memref<1000000x64xf32, #tpu.memory_space<hbm>>) target(%dma_start3A_1992 : memref<50x64xf32, #tpu.memory_space<vmem>>) offsets(%dma_start3A_1995 : memref<50xi32, #tpu.memory_space<vmem>>) semaphore(%dma_start3A_2000 : memref<!tpu.dma_semaphore, #tpu.memory_space<semaphore_mem>>)
    %dma_start3A_2001 = arith.constant 105 : i32
    %dma_start3A_2002 = arith.constant 0 : i32
    %dma_start3A_2003 = arith.constant 9 : i32
    %dma_start3A_2004 = arith.constant 0 : i32
    %dma_start3A_2005 = arith.constant 0 : i32
    %dma_start3A_2006 = arith.constant 0 : i32
    %dma_start3A_2007 = tpu.memref_slice %arg6[%dma_start3A_2002, %dma_start3A_2003, %dma_start3A_2005, %dma_start3A_2006] : memref<2x16x50x64xf32, #tpu.memory_space<vmem>> -> memref<1x1x50x64xf32, #tpu.memory_space<vmem>>
    %dma_start3A_2008 = tpu.memref_squeeze %dma_start3A_2007 : memref<1x1x50x64xf32, #tpu.memory_space<vmem>> -> memref<50x64xf32, #tpu.memory_space<vmem>>
    %dma_start3A_2009 = arith.constant 0 : i32
    %dma_start3A_2010 = tpu.memref_slice %arg5[%dma_start3A_2001, %dma_start3A_2009] : memref<128x50xi32, #tpu.memory_space<vmem>> -> memref<1x50xi32, #tpu.memory_space<vmem>>
    %dma_start3A_2011 = tpu.memref_squeeze %dma_start3A_2010 : memref<1x50xi32, #tpu.memory_space<vmem>> -> memref<50xi32, #tpu.memory_space<vmem>>
    %dma_start3A_2012 = arith.constant 0 : i32
    %dma_start3A_2013 = arith.constant 0 : i32
    %dma_start3A_2014 = tpu.memref_slice %arg3[%dma_start3A_2012, %dma_start3A_2013] : memref<1000000x64xf32, #tpu.memory_space<hbm>> -> memref<1000000x64xf32, #tpu.memory_space<hbm>>
    %dma_start3A_2015 = tpu.memref_slice %arg7[%dma_start3A_2004] : memref<2x!tpu.dma_semaphore, #tpu.memory_space<semaphore_mem>> -> memref<1x!tpu.dma_semaphore, #tpu.memory_space<semaphore_mem>>
    %dma_start3A_2016 = tpu.memref_squeeze %dma_start3A_2015 : memref<1x!tpu.dma_semaphore, #tpu.memory_space<semaphore_mem>> -> memref<!tpu.dma_semaphore, #tpu.memory_space<semaphore_mem>>
    tpu.enqueue_indirect_dma source(%dma_start3A_2014 : memref<1000000x64xf32, #tpu.memory_space<hbm>>) target(%dma_start3A_2008 : memref<50x64xf32, #tpu.memory_space<vmem>>) offsets(%dma_start3A_2011 : memref<50xi32, #tpu.memory_space<vmem>>) semaphore(%dma_start3A_2016 : memref<!tpu.dma_semaphore, #tpu.memory_space<semaphore_mem>>)
    %dma_start3A_2017 = arith.constant 106 : i32
    %dma_start3A_2018 = arith.constant 0 : i32
    %dma_start3A_2019 = arith.constant 10 : i32
    %dma_start3A_2020 = arith.constant 0 : i32
    %dma_start3A_2021 = arith.constant 0 : i32
    %dma_start3A_2022 = arith.constant 0 : i32
    %dma_start3A_2023 = tpu.memref_slice %arg6[%dma_start3A_2018, %dma_start3A_2019, %dma_start3A_2021, %dma_start3A_2022] : memref<2x16x50x64xf32, #tpu.memory_space<vmem>> -> memref<1x1x50x64xf32, #tpu.memory_space<vmem>>
    %dma_start3A_2024 = tpu.memref_squeeze %dma_start3A_2023 : memref<1x1x50x64xf32, #tpu.memory_space<vmem>> -> memref<50x64xf32, #tpu.memory_space<vmem>>
    %dma_start3A_2025 = arith.constant 0 : i32
    %dma_start3A_2026 = tpu.memref_slice %arg5[%dma_start3A_2017, %dma_start3A_2025] : memref<128x50xi32, #tpu.memory_space<vmem>> -> memref<1x50xi32, #tpu.memory_space<vmem>>
    %dma_start3A_2027 = tpu.memref_squeeze %dma_start3A_2026 : memref<1x50xi32, #tpu.memory_space<vmem>> -> memref<50xi32, #tpu.memory_space<vmem>>
    %dma_start3A_2028 = arith.constant 0 : i32
    %dma_start3A_2029 = arith.constant 0 : i32
    %dma_start3A_2030 = tpu.memref_slice %arg3[%dma_start3A_2028, %dma_start3A_2029] : memref<1000000x64xf32, #tpu.memory_space<hbm>> -> memref<1000000x64xf32, #tpu.memory_space<hbm>>
    %dma_start3A_2031 = tpu.memref_slice %arg7[%dma_start3A_2020] : memref<2x!tpu.dma_semaphore, #tpu.memory_space<semaphore_mem>> -> memref<1x!tpu.dma_semaphore, #tpu.memory_space<semaphore_mem>>
    %dma_start3A_2032 = tpu.memref_squeeze %dma_start3A_2031 : memref<1x!tpu.dma_semaphore, #tpu.memory_space<semaphore_mem>> -> memref<!tpu.dma_semaphore, #tpu.memory_space<semaphore_mem>>
    tpu.enqueue_indirect_dma source(%dma_start3A_2030 : memref<1000000x64xf32, #tpu.memory_space<hbm>>) target(%dma_start3A_2024 : memref<50x64xf32, #tpu.memory_space<vmem>>) offsets(%dma_start3A_2027 : memref<50xi32, #tpu.memory_space<vmem>>) semaphore(%dma_start3A_2032 : memref<!tpu.dma_semaphore, #tpu.memory_space<semaphore_mem>>)
    %dma_start3A_2033 = arith.constant 107 : i32
    %dma_start3A_2034 = arith.constant 0 : i32
    %dma_start3A_2035 = arith.constant 11 : i32
    %dma_start3A_2036 = arith.constant 0 : i32
    %dma_start3A_2037 = arith.constant 0 : i32
    %dma_start3A_2038 = arith.constant 0 : i32
    %dma_start3A_2039 = tpu.memref_slice %arg6[%dma_start3A_2034, %dma_start3A_2035, %dma_start3A_2037, %dma_start3A_2038] : memref<2x16x50x64xf32, #tpu.memory_space<vmem>> -> memref<1x1x50x64xf32, #tpu.memory_space<vmem>>
    %dma_start3A_2040 = tpu.memref_squeeze %dma_start3A_2039 : memref<1x1x50x64xf32, #tpu.memory_space<vmem>> -> memref<50x64xf32, #tpu.memory_space<vmem>>
    %dma_start3A_2041 = arith.constant 0 : i32
    %dma_start3A_2042 = tpu.memref_slice %arg5[%dma_start3A_2033, %dma_start3A_2041] : memref<128x50xi32, #tpu.memory_space<vmem>> -> memref<1x50xi32, #tpu.memory_space<vmem>>
    %dma_start3A_2043 = tpu.memref_squeeze %dma_start3A_2042 : memref<1x50xi32, #tpu.memory_space<vmem>> -> memref<50xi32, #tpu.memory_space<vmem>>
    %dma_start3A_2044 = arith.constant 0 : i32
    %dma_start3A_2045 = arith.constant 0 : i32
    %dma_start3A_2046 = tpu.memref_slice %arg3[%dma_start3A_2044, %dma_start3A_2045] : memref<1000000x64xf32, #tpu.memory_space<hbm>> -> memref<1000000x64xf32, #tpu.memory_space<hbm>>
    %dma_start3A_2047 = tpu.memref_slice %arg7[%dma_start3A_2036] : memref<2x!tpu.dma_semaphore, #tpu.memory_space<semaphore_mem>> -> memref<1x!tpu.dma_semaphore, #tpu.memory_space<semaphore_mem>>
    %dma_start3A_2048 = tpu.memref_squeeze %dma_start3A_2047 : memref<1x!tpu.dma_semaphore, #tpu.memory_space<semaphore_mem>> -> memref<!tpu.dma_semaphore, #tpu.memory_space<semaphore_mem>>
    tpu.enqueue_indirect_dma source(%dma_start3A_2046 : memref<1000000x64xf32, #tpu.memory_space<hbm>>) target(%dma_start3A_2040 : memref<50x64xf32, #tpu.memory_space<vmem>>) offsets(%dma_start3A_2043 : memref<50xi32, #tpu.memory_space<vmem>>) semaphore(%dma_start3A_2048 : memref<!tpu.dma_semaphore, #tpu.memory_space<semaphore_mem>>)
    %dma_start3A_2049 = arith.constant 108 : i32
    %dma_start3A_2050 = arith.constant 0 : i32
    %dma_start3A_2051 = arith.constant 12 : i32
    %dma_start3A_2052 = arith.constant 0 : i32
    %dma_start3A_2053 = arith.constant 0 : i32
    %dma_start3A_2054 = arith.constant 0 : i32
    %dma_start3A_2055 = tpu.memref_slice %arg6[%dma_start3A_2050, %dma_start3A_2051, %dma_start3A_2053, %dma_start3A_2054] : memref<2x16x50x64xf32, #tpu.memory_space<vmem>> -> memref<1x1x50x64xf32, #tpu.memory_space<vmem>>
    %dma_start3A_2056 = tpu.memref_squeeze %dma_start3A_2055 : memref<1x1x50x64xf32, #tpu.memory_space<vmem>> -> memref<50x64xf32, #tpu.memory_space<vmem>>
    %dma_start3A_2057 = arith.constant 0 : i32
    %dma_start3A_2058 = tpu.memref_slice %arg5[%dma_start3A_2049, %dma_start3A_2057] : memref<128x50xi32, #tpu.memory_space<vmem>> -> memref<1x50xi32, #tpu.memory_space<vmem>>
    %dma_start3A_2059 = tpu.memref_squeeze %dma_start3A_2058 : memref<1x50xi32, #tpu.memory_space<vmem>> -> memref<50xi32, #tpu.memory_space<vmem>>
    %dma_start3A_2060 = arith.constant 0 : i32
    %dma_start3A_2061 = arith.constant 0 : i32
    %dma_start3A_2062 = tpu.memref_slice %arg3[%dma_start3A_2060, %dma_start3A_2061] : memref<1000000x64xf32, #tpu.memory_space<hbm>> -> memref<1000000x64xf32, #tpu.memory_space<hbm>>
    %dma_start3A_2063 = tpu.memref_slice %arg7[%dma_start3A_2052] : memref<2x!tpu.dma_semaphore, #tpu.memory_space<semaphore_mem>> -> memref<1x!tpu.dma_semaphore, #tpu.memory_space<semaphore_mem>>
    %dma_start3A_2064 = tpu.memref_squeeze %dma_start3A_2063 : memref<1x!tpu.dma_semaphore, #tpu.memory_space<semaphore_mem>> -> memref<!tpu.dma_semaphore, #tpu.memory_space<semaphore_mem>>
    tpu.enqueue_indirect_dma source(%dma_start3A_2062 : memref<1000000x64xf32, #tpu.memory_space<hbm>>) target(%dma_start3A_2056 : memref<50x64xf32, #tpu.memory_space<vmem>>) offsets(%dma_start3A_2059 : memref<50xi32, #tpu.memory_space<vmem>>) semaphore(%dma_start3A_2064 : memref<!tpu.dma_semaphore, #tpu.memory_space<semaphore_mem>>)
    %dma_start3A_2065 = arith.constant 109 : i32
    %dma_start3A_2066 = arith.constant 0 : i32
    %dma_start3A_2067 = arith.constant 13 : i32
    %dma_start3A_2068 = arith.constant 0 : i32
    %dma_start3A_2069 = arith.constant 0 : i32
    %dma_start3A_2070 = arith.constant 0 : i32
    %dma_start3A_2071 = tpu.memref_slice %arg6[%dma_start3A_2066, %dma_start3A_2067, %dma_start3A_2069, %dma_start3A_2070] : memref<2x16x50x64xf32, #tpu.memory_space<vmem>> -> memref<1x1x50x64xf32, #tpu.memory_space<vmem>>
    %dma_start3A_2072 = tpu.memref_squeeze %dma_start3A_2071 : memref<1x1x50x64xf32, #tpu.memory_space<vmem>> -> memref<50x64xf32, #tpu.memory_space<vmem>>
    %dma_start3A_2073 = arith.constant 0 : i32
    %dma_start3A_2074 = tpu.memref_slice %arg5[%dma_start3A_2065, %dma_start3A_2073] : memref<128x50xi32, #tpu.memory_space<vmem>> -> memref<1x50xi32, #tpu.memory_space<vmem>>
    %dma_start3A_2075 = tpu.memref_squeeze %dma_start3A_2074 : memref<1x50xi32, #tpu.memory_space<vmem>> -> memref<50xi32, #tpu.memory_space<vmem>>
    %dma_start3A_2076 = arith.constant 0 : i32
    %dma_start3A_2077 = arith.constant 0 : i32
    %dma_start3A_2078 = tpu.memref_slice %arg3[%dma_start3A_2076, %dma_start3A_2077] : memref<1000000x64xf32, #tpu.memory_space<hbm>> -> memref<1000000x64xf32, #tpu.memory_space<hbm>>
    %dma_start3A_2079 = tpu.memref_slice %arg7[%dma_start3A_2068] : memref<2x!tpu.dma_semaphore, #tpu.memory_space<semaphore_mem>> -> memref<1x!tpu.dma_semaphore, #tpu.memory_space<semaphore_mem>>
    %dma_start3A_2080 = tpu.memref_squeeze %dma_start3A_2079 : memref<1x!tpu.dma_semaphore, #tpu.memory_space<semaphore_mem>> -> memref<!tpu.dma_semaphore, #tpu.memory_space<semaphore_mem>>
    tpu.enqueue_indirect_dma source(%dma_start3A_2078 : memref<1000000x64xf32, #tpu.memory_space<hbm>>) target(%dma_start3A_2072 : memref<50x64xf32, #tpu.memory_space<vmem>>) offsets(%dma_start3A_2075 : memref<50xi32, #tpu.memory_space<vmem>>) semaphore(%dma_start3A_2080 : memref<!tpu.dma_semaphore, #tpu.memory_space<semaphore_mem>>)
    %dma_start3A_2081 = arith.constant 110 : i32
    %dma_start3A_2082 = arith.constant 0 : i32
    %dma_start3A_2083 = arith.constant 14 : i32
    %dma_start3A_2084 = arith.constant 0 : i32
    %dma_start3A_2085 = arith.constant 0 : i32
    %dma_start3A_2086 = arith.constant 0 : i32
    %dma_start3A_2087 = tpu.memref_slice %arg6[%dma_start3A_2082, %dma_start3A_2083, %dma_start3A_2085, %dma_start3A_2086] : memref<2x16x50x64xf32, #tpu.memory_space<vmem>> -> memref<1x1x50x64xf32, #tpu.memory_space<vmem>>
    %dma_start3A_2088 = tpu.memref_squeeze %dma_start3A_2087 : memref<1x1x50x64xf32, #tpu.memory_space<vmem>> -> memref<50x64xf32, #tpu.memory_space<vmem>>
    %dma_start3A_2089 = arith.constant 0 : i32
    %dma_start3A_2090 = tpu.memref_slice %arg5[%dma_start3A_2081, %dma_start3A_2089] : memref<128x50xi32, #tpu.memory_space<vmem>> -> memref<1x50xi32, #tpu.memory_space<vmem>>
    %dma_start3A_2091 = tpu.memref_squeeze %dma_start3A_2090 : memref<1x50xi32, #tpu.memory_space<vmem>> -> memref<50xi32, #tpu.memory_space<vmem>>
    %dma_start3A_2092 = arith.constant 0 : i32
    %dma_start3A_2093 = arith.constant 0 : i32
    %dma_start3A_2094 = tpu.memref_slice %arg3[%dma_start3A_2092, %dma_start3A_2093] : memref<1000000x64xf32, #tpu.memory_space<hbm>> -> memref<1000000x64xf32, #tpu.memory_space<hbm>>
    %dma_start3A_2095 = tpu.memref_slice %arg7[%dma_start3A_2084] : memref<2x!tpu.dma_semaphore, #tpu.memory_space<semaphore_mem>> -> memref<1x!tpu.dma_semaphore, #tpu.memory_space<semaphore_mem>>
    %dma_start3A_2096 = tpu.memref_squeeze %dma_start3A_2095 : memref<1x!tpu.dma_semaphore, #tpu.memory_space<semaphore_mem>> -> memref<!tpu.dma_semaphore, #tpu.memory_space<semaphore_mem>>
    tpu.enqueue_indirect_dma source(%dma_start3A_2094 : memref<1000000x64xf32, #tpu.memory_space<hbm>>) target(%dma_start3A_2088 : memref<50x64xf32, #tpu.memory_space<vmem>>) offsets(%dma_start3A_2091 : memref<50xi32, #tpu.memory_space<vmem>>) semaphore(%dma_start3A_2096 : memref<!tpu.dma_semaphore, #tpu.memory_space<semaphore_mem>>)
    %dma_start3A_2097 = arith.constant 111 : i32
    %dma_start3A_2098 = arith.constant 0 : i32
    %dma_start3A_2099 = arith.constant 15 : i32
    %dma_start3A_2100 = arith.constant 0 : i32
    %dma_start3A_2101 = arith.constant 0 : i32
    %dma_start3A_2102 = arith.constant 0 : i32
    %dma_start3A_2103 = tpu.memref_slice %arg6[%dma_start3A_2098, %dma_start3A_2099, %dma_start3A_2101, %dma_start3A_2102] : memref<2x16x50x64xf32, #tpu.memory_space<vmem>> -> memref<1x1x50x64xf32, #tpu.memory_space<vmem>>
    %dma_start3A_2104 = tpu.memref_squeeze %dma_start3A_2103 : memref<1x1x50x64xf32, #tpu.memory_space<vmem>> -> memref<50x64xf32, #tpu.memory_space<vmem>>
    %dma_start3A_2105 = arith.constant 0 : i32
    %dma_start3A_2106 = tpu.memref_slice %arg5[%dma_start3A_2097, %dma_start3A_2105] : memref<128x50xi32, #tpu.memory_space<vmem>> -> memref<1x50xi32, #tpu.memory_space<vmem>>
    %dma_start3A_2107 = tpu.memref_squeeze %dma_start3A_2106 : memref<1x50xi32, #tpu.memory_space<vmem>> -> memref<50xi32, #tpu.memory_space<vmem>>
    %dma_start3A_2108 = arith.constant 0 : i32
    %dma_start3A_2109 = arith.constant 0 : i32
    %dma_start3A_2110 = tpu.memref_slice %arg3[%dma_start3A_2108, %dma_start3A_2109] : memref<1000000x64xf32, #tpu.memory_space<hbm>> -> memref<1000000x64xf32, #tpu.memory_space<hbm>>
    %dma_start3A_2111 = tpu.memref_slice %arg7[%dma_start3A_2100] : memref<2x!tpu.dma_semaphore, #tpu.memory_space<semaphore_mem>> -> memref<1x!tpu.dma_semaphore, #tpu.memory_space<semaphore_mem>>
    %dma_start3A_2112 = tpu.memref_squeeze %dma_start3A_2111 : memref<1x!tpu.dma_semaphore, #tpu.memory_space<semaphore_mem>> -> memref<!tpu.dma_semaphore, #tpu.memory_space<semaphore_mem>>
    tpu.enqueue_indirect_dma source(%dma_start3A_2110 : memref<1000000x64xf32, #tpu.memory_space<hbm>>) target(%dma_start3A_2104 : memref<50x64xf32, #tpu.memory_space<vmem>>) offsets(%dma_start3A_2107 : memref<50xi32, #tpu.memory_space<vmem>>) semaphore(%dma_start3A_2112 : memref<!tpu.dma_semaphore, #tpu.memory_space<semaphore_mem>>)
    %dma_wait3A_2113 = arith.constant 1 : i32
    %dma_wait3A_2114 = arith.constant 1 : i32
    %dma_wait3A_2115 = arith.constant 0 : i32
    %dma_wait3A_2116 = arith.constant 0 : i32
    %dma_wait3A_2117 = arith.constant 0 : i32
    %dma_wait3A_2118 = tpu.memref_slice %arg6[%dma_wait3A_2113, %dma_wait3A_2115, %dma_wait3A_2116, %dma_wait3A_2117] : memref<2x16x50x64xf32, #tpu.memory_space<vmem>> -> memref<1x16x50x64xf32, #tpu.memory_space<vmem>>
    %dma_wait3A_2119 = tpu.memref_squeeze %dma_wait3A_2118 : memref<1x16x50x64xf32, #tpu.memory_space<vmem>> -> memref<16x50x64xf32, #tpu.memory_space<vmem>>
    %dma_wait3A_2120 = arith.constant 0 : i32
    %dma_wait3A_2121 = arith.constant 0 : i32
    %dma_wait3A_2122 = arith.constant 0 : i32
    %dma_wait3A_2123 = tpu.memref_slice %arg4[%dma_wait3A_2120, %dma_wait3A_2121, %dma_wait3A_2122] : memref<4096x50x64xf32, #tpu.memory_space<hbm>> -> memref<16x50x64xf32, #tpu.memory_space<hbm>>
    %dma_wait3A_2124 = tpu.memref_slice %arg7[%dma_wait3A_2114] : memref<2x!tpu.dma_semaphore, #tpu.memory_space<semaphore_mem>> -> memref<1x!tpu.dma_semaphore, #tpu.memory_space<semaphore_mem>>
    %dma_wait3A_2125 = tpu.memref_squeeze %dma_wait3A_2124 : memref<1x!tpu.dma_semaphore, #tpu.memory_space<semaphore_mem>> -> memref<!tpu.dma_semaphore, #tpu.memory_space<semaphore_mem>>
    %dma_wait3A_2126 = arith.constant 0 : i32
    %dma_wait3A_2127 = arith.constant 0 : i32
    %dma_wait3A_2128 = arith.constant 0 : i32
    %dma_wait3A_2129 = tpu.memref_slice %arg6[%dma_wait3A_2113, %dma_wait3A_2126, %dma_wait3A_2127, %dma_wait3A_2128] : memref<2x16x50x64xf32, #tpu.memory_space<vmem>> -> memref<1x16x50x64xf32, #tpu.memory_space<vmem>>
    %dma_wait3A_2130 = tpu.memref_squeeze %dma_wait3A_2129 : memref<1x16x50x64xf32, #tpu.memory_space<vmem>> -> memref<16x50x64xf32, #tpu.memory_space<vmem>>
    %dma_wait3A_2131 = arith.constant 0 : i32
    %dma_wait3A_2132 = arith.constant 0 : i32
    %dma_wait3A_2133 = arith.constant 0 : i32
    %dma_wait3A_2134 = tpu.memref_slice %arg4[%dma_wait3A_2131, %dma_wait3A_2132, %dma_wait3A_2133] : memref<4096x50x64xf32, #tpu.memory_space<hbm>> -> memref<16x50x64xf32, #tpu.memory_space<hbm>>
    tpu.wait_dma2 semaphore(%dma_wait3A_2125 : memref<!tpu.dma_semaphore, #tpu.memory_space<semaphore_mem>>) src(%dma_wait3A_2134 : memref<16x50x64xf32, #tpu.memory_space<hbm>>) dst(%dma_wait3A_2130 : memref<16x50x64xf32, #tpu.memory_space<vmem>>)
    %add3A_2135 = arith.constant 80 : i32
    %add3A_2136 = arith.addi %mul3A_2, %add3A_2135 : i32
    %dma_start3A_2137 = arith.constant 1 : i32
    %dma_start3A_2138 = arith.constant 1 : i32
    %dma_start3A_2139 = arith.constant 0 : i32
    %dma_start3A_2140 = arith.constant 0 : i32
    %dma_start3A_2141 = arith.constant 0 : i32
    %dma_start3A_2142 = tpu.memref_slice %arg6[%dma_start3A_2137, %dma_start3A_2139, %dma_start3A_2140, %dma_start3A_2141] : memref<2x16x50x64xf32, #tpu.memory_space<vmem>> -> memref<1x16x50x64xf32, #tpu.memory_space<vmem>>
    %dma_start3A_2143 = tpu.memref_squeeze %dma_start3A_2142 : memref<1x16x50x64xf32, #tpu.memory_space<vmem>> -> memref<16x50x64xf32, #tpu.memory_space<vmem>>
    %dma_start3A_2144 = arith.constant 0 : i32
    %dma_start3A_2145 = arith.constant 0 : i32
    %dma_start3A_2146 = tpu.memref_slice %arg4[%add3A_2136, %dma_start3A_2144, %dma_start3A_2145] : memref<4096x50x64xf32, #tpu.memory_space<hbm>> -> memref<16x50x64xf32, #tpu.memory_space<hbm>>
    %dma_start3A_2147 = tpu.memref_slice %arg8[%dma_start3A_2138] : memref<2x!tpu.dma_semaphore, #tpu.memory_space<semaphore_mem>> -> memref<1x!tpu.dma_semaphore, #tpu.memory_space<semaphore_mem>>
    %dma_start3A_2148 = tpu.memref_squeeze %dma_start3A_2147 : memref<1x!tpu.dma_semaphore, #tpu.memory_space<semaphore_mem>> -> memref<!tpu.dma_semaphore, #tpu.memory_space<semaphore_mem>>
    %dma_start3A_2149 = arith.constant 0 : i32
    %dma_start3A_2150 = arith.constant 0 : i32
    %dma_start3A_2151 = tpu.memref_slice %arg4[%add3A_2136, %dma_start3A_2149, %dma_start3A_2150] : memref<4096x50x64xf32, #tpu.memory_space<hbm>> -> memref<16x50x64xf32, #tpu.memory_space<hbm>>
    %dma_start3A_2152 = arith.constant 0 : i32
    %dma_start3A_2153 = arith.constant 0 : i32
    %dma_start3A_2154 = arith.constant 0 : i32
    %dma_start3A_2155 = tpu.memref_slice %arg6[%dma_start3A_2137, %dma_start3A_2152, %dma_start3A_2153, %dma_start3A_2154] : memref<2x16x50x64xf32, #tpu.memory_space<vmem>> -> memref<1x16x50x64xf32, #tpu.memory_space<vmem>>
    %dma_start3A_2156 = tpu.memref_squeeze %dma_start3A_2155 : memref<1x16x50x64xf32, #tpu.memory_space<vmem>> -> memref<16x50x64xf32, #tpu.memory_space<vmem>>
    tpu.enqueue_dma source(%dma_start3A_2156 : memref<16x50x64xf32, #tpu.memory_space<vmem>>) target(%dma_start3A_2151 : memref<16x50x64xf32, #tpu.memory_space<hbm>>) target_semaphore(%dma_start3A_2148 : memref<!tpu.dma_semaphore, #tpu.memory_space<semaphore_mem>>)
    %dma_wait3A_2157 = arith.constant 1 : i32
    %dma_wait3A_2158 = arith.constant 1 : i32
    %dma_wait3A_2159 = arith.constant 0 : i32
    %dma_wait3A_2160 = arith.constant 0 : i32
    %dma_wait3A_2161 = arith.constant 0 : i32
    %dma_wait3A_2162 = tpu.memref_slice %arg6[%dma_wait3A_2157, %dma_wait3A_2159, %dma_wait3A_2160, %dma_wait3A_2161] : memref<2x16x50x64xf32, #tpu.memory_space<vmem>> -> memref<1x16x50x64xf32, #tpu.memory_space<vmem>>
    %dma_wait3A_2163 = tpu.memref_squeeze %dma_wait3A_2162 : memref<1x16x50x64xf32, #tpu.memory_space<vmem>> -> memref<16x50x64xf32, #tpu.memory_space<vmem>>
    %dma_wait3A_2164 = arith.constant 0 : i32
    %dma_wait3A_2165 = arith.constant 0 : i32
    %dma_wait3A_2166 = tpu.memref_slice %arg4[%mul3A_2, %dma_wait3A_2164, %dma_wait3A_2165] : memref<4096x50x64xf32, #tpu.memory_space<hbm>> -> memref<16x50x64xf32, #tpu.memory_space<hbm>>
    %dma_wait3A_2167 = tpu.memref_slice %arg8[%dma_wait3A_2158] : memref<2x!tpu.dma_semaphore, #tpu.memory_space<semaphore_mem>> -> memref<1x!tpu.dma_semaphore, #tpu.memory_space<semaphore_mem>>
    %dma_wait3A_2168 = tpu.memref_squeeze %dma_wait3A_2167 : memref<1x!tpu.dma_semaphore, #tpu.memory_space<semaphore_mem>> -> memref<!tpu.dma_semaphore, #tpu.memory_space<semaphore_mem>>
    %dma_wait3A_2169 = arith.constant 0 : i32
    %dma_wait3A_2170 = arith.constant 0 : i32
    %dma_wait3A_2171 = tpu.memref_slice %arg4[%mul3A_2, %dma_wait3A_2169, %dma_wait3A_2170] : memref<4096x50x64xf32, #tpu.memory_space<hbm>> -> memref<16x50x64xf32, #tpu.memory_space<hbm>>
    %dma_wait3A_2172 = arith.constant 0 : i32
    %dma_wait3A_2173 = arith.constant 0 : i32
    %dma_wait3A_2174 = arith.constant 0 : i32
    %dma_wait3A_2175 = tpu.memref_slice %arg6[%dma_wait3A_2157, %dma_wait3A_2172, %dma_wait3A_2173, %dma_wait3A_2174] : memref<2x16x50x64xf32, #tpu.memory_space<vmem>> -> memref<1x16x50x64xf32, #tpu.memory_space<vmem>>
    %dma_wait3A_2176 = tpu.memref_squeeze %dma_wait3A_2175 : memref<1x16x50x64xf32, #tpu.memory_space<vmem>> -> memref<16x50x64xf32, #tpu.memory_space<vmem>>
    tpu.wait_dma2 semaphore(%dma_wait3A_2168 : memref<!tpu.dma_semaphore, #tpu.memory_space<semaphore_mem>>) src(%dma_wait3A_2176 : memref<16x50x64xf32, #tpu.memory_space<vmem>>) dst(%dma_wait3A_2171 : memref<16x50x64xf32, #tpu.memory_space<hbm>>)
    %dma_start3A_2177 = arith.constant 112 : i32
    %dma_start3A_2178 = arith.constant 1 : i32
    %dma_start3A_2179 = arith.constant 0 : i32
    %dma_start3A_2180 = arith.constant 1 : i32
    %dma_start3A_2181 = arith.constant 0 : i32
    %dma_start3A_2182 = arith.constant 0 : i32
    %dma_start3A_2183 = tpu.memref_slice %arg6[%dma_start3A_2178, %dma_start3A_2179, %dma_start3A_2181, %dma_start3A_2182] : memref<2x16x50x64xf32, #tpu.memory_space<vmem>> -> memref<1x1x50x64xf32, #tpu.memory_space<vmem>>
    %dma_start3A_2184 = tpu.memref_squeeze %dma_start3A_2183 : memref<1x1x50x64xf32, #tpu.memory_space<vmem>> -> memref<50x64xf32, #tpu.memory_space<vmem>>
    %dma_start3A_2185 = arith.constant 0 : i32
    %dma_start3A_2186 = tpu.memref_slice %arg5[%dma_start3A_2177, %dma_start3A_2185] : memref<128x50xi32, #tpu.memory_space<vmem>> -> memref<1x50xi32, #tpu.memory_space<vmem>>
    %dma_start3A_2187 = tpu.memref_squeeze %dma_start3A_2186 : memref<1x50xi32, #tpu.memory_space<vmem>> -> memref<50xi32, #tpu.memory_space<vmem>>
    %dma_start3A_2188 = arith.constant 0 : i32
    %dma_start3A_2189 = arith.constant 0 : i32
    %dma_start3A_2190 = tpu.memref_slice %arg3[%dma_start3A_2188, %dma_start3A_2189] : memref<1000000x64xf32, #tpu.memory_space<hbm>> -> memref<1000000x64xf32, #tpu.memory_space<hbm>>
    %dma_start3A_2191 = tpu.memref_slice %arg7[%dma_start3A_2180] : memref<2x!tpu.dma_semaphore, #tpu.memory_space<semaphore_mem>> -> memref<1x!tpu.dma_semaphore, #tpu.memory_space<semaphore_mem>>
    %dma_start3A_2192 = tpu.memref_squeeze %dma_start3A_2191 : memref<1x!tpu.dma_semaphore, #tpu.memory_space<semaphore_mem>> -> memref<!tpu.dma_semaphore, #tpu.memory_space<semaphore_mem>>
    tpu.enqueue_indirect_dma source(%dma_start3A_2190 : memref<1000000x64xf32, #tpu.memory_space<hbm>>) target(%dma_start3A_2184 : memref<50x64xf32, #tpu.memory_space<vmem>>) offsets(%dma_start3A_2187 : memref<50xi32, #tpu.memory_space<vmem>>) semaphore(%dma_start3A_2192 : memref<!tpu.dma_semaphore, #tpu.memory_space<semaphore_mem>>)
    %dma_start3A_2193 = arith.constant 113 : i32
    %dma_start3A_2194 = arith.constant 1 : i32
    %dma_start3A_2195 = arith.constant 1 : i32
    %dma_start3A_2196 = arith.constant 1 : i32
    %dma_start3A_2197 = arith.constant 0 : i32
    %dma_start3A_2198 = arith.constant 0 : i32
    %dma_start3A_2199 = tpu.memref_slice %arg6[%dma_start3A_2194, %dma_start3A_2195, %dma_start3A_2197, %dma_start3A_2198] : memref<2x16x50x64xf32, #tpu.memory_space<vmem>> -> memref<1x1x50x64xf32, #tpu.memory_space<vmem>>
    %dma_start3A_2200 = tpu.memref_squeeze %dma_start3A_2199 : memref<1x1x50x64xf32, #tpu.memory_space<vmem>> -> memref<50x64xf32, #tpu.memory_space<vmem>>
    %dma_start3A_2201 = arith.constant 0 : i32
    %dma_start3A_2202 = tpu.memref_slice %arg5[%dma_start3A_2193, %dma_start3A_2201] : memref<128x50xi32, #tpu.memory_space<vmem>> -> memref<1x50xi32, #tpu.memory_space<vmem>>
    %dma_start3A_2203 = tpu.memref_squeeze %dma_start3A_2202 : memref<1x50xi32, #tpu.memory_space<vmem>> -> memref<50xi32, #tpu.memory_space<vmem>>
    %dma_start3A_2204 = arith.constant 0 : i32
    %dma_start3A_2205 = arith.constant 0 : i32
    %dma_start3A_2206 = tpu.memref_slice %arg3[%dma_start3A_2204, %dma_start3A_2205] : memref<1000000x64xf32, #tpu.memory_space<hbm>> -> memref<1000000x64xf32, #tpu.memory_space<hbm>>
    %dma_start3A_2207 = tpu.memref_slice %arg7[%dma_start3A_2196] : memref<2x!tpu.dma_semaphore, #tpu.memory_space<semaphore_mem>> -> memref<1x!tpu.dma_semaphore, #tpu.memory_space<semaphore_mem>>
    %dma_start3A_2208 = tpu.memref_squeeze %dma_start3A_2207 : memref<1x!tpu.dma_semaphore, #tpu.memory_space<semaphore_mem>> -> memref<!tpu.dma_semaphore, #tpu.memory_space<semaphore_mem>>
    tpu.enqueue_indirect_dma source(%dma_start3A_2206 : memref<1000000x64xf32, #tpu.memory_space<hbm>>) target(%dma_start3A_2200 : memref<50x64xf32, #tpu.memory_space<vmem>>) offsets(%dma_start3A_2203 : memref<50xi32, #tpu.memory_space<vmem>>) semaphore(%dma_start3A_2208 : memref<!tpu.dma_semaphore, #tpu.memory_space<semaphore_mem>>)
    %dma_start3A_2209 = arith.constant 114 : i32
    %dma_start3A_2210 = arith.constant 1 : i32
    %dma_start3A_2211 = arith.constant 2 : i32
    %dma_start3A_2212 = arith.constant 1 : i32
    %dma_start3A_2213 = arith.constant 0 : i32
    %dma_start3A_2214 = arith.constant 0 : i32
    %dma_start3A_2215 = tpu.memref_slice %arg6[%dma_start3A_2210, %dma_start3A_2211, %dma_start3A_2213, %dma_start3A_2214] : memref<2x16x50x64xf32, #tpu.memory_space<vmem>> -> memref<1x1x50x64xf32, #tpu.memory_space<vmem>>
    %dma_start3A_2216 = tpu.memref_squeeze %dma_start3A_2215 : memref<1x1x50x64xf32, #tpu.memory_space<vmem>> -> memref<50x64xf32, #tpu.memory_space<vmem>>
    %dma_start3A_2217 = arith.constant 0 : i32
    %dma_start3A_2218 = tpu.memref_slice %arg5[%dma_start3A_2209, %dma_start3A_2217] : memref<128x50xi32, #tpu.memory_space<vmem>> -> memref<1x50xi32, #tpu.memory_space<vmem>>
    %dma_start3A_2219 = tpu.memref_squeeze %dma_start3A_2218 : memref<1x50xi32, #tpu.memory_space<vmem>> -> memref<50xi32, #tpu.memory_space<vmem>>
    %dma_start3A_2220 = arith.constant 0 : i32
    %dma_start3A_2221 = arith.constant 0 : i32
    %dma_start3A_2222 = tpu.memref_slice %arg3[%dma_start3A_2220, %dma_start3A_2221] : memref<1000000x64xf32, #tpu.memory_space<hbm>> -> memref<1000000x64xf32, #tpu.memory_space<hbm>>
    %dma_start3A_2223 = tpu.memref_slice %arg7[%dma_start3A_2212] : memref<2x!tpu.dma_semaphore, #tpu.memory_space<semaphore_mem>> -> memref<1x!tpu.dma_semaphore, #tpu.memory_space<semaphore_mem>>
    %dma_start3A_2224 = tpu.memref_squeeze %dma_start3A_2223 : memref<1x!tpu.dma_semaphore, #tpu.memory_space<semaphore_mem>> -> memref<!tpu.dma_semaphore, #tpu.memory_space<semaphore_mem>>
    tpu.enqueue_indirect_dma source(%dma_start3A_2222 : memref<1000000x64xf32, #tpu.memory_space<hbm>>) target(%dma_start3A_2216 : memref<50x64xf32, #tpu.memory_space<vmem>>) offsets(%dma_start3A_2219 : memref<50xi32, #tpu.memory_space<vmem>>) semaphore(%dma_start3A_2224 : memref<!tpu.dma_semaphore, #tpu.memory_space<semaphore_mem>>)
    %dma_start3A_2225 = arith.constant 115 : i32
    %dma_start3A_2226 = arith.constant 1 : i32
    %dma_start3A_2227 = arith.constant 3 : i32
    %dma_start3A_2228 = arith.constant 1 : i32
    %dma_start3A_2229 = arith.constant 0 : i32
    %dma_start3A_2230 = arith.constant 0 : i32
    %dma_start3A_2231 = tpu.memref_slice %arg6[%dma_start3A_2226, %dma_start3A_2227, %dma_start3A_2229, %dma_start3A_2230] : memref<2x16x50x64xf32, #tpu.memory_space<vmem>> -> memref<1x1x50x64xf32, #tpu.memory_space<vmem>>
    %dma_start3A_2232 = tpu.memref_squeeze %dma_start3A_2231 : memref<1x1x50x64xf32, #tpu.memory_space<vmem>> -> memref<50x64xf32, #tpu.memory_space<vmem>>
    %dma_start3A_2233 = arith.constant 0 : i32
    %dma_start3A_2234 = tpu.memref_slice %arg5[%dma_start3A_2225, %dma_start3A_2233] : memref<128x50xi32, #tpu.memory_space<vmem>> -> memref<1x50xi32, #tpu.memory_space<vmem>>
    %dma_start3A_2235 = tpu.memref_squeeze %dma_start3A_2234 : memref<1x50xi32, #tpu.memory_space<vmem>> -> memref<50xi32, #tpu.memory_space<vmem>>
    %dma_start3A_2236 = arith.constant 0 : i32
    %dma_start3A_2237 = arith.constant 0 : i32
    %dma_start3A_2238 = tpu.memref_slice %arg3[%dma_start3A_2236, %dma_start3A_2237] : memref<1000000x64xf32, #tpu.memory_space<hbm>> -> memref<1000000x64xf32, #tpu.memory_space<hbm>>
    %dma_start3A_2239 = tpu.memref_slice %arg7[%dma_start3A_2228] : memref<2x!tpu.dma_semaphore, #tpu.memory_space<semaphore_mem>> -> memref<1x!tpu.dma_semaphore, #tpu.memory_space<semaphore_mem>>
    %dma_start3A_2240 = tpu.memref_squeeze %dma_start3A_2239 : memref<1x!tpu.dma_semaphore, #tpu.memory_space<semaphore_mem>> -> memref<!tpu.dma_semaphore, #tpu.memory_space<semaphore_mem>>
    tpu.enqueue_indirect_dma source(%dma_start3A_2238 : memref<1000000x64xf32, #tpu.memory_space<hbm>>) target(%dma_start3A_2232 : memref<50x64xf32, #tpu.memory_space<vmem>>) offsets(%dma_start3A_2235 : memref<50xi32, #tpu.memory_space<vmem>>) semaphore(%dma_start3A_2240 : memref<!tpu.dma_semaphore, #tpu.memory_space<semaphore_mem>>)
    %dma_start3A_2241 = arith.constant 116 : i32
    %dma_start3A_2242 = arith.constant 1 : i32
    %dma_start3A_2243 = arith.constant 4 : i32
    %dma_start3A_2244 = arith.constant 1 : i32
    %dma_start3A_2245 = arith.constant 0 : i32
    %dma_start3A_2246 = arith.constant 0 : i32
    %dma_start3A_2247 = tpu.memref_slice %arg6[%dma_start3A_2242, %dma_start3A_2243, %dma_start3A_2245, %dma_start3A_2246] : memref<2x16x50x64xf32, #tpu.memory_space<vmem>> -> memref<1x1x50x64xf32, #tpu.memory_space<vmem>>
    %dma_start3A_2248 = tpu.memref_squeeze %dma_start3A_2247 : memref<1x1x50x64xf32, #tpu.memory_space<vmem>> -> memref<50x64xf32, #tpu.memory_space<vmem>>
    %dma_start3A_2249 = arith.constant 0 : i32
    %dma_start3A_2250 = tpu.memref_slice %arg5[%dma_start3A_2241, %dma_start3A_2249] : memref<128x50xi32, #tpu.memory_space<vmem>> -> memref<1x50xi32, #tpu.memory_space<vmem>>
    %dma_start3A_2251 = tpu.memref_squeeze %dma_start3A_2250 : memref<1x50xi32, #tpu.memory_space<vmem>> -> memref<50xi32, #tpu.memory_space<vmem>>
    %dma_start3A_2252 = arith.constant 0 : i32
    %dma_start3A_2253 = arith.constant 0 : i32
    %dma_start3A_2254 = tpu.memref_slice %arg3[%dma_start3A_2252, %dma_start3A_2253] : memref<1000000x64xf32, #tpu.memory_space<hbm>> -> memref<1000000x64xf32, #tpu.memory_space<hbm>>
    %dma_start3A_2255 = tpu.memref_slice %arg7[%dma_start3A_2244] : memref<2x!tpu.dma_semaphore, #tpu.memory_space<semaphore_mem>> -> memref<1x!tpu.dma_semaphore, #tpu.memory_space<semaphore_mem>>
    %dma_start3A_2256 = tpu.memref_squeeze %dma_start3A_2255 : memref<1x!tpu.dma_semaphore, #tpu.memory_space<semaphore_mem>> -> memref<!tpu.dma_semaphore, #tpu.memory_space<semaphore_mem>>
    tpu.enqueue_indirect_dma source(%dma_start3A_2254 : memref<1000000x64xf32, #tpu.memory_space<hbm>>) target(%dma_start3A_2248 : memref<50x64xf32, #tpu.memory_space<vmem>>) offsets(%dma_start3A_2251 : memref<50xi32, #tpu.memory_space<vmem>>) semaphore(%dma_start3A_2256 : memref<!tpu.dma_semaphore, #tpu.memory_space<semaphore_mem>>)
    %dma_start3A_2257 = arith.constant 117 : i32
    %dma_start3A_2258 = arith.constant 1 : i32
    %dma_start3A_2259 = arith.constant 5 : i32
    %dma_start3A_2260 = arith.constant 1 : i32
    %dma_start3A_2261 = arith.constant 0 : i32
    %dma_start3A_2262 = arith.constant 0 : i32
    %dma_start3A_2263 = tpu.memref_slice %arg6[%dma_start3A_2258, %dma_start3A_2259, %dma_start3A_2261, %dma_start3A_2262] : memref<2x16x50x64xf32, #tpu.memory_space<vmem>> -> memref<1x1x50x64xf32, #tpu.memory_space<vmem>>
    %dma_start3A_2264 = tpu.memref_squeeze %dma_start3A_2263 : memref<1x1x50x64xf32, #tpu.memory_space<vmem>> -> memref<50x64xf32, #tpu.memory_space<vmem>>
    %dma_start3A_2265 = arith.constant 0 : i32
    %dma_start3A_2266 = tpu.memref_slice %arg5[%dma_start3A_2257, %dma_start3A_2265] : memref<128x50xi32, #tpu.memory_space<vmem>> -> memref<1x50xi32, #tpu.memory_space<vmem>>
    %dma_start3A_2267 = tpu.memref_squeeze %dma_start3A_2266 : memref<1x50xi32, #tpu.memory_space<vmem>> -> memref<50xi32, #tpu.memory_space<vmem>>
    %dma_start3A_2268 = arith.constant 0 : i32
    %dma_start3A_2269 = arith.constant 0 : i32
    %dma_start3A_2270 = tpu.memref_slice %arg3[%dma_start3A_2268, %dma_start3A_2269] : memref<1000000x64xf32, #tpu.memory_space<hbm>> -> memref<1000000x64xf32, #tpu.memory_space<hbm>>
    %dma_start3A_2271 = tpu.memref_slice %arg7[%dma_start3A_2260] : memref<2x!tpu.dma_semaphore, #tpu.memory_space<semaphore_mem>> -> memref<1x!tpu.dma_semaphore, #tpu.memory_space<semaphore_mem>>
    %dma_start3A_2272 = tpu.memref_squeeze %dma_start3A_2271 : memref<1x!tpu.dma_semaphore, #tpu.memory_space<semaphore_mem>> -> memref<!tpu.dma_semaphore, #tpu.memory_space<semaphore_mem>>
    tpu.enqueue_indirect_dma source(%dma_start3A_2270 : memref<1000000x64xf32, #tpu.memory_space<hbm>>) target(%dma_start3A_2264 : memref<50x64xf32, #tpu.memory_space<vmem>>) offsets(%dma_start3A_2267 : memref<50xi32, #tpu.memory_space<vmem>>) semaphore(%dma_start3A_2272 : memref<!tpu.dma_semaphore, #tpu.memory_space<semaphore_mem>>)
    %dma_start3A_2273 = arith.constant 118 : i32
    %dma_start3A_2274 = arith.constant 1 : i32
    %dma_start3A_2275 = arith.constant 6 : i32
    %dma_start3A_2276 = arith.constant 1 : i32
    %dma_start3A_2277 = arith.constant 0 : i32
    %dma_start3A_2278 = arith.constant 0 : i32
    %dma_start3A_2279 = tpu.memref_slice %arg6[%dma_start3A_2274, %dma_start3A_2275, %dma_start3A_2277, %dma_start3A_2278] : memref<2x16x50x64xf32, #tpu.memory_space<vmem>> -> memref<1x1x50x64xf32, #tpu.memory_space<vmem>>
    %dma_start3A_2280 = tpu.memref_squeeze %dma_start3A_2279 : memref<1x1x50x64xf32, #tpu.memory_space<vmem>> -> memref<50x64xf32, #tpu.memory_space<vmem>>
    %dma_start3A_2281 = arith.constant 0 : i32
    %dma_start3A_2282 = tpu.memref_slice %arg5[%dma_start3A_2273, %dma_start3A_2281] : memref<128x50xi32, #tpu.memory_space<vmem>> -> memref<1x50xi32, #tpu.memory_space<vmem>>
    %dma_start3A_2283 = tpu.memref_squeeze %dma_start3A_2282 : memref<1x50xi32, #tpu.memory_space<vmem>> -> memref<50xi32, #tpu.memory_space<vmem>>
    %dma_start3A_2284 = arith.constant 0 : i32
    %dma_start3A_2285 = arith.constant 0 : i32
    %dma_start3A_2286 = tpu.memref_slice %arg3[%dma_start3A_2284, %dma_start3A_2285] : memref<1000000x64xf32, #tpu.memory_space<hbm>> -> memref<1000000x64xf32, #tpu.memory_space<hbm>>
    %dma_start3A_2287 = tpu.memref_slice %arg7[%dma_start3A_2276] : memref<2x!tpu.dma_semaphore, #tpu.memory_space<semaphore_mem>> -> memref<1x!tpu.dma_semaphore, #tpu.memory_space<semaphore_mem>>
    %dma_start3A_2288 = tpu.memref_squeeze %dma_start3A_2287 : memref<1x!tpu.dma_semaphore, #tpu.memory_space<semaphore_mem>> -> memref<!tpu.dma_semaphore, #tpu.memory_space<semaphore_mem>>
    tpu.enqueue_indirect_dma source(%dma_start3A_2286 : memref<1000000x64xf32, #tpu.memory_space<hbm>>) target(%dma_start3A_2280 : memref<50x64xf32, #tpu.memory_space<vmem>>) offsets(%dma_start3A_2283 : memref<50xi32, #tpu.memory_space<vmem>>) semaphore(%dma_start3A_2288 : memref<!tpu.dma_semaphore, #tpu.memory_space<semaphore_mem>>)
    %dma_start3A_2289 = arith.constant 119 : i32
    %dma_start3A_2290 = arith.constant 1 : i32
    %dma_start3A_2291 = arith.constant 7 : i32
    %dma_start3A_2292 = arith.constant 1 : i32
    %dma_start3A_2293 = arith.constant 0 : i32
    %dma_start3A_2294 = arith.constant 0 : i32
    %dma_start3A_2295 = tpu.memref_slice %arg6[%dma_start3A_2290, %dma_start3A_2291, %dma_start3A_2293, %dma_start3A_2294] : memref<2x16x50x64xf32, #tpu.memory_space<vmem>> -> memref<1x1x50x64xf32, #tpu.memory_space<vmem>>
    %dma_start3A_2296 = tpu.memref_squeeze %dma_start3A_2295 : memref<1x1x50x64xf32, #tpu.memory_space<vmem>> -> memref<50x64xf32, #tpu.memory_space<vmem>>
    %dma_start3A_2297 = arith.constant 0 : i32
    %dma_start3A_2298 = tpu.memref_slice %arg5[%dma_start3A_2289, %dma_start3A_2297] : memref<128x50xi32, #tpu.memory_space<vmem>> -> memref<1x50xi32, #tpu.memory_space<vmem>>
    %dma_start3A_2299 = tpu.memref_squeeze %dma_start3A_2298 : memref<1x50xi32, #tpu.memory_space<vmem>> -> memref<50xi32, #tpu.memory_space<vmem>>
    %dma_start3A_2300 = arith.constant 0 : i32
    %dma_start3A_2301 = arith.constant 0 : i32
    %dma_start3A_2302 = tpu.memref_slice %arg3[%dma_start3A_2300, %dma_start3A_2301] : memref<1000000x64xf32, #tpu.memory_space<hbm>> -> memref<1000000x64xf32, #tpu.memory_space<hbm>>
    %dma_start3A_2303 = tpu.memref_slice %arg7[%dma_start3A_2292] : memref<2x!tpu.dma_semaphore, #tpu.memory_space<semaphore_mem>> -> memref<1x!tpu.dma_semaphore, #tpu.memory_space<semaphore_mem>>
    %dma_start3A_2304 = tpu.memref_squeeze %dma_start3A_2303 : memref<1x!tpu.dma_semaphore, #tpu.memory_space<semaphore_mem>> -> memref<!tpu.dma_semaphore, #tpu.memory_space<semaphore_mem>>
    tpu.enqueue_indirect_dma source(%dma_start3A_2302 : memref<1000000x64xf32, #tpu.memory_space<hbm>>) target(%dma_start3A_2296 : memref<50x64xf32, #tpu.memory_space<vmem>>) offsets(%dma_start3A_2299 : memref<50xi32, #tpu.memory_space<vmem>>) semaphore(%dma_start3A_2304 : memref<!tpu.dma_semaphore, #tpu.memory_space<semaphore_mem>>)
    %dma_start3A_2305 = arith.constant 120 : i32
    %dma_start3A_2306 = arith.constant 1 : i32
    %dma_start3A_2307 = arith.constant 8 : i32
    %dma_start3A_2308 = arith.constant 1 : i32
    %dma_start3A_2309 = arith.constant 0 : i32
    %dma_start3A_2310 = arith.constant 0 : i32
    %dma_start3A_2311 = tpu.memref_slice %arg6[%dma_start3A_2306, %dma_start3A_2307, %dma_start3A_2309, %dma_start3A_2310] : memref<2x16x50x64xf32, #tpu.memory_space<vmem>> -> memref<1x1x50x64xf32, #tpu.memory_space<vmem>>
    %dma_start3A_2312 = tpu.memref_squeeze %dma_start3A_2311 : memref<1x1x50x64xf32, #tpu.memory_space<vmem>> -> memref<50x64xf32, #tpu.memory_space<vmem>>
    %dma_start3A_2313 = arith.constant 0 : i32
    %dma_start3A_2314 = tpu.memref_slice %arg5[%dma_start3A_2305, %dma_start3A_2313] : memref<128x50xi32, #tpu.memory_space<vmem>> -> memref<1x50xi32, #tpu.memory_space<vmem>>
    %dma_start3A_2315 = tpu.memref_squeeze %dma_start3A_2314 : memref<1x50xi32, #tpu.memory_space<vmem>> -> memref<50xi32, #tpu.memory_space<vmem>>
    %dma_start3A_2316 = arith.constant 0 : i32
    %dma_start3A_2317 = arith.constant 0 : i32
    %dma_start3A_2318 = tpu.memref_slice %arg3[%dma_start3A_2316, %dma_start3A_2317] : memref<1000000x64xf32, #tpu.memory_space<hbm>> -> memref<1000000x64xf32, #tpu.memory_space<hbm>>
    %dma_start3A_2319 = tpu.memref_slice %arg7[%dma_start3A_2308] : memref<2x!tpu.dma_semaphore, #tpu.memory_space<semaphore_mem>> -> memref<1x!tpu.dma_semaphore, #tpu.memory_space<semaphore_mem>>
    %dma_start3A_2320 = tpu.memref_squeeze %dma_start3A_2319 : memref<1x!tpu.dma_semaphore, #tpu.memory_space<semaphore_mem>> -> memref<!tpu.dma_semaphore, #tpu.memory_space<semaphore_mem>>
    tpu.enqueue_indirect_dma source(%dma_start3A_2318 : memref<1000000x64xf32, #tpu.memory_space<hbm>>) target(%dma_start3A_2312 : memref<50x64xf32, #tpu.memory_space<vmem>>) offsets(%dma_start3A_2315 : memref<50xi32, #tpu.memory_space<vmem>>) semaphore(%dma_start3A_2320 : memref<!tpu.dma_semaphore, #tpu.memory_space<semaphore_mem>>)
    %dma_start3A_2321 = arith.constant 121 : i32
    %dma_start3A_2322 = arith.constant 1 : i32
    %dma_start3A_2323 = arith.constant 9 : i32
    %dma_start3A_2324 = arith.constant 1 : i32
    %dma_start3A_2325 = arith.constant 0 : i32
    %dma_start3A_2326 = arith.constant 0 : i32
    %dma_start3A_2327 = tpu.memref_slice %arg6[%dma_start3A_2322, %dma_start3A_2323, %dma_start3A_2325, %dma_start3A_2326] : memref<2x16x50x64xf32, #tpu.memory_space<vmem>> -> memref<1x1x50x64xf32, #tpu.memory_space<vmem>>
    %dma_start3A_2328 = tpu.memref_squeeze %dma_start3A_2327 : memref<1x1x50x64xf32, #tpu.memory_space<vmem>> -> memref<50x64xf32, #tpu.memory_space<vmem>>
    %dma_start3A_2329 = arith.constant 0 : i32
    %dma_start3A_2330 = tpu.memref_slice %arg5[%dma_start3A_2321, %dma_start3A_2329] : memref<128x50xi32, #tpu.memory_space<vmem>> -> memref<1x50xi32, #tpu.memory_space<vmem>>
    %dma_start3A_2331 = tpu.memref_squeeze %dma_start3A_2330 : memref<1x50xi32, #tpu.memory_space<vmem>> -> memref<50xi32, #tpu.memory_space<vmem>>
    %dma_start3A_2332 = arith.constant 0 : i32
    %dma_start3A_2333 = arith.constant 0 : i32
    %dma_start3A_2334 = tpu.memref_slice %arg3[%dma_start3A_2332, %dma_start3A_2333] : memref<1000000x64xf32, #tpu.memory_space<hbm>> -> memref<1000000x64xf32, #tpu.memory_space<hbm>>
    %dma_start3A_2335 = tpu.memref_slice %arg7[%dma_start3A_2324] : memref<2x!tpu.dma_semaphore, #tpu.memory_space<semaphore_mem>> -> memref<1x!tpu.dma_semaphore, #tpu.memory_space<semaphore_mem>>
    %dma_start3A_2336 = tpu.memref_squeeze %dma_start3A_2335 : memref<1x!tpu.dma_semaphore, #tpu.memory_space<semaphore_mem>> -> memref<!tpu.dma_semaphore, #tpu.memory_space<semaphore_mem>>
    tpu.enqueue_indirect_dma source(%dma_start3A_2334 : memref<1000000x64xf32, #tpu.memory_space<hbm>>) target(%dma_start3A_2328 : memref<50x64xf32, #tpu.memory_space<vmem>>) offsets(%dma_start3A_2331 : memref<50xi32, #tpu.memory_space<vmem>>) semaphore(%dma_start3A_2336 : memref<!tpu.dma_semaphore, #tpu.memory_space<semaphore_mem>>)
    %dma_start3A_2337 = arith.constant 122 : i32
    %dma_start3A_2338 = arith.constant 1 : i32
    %dma_start3A_2339 = arith.constant 10 : i32
    %dma_start3A_2340 = arith.constant 1 : i32
    %dma_start3A_2341 = arith.constant 0 : i32
    %dma_start3A_2342 = arith.constant 0 : i32
    %dma_start3A_2343 = tpu.memref_slice %arg6[%dma_start3A_2338, %dma_start3A_2339, %dma_start3A_2341, %dma_start3A_2342] : memref<2x16x50x64xf32, #tpu.memory_space<vmem>> -> memref<1x1x50x64xf32, #tpu.memory_space<vmem>>
    %dma_start3A_2344 = tpu.memref_squeeze %dma_start3A_2343 : memref<1x1x50x64xf32, #tpu.memory_space<vmem>> -> memref<50x64xf32, #tpu.memory_space<vmem>>
    %dma_start3A_2345 = arith.constant 0 : i32
    %dma_start3A_2346 = tpu.memref_slice %arg5[%dma_start3A_2337, %dma_start3A_2345] : memref<128x50xi32, #tpu.memory_space<vmem>> -> memref<1x50xi32, #tpu.memory_space<vmem>>
    %dma_start3A_2347 = tpu.memref_squeeze %dma_start3A_2346 : memref<1x50xi32, #tpu.memory_space<vmem>> -> memref<50xi32, #tpu.memory_space<vmem>>
    %dma_start3A_2348 = arith.constant 0 : i32
    %dma_start3A_2349 = arith.constant 0 : i32
    %dma_start3A_2350 = tpu.memref_slice %arg3[%dma_start3A_2348, %dma_start3A_2349] : memref<1000000x64xf32, #tpu.memory_space<hbm>> -> memref<1000000x64xf32, #tpu.memory_space<hbm>>
    %dma_start3A_2351 = tpu.memref_slice %arg7[%dma_start3A_2340] : memref<2x!tpu.dma_semaphore, #tpu.memory_space<semaphore_mem>> -> memref<1x!tpu.dma_semaphore, #tpu.memory_space<semaphore_mem>>
    %dma_start3A_2352 = tpu.memref_squeeze %dma_start3A_2351 : memref<1x!tpu.dma_semaphore, #tpu.memory_space<semaphore_mem>> -> memref<!tpu.dma_semaphore, #tpu.memory_space<semaphore_mem>>
    tpu.enqueue_indirect_dma source(%dma_start3A_2350 : memref<1000000x64xf32, #tpu.memory_space<hbm>>) target(%dma_start3A_2344 : memref<50x64xf32, #tpu.memory_space<vmem>>) offsets(%dma_start3A_2347 : memref<50xi32, #tpu.memory_space<vmem>>) semaphore(%dma_start3A_2352 : memref<!tpu.dma_semaphore, #tpu.memory_space<semaphore_mem>>)
    %dma_start3A_2353 = arith.constant 123 : i32
    %dma_start3A_2354 = arith.constant 1 : i32
    %dma_start3A_2355 = arith.constant 11 : i32
    %dma_start3A_2356 = arith.constant 1 : i32
    %dma_start3A_2357 = arith.constant 0 : i32
    %dma_start3A_2358 = arith.constant 0 : i32
    %dma_start3A_2359 = tpu.memref_slice %arg6[%dma_start3A_2354, %dma_start3A_2355, %dma_start3A_2357, %dma_start3A_2358] : memref<2x16x50x64xf32, #tpu.memory_space<vmem>> -> memref<1x1x50x64xf32, #tpu.memory_space<vmem>>
    %dma_start3A_2360 = tpu.memref_squeeze %dma_start3A_2359 : memref<1x1x50x64xf32, #tpu.memory_space<vmem>> -> memref<50x64xf32, #tpu.memory_space<vmem>>
    %dma_start3A_2361 = arith.constant 0 : i32
    %dma_start3A_2362 = tpu.memref_slice %arg5[%dma_start3A_2353, %dma_start3A_2361] : memref<128x50xi32, #tpu.memory_space<vmem>> -> memref<1x50xi32, #tpu.memory_space<vmem>>
    %dma_start3A_2363 = tpu.memref_squeeze %dma_start3A_2362 : memref<1x50xi32, #tpu.memory_space<vmem>> -> memref<50xi32, #tpu.memory_space<vmem>>
    %dma_start3A_2364 = arith.constant 0 : i32
    %dma_start3A_2365 = arith.constant 0 : i32
    %dma_start3A_2366 = tpu.memref_slice %arg3[%dma_start3A_2364, %dma_start3A_2365] : memref<1000000x64xf32, #tpu.memory_space<hbm>> -> memref<1000000x64xf32, #tpu.memory_space<hbm>>
    %dma_start3A_2367 = tpu.memref_slice %arg7[%dma_start3A_2356] : memref<2x!tpu.dma_semaphore, #tpu.memory_space<semaphore_mem>> -> memref<1x!tpu.dma_semaphore, #tpu.memory_space<semaphore_mem>>
    %dma_start3A_2368 = tpu.memref_squeeze %dma_start3A_2367 : memref<1x!tpu.dma_semaphore, #tpu.memory_space<semaphore_mem>> -> memref<!tpu.dma_semaphore, #tpu.memory_space<semaphore_mem>>
    tpu.enqueue_indirect_dma source(%dma_start3A_2366 : memref<1000000x64xf32, #tpu.memory_space<hbm>>) target(%dma_start3A_2360 : memref<50x64xf32, #tpu.memory_space<vmem>>) offsets(%dma_start3A_2363 : memref<50xi32, #tpu.memory_space<vmem>>) semaphore(%dma_start3A_2368 : memref<!tpu.dma_semaphore, #tpu.memory_space<semaphore_mem>>)
    %dma_start3A_2369 = arith.constant 124 : i32
    %dma_start3A_2370 = arith.constant 1 : i32
    %dma_start3A_2371 = arith.constant 12 : i32
    %dma_start3A_2372 = arith.constant 1 : i32
    %dma_start3A_2373 = arith.constant 0 : i32
    %dma_start3A_2374 = arith.constant 0 : i32
    %dma_start3A_2375 = tpu.memref_slice %arg6[%dma_start3A_2370, %dma_start3A_2371, %dma_start3A_2373, %dma_start3A_2374] : memref<2x16x50x64xf32, #tpu.memory_space<vmem>> -> memref<1x1x50x64xf32, #tpu.memory_space<vmem>>
    %dma_start3A_2376 = tpu.memref_squeeze %dma_start3A_2375 : memref<1x1x50x64xf32, #tpu.memory_space<vmem>> -> memref<50x64xf32, #tpu.memory_space<vmem>>
    %dma_start3A_2377 = arith.constant 0 : i32
    %dma_start3A_2378 = tpu.memref_slice %arg5[%dma_start3A_2369, %dma_start3A_2377] : memref<128x50xi32, #tpu.memory_space<vmem>> -> memref<1x50xi32, #tpu.memory_space<vmem>>
    %dma_start3A_2379 = tpu.memref_squeeze %dma_start3A_2378 : memref<1x50xi32, #tpu.memory_space<vmem>> -> memref<50xi32, #tpu.memory_space<vmem>>
    %dma_start3A_2380 = arith.constant 0 : i32
    %dma_start3A_2381 = arith.constant 0 : i32
    %dma_start3A_2382 = tpu.memref_slice %arg3[%dma_start3A_2380, %dma_start3A_2381] : memref<1000000x64xf32, #tpu.memory_space<hbm>> -> memref<1000000x64xf32, #tpu.memory_space<hbm>>
    %dma_start3A_2383 = tpu.memref_slice %arg7[%dma_start3A_2372] : memref<2x!tpu.dma_semaphore, #tpu.memory_space<semaphore_mem>> -> memref<1x!tpu.dma_semaphore, #tpu.memory_space<semaphore_mem>>
    %dma_start3A_2384 = tpu.memref_squeeze %dma_start3A_2383 : memref<1x!tpu.dma_semaphore, #tpu.memory_space<semaphore_mem>> -> memref<!tpu.dma_semaphore, #tpu.memory_space<semaphore_mem>>
    tpu.enqueue_indirect_dma source(%dma_start3A_2382 : memref<1000000x64xf32, #tpu.memory_space<hbm>>) target(%dma_start3A_2376 : memref<50x64xf32, #tpu.memory_space<vmem>>) offsets(%dma_start3A_2379 : memref<50xi32, #tpu.memory_space<vmem>>) semaphore(%dma_start3A_2384 : memref<!tpu.dma_semaphore, #tpu.memory_space<semaphore_mem>>)
    %dma_start3A_2385 = arith.constant 125 : i32
    %dma_start3A_2386 = arith.constant 1 : i32
    %dma_start3A_2387 = arith.constant 13 : i32
    %dma_start3A_2388 = arith.constant 1 : i32
    %dma_start3A_2389 = arith.constant 0 : i32
    %dma_start3A_2390 = arith.constant 0 : i32
    %dma_start3A_2391 = tpu.memref_slice %arg6[%dma_start3A_2386, %dma_start3A_2387, %dma_start3A_2389, %dma_start3A_2390] : memref<2x16x50x64xf32, #tpu.memory_space<vmem>> -> memref<1x1x50x64xf32, #tpu.memory_space<vmem>>
    %dma_start3A_2392 = tpu.memref_squeeze %dma_start3A_2391 : memref<1x1x50x64xf32, #tpu.memory_space<vmem>> -> memref<50x64xf32, #tpu.memory_space<vmem>>
    %dma_start3A_2393 = arith.constant 0 : i32
    %dma_start3A_2394 = tpu.memref_slice %arg5[%dma_start3A_2385, %dma_start3A_2393] : memref<128x50xi32, #tpu.memory_space<vmem>> -> memref<1x50xi32, #tpu.memory_space<vmem>>
    %dma_start3A_2395 = tpu.memref_squeeze %dma_start3A_2394 : memref<1x50xi32, #tpu.memory_space<vmem>> -> memref<50xi32, #tpu.memory_space<vmem>>
    %dma_start3A_2396 = arith.constant 0 : i32
    %dma_start3A_2397 = arith.constant 0 : i32
    %dma_start3A_2398 = tpu.memref_slice %arg3[%dma_start3A_2396, %dma_start3A_2397] : memref<1000000x64xf32, #tpu.memory_space<hbm>> -> memref<1000000x64xf32, #tpu.memory_space<hbm>>
    %dma_start3A_2399 = tpu.memref_slice %arg7[%dma_start3A_2388] : memref<2x!tpu.dma_semaphore, #tpu.memory_space<semaphore_mem>> -> memref<1x!tpu.dma_semaphore, #tpu.memory_space<semaphore_mem>>
    %dma_start3A_2400 = tpu.memref_squeeze %dma_start3A_2399 : memref<1x!tpu.dma_semaphore, #tpu.memory_space<semaphore_mem>> -> memref<!tpu.dma_semaphore, #tpu.memory_space<semaphore_mem>>
    tpu.enqueue_indirect_dma source(%dma_start3A_2398 : memref<1000000x64xf32, #tpu.memory_space<hbm>>) target(%dma_start3A_2392 : memref<50x64xf32, #tpu.memory_space<vmem>>) offsets(%dma_start3A_2395 : memref<50xi32, #tpu.memory_space<vmem>>) semaphore(%dma_start3A_2400 : memref<!tpu.dma_semaphore, #tpu.memory_space<semaphore_mem>>)
    %dma_start3A_2401 = arith.constant 126 : i32
    %dma_start3A_2402 = arith.constant 1 : i32
    %dma_start3A_2403 = arith.constant 14 : i32
    %dma_start3A_2404 = arith.constant 1 : i32
    %dma_start3A_2405 = arith.constant 0 : i32
    %dma_start3A_2406 = arith.constant 0 : i32
    %dma_start3A_2407 = tpu.memref_slice %arg6[%dma_start3A_2402, %dma_start3A_2403, %dma_start3A_2405, %dma_start3A_2406] : memref<2x16x50x64xf32, #tpu.memory_space<vmem>> -> memref<1x1x50x64xf32, #tpu.memory_space<vmem>>
    %dma_start3A_2408 = tpu.memref_squeeze %dma_start3A_2407 : memref<1x1x50x64xf32, #tpu.memory_space<vmem>> -> memref<50x64xf32, #tpu.memory_space<vmem>>
    %dma_start3A_2409 = arith.constant 0 : i32
    %dma_start3A_2410 = tpu.memref_slice %arg5[%dma_start3A_2401, %dma_start3A_2409] : memref<128x50xi32, #tpu.memory_space<vmem>> -> memref<1x50xi32, #tpu.memory_space<vmem>>
    %dma_start3A_2411 = tpu.memref_squeeze %dma_start3A_2410 : memref<1x50xi32, #tpu.memory_space<vmem>> -> memref<50xi32, #tpu.memory_space<vmem>>
    %dma_start3A_2412 = arith.constant 0 : i32
    %dma_start3A_2413 = arith.constant 0 : i32
    %dma_start3A_2414 = tpu.memref_slice %arg3[%dma_start3A_2412, %dma_start3A_2413] : memref<1000000x64xf32, #tpu.memory_space<hbm>> -> memref<1000000x64xf32, #tpu.memory_space<hbm>>
    %dma_start3A_2415 = tpu.memref_slice %arg7[%dma_start3A_2404] : memref<2x!tpu.dma_semaphore, #tpu.memory_space<semaphore_mem>> -> memref<1x!tpu.dma_semaphore, #tpu.memory_space<semaphore_mem>>
    %dma_start3A_2416 = tpu.memref_squeeze %dma_start3A_2415 : memref<1x!tpu.dma_semaphore, #tpu.memory_space<semaphore_mem>> -> memref<!tpu.dma_semaphore, #tpu.memory_space<semaphore_mem>>
    tpu.enqueue_indirect_dma source(%dma_start3A_2414 : memref<1000000x64xf32, #tpu.memory_space<hbm>>) target(%dma_start3A_2408 : memref<50x64xf32, #tpu.memory_space<vmem>>) offsets(%dma_start3A_2411 : memref<50xi32, #tpu.memory_space<vmem>>) semaphore(%dma_start3A_2416 : memref<!tpu.dma_semaphore, #tpu.memory_space<semaphore_mem>>)
    %dma_start3A_2417 = arith.constant 127 : i32
    %dma_start3A_2418 = arith.constant 1 : i32
    %dma_start3A_2419 = arith.constant 15 : i32
    %dma_start3A_2420 = arith.constant 1 : i32
    %dma_start3A_2421 = arith.constant 0 : i32
    %dma_start3A_2422 = arith.constant 0 : i32
    %dma_start3A_2423 = tpu.memref_slice %arg6[%dma_start3A_2418, %dma_start3A_2419, %dma_start3A_2421, %dma_start3A_2422] : memref<2x16x50x64xf32, #tpu.memory_space<vmem>> -> memref<1x1x50x64xf32, #tpu.memory_space<vmem>>
    %dma_start3A_2424 = tpu.memref_squeeze %dma_start3A_2423 : memref<1x1x50x64xf32, #tpu.memory_space<vmem>> -> memref<50x64xf32, #tpu.memory_space<vmem>>
    %dma_start3A_2425 = arith.constant 0 : i32
    %dma_start3A_2426 = tpu.memref_slice %arg5[%dma_start3A_2417, %dma_start3A_2425] : memref<128x50xi32, #tpu.memory_space<vmem>> -> memref<1x50xi32, #tpu.memory_space<vmem>>
    %dma_start3A_2427 = tpu.memref_squeeze %dma_start3A_2426 : memref<1x50xi32, #tpu.memory_space<vmem>> -> memref<50xi32, #tpu.memory_space<vmem>>
    %dma_start3A_2428 = arith.constant 0 : i32
    %dma_start3A_2429 = arith.constant 0 : i32
    %dma_start3A_2430 = tpu.memref_slice %arg3[%dma_start3A_2428, %dma_start3A_2429] : memref<1000000x64xf32, #tpu.memory_space<hbm>> -> memref<1000000x64xf32, #tpu.memory_space<hbm>>
    %dma_start3A_2431 = tpu.memref_slice %arg7[%dma_start3A_2420] : memref<2x!tpu.dma_semaphore, #tpu.memory_space<semaphore_mem>> -> memref<1x!tpu.dma_semaphore, #tpu.memory_space<semaphore_mem>>
    %dma_start3A_2432 = tpu.memref_squeeze %dma_start3A_2431 : memref<1x!tpu.dma_semaphore, #tpu.memory_space<semaphore_mem>> -> memref<!tpu.dma_semaphore, #tpu.memory_space<semaphore_mem>>
    tpu.enqueue_indirect_dma source(%dma_start3A_2430 : memref<1000000x64xf32, #tpu.memory_space<hbm>>) target(%dma_start3A_2424 : memref<50x64xf32, #tpu.memory_space<vmem>>) offsets(%dma_start3A_2427 : memref<50xi32, #tpu.memory_space<vmem>>) semaphore(%dma_start3A_2432 : memref<!tpu.dma_semaphore, #tpu.memory_space<semaphore_mem>>)
    %dma_wait3A_2433 = arith.constant 0 : i32
    %dma_wait3A_2434 = arith.constant 0 : i32
    %dma_wait3A_2435 = arith.constant 0 : i32
    %dma_wait3A_2436 = arith.constant 0 : i32
    %dma_wait3A_2437 = arith.constant 0 : i32
    %dma_wait3A_2438 = tpu.memref_slice %arg6[%dma_wait3A_2433, %dma_wait3A_2435, %dma_wait3A_2436, %dma_wait3A_2437] : memref<2x16x50x64xf32, #tpu.memory_space<vmem>> -> memref<1x16x50x64xf32, #tpu.memory_space<vmem>>
    %dma_wait3A_2439 = tpu.memref_squeeze %dma_wait3A_2438 : memref<1x16x50x64xf32, #tpu.memory_space<vmem>> -> memref<16x50x64xf32, #tpu.memory_space<vmem>>
    %dma_wait3A_2440 = arith.constant 0 : i32
    %dma_wait3A_2441 = arith.constant 0 : i32
    %dma_wait3A_2442 = arith.constant 0 : i32
    %dma_wait3A_2443 = tpu.memref_slice %arg4[%dma_wait3A_2440, %dma_wait3A_2441, %dma_wait3A_2442] : memref<4096x50x64xf32, #tpu.memory_space<hbm>> -> memref<16x50x64xf32, #tpu.memory_space<hbm>>
    %dma_wait3A_2444 = tpu.memref_slice %arg7[%dma_wait3A_2434] : memref<2x!tpu.dma_semaphore, #tpu.memory_space<semaphore_mem>> -> memref<1x!tpu.dma_semaphore, #tpu.memory_space<semaphore_mem>>
    %dma_wait3A_2445 = tpu.memref_squeeze %dma_wait3A_2444 : memref<1x!tpu.dma_semaphore, #tpu.memory_space<semaphore_mem>> -> memref<!tpu.dma_semaphore, #tpu.memory_space<semaphore_mem>>
    %dma_wait3A_2446 = arith.constant 0 : i32
    %dma_wait3A_2447 = arith.constant 0 : i32
    %dma_wait3A_2448 = arith.constant 0 : i32
    %dma_wait3A_2449 = tpu.memref_slice %arg6[%dma_wait3A_2433, %dma_wait3A_2446, %dma_wait3A_2447, %dma_wait3A_2448] : memref<2x16x50x64xf32, #tpu.memory_space<vmem>> -> memref<1x16x50x64xf32, #tpu.memory_space<vmem>>
    %dma_wait3A_2450 = tpu.memref_squeeze %dma_wait3A_2449 : memref<1x16x50x64xf32, #tpu.memory_space<vmem>> -> memref<16x50x64xf32, #tpu.memory_space<vmem>>
    %dma_wait3A_2451 = arith.constant 0 : i32
    %dma_wait3A_2452 = arith.constant 0 : i32
    %dma_wait3A_2453 = arith.constant 0 : i32
    %dma_wait3A_2454 = tpu.memref_slice %arg4[%dma_wait3A_2451, %dma_wait3A_2452, %dma_wait3A_2453] : memref<4096x50x64xf32, #tpu.memory_space<hbm>> -> memref<16x50x64xf32, #tpu.memory_space<hbm>>
    tpu.wait_dma2 semaphore(%dma_wait3A_2445 : memref<!tpu.dma_semaphore, #tpu.memory_space<semaphore_mem>>) src(%dma_wait3A_2454 : memref<16x50x64xf32, #tpu.memory_space<hbm>>) dst(%dma_wait3A_2450 : memref<16x50x64xf32, #tpu.memory_space<vmem>>)
    %add3A_2455 = arith.constant 96 : i32
    %add3A_2456 = arith.addi %mul3A_2, %add3A_2455 : i32
    %dma_start3A_2457 = arith.constant 0 : i32
    %dma_start3A_2458 = arith.constant 0 : i32
    %dma_start3A_2459 = arith.constant 0 : i32
    %dma_start3A_2460 = arith.constant 0 : i32
    %dma_start3A_2461 = arith.constant 0 : i32
    %dma_start3A_2462 = tpu.memref_slice %arg6[%dma_start3A_2457, %dma_start3A_2459, %dma_start3A_2460, %dma_start3A_2461] : memref<2x16x50x64xf32, #tpu.memory_space<vmem>> -> memref<1x16x50x64xf32, #tpu.memory_space<vmem>>
    %dma_start3A_2463 = tpu.memref_squeeze %dma_start3A_2462 : memref<1x16x50x64xf32, #tpu.memory_space<vmem>> -> memref<16x50x64xf32, #tpu.memory_space<vmem>>
    %dma_start3A_2464 = arith.constant 0 : i32
    %dma_start3A_2465 = arith.constant 0 : i32
    %dma_start3A_2466 = tpu.memref_slice %arg4[%add3A_2456, %dma_start3A_2464, %dma_start3A_2465] : memref<4096x50x64xf32, #tpu.memory_space<hbm>> -> memref<16x50x64xf32, #tpu.memory_space<hbm>>
    %dma_start3A_2467 = tpu.memref_slice %arg8[%dma_start3A_2458] : memref<2x!tpu.dma_semaphore, #tpu.memory_space<semaphore_mem>> -> memref<1x!tpu.dma_semaphore, #tpu.memory_space<semaphore_mem>>
    %dma_start3A_2468 = tpu.memref_squeeze %dma_start3A_2467 : memref<1x!tpu.dma_semaphore, #tpu.memory_space<semaphore_mem>> -> memref<!tpu.dma_semaphore, #tpu.memory_space<semaphore_mem>>
    %dma_start3A_2469 = arith.constant 0 : i32
    %dma_start3A_2470 = arith.constant 0 : i32
    %dma_start3A_2471 = tpu.memref_slice %arg4[%add3A_2456, %dma_start3A_2469, %dma_start3A_2470] : memref<4096x50x64xf32, #tpu.memory_space<hbm>> -> memref<16x50x64xf32, #tpu.memory_space<hbm>>
    %dma_start3A_2472 = arith.constant 0 : i32
    %dma_start3A_2473 = arith.constant 0 : i32
    %dma_start3A_2474 = arith.constant 0 : i32
    %dma_start3A_2475 = tpu.memref_slice %arg6[%dma_start3A_2457, %dma_start3A_2472, %dma_start3A_2473, %dma_start3A_2474] : memref<2x16x50x64xf32, #tpu.memory_space<vmem>> -> memref<1x16x50x64xf32, #tpu.memory_space<vmem>>
    %dma_start3A_2476 = tpu.memref_squeeze %dma_start3A_2475 : memref<1x16x50x64xf32, #tpu.memory_space<vmem>> -> memref<16x50x64xf32, #tpu.memory_space<vmem>>
    tpu.enqueue_dma source(%dma_start3A_2476 : memref<16x50x64xf32, #tpu.memory_space<vmem>>) target(%dma_start3A_2471 : memref<16x50x64xf32, #tpu.memory_space<hbm>>) target_semaphore(%dma_start3A_2468 : memref<!tpu.dma_semaphore, #tpu.memory_space<semaphore_mem>>)
    %dma_wait3A_2477 = arith.constant 1 : i32
    %dma_wait3A_2478 = arith.constant 1 : i32
    %dma_wait3A_2479 = arith.constant 0 : i32
    %dma_wait3A_2480 = arith.constant 0 : i32
    %dma_wait3A_2481 = arith.constant 0 : i32
    %dma_wait3A_2482 = tpu.memref_slice %arg6[%dma_wait3A_2477, %dma_wait3A_2479, %dma_wait3A_2480, %dma_wait3A_2481] : memref<2x16x50x64xf32, #tpu.memory_space<vmem>> -> memref<1x16x50x64xf32, #tpu.memory_space<vmem>>
    %dma_wait3A_2483 = tpu.memref_squeeze %dma_wait3A_2482 : memref<1x16x50x64xf32, #tpu.memory_space<vmem>> -> memref<16x50x64xf32, #tpu.memory_space<vmem>>
    %dma_wait3A_2484 = arith.constant 0 : i32
    %dma_wait3A_2485 = arith.constant 0 : i32
    %dma_wait3A_2486 = arith.constant 0 : i32
    %dma_wait3A_2487 = tpu.memref_slice %arg4[%dma_wait3A_2484, %dma_wait3A_2485, %dma_wait3A_2486] : memref<4096x50x64xf32, #tpu.memory_space<hbm>> -> memref<16x50x64xf32, #tpu.memory_space<hbm>>
    %dma_wait3A_2488 = tpu.memref_slice %arg7[%dma_wait3A_2478] : memref<2x!tpu.dma_semaphore, #tpu.memory_space<semaphore_mem>> -> memref<1x!tpu.dma_semaphore, #tpu.memory_space<semaphore_mem>>
    %dma_wait3A_2489 = tpu.memref_squeeze %dma_wait3A_2488 : memref<1x!tpu.dma_semaphore, #tpu.memory_space<semaphore_mem>> -> memref<!tpu.dma_semaphore, #tpu.memory_space<semaphore_mem>>
    %dma_wait3A_2490 = arith.constant 0 : i32
    %dma_wait3A_2491 = arith.constant 0 : i32
    %dma_wait3A_2492 = arith.constant 0 : i32
    %dma_wait3A_2493 = tpu.memref_slice %arg6[%dma_wait3A_2477, %dma_wait3A_2490, %dma_wait3A_2491, %dma_wait3A_2492] : memref<2x16x50x64xf32, #tpu.memory_space<vmem>> -> memref<1x16x50x64xf32, #tpu.memory_space<vmem>>
    %dma_wait3A_2494 = tpu.memref_squeeze %dma_wait3A_2493 : memref<1x16x50x64xf32, #tpu.memory_space<vmem>> -> memref<16x50x64xf32, #tpu.memory_space<vmem>>
    %dma_wait3A_2495 = arith.constant 0 : i32
    %dma_wait3A_2496 = arith.constant 0 : i32
    %dma_wait3A_2497 = arith.constant 0 : i32
    %dma_wait3A_2498 = tpu.memref_slice %arg4[%dma_wait3A_2495, %dma_wait3A_2496, %dma_wait3A_2497] : memref<4096x50x64xf32, #tpu.memory_space<hbm>> -> memref<16x50x64xf32, #tpu.memory_space<hbm>>
    tpu.wait_dma2 semaphore(%dma_wait3A_2489 : memref<!tpu.dma_semaphore, #tpu.memory_space<semaphore_mem>>) src(%dma_wait3A_2498 : memref<16x50x64xf32, #tpu.memory_space<hbm>>) dst(%dma_wait3A_2494 : memref<16x50x64xf32, #tpu.memory_space<vmem>>)
    %add3A_2499 = arith.constant 112 : i32
    %add3A_2500 = arith.addi %mul3A_2, %add3A_2499 : i32
    %dma_start3A_2501 = arith.constant 1 : i32
    %dma_start3A_2502 = arith.constant 1 : i32
    %dma_start3A_2503 = arith.constant 0 : i32
    %dma_start3A_2504 = arith.constant 0 : i32
    %dma_start3A_2505 = arith.constant 0 : i32
    %dma_start3A_2506 = tpu.memref_slice %arg6[%dma_start3A_2501, %dma_start3A_2503, %dma_start3A_2504, %dma_start3A_2505] : memref<2x16x50x64xf32, #tpu.memory_space<vmem>> -> memref<1x16x50x64xf32, #tpu.memory_space<vmem>>
    %dma_start3A_2507 = tpu.memref_squeeze %dma_start3A_2506 : memref<1x16x50x64xf32, #tpu.memory_space<vmem>> -> memref<16x50x64xf32, #tpu.memory_space<vmem>>
    %dma_start3A_2508 = arith.constant 0 : i32
    %dma_start3A_2509 = arith.constant 0 : i32
    %dma_start3A_2510 = tpu.memref_slice %arg4[%add3A_2500, %dma_start3A_2508, %dma_start3A_2509] : memref<4096x50x64xf32, #tpu.memory_space<hbm>> -> memref<16x50x64xf32, #tpu.memory_space<hbm>>
    %dma_start3A_2511 = tpu.memref_slice %arg8[%dma_start3A_2502] : memref<2x!tpu.dma_semaphore, #tpu.memory_space<semaphore_mem>> -> memref<1x!tpu.dma_semaphore, #tpu.memory_space<semaphore_mem>>
    %dma_start3A_2512 = tpu.memref_squeeze %dma_start3A_2511 : memref<1x!tpu.dma_semaphore, #tpu.memory_space<semaphore_mem>> -> memref<!tpu.dma_semaphore, #tpu.memory_space<semaphore_mem>>
    %dma_start3A_2513 = arith.constant 0 : i32
    %dma_start3A_2514 = arith.constant 0 : i32
    %dma_start3A_2515 = tpu.memref_slice %arg4[%add3A_2500, %dma_start3A_2513, %dma_start3A_2514] : memref<4096x50x64xf32, #tpu.memory_space<hbm>> -> memref<16x50x64xf32, #tpu.memory_space<hbm>>
    %dma_start3A_2516 = arith.constant 0 : i32
    %dma_start3A_2517 = arith.constant 0 : i32
    %dma_start3A_2518 = arith.constant 0 : i32
    %dma_start3A_2519 = tpu.memref_slice %arg6[%dma_start3A_2501, %dma_start3A_2516, %dma_start3A_2517, %dma_start3A_2518] : memref<2x16x50x64xf32, #tpu.memory_space<vmem>> -> memref<1x16x50x64xf32, #tpu.memory_space<vmem>>
    %dma_start3A_2520 = tpu.memref_squeeze %dma_start3A_2519 : memref<1x16x50x64xf32, #tpu.memory_space<vmem>> -> memref<16x50x64xf32, #tpu.memory_space<vmem>>
    tpu.enqueue_dma source(%dma_start3A_2520 : memref<16x50x64xf32, #tpu.memory_space<vmem>>) target(%dma_start3A_2515 : memref<16x50x64xf32, #tpu.memory_space<hbm>>) target_semaphore(%dma_start3A_2512 : memref<!tpu.dma_semaphore, #tpu.memory_space<semaphore_mem>>)
    %dma_wait3A_2521 = arith.constant 0 : i32
    %dma_wait3A_2522 = arith.constant 0 : i32
    %dma_wait3A_2523 = arith.constant 0 : i32
    %dma_wait3A_2524 = arith.constant 0 : i32
    %dma_wait3A_2525 = arith.constant 0 : i32
    %dma_wait3A_2526 = tpu.memref_slice %arg6[%dma_wait3A_2521, %dma_wait3A_2523, %dma_wait3A_2524, %dma_wait3A_2525] : memref<2x16x50x64xf32, #tpu.memory_space<vmem>> -> memref<1x16x50x64xf32, #tpu.memory_space<vmem>>
    %dma_wait3A_2527 = tpu.memref_squeeze %dma_wait3A_2526 : memref<1x16x50x64xf32, #tpu.memory_space<vmem>> -> memref<16x50x64xf32, #tpu.memory_space<vmem>>
    %dma_wait3A_2528 = arith.constant 0 : i32
    %dma_wait3A_2529 = arith.constant 0 : i32
    %dma_wait3A_2530 = tpu.memref_slice %arg4[%mul3A_2, %dma_wait3A_2528, %dma_wait3A_2529] : memref<4096x50x64xf32, #tpu.memory_space<hbm>> -> memref<16x50x64xf32, #tpu.memory_space<hbm>>
    %dma_wait3A_2531 = tpu.memref_slice %arg8[%dma_wait3A_2522] : memref<2x!tpu.dma_semaphore, #tpu.memory_space<semaphore_mem>> -> memref<1x!tpu.dma_semaphore, #tpu.memory_space<semaphore_mem>>
    %dma_wait3A_2532 = tpu.memref_squeeze %dma_wait3A_2531 : memref<1x!tpu.dma_semaphore, #tpu.memory_space<semaphore_mem>> -> memref<!tpu.dma_semaphore, #tpu.memory_space<semaphore_mem>>
    %dma_wait3A_2533 = arith.constant 0 : i32
    %dma_wait3A_2534 = arith.constant 0 : i32
    %dma_wait3A_2535 = tpu.memref_slice %arg4[%mul3A_2, %dma_wait3A_2533, %dma_wait3A_2534] : memref<4096x50x64xf32, #tpu.memory_space<hbm>> -> memref<16x50x64xf32, #tpu.memory_space<hbm>>
    %dma_wait3A_2536 = arith.constant 0 : i32
    %dma_wait3A_2537 = arith.constant 0 : i32
    %dma_wait3A_2538 = arith.constant 0 : i32
    %dma_wait3A_2539 = tpu.memref_slice %arg6[%dma_wait3A_2521, %dma_wait3A_2536, %dma_wait3A_2537, %dma_wait3A_2538] : memref<2x16x50x64xf32, #tpu.memory_space<vmem>> -> memref<1x16x50x64xf32, #tpu.memory_space<vmem>>
    %dma_wait3A_2540 = tpu.memref_squeeze %dma_wait3A_2539 : memref<1x16x50x64xf32, #tpu.memory_space<vmem>> -> memref<16x50x64xf32, #tpu.memory_space<vmem>>
    tpu.wait_dma2 semaphore(%dma_wait3A_2532 : memref<!tpu.dma_semaphore, #tpu.memory_space<semaphore_mem>>) src(%dma_wait3A_2540 : memref<16x50x64xf32, #tpu.memory_space<vmem>>) dst(%dma_wait3A_2535 : memref<16x50x64xf32, #tpu.memory_space<hbm>>)
    %dma_wait3A_2541 = arith.constant 1 : i32
    %dma_wait3A_2542 = arith.constant 1 : i32
    %dma_wait3A_2543 = arith.constant 0 : i32
    %dma_wait3A_2544 = arith.constant 0 : i32
    %dma_wait3A_2545 = arith.constant 0 : i32
    %dma_wait3A_2546 = tpu.memref_slice %arg6[%dma_wait3A_2541, %dma_wait3A_2543, %dma_wait3A_2544, %dma_wait3A_2545] : memref<2x16x50x64xf32, #tpu.memory_space<vmem>> -> memref<1x16x50x64xf32, #tpu.memory_space<vmem>>
    %dma_wait3A_2547 = tpu.memref_squeeze %dma_wait3A_2546 : memref<1x16x50x64xf32, #tpu.memory_space<vmem>> -> memref<16x50x64xf32, #tpu.memory_space<vmem>>
    %dma_wait3A_2548 = arith.constant 0 : i32
    %dma_wait3A_2549 = arith.constant 0 : i32
    %dma_wait3A_2550 = tpu.memref_slice %arg4[%mul3A_2, %dma_wait3A_2548, %dma_wait3A_2549] : memref<4096x50x64xf32, #tpu.memory_space<hbm>> -> memref<16x50x64xf32, #tpu.memory_space<hbm>>
    %dma_wait3A_2551 = tpu.memref_slice %arg8[%dma_wait3A_2542] : memref<2x!tpu.dma_semaphore, #tpu.memory_space<semaphore_mem>> -> memref<1x!tpu.dma_semaphore, #tpu.memory_space<semaphore_mem>>
    %dma_wait3A_2552 = tpu.memref_squeeze %dma_wait3A_2551 : memref<1x!tpu.dma_semaphore, #tpu.memory_space<semaphore_mem>> -> memref<!tpu.dma_semaphore, #tpu.memory_space<semaphore_mem>>
    %dma_wait3A_2553 = arith.constant 0 : i32
    %dma_wait3A_2554 = arith.constant 0 : i32
    %dma_wait3A_2555 = tpu.memref_slice %arg4[%mul3A_2, %dma_wait3A_2553, %dma_wait3A_2554] : memref<4096x50x64xf32, #tpu.memory_space<hbm>> -> memref<16x50x64xf32, #tpu.memory_space<hbm>>
    %dma_wait3A_2556 = arith.constant 0 : i32
    %dma_wait3A_2557 = arith.constant 0 : i32
    %dma_wait3A_2558 = arith.constant 0 : i32
    %dma_wait3A_2559 = tpu.memref_slice %arg6[%dma_wait3A_2541, %dma_wait3A_2556, %dma_wait3A_2557, %dma_wait3A_2558] : memref<2x16x50x64xf32, #tpu.memory_space<vmem>> -> memref<1x16x50x64xf32, #tpu.memory_space<vmem>>
    %dma_wait3A_2560 = tpu.memref_squeeze %dma_wait3A_2559 : memref<1x16x50x64xf32, #tpu.memory_space<vmem>> -> memref<16x50x64xf32, #tpu.memory_space<vmem>>
    tpu.wait_dma2 semaphore(%dma_wait3A_2552 : memref<!tpu.dma_semaphore, #tpu.memory_space<semaphore_mem>>) src(%dma_wait3A_2560 : memref<16x50x64xf32, #tpu.memory_space<vmem>>) dst(%dma_wait3A_2555 : memref<16x50x64xf32, #tpu.memory_space<hbm>>)
    return
  }
}

</mosaic_0001>

<sc_bundles>
// kernel: kernel.3.cloned.1.call-start
scs
__scs_entry_jumppad:
0x0: {  	(pc) =	sbr.rel $0x88, $3  }
0x1: {  	(tag) =	ssettag $0x0;
	lr =	simm.s32 $0x1  }
0x2: {  	[smem:$0x3F9F] =	sst lr;
	_ =	strace $0xD0000000  }
0x3: {  	_ = 	snop  }
0x4: {  	_ = 	snop  }
0x5: {  	_ = 	snop  }
0x6: {  	_ = 	snop  }
0x7: {  	_ = 	snop  }
__scs_overlays_trampoline_lowered:
0x8: {  	[smem:$0x3FAE] =	sst s0  }
0x9: {  	[smem:$0x3FAF] =	sst s1  }
0xa: {  	[smem:$0x3FB0] =	sst s2  }
0xb: {  	[smem:$0x3FB1] =	sst s3  }
0xc: {  	[smem:$0x3FB2] =	sst s4  }
0xd: {  	[smem:$0x3FB3] =	sst s5  }
0xe: {  	[smem:$0x3FB4] =	sst s6  }
0xf: {  	[smem:$0x3FB5] =	sst s7  }
0x10: {  	[smem:$0x3FB6] =	sst s8  }
0x11: {  	[smem:$0x3FB7] =	sst s9;
	s0 =	simm.s32 @!p0 $0x0  }
0x12: {  	s1 =	sld [smem:$0x3F9D];
	s0 =	simm.s32 @p0 $0x1  }
0x13: {  	[smem:$0x3FB8] =	sst s0;
	s0 =	simm.s32 @!p1 $0x0  }
0x14: {  	s2 =	sld [smem:$0x3F9C];
	s0 =	simm.s32 @p1 $0x1  }
0x15: {  	[smem:$0x3FB9] =	sst s0;
	s0 =	simm.s32 @!p2 $0x0  }
0x16: {  	s3 =	sld [smem:$0x3FDB];
	s0 =	simm.s32 @p2 $0x1  }
0x17: {  	s4 =	simm.s32 $0x1BF5;
	[smem:$0x3FBB] =	sst s0  }
0x18: {  	s0 =	sld [smem:$0x3F9E];
	_ =	swait.ge [sflag:s4], $0x0  }
0x19: {  	s7 =	sld [smem:$0x3F9F]  }
0x1a: {  	s8 =	sadd.s32 $0xFFFFE003, lr  }
0x1b: {  	s9 =	sadd.s32 $0xFFFFFEF7, lr;
	s5 =	simm.s32 $0xFFFFFFFF;
	p2 =	slt.u32 s8, $0xFFFFF086  }
0x1c: {  	p1 =	slt.u32 s9, $0xF7A;
	s5 =	simm.s32 @!p2 $0x0  }
0x1d: {  	s5 =	simm.s32 @p1 $0x1;
	p0 =	seq.s32 s7, s2  }
0x1e: {  	s7 =	smul.u32 @!p0 $0xF7A, s2;
	p2 =	seq.s32 @!p0 s5, $0x0  }
0x1f: {  	s9 =	smul.u32 $0xF7A, s1;
	s8 =	simm.s32 @!p0 $0x1BF5;
	p2 =	por !p2, p0  }
0x20: {  	[sflag:s8] =	ssyncset.s32 @!p0 $0xFFFFF086;
	s6 =	sadd.s32 @!p0 s3, s7;
	s7 =	simm.s32 @!p0 $0x108  }
0x21: {  	s3 =	sadd.s32 s3, s9;
	s6 =	sadd.s32 @!p0 $0x88, s6;
	s7 =	simm.s32 @p2 $0x1082  }
0x22: {  	[simem:s7], [sflag:s8] =	dma.local @!p0 [hbm:s6], $0xF7A  }
0x23: {  	s9 =	sor.u32 $0xD0000000, s2;
	s6 =	simm.s32 $0x108;
	_ =	swait.ge @!p0 [sflag:s8], $0x0  }
0x24: {  	s3 =	sadd.s32 $0x88, s3;
	s6 =	simm.s32 @!p1 $0x1082;
	[sflag:s4] =	ssyncset.s32 $0xFFFFF086  }
0x25: {  	[simem:s6], [sflag:s4] =	dma.local [hbm:s3], $0xF7A  }
0x26: {  	[smem:$0x3F9F] =	sst s1;
	(tag) =	ssettag s2;
	_ =	strace s9  }
0x27: {  	s1 =	sld [smem:$0x3FAF]  }
0x28: {  	s2 =	sld [smem:$0x3FB0]  }
0x29: {  	s4 =	sld [smem:$0x3FB2]  }
0x2a: {  	p0 =	seq.s32 s5, $0x0;
	s5 =	sld [smem:$0x3FB3]  }
0x2b: {  	s6 =	sld [smem:$0x3FB4]  }
0x2c: {  	s7 =	sld [smem:$0x3FB5]  }
0x2d: {  	s3 =	simm.s32 $0x108;
	s8 =	sld [smem:$0x3FB6]  }
0x2e: {  	s3 =	simm.s32 @!p0 $0x1082;
	s9 =	sld [smem:$0x3FB7]  }
0x2f: {  	lr =	sadd.s32 s0, s3;
	s0 =	sld [smem:$0x3FAE]  }
0x30: {  	s3 =	sld [smem:$0x3FB1]  }
0x31: {  	[smem:$0x3FBA] =	sst s10  }
0x32: {  	s10 =	sld [smem:$0x3FB8];
	_ =	sdelay $0x3  }
0x33: {  	p0 =	seq.s32 s10, $0x1;
	s10 =	sld [smem:$0x3FBA];
	_ =	sdelay $0x3  }
0x34: {  	[smem:$0x3FBA] =	sst s10  }
0x35: {  	s10 =	sld [smem:$0x3FB9];
	_ =	sdelay $0x3  }
0x36: {  	p1 =	seq.s32 s10, $0x1;
	s10 =	sld [smem:$0x3FBA];
	_ =	sdelay $0x3  }
0x37: {  	[smem:$0x3FBA] =	sst s10  }
0x38: {  	s10 =	sld [smem:$0x3FBB]  }
0x39: {  	_ = 	snop;
	(pc) =	sbr.ind lr, $3  }
0x3a: {  	_ = 	snop  }
0x3b: {  	_ = 	snop  }
0x3c: {  	p2 =	seq.s32 s10, $0x1;
	s10 =	sld [smem:$0x3FBA]  }
0x3d: {  	_ =	shalt  }
0x3e: {  	_ =	shalt  }
0x3f: {  	_ =	shalt  }
0x40: {  	_ =	shalt  }
0x41: {  	_ =	shalt  }
0x42: {  	_ =	shalt  }
0x43: {  	_ =	shalt  }
0x44: {  	_ =	shalt  }
0x45: {  	_ =	shalt  }
0x46: {  	_ =	shalt  }
0x47: {  	_ =	shalt  }
0x48: {  	_ =	shalt  }
0x49: {  	_ =	shalt  }
0x4a: {  	_ =	shalt  }
0x4b: {  	_ =	shalt  }
0x4c: {  	_ =	shalt  }
0x4d: {  	_ =	shalt  }
0x4e: {  	_ =	shalt  }
0x4f: {  	_ =	shalt  }
0x50: {  	_ =	shalt  }
0x51: {  	_ =	shalt  }
0x52: {  	_ =	shalt  }
0x53: {  	_ =	shalt  }
0x54: {  	_ =	shalt  }
0x55: {  	_ =	shalt  }
0x56: {  	_ =	shalt  }
0x57: {  	_ =	shalt  }
0x58: {  	_ =	shalt  }
0x59: {  	_ =	shalt  }
0x5a: {  	_ =	shalt  }
0x5b: {  	_ =	shalt  }
0x5c: {  	_ =	shalt  }
0x5d: {  	_ =	shalt  }
0x5e: {  	_ =	shalt  }
0x5f: {  	_ =	shalt  }
0x60: {  	_ =	shalt  }
0x61: {  	_ =	shalt  }
0x62: {  	_ =	shalt  }
0x63: {  	_ =	shalt  }
0x64: {  	_ =	shalt  }
0x65: {  	_ =	shalt  }
0x66: {  	_ =	shalt  }
0x67: {  	_ =	shalt  }
0x68: {  	_ =	shalt  }
0x69: {  	_ =	shalt  }
0x6a: {  	_ =	shalt  }
0x6b: {  	_ =	shalt  }
0x6c: {  	_ =	shalt  }
0x6d: {  	_ =	shalt  }
0x6e: {  	_ =	shalt  }
0x6f: {  	_ =	shalt  }
0x70: {  	_ =	shalt  }
0x71: {  	_ =	shalt  }
0x72: {  	_ =	shalt  }
0x73: {  	_ =	shalt  }
0x74: {  	_ =	shalt  }
0x75: {  	_ =	shalt  }
0x76: {  	_ =	shalt  }
0x77: {  	_ =	shalt  }
0x78: {  	_ =	shalt  }
0x79: {  	_ =	shalt  }
0x7a: {  	_ =	shalt  }
0x7b: {  	_ =	shalt  }
0x7c: {  	_ =	shalt  }
0x7d: {  	_ =	shalt  }
0x7e: {  	_ =	shalt  }
0x7f: {  	_ =	shalt  }
0x80: {  	_ =	shalt  }
0x81: {  	_ =	shalt  }
0x82: {  	_ =	shalt  }
0x83: {  	_ =	shalt  }
0x84: {  	_ =	shalt  }
0x85: {  	_ =	shalt  }
0x86: {  	_ =	shalt  }
0x87: {  	_ =	shalt  }
.Lfunc_end0:
.L_simem_size_0:
called_computation.1_lowered:
.L_overlay_start_0:
0x88: {  	s2 =	sld [smem:$0x3FD9]  }
0x89: {  	s3 =	sld [smem:$0x3FFE];
	_ =	sdelay $0x1  }
0x8a: {  	s1 =	srdreg.scid  }
0x8b: {  	s0 =	sand.u32 $0x1, s1  }
0x8c: {  	s17 =	sshll.u32 s0, $0xA;
	s2 =	sadd.s32 s3, s2  }
0x8d: {  	s2 =	sadd.s32 s2, s17  }
0x8e: {  	[smem:$0x3FC6] =	sst s2  }
0x8f: {  	_ = 	snop  }
0x90: {  	s2 =	sld [smem:$0x3FD0];
	(tm) =	ssettm $0x1  }
0x91: {  	s18 =	sld [smem:$0x3FFB];
	_ =	sdelay $0x3  }
0x92: {  	_ =	strace s18  }
0x93: {  	s3 =	sld [smem:$0x3FFC];
	_ =	sdelay $0x3  }
0x94: {  	_ =	strace s3  }
0x95: {  	s3 =	sld [smem:$0x3FFD];
	_ =	sdelay $0x3  }
0x96: {  	_ =	strace s3  }
0x97: {  	_ =	strace $0x8FFFFFFF  }
0x98: {  	s19 =	sld [smem:$0x3FDB];
	_ =	sdelay $0x1  }
0x99: {  	s4 =	simm.s32 $_scs_section_size  }
0x9a: {  	s5 =	simm.s32 $_size__tile_overlayer_lowered;
	s6 =	simm.s32 $_tile_overlayer_lowered  }
0x9b: {  	s22 =	simm.s32 $0x1BFF;
	s21 =	sshll.u32 s6, $0x1;
	s3 =	sadd.s32 s4, s19  }
0x9c: {  	s7 =	simm.s32 $0x0;
	s20 =	sshll.u32 s5, $0x1;
	s5 =	sadd.s32 s21, s3  }
0x9d: {  	[timem:s7], [sflag:s22] =	dma.local [hbm:s5], s20  }
0x9e: {  	_ =	swait.ge [sflag:s22], s20  }
0x9f: {  	s4 =	ssub.s32 $0x0, s20;
	[sflag:s22] =	ssyncset.done $0x0  }
0xa0: {  	[sflag:s22] =	ssyncadd.s32 s4;
	_ =	sdelay $0x1  }
0xa1: {  	s23 =	simm.s32 $0x1B8B  }
0xa2: {  	_ =	swait.ge [sflag:s23], $0x1  }
0xa3: {  	[sflag:s23] =	ssyncset.done $0x0  }
0xa4: {  	s25 =	simm.s32 $0x1B8E;
	s24 =	sld [smem:$0x3FFE];
	[sflag:s23] =	ssyncadd.s32 $0xFFFFFFFF  }
0xa5: {  	s26 =	simm.s32 $execute0_lowered;
	[smem:$0x3FD2] =	sst s25  }
0xa6: {  	s5 =	sshll.u32 s26, $0x1;
	_ =	strace $0x80000046;
	[dreg:$0x1] =	wrdreg $0xFFFFFFFF  }
0xa7: {  	s28 =	simm.s32 $_size_execute0_lowered;
	s3 =	sadd.s32 s3, s5;
	[dreg:$0x0] =	wrdreg $0x0  }
0xa8: {  	s5 =	sshll.u32 s28, $0x1;
	[dreg:$0x2] =	wrdreg s3  }
0xa9: {  	[dreg:$0x3] =	wrdreg s5  }
0xaa: {  	[dreg:$0x4] =	wrdreg $0xC0  }
0xab: {  	_ =	task [dreg:s7], $0x5FFFF  }
0xac: {  	[dreg:$0x1] =	wrdreg $0xFFFFFFFF  }
0xad: {  	[dreg:$0x0] =	wrdreg $0x60  }
0xae: {  	[dreg:$0x2] =	wrdreg s24  }
0xaf: {  	[dreg:$0x3] =	wrdreg s2  }
0xb0: {  	[dreg:$0x4] =	wrdreg $0x9  }
0xb1: {  	_ =	task.clear_ibuf [dreg:s7], $0x5FFFF;
	_ =	strace $0x90000046  }
0xb2: {  	s29 =	simm.s32 $0x9;
	_ =	strace $0x80000048  }
0xb3: {  	_ =	swait.ge [sflag:s29], $0x1  }
0xb4: {  	[sflag:s29] =	ssyncadd.s32 $0xFFFFFFFF  }
0xb5: {  	_ =	strace $0x90000048  }
0xb6: {  	_ =	sfence  }
0xb7: {  	s30 =	sld [smem:$0x0];
	_ =	sdelay $0x2  }
0xb8: {  	s31 =	sshll.u32 s1, $0xD;
	s1 =	sshrl.u32 s1, $0x2  }
0xb9: {  	s3 =	sand.u32 $0x4000, s31;
	s1 =	sadd.s32 s1, s30  }
0xba: {  	s0 =	sor.u32 s3, s0;
	s1 =	sshll.u32 s1, $0x11  }
0xbb: {  	s0 =	sor.u32 s1, s0  }
0xbc: {  	s0 =	sadd.s32 $0x8F2B, s0  }
0xbd: {  	[sflag:s0] =	ssyncadd.remote.s32 $0x1  }
0xbe: {  	_ =	sfence.sel $0xFFFF  }
0xbf: {  	[dreg:$0x0] =	wrdreg $0xFFFFFFFF;
	(pc) =	sbr.abs _section_cstart, $3  }
0xc0: {  	[dreg:$0x1] =	wrdreg $0xFFFFFFFF  }
0xc1: {  	_ =	task.clear_ibuf [dreg:s7], $0x2FFFF;
	_ =	strace $0x9FFFFFFF  }
0xc2: {  	(tm) =	ssettm $0x7FFFFFFF  }
0xc3: {  	_ =	shalt  }
tec
execute0_lowered:
.L_overlay_start_1:
0x0: {  	(tag) =	ssettag $0x1  }
0x1: {  	s0 =	srdreg.scid  }
0x2: {  	s1 =	stileid.u32;
	s0 =	sand.u32 $0x1, s0  }
0x3: {  	s4 =	rddreg [dreg:$0x1];
	s2 =	sshll.u32 s1, $0x8;
	s3 =	sshll.u32 s0, $0x7  }
0x4: {  	s1 =	rddreg [dreg:$0x0];
	s3 =	sor.u32 s3, s2;
	s2 =	simm.s32 $0x0  }
0x5: {  	s11 =	simm.s32 $0x38;
	[smem:$0x7FF] =	sst s2  }
0x6: {  	s12 =	simm.s32 $0x70;
	_ =	strace $0x80000047;
	[dreg:$0xc] =	wrdreg s11  }
0x7: {  	s13 =	simm.s32 $0xA8;
	[dreg:$0xd] =	wrdreg s12  }
0x8: {  	s14 =	simm.s32 $0xE0;
	[dreg:$0xe] =	wrdreg s13  }
0x9: {  	s15 =	simm.s32 $0x118;
	[dreg:$0xf] =	wrdreg s14  }
0xa: {  	s16 =	simm.s32 $0x150;
	[dreg:$0x10] =	wrdreg s15  }
0xb: {  	s17 =	simm.s32 $0x188;
	[dreg:$0x11] =	wrdreg s16  }
0xc: {  	s18 =	simm.s32 $0x1C0;
	[dreg:$0x12] =	wrdreg s17  }
0xd: {  	s19 =	simm.s32 $0x1F8;
	[dreg:$0x13] =	wrdreg s18  }
0xe: {  	s20 =	simm.s32 $0x230;
	[dreg:$0x14] =	wrdreg s19  }
0xf: {  	s21 =	simm.s32 $0x268;
	[dreg:$0x15] =	wrdreg s20  }
0x10: {  	s22 =	simm.s32 $0x2A0;
	[dreg:$0x16] =	wrdreg s21  }
0x11: {  	s23 =	simm.s32 $0x2D8;
	[dreg:$0x17] =	wrdreg s22  }
0x12: {  	s24 =	simm.s32 $0x310;
	[dreg:$0x18] =	wrdreg s23  }
0x13: {  	s25 =	simm.s32 $0x348;
	[dreg:$0x19] =	wrdreg s24  }
0x14: {  	s26 =	simm.s32 $0x380;
	[dreg:$0x1a] =	wrdreg s25  }
0x15: {  	[dreg:$0x1b] =	wrdreg s26;
	s11 =	simm.s32 $0x578  }
0x16: {  	s12 =	simm.s32 $0x5B0;
	[smem:$0x797] =	sst s11  }
0x17: {  	s13 =	simm.s32 $0x5E8;
	[smem:$0x798] =	sst s12  }
0x18: {  	s14 =	simm.s32 $0x620;
	[smem:$0x799] =	sst s13  }
0x19: {  	s15 =	simm.s32 $0x658;
	[smem:$0x79A] =	sst s14  }
0x1a: {  	s16 =	simm.s32 $0x690;
	[smem:$0x79B] =	sst s15  }
0x1b: {  	s17 =	simm.s32 $0x6C8;
	[smem:$0x79C] =	sst s16  }
0x1c: {  	s18 =	simm.s32 $0x700;
	[smem:$0x79D] =	sst s17  }
0x1d: {  	s19 =	simm.s32 $0x738;
	[smem:$0x79E] =	sst s18  }
0x1e: {  	s20 =	simm.s32 $0x770;
	[smem:$0x79F] =	sst s19  }
0x1f: {  	s21 =	simm.s32 $0x7A8;
	[smem:$0x7A0] =	sst s20  }
0x20: {  	s22 =	simm.s32 $0x7E0;
	[smem:$0x7A1] =	sst s21  }
0x21: {  	s5 =	smul.u32 $0x7, s3;
	s23 =	simm.s32 $0x818;
	[smem:$0x7A2] =	sst s22  }
0x22: {  	s6 =	smul.u32 $0xC80, s3;
	s24 =	simm.s32 $0x850;
	[smem:$0x7A3] =	sst s23  }
0x23: {  	s3 =	smul.u32 $0x190, s3;
	s25 =	simm.s32 $0x888;
	[smem:$0x7A4] =	sst s24  }
0x24: {  	s26 =	simm.s32 $0x8C0;
	[smem:$0x7A5] =	sst s25  }
0x25: {  	s3 =	sadd.s32 s4, s3;
	[smem:$0x7A6] =	sst s26  }
0x26: {  	s11 =	simm.s32 $0xAB8;
	[dreg:$0x4] =	wrdreg s3  }
0x27: {  	s12 =	simm.s32 $0xAF0;
	[smem:$0x7AF] =	sst s11  }
0x28: {  	s13 =	simm.s32 $0xB28;
	[smem:$0x7B0] =	sst s12  }
0x29: {  	s14 =	simm.s32 $0xB60;
	[smem:$0x7B1] =	sst s13  }
0x2a: {  	s15 =	simm.s32 $0xB98;
	[smem:$0x7B2] =	sst s14  }
0x2b: {  	s16 =	simm.s32 $0xBD0;
	[smem:$0x7B3] =	sst s15  }
0x2c: {  	s17 =	simm.s32 $0xC08;
	[smem:$0x7B4] =	sst s16  }
0x2d: {  	s18 =	simm.s32 $0xC40;
	[smem:$0x7B5] =	sst s17  }
0x2e: {  	s19 =	simm.s32 $0xC78;
	[smem:$0x7B6] =	sst s18  }
0x2f: {  	s20 =	simm.s32 $0xCB0;
	[smem:$0x7B7] =	sst s19  }
0x30: {  	s21 =	simm.s32 $0xCE8;
	[smem:$0x7B8] =	sst s20  }
0x31: {  	s22 =	simm.s32 $0xD20;
	[smem:$0x7B9] =	sst s21  }
0x32: {  	s23 =	simm.s32 $0xD58;
	[smem:$0x7BA] =	sst s22  }
0x33: {  	s24 =	simm.s32 $0xD90;
	[smem:$0x7BB] =	sst s23  }
0x34: {  	s25 =	simm.s32 $0xDC8;
	[smem:$0x7BC] =	sst s24  }
0x35: {  	s5 =	sadd.s32 s5, s1;
	s26 =	simm.s32 $0xE00;
	[smem:$0x7BD] =	sst s25  }
0x36: {  	s5 =	sadd.s32 $0xA00, s5;
	[smem:$0x7BE] =	sst s26  }
0x37: {  	s11 =	simm.s32 $0xFF8;
	[dreg:$0x3] =	wrdreg s5  }
0x38: {  	s12 =	simm.s32 $0x1030;
	[smem:$0x7C7] =	sst s11  }
0x39: {  	s13 =	simm.s32 $0x1068;
	[smem:$0x7C8] =	sst s12  }
0x3a: {  	s14 =	simm.s32 $0x10A0;
	[smem:$0x7C9] =	sst s13  }
0x3b: {  	s15 =	simm.s32 $0x10D8;
	[smem:$0x7CA] =	sst s14  }
0x3c: {  	s16 =	simm.s32 $0x1110;
	[smem:$0x7CB] =	sst s15  }
0x3d: {  	s17 =	simm.s32 $0x1148;
	[smem:$0x7CC] =	sst s16  }
0x3e: {  	s18 =	simm.s32 $0x1180;
	[smem:$0x7CD] =	sst s17  }
0x3f: {  	s19 =	simm.s32 $0x11B8;
	[smem:$0x7CE] =	sst s18  }
0x40: {  	s20 =	simm.s32 $0x11F0;
	[smem:$0x7CF] =	sst s19  }
0x41: {  	s21 =	simm.s32 $0x1228;
	[smem:$0x7D0] =	sst s20  }
0x42: {  	s22 =	simm.s32 $0x1260;
	[smem:$0x7D1] =	sst s21  }
0x43: {  	s23 =	simm.s32 $0x1298;
	[smem:$0x7D2] =	sst s22  }
0x44: {  	s24 =	simm.s32 $0x12D0;
	[smem:$0x7D3] =	sst s23  }
0x45: {  	s6 =	sshrl.u32 s6, $0x3;
	s25 =	simm.s32 $0x1308;
	[smem:$0x7D4] =	sst s24  }
0x46: {  	s4 =	sadd.s32 s4, s6;
	s26 =	simm.s32 $0x1340;
	[smem:$0x7D5] =	sst s25  }
0x47: {  	s28 =	sadd.s32 $0x1900, s4;
	[smem:$0x7D6] =	sst s26  }
0x48: {  	s5 =	sadd.s32 $0x3200, s4;
	[dreg:$0x5] =	wrdreg s28  }
0x49: {  	s6 =	sadd.s32 $0x4B00, s4;
	[dreg:$0x6] =	wrdreg s5  }
0x4a: {  	s7 =	sadd.s32 $0x6400, s4;
	[dreg:$0x7] =	wrdreg s6  }
0x4b: {  	s8 =	sadd.s32 $0x7D00, s4;
	[dreg:$0x8] =	wrdreg s7  }
0x4c: {  	s9 =	sadd.s32 $0x9600, s4;
	[dreg:$0x9] =	wrdreg s8  }
0x4d: {  	s10 =	sadd.s32 $0xAF00, s4;
	[dreg:$0xa] =	wrdreg s9  }
0x4e: {  	s4 =	simm.s32 $0x3F0;
	[dreg:$0xb] =	wrdreg s10  }
0x4f: {  	s11 =	simm.s32 $0x1538;
	[dreg:$0x1d] =	wrdreg s4  }
0x50: {  	s12 =	simm.s32 $0x1570;
	[smem:$0x7DF] =	sst s11  }
0x51: {  	s13 =	simm.s32 $0x15A8;
	[smem:$0x7E0] =	sst s12  }
0x52: {  	s14 =	simm.s32 $0x15E0;
	[smem:$0x7E1] =	sst s13  }
0x53: {  	s15 =	simm.s32 $0x1618;
	[smem:$0x7E2] =	sst s14  }
0x54: {  	s16 =	simm.s32 $0x1650;
	[smem:$0x7E3] =	sst s15  }
0x55: {  	s17 =	simm.s32 $0x1688;
	[smem:$0x7E4] =	sst s16  }
0x56: {  	s18 =	simm.s32 $0x16C0;
	[smem:$0x7E5] =	sst s17  }
0x57: {  	s19 =	simm.s32 $0x16F8;
	[smem:$0x7E6] =	sst s18  }
0x58: {  	s21 =	simm.s32 $0x1730;
	[smem:$0x7E7] =	sst s19  }
0x59: {  	s22 =	simm.s32 $0x1768;
	[smem:$0x7E8] =	sst s21  }
0x5a: {  	s23 =	simm.s32 $0x17A0;
	[smem:$0x7E9] =	sst s22  }
0x5b: {  	s24 =	simm.s32 $0x17D8;
	[smem:$0x7EA] =	sst s23  }
0x5c: {  	s25 =	simm.s32 $0x1810;
	[smem:$0x7EB] =	sst s24  }
0x5d: {  	s26 =	simm.s32 $0x1848;
	[smem:$0x7EC] =	sst s25  }
0x5e: {  	s28 =	simm.s32 $0x3B8;
	[smem:$0x7ED] =	sst s26  }
0x5f: {  	s5 =	simm.s32 $0x428;
	[dreg:$0x1c] =	wrdreg s28  }
0x60: {  	s6 =	simm.s32 $0x460;
	[dreg:$0x1e] =	wrdreg s5  }
0x61: {  	s7 =	simm.s32 $0x498;
	[dreg:$0x1f] =	wrdreg s6  }
0x62: {  	s8 =	simm.s32 $0x4D0;
	[smem:$0x793] =	sst s7  }
0x63: {  	s9 =	simm.s32 $0x508;
	[smem:$0x794] =	sst s8  }
0x64: {  	s10 =	simm.s32 $0x540;
	[smem:$0x795] =	sst s9  }
0x65: {  	s4 =	simm.s32 $0x930;
	[smem:$0x796] =	sst s10  }
0x66: {  	s11 =	simm.s32 $0x1A08;
	[smem:$0x7A8] =	sst s4  }
0x67: {  	s12 =	simm.s32 $0x1A40;
	[smem:$0x7F5] =	sst s11  }
0x68: {  	s0 =	ssub.s32 $0x2, s0;
	s14 =	simm.s32 $0x1A78;
	[smem:$0x7F6] =	sst s12  }
0x69: {  	s20 =	sshrl.u32 s0, $0x1;
	s18 =	simm.s32 $0x1AB0;
	[smem:$0x7F7] =	sst s14  }
0x6a: {  	s0 =	ssub.s32 s0, s20;
	s20 =	simm.s32 $0x1AE8;
	[smem:$0x7F8] =	sst s18  }
0x6b: {  	s23 =	simm.s32 $0x1B20;
	[smem:$0x7F9] =	sst s20  }
0x6c: {  	s24 =	simm.s32 $0x1B58;
	[smem:$0x7FA] =	sst s23  }
0x6d: {  	s26 =	simm.s32 $0x1B90;
	[smem:$0x7FB] =	sst s24  }
0x6e: {  	[smem:$0x7FC] =	sst s26  }
0x6f: {  	s28 =	simm.s32 $0x8F8;
	s20 =	rddreg [dreg:$0x3]  }
0x70: {  	s5 =	simm.s32 $0x968;
	[smem:$0x7A7] =	sst s28  }
0x71: {  	s6 =	simm.s32 $0x9A0;
	[smem:$0x7A9] =	sst s5  }
0x72: {  	s7 =	simm.s32 $0x9D8;
	[smem:$0x7AA] =	sst s6  }
0x73: {  	s8 =	simm.s32 $0xA10;
	[smem:$0x7AB] =	sst s7  }
0x74: {  	s30 =	simm.s32 $0x5A80;
	s9 =	simm.s32 $0xA48;
	[smem:$0x7AC] =	sst s8  }
0x75: {  	p0 =	por $0x0, $0x0;
	s10 =	simm.s32 $0xA80;
	[smem:$0x7AD] =	sst s9  }
0x76: {  	s29 =	simm.s32 $0x12280;
	s4 =	simm.s32 $0xE70;
	[smem:$0x7AE] =	sst s10  }
0x77: {  	s31 =	simm.s32 $0x15480;
	s28 =	simm.s32 $0xE38;
	[smem:$0x7C0] =	sst s4  }
0x78: {  	s3 =	sadd.s32 $0xF42E00, s1;
	s5 =	simm.s32 $0xEA8;
	[smem:$0x7BF] =	sst s28  }
0x79: {  	s1 =	simm.s32 $0x16100;
	s6 =	simm.s32 $0xEE0;
	[smem:$0x7C1] =	sst s5  }
0x7a: {  	s19 =	simm.s32 $0x5;
	s7 =	simm.s32 $0xF18;
	[smem:$0x7C2] =	sst s6  }
0x7b: {  	s16 =	simm.s32 $0x1C00;
	s8 =	simm.s32 $0xF50;
	[smem:$0x7C3] =	sst s7  }
0x7c: {  	s21 =	simm.s32 $0x4E00;
	s9 =	simm.s32 $0xF88;
	[smem:$0x7C4] =	sst s8  }
0x7d: {  	s13 =	simm.s32 $0x7380;
	s10 =	simm.s32 $0xFC0;
	[smem:$0x7C5] =	sst s9  }
0x7e: {  	s15 =	simm.s32 $0x8000;
	s4 =	simm.s32 $0x13B0;
	[smem:$0x7C6] =	sst s10  }
0x7f: {  	s17 =	simm.s32 $0x8C80;
	s28 =	simm.s32 $0x1378;
	[smem:$0x7D8] =	sst s4  }
0x80: {  	s22 =	simm.s32 $0xA580;
	s5 =	simm.s32 $0x13E8;
	[smem:$0x7D7] =	sst s28  }
0x81: {  	s25 =	simm.s32 $0xB200;
	s6 =	simm.s32 $0x1420;
	[smem:$0x7D9] =	sst s5  }
0x82: {  	s0 =	smax.u32 s0, $0x1;
	s7 =	simm.s32 $0x1458;
	[smem:$0x7DA] =	sst s6  }
0x83: {  	s11 =	simm.s32 $0x9900;
	s8 =	simm.s32 $0x1490;
	[smem:$0x7DB] =	sst s7  }
0x84: {  	s18 =	simm.s32 $0xF080;
	s9 =	simm.s32 $0x14C8;
	[smem:$0x7DC] =	sst s8  }
0x85: {  	s26 =	simm.s32 $0xFD00;
	s10 =	simm.s32 $0x1500;
	[smem:$0x7DD] =	sst s9  }
0x86: {  	s23 =	simm.s32 $0x12F00;
	s4 =	simm.s32 $0x18B8;
	[smem:$0x7DE] =	sst s10  }
0x87: {  	s14 =	simm.s32 $0x13B80;
	s28 =	simm.s32 $0x1880;
	[smem:$0x7EF] =	sst s4  }
0x88: {  	s12 =	simm.s32 $0x14800;
	s6 =	simm.s32 $0x18F0;
	[smem:$0x7EE] =	sst s28  }
0x89: {  	p1 =	sne.s32 s0, $0x1;
	s7 =	simm.s32 $0x1928;
	[smem:$0x7F0] =	sst s6  }
0x8a: {  	s0 =	sadd.s32 $0xFFFFFFFF, s0;
	s8 =	simm.s32 $0x1960;
	[smem:$0x7F1] =	sst s7  }
.Ltmp0:
0x8b: {  	s9 =	simm.s32 $0x1998;
	[smem:$0x7F2] =	sst s8;
	(pc) =	sbr.rel @!p1 .LBB2_5-.Ltmp0, $4  }
0x8c: {  	s5 =	simm.s32 $0x32;
	s10 =	simm.s32 $0x19D0;
	[smem:$0x7F3] =	sst s9  }
0x8d: {  	s4 =	simm.s32 $0x6700;
	[smem:$0x7F4] =	sst s10;
	s6 =	simm.s32 $0xE400  }
0x8e: {  	s28 =	simm.s32 $0x1BC8;
	s10 =	simm.s32 $0x1;
	s8 =	simm.s32 $0x3  }
0x8f: {  	s9 =	simm.s32 $0x2;
	s7 =	simm.s32 $0x4;
	[smem:$0x7FD] =	sst s28  }
0x90: {  	[tilespmem:s2], [sflag:$0x5] =	stream.linear.gather [hbm4b:s20+s2], $0x1C00, $0x38;
	[tilespmem:$0x1AC00] =	vst v63  }
0x91: {  	_ =	swait.ge [sflag:s19], $0x1C00  }
0x92: {  	[sflag:s19] =	ssyncset.done $0x0;
	s28 =	rddreg [dreg:$0xd]  }
0x93: {  	[smem:$0x792] =	sst s0;
	[sflag:s19] =	ssyncadd.s32 $0xFFFFE400  }
0x94: {  	[tilespmem:s16], [sflag:$0x1] =	stream.indirect.gather [hbm4b:s3+s5], $0x40, s2, s5, $0xb8;
	[tilespmem:$0x1AC00] =	vst v63  }
0x95: {  	s24 =	simm.s32 $0x2880;
	s19 =	rddreg [dreg:$0xc]  }
0x96: {  	[tilespmem:s24], [sflag:$0x1] =	stream.indirect.gather [hbm4b:s3+s5], $0x40, s19, s5, $0xb8;
	[tilespmem:$0x1AC00] =	vst v63  }
0x97: {  	s20 =	rddreg [dreg:$0xe];
	s24 =	simm.s32 $0x3500  }
0x98: {  	[tilespmem:s24], [sflag:$0x1] =	stream.indirect.gather [hbm4b:s3+s5], $0x40, s28, s5, $0xb8;
	[tilespmem:$0x1AC00] =	vst v63  }
0x99: {  	s19 =	rddreg [dreg:$0xf];
	s28 =	simm.s32 $0x4180  }
0x9a: {  	[tilespmem:s28], [sflag:$0x1] =	stream.indirect.gather [hbm4b:s3+s5], $0x40, s20, s5, $0xb8;
	[tilespmem:$0x1AC00] =	vst v63  }
0x9b: {  	s24 =	rddreg [dreg:$0x10]  }
0x9c: {  	[tilespmem:s21], [sflag:$0x1] =	stream.indirect.gather [hbm4b:s3+s5], $0x40, s19, s5, $0xb8;
	[tilespmem:$0x1AC00] =	vst v63  }
0x9d: {  	s28 =	rddreg [dreg:$0x11]  }
0x9e: {  	[tilespmem:s30], [sflag:$0x1] =	stream.indirect.gather [hbm4b:s3+s5], $0x40, s24, s5, $0xb8;
	[tilespmem:$0x1AC00] =	vst v63  }
0x9f: {  	s20 =	rddreg [dreg:$0x1a]  }
0xa0: {  	[tilespmem:s4], [sflag:$0x1] =	stream.indirect.gather [hbm4b:s3+s5], $0x40, s28, s5, $0xb8;
	[tilespmem:$0x1AC00] =	vst v63  }
0xa1: {  	s24 =	rddreg [dreg:$0x12]  }
0xa2: {  	[tilespmem:s13], [sflag:$0x1] =	stream.indirect.gather [hbm4b:s3+s5], $0x40, s24, s5, $0xb8;
	[tilespmem:$0x1AC00] =	vst v63  }
0xa3: {  	s28 =	rddreg [dreg:$0x13]  }
0xa4: {  	[tilespmem:s15], [sflag:$0x1] =	stream.indirect.gather [hbm4b:s3+s5], $0x40, s28, s5, $0xb8;
	[tilespmem:$0x1AC00] =	vst v63  }
0xa5: {  	s24 =	rddreg [dreg:$0x14]  }
0xa6: {  	[tilespmem:s17], [sflag:$0x1] =	stream.indirect.gather [hbm4b:s3+s5], $0x40, s24, s5, $0xb8;
	[tilespmem:$0x1AC00] =	vst v63  }
0xa7: {  	s28 =	rddreg [dreg:$0x15]  }
0xa8: {  	[tilespmem:s11], [sflag:$0x1] =	stream.indirect.gather [hbm4b:s3+s5], $0x40, s28, s5, $0xb8;
	[tilespmem:$0x1AC00] =	vst v63  }
0xa9: {  	s24 =	rddreg [dreg:$0x16]  }
0xaa: {  	[tilespmem:s22], [sflag:$0x1] =	stream.indirect.gather [hbm4b:s3+s5], $0x40, s24, s5, $0xb8;
	[tilespmem:$0x1AC00] =	vst v63  }
0xab: {  	s28 =	rddreg [dreg:$0x17]  }
0xac: {  	[tilespmem:s25], [sflag:$0x1] =	stream.indirect.gather [hbm4b:s3+s5], $0x40, s28, s5, $0xb8;
	[tilespmem:$0x1AC00] =	vst v63  }
0xad: {  	s11 =	rddreg [dreg:$0x18];
	s22 =	simm.s32 $0xBE80  }
0xae: {  	[tilespmem:s22], [sflag:$0x1] =	stream.indirect.gather [hbm4b:s3+s5], $0x40, s11, s5, $0xb8;
	[tilespmem:$0x1AC00] =	vst v63  }
0xaf: {  	s19 =	rddreg [dreg:$0x19];
	s25 =	simm.s32 $0xCB00  }
0xb0: {  	[tilespmem:s25], [sflag:$0x1] =	stream.indirect.gather [hbm4b:s3+s5], $0x40, s19, s5, $0xb8;
	[tilespmem:$0x1AC00] =	vst v63  }
0xb1: {  	s22 =	simm.s32 $0xD780;
	s19 =	rddreg [dreg:$0x1b]  }
0xb2: {  	[tilespmem:s22], [sflag:$0x1] =	stream.indirect.gather [hbm4b:s3+s5], $0x40, s20, s5, $0xb8;
	[tilespmem:$0x1AC00] =	vst v63  }
0xb3: {  	s25 =	rddreg [dreg:$0x1d]  }
0xb4: {  	[tilespmem:s6], [sflag:$0x2] =	stream.indirect.gather [hbm4b:s3+s5], $0x40, s19, s5, $0xb8;
	[tilespmem:$0x1AC00] =	vst v63  }
0xb5: {  	s22 =	rddreg [dreg:$0x1c]  }
0xb6: {  	[tilespmem:s18], [sflag:$0x2] =	stream.indirect.gather [hbm4b:s3+s5], $0x40, s22, s5, $0xb8;
	[tilespmem:$0x1AC00] =	vst v63  }
0xb7: {  	s22 =	rddreg [dreg:$0x1e]  }
0xb8: {  	[tilespmem:s26], [sflag:$0x2] =	stream.indirect.gather [hbm4b:s3+s5], $0x40, s25, s5, $0xb8;
	[tilespmem:$0x1AC00] =	vst v63  }
0xb9: {  	s0 =	simm.s32 $0x10980;
	s25 =	rddreg [dreg:$0x1f]  }
0xba: {  	[tilespmem:s0], [sflag:$0x2] =	stream.indirect.gather [hbm4b:s3+s5], $0x40, s22, s5, $0xb8;
	[tilespmem:$0x1AC00] =	vst v63  }
0xbb: {  	s28 =	simm.s32 $0x11600;
	s26 =	sld [smem:$0x793]  }
0xbc: {  	[tilespmem:s28], [sflag:$0x2] =	stream.indirect.gather [hbm4b:s3+s5], $0x40, s25, s5, $0xb8;
	[tilespmem:$0x1AC00] =	vst v63  }
0xbd: {  	s0 =	sld [smem:$0x794]  }
0xbe: {  	[tilespmem:s29], [sflag:$0x2] =	stream.indirect.gather [hbm4b:s3+s5], $0x40, s26, s5, $0xb8;
	[tilespmem:$0x1AC00] =	vst v63  }
0xbf: {  	s22 =	sld [smem:$0x795]  }
0xc0: {  	[tilespmem:s23], [sflag:$0x2] =	stream.indirect.gather [hbm4b:s3+s5], $0x40, s0, s5, $0xb8;
	[tilespmem:$0x1AC00] =	vst v63  }
0xc1: {  	s25 =	sld [smem:$0x796]  }
0xc2: {  	[tilespmem:s14], [sflag:$0x2] =	stream.indirect.gather [hbm4b:s3+s5], $0x40, s22, s5, $0xb8;
	[tilespmem:$0x1AC00] =	vst v63  }
0xc3: {  	s26 =	sld [smem:$0x797]  }
0xc4: {  	[tilespmem:s12], [sflag:$0x2] =	stream.indirect.gather [hbm4b:s3+s5], $0x40, s25, s5, $0xb8;
	[tilespmem:$0x1AC00] =	vst v63  }
0xc5: {  	s28 =	sld [smem:$0x798]  }
0xc6: {  	[tilespmem:s31], [sflag:$0x2] =	stream.indirect.gather [hbm4b:s3+s5], $0x40, s26, s5, $0xb8;
	[tilespmem:$0x1AC00] =	vst v63  }
0xc7: {  	s29 =	sld [smem:$0x799]  }
0xc8: {  	[tilespmem:s1], [sflag:$0x2] =	stream.indirect.gather [hbm4b:s3+s5], $0x40, s28, s5, $0xb8;
	[tilespmem:$0x1AC00] =	vst v63  }
0xc9: {  	s0 =	sld [smem:$0x79A];
	s22 =	simm.s32 $0x16D80  }
0xca: {  	[tilespmem:s22], [sflag:$0x2] =	stream.indirect.gather [hbm4b:s3+s5], $0x40, s29, s5, $0xb8;
	[tilespmem:$0x1AC00] =	vst v63  }
0xcb: {  	s25 =	sld [smem:$0x79B];
	s28 =	simm.s32 $0x17A00  }
0xcc: {  	[tilespmem:s28], [sflag:$0x2] =	stream.indirect.gather [hbm4b:s3+s5], $0x40, s0, s5, $0xb8;
	[tilespmem:$0x1AC00] =	vst v63  }
0xcd: {  	s19 =	sld [smem:$0x79C];
	s29 =	simm.s32 $0x18680  }
0xce: {  	[tilespmem:s29], [sflag:$0x2] =	stream.indirect.gather [hbm4b:s3+s5], $0x40, s25, s5, $0xb8;
	[tilespmem:$0x1AC00] =	vst v63  }
0xcf: {  	s25 =	sld [smem:$0x79D];
	s29 =	simm.s32 $0x19300  }
0xd0: {  	[tilespmem:s29], [sflag:$0x2] =	stream.indirect.gather [hbm4b:s3+s5], $0x40, s19, s5, $0xb8;
	[tilespmem:$0x1AC00] =	vst v63  }
0xd1: {  	s0 =	simm.s32 $0x19F80  }
0xd2: {  	[tilespmem:s0], [sflag:$0x2] =	stream.indirect.gather [hbm4b:s3+s5], $0x40, s25, s5, $0xb8;
	[tilespmem:$0x1AC00] =	vst v63  }
0xd3: {  	_ =	swait.ge [sflag:s10], $0xC800  }
0xd4: {  	[sflag:s10] =	ssyncset.done $0x0  }
0xd5: {  	s25 =	rddreg [dreg:$0x4];
	[sflag:s10] =	ssyncadd.s32 $0xFFFF3800  }
0xd6: {  	[hbm4b:s25+s2] =	stream.linear.scatter [tilespmem:s16], [sflag:$0x3], $0xC800, $0x38;
	[tilespmem:$0x1AC00] =	vst v63  }
0xd7: {  	_ =	swait.ge [sflag:s8], $0xC800  }
0xd8: {  	s29 =	sld [smem:$0x79E]  }
0xd9: {  	[sflag:s8] =	ssyncset.done $0x0  }
0xda: {  	s0 =	sld [smem:$0x79F];
	[sflag:s8] =	ssyncadd.s32 $0xFFFF3800  }
0xdb: {  	[tilespmem:s16], [sflag:$0x1] =	stream.indirect.gather [hbm4b:s3+s5], $0x40, s29, s5, $0xb8;
	[tilespmem:$0x1AC00] =	vst v63  }
0xdc: {  	s25 =	sld [smem:$0x7A0];
	s29 =	simm.s32 $0x2880  }
0xdd: {  	[tilespmem:s29], [sflag:$0x1] =	stream.indirect.gather [hbm4b:s3+s5], $0x40, s0, s5, $0xb8;
	[tilespmem:$0x1AC00] =	vst v63  }
0xde: {  	s0 =	sld [smem:$0x7A1];
	s29 =	simm.s32 $0x3500  }
0xdf: {  	[tilespmem:s29], [sflag:$0x1] =	stream.indirect.gather [hbm4b:s3+s5], $0x40, s25, s5, $0xb8;
	[tilespmem:$0x1AC00] =	vst v63  }
0xe0: {  	s19 =	sld [smem:$0x7A2];
	s25 =	simm.s32 $0x4180  }
0xe1: {  	[tilespmem:s25], [sflag:$0x1] =	stream.indirect.gather [hbm4b:s3+s5], $0x40, s0, s5, $0xb8;
	[tilespmem:$0x1AC00] =	vst v63  }
0xe2: {  	s0 =	sld [smem:$0x7A3]  }
0xe3: {  	[tilespmem:s21], [sflag:$0x1] =	stream.indirect.gather [hbm4b:s3+s5], $0x40, s19, s5, $0xb8;
	[tilespmem:$0x1AC00] =	vst v63  }
0xe4: {  	s19 =	sld [smem:$0x7A4]  }
0xe5: {  	[tilespmem:s30], [sflag:$0x1] =	stream.indirect.gather [hbm4b:s3+s5], $0x40, s0, s5, $0xb8;
	[tilespmem:$0x1AC00] =	vst v63  }
0xe6: {  	s0 =	sld [smem:$0x7A5]  }
0xe7: {  	[tilespmem:s4], [sflag:$0x1] =	stream.indirect.gather [hbm4b:s3+s5], $0x40, s19, s5, $0xb8;
	[tilespmem:$0x1AC00] =	vst v63  }
0xe8: {  	s19 =	sld [smem:$0x7A6]  }
0xe9: {  	[tilespmem:s13], [sflag:$0x1] =	stream.indirect.gather [hbm4b:s3+s5], $0x40, s0, s5, $0xb8;
	[tilespmem:$0x1AC00] =	vst v63  }
0xea: {  	s0 =	sld [smem:$0x7A7]  }
0xeb: {  	[tilespmem:s15], [sflag:$0x1] =	stream.indirect.gather [hbm4b:s3+s5], $0x40, s19, s5, $0xb8;
	[tilespmem:$0x1AC00] =	vst v63  }
0xec: {  	s19 =	sld [smem:$0x7A8]  }
0xed: {  	[tilespmem:s17], [sflag:$0x1] =	stream.indirect.gather [hbm4b:s3+s5], $0x40, s0, s5, $0xb8;
	[tilespmem:$0x1AC00] =	vst v63  }
0xee: {  	s11 =	simm.s32 $0x9900;
	s0 =	sld [smem:$0x7A9]  }
0xef: {  	[tilespmem:s11], [sflag:$0x1] =	stream.indirect.gather [hbm4b:s3+s5], $0x40, s19, s5, $0xb8;
	[tilespmem:$0x1AC00] =	vst v63  }
0xf0: {  	s24 =	simm.s32 $0xA580;
	s11 =	sld [smem:$0x7AA]  }
0xf1: {  	[tilespmem:s24], [sflag:$0x1] =	stream.indirect.gather [hbm4b:s3+s5], $0x40, s0, s5, $0xb8;
	[tilespmem:$0x1AC00] =	vst v63  }
0xf2: {  	s0 =	sld [smem:$0x7AB];
	s24 =	simm.s32 $0xB200  }
0xf3: {  	[tilespmem:s24], [sflag:$0x1] =	stream.indirect.gather [hbm4b:s3+s5], $0x40, s11, s5, $0xb8;
	[tilespmem:$0x1AC00] =	vst v63  }
0xf4: {  	s19 =	sld [smem:$0x7AC];
	s11 =	simm.s32 $0xBE80  }
0xf5: {  	[tilespmem:s11], [sflag:$0x1] =	stream.indirect.gather [hbm4b:s3+s5], $0x40, s0, s5, $0xb8;
	[tilespmem:$0x1AC00] =	vst v63  }
0xf6: {  	s20 =	sld [smem:$0x7AD];
	s11 =	simm.s32 $0xCB00  }
0xf7: {  	[tilespmem:s11], [sflag:$0x1] =	stream.indirect.gather [hbm4b:s3+s5], $0x40, s19, s5, $0xb8;
	[tilespmem:$0x1AC00] =	vst v63  }
0xf8: {  	s0 =	simm.s32 $0xD780  }
0xf9: {  	[tilespmem:s0], [sflag:$0x1] =	stream.indirect.gather [hbm4b:s3+s5], $0x40, s20, s5, $0xb8;
	[tilespmem:$0x1AC00] =	vst v63  }
0xfa: {  	_ =	swait.ge [sflag:s9], $0xC800  }
0xfb: {  	[sflag:s9] =	ssyncset.done $0x0  }
0xfc: {  	s11 =	rddreg [dreg:$0x5];
	[sflag:s9] =	ssyncadd.s32 $0xFFFF3800  }
0xfd: {  	[hbm4b:s11+s2] =	stream.linear.scatter [tilespmem:s6], [sflag:$0x4], $0xC800, $0x38;
	[tilespmem:$0x1AC00] =	vst v63  }
0xfe: {  	_ =	swait.ge [sflag:s7], $0xC800  }
0xff: {  	s20 =	sld [smem:$0x7AE]  }
0x100: {  	[sflag:s7] =	ssyncset.done $0x0  }
0x101: {  	s11 =	sld [smem:$0x7AF];
	[sflag:s7] =	ssyncadd.s32 $0xFFFF3800  }
0x102: {  	[tilespmem:s6], [sflag:$0x2] =	stream.indirect.gather [hbm4b:s3+s5], $0x40, s20, s5, $0xb8;
	[tilespmem:$0x1AC00] =	vst v63  }
0x103: {  	s19 =	sld [smem:$0x7B0]  }
0x104: {  	[tilespmem:s18], [sflag:$0x2] =	stream.indirect.gather [hbm4b:s3+s5], $0x40, s11, s5, $0xb8;
	[tilespmem:$0x1AC00] =	vst v63  }
0x105: {  	s28 =	simm.s32 $0xFD00;
	s11 =	sld [smem:$0x7B1]  }
0x106: {  	[tilespmem:s28], [sflag:$0x2] =	stream.indirect.gather [hbm4b:s3+s5], $0x40, s19, s5, $0xb8;
	[tilespmem:$0x1AC00] =	vst v63  }
0x107: {  	s19 =	sld [smem:$0x7B2];
	s28 =	simm.s32 $0x10980  }
0x108: {  	[tilespmem:s28], [sflag:$0x2] =	stream.indirect.gather [hbm4b:s3+s5], $0x40, s11, s5, $0xb8;
	[tilespmem:$0x1AC00] =	vst v63  }
0x109: {  	s20 =	sld [smem:$0x7B3];
	s11 =	simm.s32 $0x11600  }
0x10a: {  	[tilespmem:s11], [sflag:$0x2] =	stream.indirect.gather [hbm4b:s3+s5], $0x40, s19, s5, $0xb8;
	[tilespmem:$0x1AC00] =	vst v63  }
0x10b: {  	s22 =	simm.s32 $0x12280;
	s19 =	sld [smem:$0x7B4]  }
0x10c: {  	[tilespmem:s22], [sflag:$0x2] =	stream.indirect.gather [hbm4b:s3+s5], $0x40, s20, s5, $0xb8;
	[tilespmem:$0x1AC00] =	vst v63  }
0x10d: {  	s11 =	sld [smem:$0x7B5]  }
0x10e: {  	[tilespmem:s23], [sflag:$0x2] =	stream.indirect.gather [hbm4b:s3+s5], $0x40, s19, s5, $0xb8;
	[tilespmem:$0x1AC00] =	vst v63  }
0x10f: {  	s22 =	sld [smem:$0x7B6]  }
0x110: {  	[tilespmem:s14], [sflag:$0x2] =	stream.indirect.gather [hbm4b:s3+s5], $0x40, s11, s5, $0xb8;
	[tilespmem:$0x1AC00] =	vst v63  }
0x111: {  	s11 =	sld [smem:$0x7B7]  }
0x112: {  	[tilespmem:s12], [sflag:$0x2] =	stream.indirect.gather [hbm4b:s3+s5], $0x40, s22, s5, $0xb8;
	[tilespmem:$0x1AC00] =	vst v63  }
0x113: {  	s22 =	sld [smem:$0x7B8]  }
0x114: {  	[tilespmem:s31], [sflag:$0x2] =	stream.indirect.gather [hbm4b:s3+s5], $0x40, s11, s5, $0xb8;
	[tilespmem:$0x1AC00] =	vst v63  }
0x115: {  	s11 =	sld [smem:$0x7B9]  }
0x116: {  	[tilespmem:s1], [sflag:$0x2] =	stream.indirect.gather [hbm4b:s3+s5], $0x40, s22, s5, $0xb8;
	[tilespmem:$0x1AC00] =	vst v63  }
0x117: {  	s26 =	simm.s32 $0x16D80;
	s22 =	sld [smem:$0x7BA]  }
0x118: {  	[tilespmem:s26], [sflag:$0x2] =	stream.indirect.gather [hbm4b:s3+s5], $0x40, s11, s5, $0xb8;
	[tilespmem:$0x1AC00] =	vst v63  }
0x119: {  	s11 =	sld [smem:$0x7BB];
	s26 =	simm.s32 $0x17A00  }
0x11a: {  	[tilespmem:s26], [sflag:$0x2] =	stream.indirect.gather [hbm4b:s3+s5], $0x40, s22, s5, $0xb8;
	[tilespmem:$0x1AC00] =	vst v63  }
0x11b: {  	s19 =	sld [smem:$0x7BC];
	s22 =	simm.s32 $0x18680  }
0x11c: {  	[tilespmem:s22], [sflag:$0x2] =	stream.indirect.gather [hbm4b:s3+s5], $0x40, s11, s5, $0xb8;
	[tilespmem:$0x1AC00] =	vst v63  }
0x11d: {  	s20 =	sld [smem:$0x7BD];
	s11 =	simm.s32 $0x19300  }
0x11e: {  	[tilespmem:s11], [sflag:$0x2] =	stream.indirect.gather [hbm4b:s3+s5], $0x40, s19, s5, $0xb8;
	[tilespmem:$0x1AC00] =	vst v63  }
0x11f: {  	s19 =	simm.s32 $0x19F80  }
0x120: {  	[tilespmem:s19], [sflag:$0x2] =	stream.indirect.gather [hbm4b:s3+s5], $0x40, s20, s5, $0xb8;
	[tilespmem:$0x1AC00] =	vst v63  }
0x121: {  	_ =	swait.ge [sflag:s10], $0xC800  }
0x122: {  	[sflag:s10] =	ssyncset.done $0x0  }
0x123: {  	s20 =	rddreg [dreg:$0x6];
	[sflag:s10] =	ssyncadd.s32 $0xFFFF3800  }
0x124: {  	[hbm4b:s20+s2] =	stream.linear.scatter [tilespmem:s16], [sflag:$0x3], $0xC800, $0x38;
	[tilespmem:$0x1AC00] =	vst v63  }
0x125: {  	_ =	swait.ge [sflag:s8], $0xC800  }
0x126: {  	s11 =	sld [smem:$0x7BE]  }
0x127: {  	[sflag:s8] =	ssyncset.done $0x0  }
0x128: {  	s20 =	sld [smem:$0x7BF];
	[sflag:s8] =	ssyncadd.s32 $0xFFFF3800  }
0x129: {  	[tilespmem:s16], [sflag:$0x1] =	stream.indirect.gather [hbm4b:s3+s5], $0x40, s11, s5, $0xb8;
	[tilespmem:$0x1AC00] =	vst v63  }
0x12a: {  	s19 =	sld [smem:$0x7C0];
	s11 =	simm.s32 $0x2880  }
0x12b: {  	[tilespmem:s11], [sflag:$0x1] =	stream.indirect.gather [hbm4b:s3+s5], $0x40, s20, s5, $0xb8;
	[tilespmem:$0x1AC00] =	vst v63  }
0x12c: {  	s20 =	sld [smem:$0x7C1]  }
0x12d: {  	[tilespmem:s29], [sflag:$0x1] =	stream.indirect.gather [hbm4b:s3+s5], $0x40, s19, s5, $0xb8;
	[tilespmem:$0x1AC00] =	vst v63  }
0x12e: {  	s11 =	sld [smem:$0x7C2]  }
0x12f: {  	[tilespmem:s25], [sflag:$0x1] =	stream.indirect.gather [hbm4b:s3+s5], $0x40, s20, s5, $0xb8;
	[tilespmem:$0x1AC00] =	vst v63  }
0x130: {  	s29 =	sld [smem:$0x7C3]  }
0x131: {  	[tilespmem:s21], [sflag:$0x1] =	stream.indirect.gather [hbm4b:s3+s5], $0x40, s11, s5, $0xb8;
	[tilespmem:$0x1AC00] =	vst v63  }
0x132: {  	s11 =	sld [smem:$0x7C4]  }
0x133: {  	[tilespmem:s30], [sflag:$0x1] =	stream.indirect.gather [hbm4b:s3+s5], $0x40, s29, s5, $0xb8;
	[tilespmem:$0x1AC00] =	vst v63  }
0x134: {  	s29 =	sld [smem:$0x7C5]  }
0x135: {  	[tilespmem:s4], [sflag:$0x1] =	stream.indirect.gather [hbm4b:s3+s5], $0x40, s11, s5, $0xb8;
	[tilespmem:$0x1AC00] =	vst v63  }
0x136: {  	s11 =	sld [smem:$0x7C6]  }
0x137: {  	[tilespmem:s13], [sflag:$0x1] =	stream.indirect.gather [hbm4b:s3+s5], $0x40, s29, s5, $0xb8;
	[tilespmem:$0x1AC00] =	vst v63  }
0x138: {  	s29 =	sld [smem:$0x7C7]  }
0x139: {  	[tilespmem:s15], [sflag:$0x1] =	stream.indirect.gather [hbm4b:s3+s5], $0x40, s11, s5, $0xb8;
	[tilespmem:$0x1AC00] =	vst v63  }
0x13a: {  	s11 =	sld [smem:$0x7C8]  }
0x13b: {  	[tilespmem:s17], [sflag:$0x1] =	stream.indirect.gather [hbm4b:s3+s5], $0x40, s29, s5, $0xb8;
	[tilespmem:$0x1AC00] =	vst v63  }
0x13c: {  	s20 =	sld [smem:$0x7C9];
	s29 =	simm.s32 $0x9900  }
0x13d: {  	[tilespmem:s29], [sflag:$0x1] =	stream.indirect.gather [hbm4b:s3+s5], $0x40, s11, s5, $0xb8;
	[tilespmem:$0x1AC00] =	vst v63  }
0x13e: {  	s19 =	sld [smem:$0x7CA];
	s29 =	simm.s32 $0xA580  }
0x13f: {  	[tilespmem:s29], [sflag:$0x1] =	stream.indirect.gather [hbm4b:s3+s5], $0x40, s20, s5, $0xb8;
	[tilespmem:$0x1AC00] =	vst v63  }
0x140: {  	s11 =	sld [smem:$0x7CB]  }
0x141: {  	[tilespmem:s24], [sflag:$0x1] =	stream.indirect.gather [hbm4b:s3+s5], $0x40, s19, s5, $0xb8;
	[tilespmem:$0x1AC00] =	vst v63  }
0x142: {  	s29 =	simm.s32 $0xBE80;
	s19 =	sld [smem:$0x7CC]  }
0x143: {  	[tilespmem:s29], [sflag:$0x1] =	stream.indirect.gather [hbm4b:s3+s5], $0x40, s11, s5, $0xb8;
	[tilespmem:$0x1AC00] =	vst v63  }
0x144: {  	s20 =	sld [smem:$0x7CD];
	s29 =	simm.s32 $0xCB00  }
0x145: {  	[tilespmem:s29], [sflag:$0x1] =	stream.indirect.gather [hbm4b:s3+s5], $0x40, s19, s5, $0xb8;
	[tilespmem:$0x1AC00] =	vst v63  }
0x146: {  	_ = 	snop  }
0x147: {  	[tilespmem:s0], [sflag:$0x1] =	stream.indirect.gather [hbm4b:s3+s5], $0x40, s20, s5, $0xb8;
	[tilespmem:$0x1AC00] =	vst v63  }
0x148: {  	_ =	swait.ge [sflag:s9], $0xC800  }
0x149: {  	[sflag:s9] =	ssyncset.done $0x0  }
0x14a: {  	s20 =	rddreg [dreg:$0x7];
	[sflag:s9] =	ssyncadd.s32 $0xFFFF3800  }
0x14b: {  	[hbm4b:s20+s2] =	stream.linear.scatter [tilespmem:s6], [sflag:$0x4], $0xC800, $0x38;
	[tilespmem:$0x1AC00] =	vst v63  }
0x14c: {  	_ =	swait.ge [sflag:s7], $0xC800  }
0x14d: {  	s0 =	sld [smem:$0x7CE]  }
0x14e: {  	[sflag:s7] =	ssyncset.done $0x0  }
0x14f: {  	s11 =	sld [smem:$0x7CF];
	[sflag:s7] =	ssyncadd.s32 $0xFFFF3800  }
0x150: {  	[tilespmem:s6], [sflag:$0x2] =	stream.indirect.gather [hbm4b:s3+s5], $0x40, s0, s5, $0xb8;
	[tilespmem:$0x1AC00] =	vst v63  }
0x151: {  	s0 =	sld [smem:$0x7D0]  }
0x152: {  	[tilespmem:s18], [sflag:$0x2] =	stream.indirect.gather [hbm4b:s3+s5], $0x40, s11, s5, $0xb8;
	[tilespmem:$0x1AC00] =	vst v63  }
0x153: {  	s20 =	sld [smem:$0x7D1];
	s11 =	simm.s32 $0xFD00  }
0x154: {  	[tilespmem:s11], [sflag:$0x2] =	stream.indirect.gather [hbm4b:s3+s5], $0x40, s0, s5, $0xb8;
	[tilespmem:$0x1AC00] =	vst v63  }
0x155: {  	s11 =	sld [smem:$0x7D2]  }
0x156: {  	[tilespmem:s28], [sflag:$0x2] =	stream.indirect.gather [hbm4b:s3+s5], $0x40, s20, s5, $0xb8;
	[tilespmem:$0x1AC00] =	vst v63  }
0x157: {  	s0 =	simm.s32 $0x11600;
	s20 =	sld [smem:$0x7D3]  }
0x158: {  	[tilespmem:s0], [sflag:$0x2] =	stream.indirect.gather [hbm4b:s3+s5], $0x40, s11, s5, $0xb8;
	[tilespmem:$0x1AC00] =	vst v63  }
0x159: {  	s28 =	simm.s32 $0x12280;
	s11 =	sld [smem:$0x7D4]  }
0x15a: {  	[tilespmem:s28], [sflag:$0x2] =	stream.indirect.gather [hbm4b:s3+s5], $0x40, s20, s5, $0xb8;
	[tilespmem:$0x1AC00] =	vst v63  }
0x15b: {  	s0 =	sld [smem:$0x7D5]  }
0x15c: {  	[tilespmem:s23], [sflag:$0x2] =	stream.indirect.gather [hbm4b:s3+s5], $0x40, s11, s5, $0xb8;
	[tilespmem:$0x1AC00] =	vst v63  }
0x15d: {  	s11 =	sld [smem:$0x7D6]  }
0x15e: {  	[tilespmem:s14], [sflag:$0x2] =	stream.indirect.gather [hbm4b:s3+s5], $0x40, s0, s5, $0xb8;
	[tilespmem:$0x1AC00] =	vst v63  }
0x15f: {  	s28 =	sld [smem:$0x7D7]  }
0x160: {  	[tilespmem:s12], [sflag:$0x2] =	stream.indirect.gather [hbm4b:s3+s5], $0x40, s11, s5, $0xb8;
	[tilespmem:$0x1AC00] =	vst v63  }
0x161: {  	s0 =	sld [smem:$0x7D8]  }
0x162: {  	[tilespmem:s31], [sflag:$0x2] =	stream.indirect.gather [hbm4b:s3+s5], $0x40, s28, s5, $0xb8;
	[tilespmem:$0x1AC00] =	vst v63  }
0x163: {  	s11 =	sld [smem:$0x7D9]  }
0x164: {  	[tilespmem:s1], [sflag:$0x2] =	stream.indirect.gather [hbm4b:s3+s5], $0x40, s0, s5, $0xb8;
	[tilespmem:$0x1AC00] =	vst v63  }
0x165: {  	s28 =	simm.s32 $0x16D80;
	s0 =	sld [smem:$0x7DA]  }
0x166: {  	[tilespmem:s28], [sflag:$0x2] =	stream.indirect.gather [hbm4b:s3+s5], $0x40, s11, s5, $0xb8;
	[tilespmem:$0x1AC00] =	vst v63  }
0x167: {  	s11 =	sld [smem:$0x7DB]  }
0x168: {  	[tilespmem:s26], [sflag:$0x2] =	stream.indirect.gather [hbm4b:s3+s5], $0x40, s0, s5, $0xb8;
	[tilespmem:$0x1AC00] =	vst v63  }
0x169: {  	s0 =	sld [smem:$0x7DC]  }
0x16a: {  	[tilespmem:s22], [sflag:$0x2] =	stream.indirect.gather [hbm4b:s3+s5], $0x40, s11, s5, $0xb8;
	[tilespmem:$0x1AC00] =	vst v63  }
0x16b: {  	s22 =	sld [smem:$0x7DD];
	s11 =	simm.s32 $0x19300  }
0x16c: {  	[tilespmem:s11], [sflag:$0x2] =	stream.indirect.gather [hbm4b:s3+s5], $0x40, s0, s5, $0xb8;
	[tilespmem:$0x1AC00] =	vst v63  }
0x16d: {  	s0 =	simm.s32 $0x19F80  }
0x16e: {  	[tilespmem:s0], [sflag:$0x2] =	stream.indirect.gather [hbm4b:s3+s5], $0x40, s22, s5, $0xb8;
	[tilespmem:$0x1AC00] =	vst v63  }
0x16f: {  	_ =	swait.ge [sflag:s10], $0xC800  }
0x170: {  	[sflag:s10] =	ssyncset.done $0x0  }
0x171: {  	s20 =	rddreg [dreg:$0x8];
	[sflag:s10] =	ssyncadd.s32 $0xFFFF3800  }
0x172: {  	[hbm4b:s20+s2] =	stream.linear.scatter [tilespmem:s16], [sflag:$0x3], $0xC800, $0x38;
	[tilespmem:$0x1AC00] =	vst v63  }
0x173: {  	_ =	swait.ge [sflag:s8], $0xC800  }
0x174: {  	s22 =	sld [smem:$0x7DE]  }
0x175: {  	[sflag:s8] =	ssyncset.done $0x0  }
0x176: {  	s20 =	sld [smem:$0x7DF];
	[sflag:s8] =	ssyncadd.s32 $0xFFFF3800  }
0x177: {  	[tilespmem:s16], [sflag:$0x1] =	stream.indirect.gather [hbm4b:s3+s5], $0x40, s22, s5, $0xb8;
	[tilespmem:$0x1AC00] =	vst v63  }
0x178: {  	s19 =	sld [smem:$0x7E0];
	s22 =	simm.s32 $0x2880  }
0x179: {  	[tilespmem:s22], [sflag:$0x1] =	stream.indirect.gather [hbm4b:s3+s5], $0x40, s20, s5, $0xb8;
	[tilespmem:$0x1AC00] =	vst v63  }
0x17a: {  	s20 =	sld [smem:$0x7E1];
	s22 =	simm.s32 $0x3500  }
0x17b: {  	[tilespmem:s22], [sflag:$0x1] =	stream.indirect.gather [hbm4b:s3+s5], $0x40, s19, s5, $0xb8;
	[tilespmem:$0x1AC00] =	vst v63  }
0x17c: {  	s25 =	simm.s32 $0x4180;
	s19 =	sld [smem:$0x7E2]  }
0x17d: {  	[tilespmem:s25], [sflag:$0x1] =	stream.indirect.gather [hbm4b:s3+s5], $0x40, s20, s5, $0xb8;
	[tilespmem:$0x1AC00] =	vst v63  }
0x17e: {  	s22 =	sld [smem:$0x7E3]  }
0x17f: {  	[tilespmem:s21], [sflag:$0x1] =	stream.indirect.gather [hbm4b:s3+s5], $0x40, s19, s5, $0xb8;
	[tilespmem:$0x1AC00] =	vst v63  }
0x180: {  	s25 =	sld [smem:$0x7E4]  }
0x181: {  	[tilespmem:s30], [sflag:$0x1] =	stream.indirect.gather [hbm4b:s3+s5], $0x40, s22, s5, $0xb8;
	[tilespmem:$0x1AC00] =	vst v63  }
0x182: {  	s30 =	sld [smem:$0x7E5]  }
0x183: {  	[tilespmem:s4], [sflag:$0x1] =	stream.indirect.gather [hbm4b:s3+s5], $0x40, s25, s5, $0xb8;
	[tilespmem:$0x1AC00] =	vst v63  }
0x184: {  	s21 =	sld [smem:$0x7E6]  }
0x185: {  	[tilespmem:s13], [sflag:$0x1] =	stream.indirect.gather [hbm4b:s3+s5], $0x40, s30, s5, $0xb8;
	[tilespmem:$0x1AC00] =	vst v63  }
0x186: {  	s22 =	sld [smem:$0x7E7]  }
0x187: {  	[tilespmem:s15], [sflag:$0x1] =	stream.indirect.gather [hbm4b:s3+s5], $0x40, s21, s5, $0xb8;
	[tilespmem:$0x1AC00] =	vst v63  }
0x188: {  	s25 =	sld [smem:$0x7E8]  }
0x189: {  	[tilespmem:s17], [sflag:$0x1] =	stream.indirect.gather [hbm4b:s3+s5], $0x40, s22, s5, $0xb8;
	[tilespmem:$0x1AC00] =	vst v63  }
0x18a: {  	s30 =	sld [smem:$0x7E9];
	s13 =	simm.s32 $0x9900  }
0x18b: {  	[tilespmem:s13], [sflag:$0x1] =	stream.indirect.gather [hbm4b:s3+s5], $0x40, s25, s5, $0xb8;
	[tilespmem:$0x1AC00] =	vst v63  }
0x18c: {  	s15 =	sld [smem:$0x7EA];
	s17 =	simm.s32 $0xA580  }
0x18d: {  	[tilespmem:s17], [sflag:$0x1] =	stream.indirect.gather [hbm4b:s3+s5], $0x40, s30, s5, $0xb8;
	[tilespmem:$0x1AC00] =	vst v63  }
0x18e: {  	s24 =	simm.s32 $0xB200;
	s21 =	sld [smem:$0x7EB]  }
0x18f: {  	[tilespmem:s24], [sflag:$0x1] =	stream.indirect.gather [hbm4b:s3+s5], $0x40, s15, s5, $0xb8;
	[tilespmem:$0x1AC00] =	vst v63  }
0x190: {  	s22 =	sld [smem:$0x7EC];
	s24 =	simm.s32 $0xBE80  }
0x191: {  	[tilespmem:s24], [sflag:$0x1] =	stream.indirect.gather [hbm4b:s3+s5], $0x40, s21, s5, $0xb8;
	[tilespmem:$0x1AC00] =	vst v63  }
0x192: {  	s25 =	sld [smem:$0x7ED];
	s30 =	simm.s32 $0xCB00  }
0x193: {  	[tilespmem:s30], [sflag:$0x1] =	stream.indirect.gather [hbm4b:s3+s5], $0x40, s22, s5, $0xb8;
	[tilespmem:$0x1AC00] =	vst v63  }
0x194: {  	s29 =	simm.s32 $0xD780  }
0x195: {  	[tilespmem:s29], [sflag:$0x1] =	stream.indirect.gather [hbm4b:s3+s5], $0x40, s25, s5, $0xb8;
	[tilespmem:$0x1AC00] =	vst v63  }
0x196: {  	_ =	swait.ge [sflag:s9], $0xC800  }
0x197: {  	[sflag:s9] =	ssyncset.done $0x0  }
0x198: {  	s4 =	rddreg [dreg:$0x9];
	[sflag:s9] =	ssyncadd.s32 $0xFFFF3800  }
0x199: {  	[hbm4b:s4+s2] =	stream.linear.scatter [tilespmem:s6], [sflag:$0x4], $0xC800, $0x38;
	[tilespmem:$0x1AC00] =	vst v63  }
0x19a: {  	_ =	swait.ge [sflag:s7], $0xC800  }
0x19b: {  	s13 =	sld [smem:$0x7EE]  }
0x19c: {  	[sflag:s7] =	ssyncset.done $0x0  }
0x19d: {  	s15 =	sld [smem:$0x7EF];
	[sflag:s7] =	ssyncadd.s32 $0xFFFF3800  }
0x19e: {  	[tilespmem:s6], [sflag:$0x2] =	stream.indirect.gather [hbm4b:s3+s5], $0x40, s13, s5, $0xb8;
	[tilespmem:$0x1AC00] =	vst v63  }
0x19f: {  	s17 =	sld [smem:$0x7F0]  }
0x1a0: {  	[tilespmem:s18], [sflag:$0x2] =	stream.indirect.gather [hbm4b:s3+s5], $0x40, s15, s5, $0xb8;
	[tilespmem:$0x1AC00] =	vst v63  }
0x1a1: {  	s21 =	simm.s32 $0xFD00;
	s18 =	sld [smem:$0x7F1]  }
0x1a2: {  	[tilespmem:s21], [sflag:$0x2] =	stream.indirect.gather [hbm4b:s3+s5], $0x40, s17, s5, $0xb8;
	[tilespmem:$0x1AC00] =	vst v63  }
0x1a3: {  	s24 =	simm.s32 $0x10980;
	s22 =	sld [smem:$0x7F2]  }
0x1a4: {  	[tilespmem:s24], [sflag:$0x2] =	stream.indirect.gather [hbm4b:s3+s5], $0x40, s18, s5, $0xb8;
	[tilespmem:$0x1AC00] =	vst v63  }
0x1a5: {  	s29 =	simm.s32 $0x11600;
	s25 =	sld [smem:$0x7F3]  }
0x1a6: {  	[tilespmem:s29], [sflag:$0x2] =	stream.indirect.gather [hbm4b:s3+s5], $0x40, s22, s5, $0xb8;
	[tilespmem:$0x1AC00] =	vst v63  }
0x1a7: {  	s30 =	sld [smem:$0x7F4];
	s13 =	simm.s32 $0x12280  }
0x1a8: {  	[tilespmem:s13], [sflag:$0x2] =	stream.indirect.gather [hbm4b:s3+s5], $0x40, s25, s5, $0xb8;
	[tilespmem:$0x1AC00] =	vst v63  }
0x1a9: {  	s15 =	sld [smem:$0x7F5]  }
0x1aa: {  	[tilespmem:s23], [sflag:$0x2] =	stream.indirect.gather [hbm4b:s3+s5], $0x40, s30, s5, $0xb8;
	[tilespmem:$0x1AC00] =	vst v63  }
0x1ab: {  	s17 =	sld [smem:$0x7F6]  }
0x1ac: {  	[tilespmem:s14], [sflag:$0x2] =	stream.indirect.gather [hbm4b:s3+s5], $0x40, s15, s5, $0xb8;
	[tilespmem:$0x1AC00] =	vst v63  }
0x1ad: {  	s18 =	sld [smem:$0x7F7]  }
0x1ae: {  	[tilespmem:s12], [sflag:$0x2] =	stream.indirect.gather [hbm4b:s3+s5], $0x40, s17, s5, $0xb8;
	[tilespmem:$0x1AC00] =	vst v63  }
0x1af: {  	s21 =	sld [smem:$0x7F8]  }
0x1b0: {  	[tilespmem:s31], [sflag:$0x2] =	stream.indirect.gather [hbm4b:s3+s5], $0x40, s18, s5, $0xb8;
	[tilespmem:$0x1AC00] =	vst v63  }
0x1b1: {  	s22 =	sld [smem:$0x7F9]  }
0x1b2: {  	[tilespmem:s1], [sflag:$0x2] =	stream.indirect.gather [hbm4b:s3+s5], $0x40, s21, s5, $0xb8;
	[tilespmem:$0x1AC00] =	vst v63  }
0x1b3: {  	s23 =	sld [smem:$0x7FA]  }
0x1b4: {  	[tilespmem:s28], [sflag:$0x2] =	stream.indirect.gather [hbm4b:s3+s5], $0x40, s22, s5, $0xb8;
	[tilespmem:$0x1AC00] =	vst v63  }
0x1b5: {  	s26 =	simm.s32 $0x17A00;
	s24 =	sld [smem:$0x7FB]  }
0x1b6: {  	[tilespmem:s26], [sflag:$0x2] =	stream.indirect.gather [hbm4b:s3+s5], $0x40, s23, s5, $0xb8;
	[tilespmem:$0x1AC00] =	vst v63  }
0x1b7: {  	s25 =	sld [smem:$0x7FC];
	s26 =	simm.s32 $0x18680  }
0x1b8: {  	[tilespmem:s26], [sflag:$0x2] =	stream.indirect.gather [hbm4b:s3+s5], $0x40, s24, s5, $0xb8;
	[tilespmem:$0x1AC00] =	vst v63  }
0x1b9: {  	s28 =	sld [smem:$0x7FD]  }
0x1ba: {  	[tilespmem:s11], [sflag:$0x2] =	stream.indirect.gather [hbm4b:s3+s5], $0x40, s25, s5, $0xb8;
	[tilespmem:$0x1AC00] =	vst v63  }
0x1bb: {  	_ = 	snop  }
0x1bc: {  	[tilespmem:s0], [sflag:$0x2] =	stream.indirect.gather [hbm4b:s3+s5], $0x40, s28, s5, $0xb8;
	[tilespmem:$0x1AC00] =	vst v63  }
0x1bd: {  	_ =	swait.ge [sflag:s10], $0xC800  }
0x1be: {  	[sflag:s10] =	ssyncset.done $0x0  }
0x1bf: {  	s29 =	rddreg [dreg:$0xa];
	[sflag:s10] =	ssyncadd.s32 $0xFFFF3800  }
0x1c0: {  	[hbm4b:s29+s2] =	stream.linear.scatter [tilespmem:s16], [sflag:$0x3], $0xC800, $0x38;
	[tilespmem:$0x1AC00] =	vst v63  }
0x1c1: {  	_ =	swait.ge [sflag:s9], $0xC800  }
0x1c2: {  	[sflag:s9] =	ssyncset.done $0x0  }
0x1c3: {  	s30 =	rddreg [dreg:$0xb];
	[sflag:s9] =	ssyncadd.s32 $0xFFFF3800  }
0x1c4: {  	[hbm4b:s30+s2] =	stream.linear.scatter [tilespmem:s6], [sflag:$0x4], $0xC800, $0x38;
	[tilespmem:$0x1AC00] =	vst v63  }
0x1c5: {  	_ =	swait.ge [sflag:s8], $0xC800  }
0x1c6: {  	s31 =	sld [smem:$0x792];
	_ =	sdelay $0x2  }
0x1c7: {  	p1 =	sne.s32 s31, $0x1  }
.Ltmp1:
0x1c8: {  	_ = 	snop;
	(pc) =	sbr.rel @!p1 .LBB2_2-.Ltmp1, $4  }
0x1c9: {  	[sflag:s8] =	ssyncset.done $0x0  }
0x1ca: {  	[sflag:s8] =	ssyncadd.s32 $0xFFFF3800  }
0x1cb: {  	p0 =	por $0x1, $0x1;
	_ =	swait.ge [sflag:s7], $0xC800  }
0x1cc: {  	s19 =	sadd.s32 $0xFFFFFFFF, s31;
	s20 =	rddreg [dreg:$0x3];
	[sflag:s7] =	ssyncset.done $0x0  }
.LBB2_3:
0x1cd: {  	[sflag:s7] =	ssyncadd.s32 $0xFFFF3800;
	s1 =	simm.s32 $0x5  }
0x1ce: {  	[tilespmem:s2], [sflag:$0x5] =	stream.linear.gather [hbm4b:s20+s2], $0x1C00, $0x38;
	[tilespmem:$0x1AC00] =	vst v63  }
0x1cf: {  	_ =	swait.ge [sflag:s1], $0x1C00  }
0x1d0: {  	[sflag:s1] =	ssyncset.done $0x0  }
0x1d1: {  	s21 =	rddreg [dreg:$0xd];
	[sflag:s1] =	ssyncadd.s32 $0xFFFFE400  }
0x1d2: {  	[tilespmem:s16], [sflag:$0x1] =	stream.indirect.gather [hbm4b:s3+s5], $0x40, s2, s5, $0xb8;
	[tilespmem:$0x1AC00] =	vst v63  }
0x1d3: {  	s0 =	simm.s32 $0x2880;
	s1 =	rddreg [dreg:$0xc]  }
0x1d4: {  	[tilespmem:s0], [sflag:$0x1] =	stream.indirect.gather [hbm4b:s3+s5], $0x40, s1, s5, $0xb8;
	[tilespmem:$0x1AC00] =	vst v63  }
0x1d5: {  	s4 =	simm.s32 $0x3500;
	s6 =	rddreg [dreg:$0xf]  }
0x1d6: {  	[tilespmem:s4], [sflag:$0x1] =	stream.indirect.gather [hbm4b:s3+s5], $0x40, s21, s5, $0xb8;
	[tilespmem:$0x1AC00] =	vst v63  }
0x1d7: {  	s7 =	simm.s32 $0x4180;
	s2 =	rddreg [dreg:$0xe]  }
0x1d8: {  	[tilespmem:s7], [sflag:$0x1] =	stream.indirect.gather [hbm4b:s3+s5], $0x40, s2, s5, $0xb8;
	[tilespmem:$0x1AC00] =	vst v63  }
0x1d9: {  	s9 =	simm.s32 $0x4E00;
	s8 =	rddreg [dreg:$0x10]  }
0x1da: {  	[tilespmem:s9], [sflag:$0x1] =	stream.indirect.gather [hbm4b:s3+s5], $0x40, s6, s5, $0xb8;
	[tilespmem:$0x1AC00] =	vst v63  }
0x1db: {  	s11 =	simm.s32 $0x5A80;
	s10 =	rddreg [dreg:$0x11]  }
0x1dc: {  	[tilespmem:s11], [sflag:$0x1] =	stream.indirect.gather [hbm4b:s3+s5], $0x40, s8, s5, $0xb8;
	[tilespmem:$0x1AC00] =	vst v63  }
0x1dd: {  	s13 =	simm.s32 $0x6700;
	s12 =	rddreg [dreg:$0x12]  }
0x1de: {  	[tilespmem:s13], [sflag:$0x1] =	stream.indirect.gather [hbm4b:s3+s5], $0x40, s10, s5, $0xb8;
	[tilespmem:$0x1AC00] =	vst v63  }
0x1df: {  	s15 =	simm.s32 $0x7380;
	s14 =	rddreg [dreg:$0x13]  }
0x1e0: {  	[tilespmem:s15], [sflag:$0x1] =	stream.indirect.gather [hbm4b:s3+s5], $0x40, s12, s5, $0xb8;
	[tilespmem:$0x1AC00] =	vst v63  }
0x1e1: {  	s22 =	simm.s32 $0x8000;
	s18 =	rddreg [dreg:$0x14]  }
0x1e2: {  	[tilespmem:s22], [sflag:$0x1] =	stream.indirect.gather [hbm4b:s3+s5], $0x40, s14, s5, $0xb8;
	[tilespmem:$0x1AC00] =	vst v63  }
0x1e3: {  	s23 =	rddreg [dreg:$0x15];
	s1 =	simm.s32 $0x8C80  }
0x1e4: {  	[tilespmem:s1], [sflag:$0x1] =	stream.indirect.gather [hbm4b:s3+s5], $0x40, s18, s5, $0xb8;
	[tilespmem:$0x1AC00] =	vst v63  }
0x1e5: {  	s20 =	rddreg [dreg:$0x1e];
	s4 =	simm.s32 $0x9900  }
0x1e6: {  	[tilespmem:s4], [sflag:$0x1] =	stream.indirect.gather [hbm4b:s3+s5], $0x40, s23, s5, $0xb8;
	[tilespmem:$0x1AC00] =	vst v63  }
0x1e7: {  	s2 =	rddreg [dreg:$0x16];
	s14 =	simm.s32 $0xA580  }
0x1e8: {  	[tilespmem:s14], [sflag:$0x1] =	stream.indirect.gather [hbm4b:s3+s5], $0x40, s2, s5, $0xb8;
	[tilespmem:$0x1AC00] =	vst v63  }
0x1e9: {  	s6 =	rddreg [dreg:$0x17];
	s22 =	simm.s32 $0xB200  }
0x1ea: {  	[tilespmem:s22], [sflag:$0x1] =	stream.indirect.gather [hbm4b:s3+s5], $0x40, s6, s5, $0xb8;
	[tilespmem:$0x1AC00] =	vst v63  }
0x1eb: {  	s15 =	rddreg [dreg:$0x18];
	s2 =	simm.s32 $0xBE80  }
0x1ec: {  	[tilespmem:s2], [sflag:$0x1] =	stream.indirect.gather [hbm4b:s3+s5], $0x40, s15, s5, $0xb8;
	[tilespmem:$0x1AC00] =	vst v63  }
0x1ed: {  	s23 =	rddreg [dreg:$0x19];
	s15 =	simm.s32 $0xCB00  }
0x1ee: {  	[tilespmem:s15], [sflag:$0x1] =	stream.indirect.gather [hbm4b:s3+s5], $0x40, s23, s5, $0xb8;
	[tilespmem:$0x1AC00] =	vst v63  }
0x1ef: {  	s4 =	rddreg [dreg:$0x1a];
	s23 =	simm.s32 $0xD780  }
0x1f0: {  	[tilespmem:s23], [sflag:$0x1] =	stream.indirect.gather [hbm4b:s3+s5], $0x40, s4, s5, $0xb8;
	[tilespmem:$0x1AC00] =	vst v63  }
0x1f1: {  	s17 =	simm.s32 $0xE400;
	s22 =	rddreg [dreg:$0x1b]  }
0x1f2: {  	[tilespmem:s17], [sflag:$0x2] =	stream.indirect.gather [hbm4b:s3+s5], $0x40, s22, s5, $0xb8;
	[tilespmem:$0x1AC00] =	vst v63  }
0x1f3: {  	s2 =	rddreg [dreg:$0x1c];
	s22 =	simm.s32 $0xF080  }
0x1f4: {  	[tilespmem:s22], [sflag:$0x2] =	stream.indirect.gather [hbm4b:s3+s5], $0x40, s2, s5, $0xb8;
	[tilespmem:$0x1AC00] =	vst v63  }
0x1f5: {  	s4 =	rddreg [dreg:$0x1d];
	s23 =	simm.s32 $0xFD00  }
0x1f6: {  	[tilespmem:s23], [sflag:$0x2] =	stream.indirect.gather [hbm4b:s3+s5], $0x40, s4, s5, $0xb8;
	[tilespmem:$0x1AC00] =	vst v63  }
0x1f7: {  	s2 =	rddreg [dreg:$0x1f];
	s22 =	simm.s32 $0x10980  }
0x1f8: {  	[tilespmem:s22], [sflag:$0x2] =	stream.indirect.gather [hbm4b:s3+s5], $0x40, s20, s5, $0xb8;
	[tilespmem:$0x1AC00] =	vst v63  }
0x1f9: {  	s23 =	simm.s32 $0x11600;
	s22 =	sld [smem:$0x793]  }
0x1fa: {  	[tilespmem:s23], [sflag:$0x2] =	stream.indirect.gather [hbm4b:s3+s5], $0x40, s2, s5, $0xb8;
	[tilespmem:$0x1AC00] =	vst v63  }
0x1fb: {  	s21 =	sld [smem:$0x794];
	s1 =	simm.s32 $0x12280  }
0x1fc: {  	[tilespmem:s1], [sflag:$0x2] =	stream.indirect.gather [hbm4b:s3+s5], $0x40, s22, s5, $0xb8;
	[tilespmem:$0x1AC00] =	vst v63  }
0x1fd: {  	s20 =	sld [smem:$0x795];
	s23 =	simm.s32 $0x12F00  }
0x1fe: {  	[tilespmem:s23], [sflag:$0x2] =	stream.indirect.gather [hbm4b:s3+s5], $0x40, s21, s5, $0xb8;
	[tilespmem:$0x1AC00] =	vst v63  }
0x1ff: {  	s1 =	simm.s32 $0x13B80;
	s21 =	sld [smem:$0x796]  }
0x200: {  	[tilespmem:s1], [sflag:$0x2] =	stream.indirect.gather [hbm4b:s3+s5], $0x40, s20, s5, $0xb8;
	[tilespmem:$0x1AC00] =	vst v63  }
0x201: {  	s23 =	simm.s32 $0x14800;
	s20 =	sld [smem:$0x797]  }
0x202: {  	[tilespmem:s23], [sflag:$0x2] =	stream.indirect.gather [hbm4b:s3+s5], $0x40, s21, s5, $0xb8;
	[tilespmem:$0x1AC00] =	vst v63  }
0x203: {  	s1 =	simm.s32 $0x15480;
	s21 =	sld [smem:$0x798]  }
0x204: {  	[tilespmem:s1], [sflag:$0x2] =	stream.indirect.gather [hbm4b:s3+s5], $0x40, s20, s5, $0xb8;
	[tilespmem:$0x1AC00] =	vst v63  }
0x205: {  	s23 =	simm.s32 $0x16100;
	s20 =	sld [smem:$0x799]  }
0x206: {  	[tilespmem:s23], [sflag:$0x2] =	stream.indirect.gather [hbm4b:s3+s5], $0x40, s21, s5, $0xb8;
	[tilespmem:$0x1AC00] =	vst v63  }
0x207: {  	s1 =	simm.s32 $0x16D80;
	s21 =	sld [smem:$0x79A]  }
0x208: {  	[tilespmem:s1], [sflag:$0x2] =	stream.indirect.gather [hbm4b:s3+s5], $0x40, s20, s5, $0xb8;
	[tilespmem:$0x1AC00] =	vst v63  }
0x209: {  	s23 =	simm.s32 $0x17A00;
	s20 =	sld [smem:$0x79B]  }
0x20a: {  	[tilespmem:s23], [sflag:$0x2] =	stream.indirect.gather [hbm4b:s3+s5], $0x40, s21, s5, $0xb8;
	[tilespmem:$0x1AC00] =	vst v63  }
0x20b: {  	s1 =	simm.s32 $0x18680;
	s21 =	sld [smem:$0x79C]  }
0x20c: {  	[tilespmem:s1], [sflag:$0x2] =	stream.indirect.gather [hbm4b:s3+s5], $0x40, s20, s5, $0xb8;
	[tilespmem:$0x1AC00] =	vst v63  }
0x20d: {  	s23 =	sld [smem:$0x79D];
	s1 =	simm.s32 $0x19300  }
0x20e: {  	[tilespmem:s1], [sflag:$0x2] =	stream.indirect.gather [hbm4b:s3+s5], $0x40, s21, s5, $0xb8;
	[tilespmem:$0x1AC00] =	vst v63  }
0x20f: {  	s0 =	simm.s32 $0x1;
	s21 =	simm.s32 $0x19F80  }
0x210: {  	[tilespmem:s21], [sflag:$0x2] =	stream.indirect.gather [hbm4b:s3+s5], $0x40, s23, s5, $0xb8;
	[tilespmem:$0x1AC00] =	vst v63  }
0x211: {  	_ =	swait.ge [sflag:s0], $0xC800  }
0x212: {  	s16 =	simm.s32 $0x1C00;
	s9 =	simm.s32 $0x3;
	[sflag:s0] =	ssyncset.done $0x0  }
0x213: {  	s18 =	simm.s32 $0x0;
	s22 =	rddreg [dreg:$0x4];
	[sflag:s0] =	ssyncadd.s32 $0xFFFF3800  }
0x214: {  	[hbm4b:s22+s18] =	stream.linear.scatter [tilespmem:s16], [sflag:$0x3], $0xC800, $0x38;
	[tilespmem:$0x1AC00] =	vst v63  }
0x215: {  	_ =	swait.ge [sflag:s9], $0xC800  }
0x216: {  	s0 =	sld [smem:$0x79E]  }
0x217: {  	[sflag:s9] =	ssyncset.done $0x0  }
0x218: {  	s1 =	sld [smem:$0x79F];
	[sflag:s9] =	ssyncadd.s32 $0xFFFF3800  }
0x219: {  	[tilespmem:s16], [sflag:$0x1] =	stream.indirect.gather [hbm4b:s3+s5], $0x40, s0, s5, $0xb8;
	[tilespmem:$0x1AC00] =	vst v63  }
0x21a: {  	s31 =	simm.s32 $0x2880;
	s22 =	sld [smem:$0x7A0]  }
0x21b: {  	[tilespmem:s31], [sflag:$0x1] =	stream.indirect.gather [hbm4b:s3+s5], $0x40, s1, s5, $0xb8;
	[tilespmem:$0x1AC00] =	vst v63  }
0x21c: {  	s30 =	simm.s32 $0x3500;
	s0 =	sld [smem:$0x7A1]  }
0x21d: {  	[tilespmem:s30], [sflag:$0x1] =	stream.indirect.gather [hbm4b:s3+s5], $0x40, s22, s5, $0xb8;
	[tilespmem:$0x1AC00] =	vst v63  }
0x21e: {  	s29 =	simm.s32 $0x4180;
	s1 =	sld [smem:$0x7A2]  }
0x21f: {  	[tilespmem:s29], [sflag:$0x1] =	stream.indirect.gather [hbm4b:s3+s5], $0x40, s0, s5, $0xb8;
	[tilespmem:$0x1AC00] =	vst v63  }
0x220: {  	s28 =	simm.s32 $0x4E00;
	s22 =	sld [smem:$0x7A3]  }
0x221: {  	[tilespmem:s28], [sflag:$0x1] =	stream.indirect.gather [hbm4b:s3+s5], $0x40, s1, s5, $0xb8;
	[tilespmem:$0x1AC00] =	vst v63  }
0x222: {  	s26 =	simm.s32 $0x5A80;
	s29 =	sld [smem:$0x7A4]  }
0x223: {  	[tilespmem:s26], [sflag:$0x1] =	stream.indirect.gather [hbm4b:s3+s5], $0x40, s22, s5, $0xb8;
	[tilespmem:$0x1AC00] =	vst v63  }
0x224: {  	s25 =	simm.s32 $0x6700;
	s30 =	sld [smem:$0x7A5]  }
0x225: {  	[tilespmem:s25], [sflag:$0x1] =	stream.indirect.gather [hbm4b:s3+s5], $0x40, s29, s5, $0xb8;
	[tilespmem:$0x1AC00] =	vst v63  }
0x226: {  	s24 =	simm.s32 $0x7380;
	s31 =	sld [smem:$0x7A6]  }
0x227: {  	[tilespmem:s24], [sflag:$0x1] =	stream.indirect.gather [hbm4b:s3+s5], $0x40, s30, s5, $0xb8;
	[tilespmem:$0x1AC00] =	vst v63  }
0x228: {  	s13 =	simm.s32 $0x8000;
	s0 =	sld [smem:$0x7A7]  }
0x229: {  	[tilespmem:s13], [sflag:$0x1] =	stream.indirect.gather [hbm4b:s3+s5], $0x40, s31, s5, $0xb8;
	[tilespmem:$0x1AC00] =	vst v63  }
0x22a: {  	s7 =	simm.s32 $0x8C80;
	s1 =	sld [smem:$0x7A8]  }
0x22b: {  	[tilespmem:s7], [sflag:$0x1] =	stream.indirect.gather [hbm4b:s3+s5], $0x40, s0, s5, $0xb8;
	[tilespmem:$0x1AC00] =	vst v63  }
0x22c: {  	s11 =	simm.s32 $0x9900;
	s7 =	sld [smem:$0x7A9]  }
0x22d: {  	[tilespmem:s11], [sflag:$0x1] =	stream.indirect.gather [hbm4b:s3+s5], $0x40, s1, s5, $0xb8;
	[tilespmem:$0x1AC00] =	vst v63  }
0x22e: {  	s12 =	simm.s32 $0xA580;
	s11 =	sld [smem:$0x7AA]  }
0x22f: {  	[tilespmem:s12], [sflag:$0x1] =	stream.indirect.gather [hbm4b:s3+s5], $0x40, s7, s5, $0xb8;
	[tilespmem:$0x1AC00] =	vst v63  }
0x230: {  	s24 =	simm.s32 $0xB200;
	s13 =	sld [smem:$0x7AB]  }
0x231: {  	[tilespmem:s24], [sflag:$0x1] =	stream.indirect.gather [hbm4b:s3+s5], $0x40, s11, s5, $0xb8;
	[tilespmem:$0x1AC00] =	vst v63  }
0x232: {  	s14 =	simm.s32 $0xBE80;
	s22 =	sld [smem:$0x7AC]  }
0x233: {  	[tilespmem:s14], [sflag:$0x1] =	stream.indirect.gather [hbm4b:s3+s5], $0x40, s13, s5, $0xb8;
	[tilespmem:$0x1AC00] =	vst v63  }
0x234: {  	s6 =	simm.s32 $0xCB00;
	s26 =	sld [smem:$0x7AD]  }
0x235: {  	[tilespmem:s6], [sflag:$0x1] =	stream.indirect.gather [hbm4b:s3+s5], $0x40, s22, s5, $0xb8;
	[tilespmem:$0x1AC00] =	vst v63  }
0x236: {  	s10 =	simm.s32 $0x2;
	s15 =	simm.s32 $0xD780  }
0x237: {  	[tilespmem:s15], [sflag:$0x1] =	stream.indirect.gather [hbm4b:s3+s5], $0x40, s26, s5, $0xb8;
	[tilespmem:$0x1AC00] =	vst v63  }
0x238: {  	_ =	swait.ge [sflag:s10], $0xC800  }
0x239: {  	[sflag:s10] =	ssyncset.done $0x0  }
0x23a: {  	s8 =	simm.s32 $0x4;
	s28 =	rddreg [dreg:$0x5];
	[sflag:s10] =	ssyncadd.s32 $0xFFFF3800  }
0x23b: {  	[hbm4b:s28+s18] =	stream.linear.scatter [tilespmem:s17], [sflag:$0x4], $0xC800, $0x38;
	[tilespmem:$0x1AC00] =	vst v63  }
0x23c: {  	_ =	swait.ge [sflag:s8], $0xC800  }
0x23d: {  	s29 =	sld [smem:$0x7AE]  }
0x23e: {  	[sflag:s8] =	ssyncset.done $0x0  }
0x23f: {  	s0 =	sld [smem:$0x7AF];
	[sflag:s8] =	ssyncadd.s32 $0xFFFF3800  }
0x240: {  	[tilespmem:s17], [sflag:$0x2] =	stream.indirect.gather [hbm4b:s3+s5], $0x40, s29, s5, $0xb8;
	[tilespmem:$0x1AC00] =	vst v63  }
0x241: {  	s22 =	simm.s32 $0xF080;
	s1 =	sld [smem:$0x7B0]  }
0x242: {  	[tilespmem:s22], [sflag:$0x2] =	stream.indirect.gather [hbm4b:s3+s5], $0x40, s0, s5, $0xb8;
	[tilespmem:$0x1AC00] =	vst v63  }
0x243: {  	s4 =	simm.s32 $0xFD00;
	s6 =	sld [smem:$0x7B1]  }
0x244: {  	[tilespmem:s4], [sflag:$0x2] =	stream.indirect.gather [hbm4b:s3+s5], $0x40, s1, s5, $0xb8;
	[tilespmem:$0x1AC00] =	vst v63  }
0x245: {  	s13 =	simm.s32 $0x10980;
	s7 =	sld [smem:$0x7B2]  }
0x246: {  	[tilespmem:s13], [sflag:$0x2] =	stream.indirect.gather [hbm4b:s3+s5], $0x40, s6, s5, $0xb8;
	[tilespmem:$0x1AC00] =	vst v63  }
0x247: {  	s2 =	simm.s32 $0x11600;
	s11 =	sld [smem:$0x7B3]  }
0x248: {  	[tilespmem:s2], [sflag:$0x2] =	stream.indirect.gather [hbm4b:s3+s5], $0x40, s7, s5, $0xb8;
	[tilespmem:$0x1AC00] =	vst v63  }
0x249: {  	s12 =	simm.s32 $0x12280;
	s14 =	sld [smem:$0x7B4]  }
0x24a: {  	[tilespmem:s12], [sflag:$0x2] =	stream.indirect.gather [hbm4b:s3+s5], $0x40, s11, s5, $0xb8;
	[tilespmem:$0x1AC00] =	vst v63  }
0x24b: {  	s15 =	sld [smem:$0x7B5];
	s6 =	simm.s32 $0x12F00  }
0x24c: {  	[tilespmem:s6], [sflag:$0x2] =	stream.indirect.gather [hbm4b:s3+s5], $0x40, s14, s5, $0xb8;
	[tilespmem:$0x1AC00] =	vst v63  }
0x24d: {  	s29 =	sld [smem:$0x7B6];
	s7 =	simm.s32 $0x13B80  }
0x24e: {  	[tilespmem:s7], [sflag:$0x2] =	stream.indirect.gather [hbm4b:s3+s5], $0x40, s15, s5, $0xb8;
	[tilespmem:$0x1AC00] =	vst v63  }
0x24f: {  	s0 =	sld [smem:$0x7B7];
	s11 =	simm.s32 $0x14800  }
0x250: {  	[tilespmem:s11], [sflag:$0x2] =	stream.indirect.gather [hbm4b:s3+s5], $0x40, s29, s5, $0xb8;
	[tilespmem:$0x1AC00] =	vst v63  }
0x251: {  	s1 =	sld [smem:$0x7B8];
	s14 =	simm.s32 $0x15480  }
0x252: {  	[tilespmem:s14], [sflag:$0x2] =	stream.indirect.gather [hbm4b:s3+s5], $0x40, s0, s5, $0xb8;
	[tilespmem:$0x1AC00] =	vst v63  }
0x253: {  	s2 =	sld [smem:$0x7B9];
	s15 =	simm.s32 $0x16100  }
0x254: {  	[tilespmem:s15], [sflag:$0x2] =	stream.indirect.gather [hbm4b:s3+s5], $0x40, s1, s5, $0xb8;
	[tilespmem:$0x1AC00] =	vst v63  }
0x255: {  	s4 =	simm.s32 $0x16D80;
	s29 =	sld [smem:$0x7BA]  }
0x256: {  	[tilespmem:s4], [sflag:$0x2] =	stream.indirect.gather [hbm4b:s3+s5], $0x40, s2, s5, $0xb8;
	[tilespmem:$0x1AC00] =	vst v63  }
0x257: {  	s0 =	sld [smem:$0x7BB];
	s2 =	simm.s32 $0x17A00  }
0x258: {  	[tilespmem:s2], [sflag:$0x2] =	stream.indirect.gather [hbm4b:s3+s5], $0x40, s29, s5, $0xb8;
	[tilespmem:$0x1AC00] =	vst v63  }
0x259: {  	s20 =	sld [smem:$0x7BC];
	s1 =	simm.s32 $0x18680  }
0x25a: {  	[tilespmem:s1], [sflag:$0x2] =	stream.indirect.gather [hbm4b:s3+s5], $0x40, s0, s5, $0xb8;
	[tilespmem:$0x1AC00] =	vst v63  }
0x25b: {  	s29 =	sld [smem:$0x7BD];
	s0 =	simm.s32 $0x19300  }
0x25c: {  	[tilespmem:s0], [sflag:$0x2] =	stream.indirect.gather [hbm4b:s3+s5], $0x40, s20, s5, $0xb8;
	[tilespmem:$0x1AC00] =	vst v63  }
0x25d: {  	s23 =	simm.s32 $0x19F80;
	s10 =	simm.s32 $0x1  }
0x25e: {  	[tilespmem:s23], [sflag:$0x2] =	stream.indirect.gather [hbm4b:s3+s5], $0x40, s29, s5, $0xb8;
	[tilespmem:$0x1AC00] =	vst v63  }
0x25f: {  	_ =	swait.ge [sflag:s10], $0xC800  }
0x260: {  	[sflag:s10] =	ssyncset.done $0x0  }
0x261: {  	s21 =	rddreg [dreg:$0x6];
	[sflag:s10] =	ssyncadd.s32 $0xFFFF3800  }
0x262: {  	[hbm4b:s21+s18] =	stream.linear.scatter [tilespmem:s16], [sflag:$0x3], $0xC800, $0x38;
	[tilespmem:$0x1AC00] =	vst v63  }
0x263: {  	_ =	swait.ge [sflag:s9], $0xC800  }
0x264: {  	s23 =	sld [smem:$0x7BE]  }
0x265: {  	[sflag:s9] =	ssyncset.done $0x0  }
0x266: {  	s21 =	sld [smem:$0x7BF];
	[sflag:s9] =	ssyncadd.s32 $0xFFFF3800  }
0x267: {  	[tilespmem:s16], [sflag:$0x1] =	stream.indirect.gather [hbm4b:s3+s5], $0x40, s23, s5, $0xb8;
	[tilespmem:$0x1AC00] =	vst v63  }
0x268: {  	s20 =	sld [smem:$0x7C0];
	s23 =	simm.s32 $0x2880  }
0x269: {  	[tilespmem:s23], [sflag:$0x1] =	stream.indirect.gather [hbm4b:s3+s5], $0x40, s21, s5, $0xb8;
	[tilespmem:$0x1AC00] =	vst v63  }
0x26a: {  	s21 =	sld [smem:$0x7C1];
	s23 =	simm.s32 $0x3500  }
0x26b: {  	[tilespmem:s23], [sflag:$0x1] =	stream.indirect.gather [hbm4b:s3+s5], $0x40, s20, s5, $0xb8;
	[tilespmem:$0x1AC00] =	vst v63  }
0x26c: {  	s20 =	sld [smem:$0x7C2];
	s23 =	simm.s32 $0x4180  }
0x26d: {  	[tilespmem:s23], [sflag:$0x1] =	stream.indirect.gather [hbm4b:s3+s5], $0x40, s21, s5, $0xb8;
	[tilespmem:$0x1AC00] =	vst v63  }
0x26e: {  	s21 =	sld [smem:$0x7C3];
	s23 =	simm.s32 $0x4E00  }
0x26f: {  	[tilespmem:s23], [sflag:$0x1] =	stream.indirect.gather [hbm4b:s3+s5], $0x40, s20, s5, $0xb8;
	[tilespmem:$0x1AC00] =	vst v63  }
0x270: {  	s20 =	sld [smem:$0x7C4];
	s23 =	simm.s32 $0x5A80  }
0x271: {  	[tilespmem:s23], [sflag:$0x1] =	stream.indirect.gather [hbm4b:s3+s5], $0x40, s21, s5, $0xb8;
	[tilespmem:$0x1AC00] =	vst v63  }
0x272: {  	s21 =	sld [smem:$0x7C5];
	s23 =	simm.s32 $0x6700  }
0x273: {  	[tilespmem:s23], [sflag:$0x1] =	stream.indirect.gather [hbm4b:s3+s5], $0x40, s20, s5, $0xb8;
	[tilespmem:$0x1AC00] =	vst v63  }
0x274: {  	s20 =	sld [smem:$0x7C6];
	s23 =	simm.s32 $0x7380  }
0x275: {  	[tilespmem:s23], [sflag:$0x1] =	stream.indirect.gather [hbm4b:s3+s5], $0x40, s21, s5, $0xb8;
	[tilespmem:$0x1AC00] =	vst v63  }
0x276: {  	s31 =	simm.s32 $0x8000;
	s21 =	sld [smem:$0x7C7]  }
0x277: {  	[tilespmem:s31], [sflag:$0x1] =	stream.indirect.gather [hbm4b:s3+s5], $0x40, s20, s5, $0xb8;
	[tilespmem:$0x1AC00] =	vst v63  }
0x278: {  	s25 =	simm.s32 $0x8C80;
	s23 =	sld [smem:$0x7C8]  }
0x279: {  	[tilespmem:s25], [sflag:$0x1] =	stream.indirect.gather [hbm4b:s3+s5], $0x40, s21, s5, $0xb8;
	[tilespmem:$0x1AC00] =	vst v63  }
0x27a: {  	s21 =	sld [smem:$0x7C9];
	s25 =	simm.s32 $0x9900  }
0x27b: {  	[tilespmem:s25], [sflag:$0x1] =	stream.indirect.gather [hbm4b:s3+s5], $0x40, s23, s5, $0xb8;
	[tilespmem:$0x1AC00] =	vst v63  }
0x27c: {  	s20 =	sld [smem:$0x7CA];
	s25 =	simm.s32 $0xA580  }
0x27d: {  	[tilespmem:s25], [sflag:$0x1] =	stream.indirect.gather [hbm4b:s3+s5], $0x40, s21, s5, $0xb8;
	[tilespmem:$0x1AC00] =	vst v63  }
0x27e: {  	s23 =	sld [smem:$0x7CB]  }
0x27f: {  	[tilespmem:s24], [sflag:$0x1] =	stream.indirect.gather [hbm4b:s3+s5], $0x40, s20, s5, $0xb8;
	[tilespmem:$0x1AC00] =	vst v63  }
0x280: {  	s20 =	sld [smem:$0x7CC];
	s24 =	simm.s32 $0xBE80  }
0x281: {  	[tilespmem:s24], [sflag:$0x1] =	stream.indirect.gather [hbm4b:s3+s5], $0x40, s23, s5, $0xb8;
	[tilespmem:$0x1AC00] =	vst v63  }
0x282: {  	s30 =	simm.s32 $0xCB00;
	s23 =	sld [smem:$0x7CD]  }
0x283: {  	[tilespmem:s30], [sflag:$0x1] =	stream.indirect.gather [hbm4b:s3+s5], $0x40, s20, s5, $0xb8;
	[tilespmem:$0x1AC00] =	vst v63  }
0x284: {  	s9 =	simm.s32 $0x2;
	s24 =	simm.s32 $0xD780  }
0x285: {  	[tilespmem:s24], [sflag:$0x1] =	stream.indirect.gather [hbm4b:s3+s5], $0x40, s23, s5, $0xb8;
	[tilespmem:$0x1AC00] =	vst v63  }
0x286: {  	_ =	swait.ge [sflag:s9], $0xC800  }
0x287: {  	[sflag:s9] =	ssyncset.done $0x0  }
0x288: {  	s21 =	rddreg [dreg:$0x7];
	[sflag:s9] =	ssyncadd.s32 $0xFFFF3800  }
0x289: {  	[hbm4b:s21+s18] =	stream.linear.scatter [tilespmem:s17], [sflag:$0x4], $0xC800, $0x38;
	[tilespmem:$0x1AC00] =	vst v63  }
0x28a: {  	_ =	swait.ge [sflag:s8], $0xC800  }
0x28b: {  	s23 =	sld [smem:$0x7CE]  }
0x28c: {  	[sflag:s8] =	ssyncset.done $0x0  }
0x28d: {  	s24 =	sld [smem:$0x7CF];
	[sflag:s8] =	ssyncadd.s32 $0xFFFF3800  }
0x28e: {  	[tilespmem:s17], [sflag:$0x2] =	stream.indirect.gather [hbm4b:s3+s5], $0x40, s23, s5, $0xb8;
	[tilespmem:$0x1AC00] =	vst v63  }
0x28f: {  	s17 =	sld [smem:$0x7D0]  }
0x290: {  	[tilespmem:s22], [sflag:$0x2] =	stream.indirect.gather [hbm4b:s3+s5], $0x40, s24, s5, $0xb8;
	[tilespmem:$0x1AC00] =	vst v63  }
0x291: {  	s28 =	simm.s32 $0xFD00;
	s22 =	sld [smem:$0x7D1]  }
0x292: {  	[tilespmem:s28], [sflag:$0x2] =	stream.indirect.gather [hbm4b:s3+s5], $0x40, s17, s5, $0xb8;
	[tilespmem:$0x1AC00] =	vst v63  }
0x293: {  	s23 =	sld [smem:$0x7D2]  }
0x294: {  	[tilespmem:s13], [sflag:$0x2] =	stream.indirect.gather [hbm4b:s3+s5], $0x40, s22, s5, $0xb8;
	[tilespmem:$0x1AC00] =	vst v63  }
0x295: {  	s26 =	simm.s32 $0x11600;
	s17 =	sld [smem:$0x7D3]  }
0x296: {  	[tilespmem:s26], [sflag:$0x2] =	stream.indirect.gather [hbm4b:s3+s5], $0x40, s23, s5, $0xb8;
	[tilespmem:$0x1AC00] =	vst v63  }
0x297: {  	s23 =	sld [smem:$0x7D4]  }
0x298: {  	[tilespmem:s12], [sflag:$0x2] =	stream.indirect.gather [hbm4b:s3+s5], $0x40, s17, s5, $0xb8;
	[tilespmem:$0x1AC00] =	vst v63  }
0x299: {  	s17 =	sld [smem:$0x7D5]  }
0x29a: {  	[tilespmem:s6], [sflag:$0x2] =	stream.indirect.gather [hbm4b:s3+s5], $0x40, s23, s5, $0xb8;
	[tilespmem:$0x1AC00] =	vst v63  }
0x29b: {  	s12 =	sld [smem:$0x7D6]  }
0x29c: {  	[tilespmem:s7], [sflag:$0x2] =	stream.indirect.gather [hbm4b:s3+s5], $0x40, s17, s5, $0xb8;
	[tilespmem:$0x1AC00] =	vst v63  }
0x29d: {  	s6 =	sld [smem:$0x7D7]  }
0x29e: {  	[tilespmem:s11], [sflag:$0x2] =	stream.indirect.gather [hbm4b:s3+s5], $0x40, s12, s5, $0xb8;
	[tilespmem:$0x1AC00] =	vst v63  }
0x29f: {  	s7 =	sld [smem:$0x7D8]  }
0x2a0: {  	[tilespmem:s14], [sflag:$0x2] =	stream.indirect.gather [hbm4b:s3+s5], $0x40, s6, s5, $0xb8;
	[tilespmem:$0x1AC00] =	vst v63  }
0x2a1: {  	s12 =	sld [smem:$0x7D9]  }
0x2a2: {  	[tilespmem:s15], [sflag:$0x2] =	stream.indirect.gather [hbm4b:s3+s5], $0x40, s7, s5, $0xb8;
	[tilespmem:$0x1AC00] =	vst v63  }
0x2a3: {  	s6 =	sld [smem:$0x7DA]  }
0x2a4: {  	[tilespmem:s4], [sflag:$0x2] =	stream.indirect.gather [hbm4b:s3+s5], $0x40, s12, s5, $0xb8;
	[tilespmem:$0x1AC00] =	vst v63  }
0x2a5: {  	s7 =	sld [smem:$0x7DB]  }
0x2a6: {  	[tilespmem:s2], [sflag:$0x2] =	stream.indirect.gather [hbm4b:s3+s5], $0x40, s6, s5, $0xb8;
	[tilespmem:$0x1AC00] =	vst v63  }
0x2a7: {  	s2 =	sld [smem:$0x7DC]  }
0x2a8: {  	[tilespmem:s1], [sflag:$0x2] =	stream.indirect.gather [hbm4b:s3+s5], $0x40, s7, s5, $0xb8;
	[tilespmem:$0x1AC00] =	vst v63  }
0x2a9: {  	s6 =	sld [smem:$0x7DD]  }
0x2aa: {  	[tilespmem:s0], [sflag:$0x2] =	stream.indirect.gather [hbm4b:s3+s5], $0x40, s2, s5, $0xb8;
	[tilespmem:$0x1AC00] =	vst v63  }
0x2ab: {  	s29 =	simm.s32 $0x19F80  }
0x2ac: {  	[tilespmem:s29], [sflag:$0x2] =	stream.indirect.gather [hbm4b:s3+s5], $0x40, s6, s5, $0xb8;
	[tilespmem:$0x1AC00] =	vst v63  }
0x2ad: {  	_ =	swait.ge [sflag:s10], $0xC800  }
0x2ae: {  	[sflag:s10] =	ssyncset.done $0x0  }
0x2af: {  	s8 =	simm.s32 $0x3;
	s7 =	rddreg [dreg:$0x8];
	[sflag:s10] =	ssyncadd.s32 $0xFFFF3800  }
0x2b0: {  	[hbm4b:s7+s18] =	stream.linear.scatter [tilespmem:s16], [sflag:$0x3], $0xC800, $0x38;
	[tilespmem:$0x1AC00] =	vst v63  }
0x2b1: {  	_ =	swait.ge [sflag:s8], $0xC800  }
0x2b2: {  	s21 =	sld [smem:$0x7DE]  }
0x2b3: {  	[sflag:s8] =	ssyncset.done $0x0  }
0x2b4: {  	s2 =	sld [smem:$0x7DF];
	[sflag:s8] =	ssyncadd.s32 $0xFFFF3800  }
0x2b5: {  	[tilespmem:s16], [sflag:$0x1] =	stream.indirect.gather [hbm4b:s3+s5], $0x40, s21, s5, $0xb8;
	[tilespmem:$0x1AC00] =	vst v63  }
0x2b6: {  	s20 =	sld [smem:$0x7E0];
	s16 =	simm.s32 $0x2880  }
0x2b7: {  	[tilespmem:s16], [sflag:$0x1] =	stream.indirect.gather [hbm4b:s3+s5], $0x40, s2, s5, $0xb8;
	[tilespmem:$0x1AC00] =	vst v63  }
0x2b8: {  	s18 =	simm.s32 $0x3500;
	s21 =	sld [smem:$0x7E1]  }
0x2b9: {  	[tilespmem:s18], [sflag:$0x1] =	stream.indirect.gather [hbm4b:s3+s5], $0x40, s20, s5, $0xb8;
	[tilespmem:$0x1AC00] =	vst v63  }
0x2ba: {  	s20 =	sld [smem:$0x7E2];
	s18 =	simm.s32 $0x4180  }
0x2bb: {  	[tilespmem:s18], [sflag:$0x1] =	stream.indirect.gather [hbm4b:s3+s5], $0x40, s21, s5, $0xb8;
	[tilespmem:$0x1AC00] =	vst v63  }
0x2bc: {  	s21 =	sld [smem:$0x7E3];
	s18 =	simm.s32 $0x4E00  }
0x2bd: {  	[tilespmem:s18], [sflag:$0x1] =	stream.indirect.gather [hbm4b:s3+s5], $0x40, s20, s5, $0xb8;
	[tilespmem:$0x1AC00] =	vst v63  }
0x2be: {  	s20 =	sld [smem:$0x7E4];
	s18 =	simm.s32 $0x5A80  }
0x2bf: {  	[tilespmem:s18], [sflag:$0x1] =	stream.indirect.gather [hbm4b:s3+s5], $0x40, s21, s5, $0xb8;
	[tilespmem:$0x1AC00] =	vst v63  }
0x2c0: {  	s21 =	sld [smem:$0x7E5];
	s18 =	simm.s32 $0x6700  }
0x2c1: {  	[tilespmem:s18], [sflag:$0x1] =	stream.indirect.gather [hbm4b:s3+s5], $0x40, s20, s5, $0xb8;
	[tilespmem:$0x1AC00] =	vst v63  }
0x2c2: {  	s20 =	sld [smem:$0x7E6];
	s18 =	simm.s32 $0x7380  }
0x2c3: {  	[tilespmem:s18], [sflag:$0x1] =	stream.indirect.gather [hbm4b:s3+s5], $0x40, s21, s5, $0xb8;
	[tilespmem:$0x1AC00] =	vst v63  }
0x2c4: {  	s21 =	sld [smem:$0x7E7];
	s18 =	simm.s32 $0x8000  }
0x2c5: {  	[tilespmem:s18], [sflag:$0x1] =	stream.indirect.gather [hbm4b:s3+s5], $0x40, s20, s5, $0xb8;
	[tilespmem:$0x1AC00] =	vst v63  }
0x2c6: {  	s31 =	simm.s32 $0x8C80;
	s2 =	sld [smem:$0x7E8]  }
0x2c7: {  	[tilespmem:s31], [sflag:$0x1] =	stream.indirect.gather [hbm4b:s3+s5], $0x40, s21, s5, $0xb8;
	[tilespmem:$0x1AC00] =	vst v63  }
0x2c8: {  	s18 =	simm.s32 $0x9900;
	s21 =	sld [smem:$0x7E9]  }
0x2c9: {  	[tilespmem:s18], [sflag:$0x1] =	stream.indirect.gather [hbm4b:s3+s5], $0x40, s2, s5, $0xb8;
	[tilespmem:$0x1AC00] =	vst v63  }
0x2ca: {  	s20 =	sld [smem:$0x7EA];
	s31 =	simm.s32 $0xA580  }
0x2cb: {  	[tilespmem:s31], [sflag:$0x1] =	stream.indirect.gather [hbm4b:s3+s5], $0x40, s21, s5, $0xb8;
	[tilespmem:$0x1AC00] =	vst v63  }
0x2cc: {  	s25 =	simm.s32 $0xB200;
	s18 =	sld [smem:$0x7EB]  }
0x2cd: {  	[tilespmem:s25], [sflag:$0x1] =	stream.indirect.gather [hbm4b:s3+s5], $0x40, s20, s5, $0xb8;
	[tilespmem:$0x1AC00] =	vst v63  }
0x2ce: {  	s31 =	simm.s32 $0xBE80;
	s25 =	sld [smem:$0x7EC]  }
0x2cf: {  	[tilespmem:s31], [sflag:$0x1] =	stream.indirect.gather [hbm4b:s3+s5], $0x40, s18, s5, $0xb8;
	[tilespmem:$0x1AC00] =	vst v63  }
0x2d0: {  	s30 =	simm.s32 $0xCB00;
	s18 =	sld [smem:$0x7ED]  }
0x2d1: {  	[tilespmem:s30], [sflag:$0x1] =	stream.indirect.gather [hbm4b:s3+s5], $0x40, s25, s5, $0xb8;
	[tilespmem:$0x1AC00] =	vst v63  }
0x2d2: {  	s20 =	simm.s32 $0xD780  }
0x2d3: {  	[tilespmem:s20], [sflag:$0x1] =	stream.indirect.gather [hbm4b:s3+s5], $0x40, s18, s5, $0xb8;
	[tilespmem:$0x1AC00] =	vst v63  }
0x2d4: {  	_ =	swait.ge [sflag:s9], $0xC800  }
0x2d5: {  	s6 =	simm.s32 $0xE400;
	s7 =	simm.s32 $0x4;
	[sflag:s9] =	ssyncset.done $0x0  }
0x2d6: {  	s2 =	simm.s32 $0x0;
	s25 =	rddreg [dreg:$0x9];
	[sflag:s9] =	ssyncadd.s32 $0xFFFF3800  }
0x2d7: {  	[hbm4b:s25+s2] =	stream.linear.scatter [tilespmem:s6], [sflag:$0x4], $0xC800, $0x38;
	[tilespmem:$0x1AC00] =	vst v63  }
0x2d8: {  	_ =	swait.ge [sflag:s7], $0xC800  }
0x2d9: {  	s30 =	sld [smem:$0x7EE]  }
0x2da: {  	[sflag:s7] =	ssyncset.done $0x0  }
0x2db: {  	s31 =	sld [smem:$0x7EF];
	[sflag:s7] =	ssyncadd.s32 $0xFFFF3800  }
0x2dc: {  	[tilespmem:s6], [sflag:$0x2] =	stream.indirect.gather [hbm4b:s3+s5], $0x40, s30, s5, $0xb8;
	[tilespmem:$0x1AC00] =	vst v63  }
0x2dd: {  	s24 =	simm.s32 $0xF080;
	s18 =	sld [smem:$0x7F0]  }
0x2de: {  	[tilespmem:s24], [sflag:$0x2] =	stream.indirect.gather [hbm4b:s3+s5], $0x40, s31, s5, $0xb8;
	[tilespmem:$0x1AC00] =	vst v63  }
0x2df: {  	s28 =	simm.s32 $0xFD00;
	s24 =	sld [smem:$0x7F1]  }
0x2e0: {  	[tilespmem:s28], [sflag:$0x2] =	stream.indirect.gather [hbm4b:s3+s5], $0x40, s18, s5, $0xb8;
	[tilespmem:$0x1AC00] =	vst v63  }
0x2e1: {  	s22 =	simm.s32 $0x10980;
	s25 =	sld [smem:$0x7F2]  }
0x2e2: {  	[tilespmem:s22], [sflag:$0x2] =	stream.indirect.gather [hbm4b:s3+s5], $0x40, s24, s5, $0xb8;
	[tilespmem:$0x1AC00] =	vst v63  }
0x2e3: {  	s26 =	simm.s32 $0x11600;
	s28 =	sld [smem:$0x7F3]  }
0x2e4: {  	[tilespmem:s26], [sflag:$0x2] =	stream.indirect.gather [hbm4b:s3+s5], $0x40, s25, s5, $0xb8;
	[tilespmem:$0x1AC00] =	vst v63  }
0x2e5: {  	s13 =	simm.s32 $0x12280;
	s30 =	sld [smem:$0x7F4]  }
0x2e6: {  	[tilespmem:s13], [sflag:$0x2] =	stream.indirect.gather [hbm4b:s3+s5], $0x40, s28, s5, $0xb8;
	[tilespmem:$0x1AC00] =	vst v63  }
0x2e7: {  	s23 =	simm.s32 $0x12F00;
	s31 =	sld [smem:$0x7F5]  }
0x2e8: {  	[tilespmem:s23], [sflag:$0x2] =	stream.indirect.gather [hbm4b:s3+s5], $0x40, s30, s5, $0xb8;
	[tilespmem:$0x1AC00] =	vst v63  }
0x2e9: {  	s17 =	simm.s32 $0x13B80;
	s13 =	sld [smem:$0x7F6]  }
0x2ea: {  	[tilespmem:s17], [sflag:$0x2] =	stream.indirect.gather [hbm4b:s3+s5], $0x40, s31, s5, $0xb8;
	[tilespmem:$0x1AC00] =	vst v63  }
0x2eb: {  	s11 =	simm.s32 $0x14800;
	s18 =	sld [smem:$0x7F7]  }
0x2ec: {  	[tilespmem:s11], [sflag:$0x2] =	stream.indirect.gather [hbm4b:s3+s5], $0x40, s13, s5, $0xb8;
	[tilespmem:$0x1AC00] =	vst v63  }
0x2ed: {  	s14 =	simm.s32 $0x15480;
	s22 =	sld [smem:$0x7F8]  }
0x2ee: {  	[tilespmem:s14], [sflag:$0x2] =	stream.indirect.gather [hbm4b:s3+s5], $0x40, s18, s5, $0xb8;
	[tilespmem:$0x1AC00] =	vst v63  }
0x2ef: {  	s15 =	simm.s32 $0x16100;
	s23 =	sld [smem:$0x7F9]  }
0x2f0: {  	[tilespmem:s15], [sflag:$0x2] =	stream.indirect.gather [hbm4b:s3+s5], $0x40, s22, s5, $0xb8;
	[tilespmem:$0x1AC00] =	vst v63  }
0x2f1: {  	s12 =	simm.s32 $0x16D80;
	s24 =	sld [smem:$0x7FA]  }
0x2f2: {  	[tilespmem:s12], [sflag:$0x2] =	stream.indirect.gather [hbm4b:s3+s5], $0x40, s23, s5, $0xb8;
	[tilespmem:$0x1AC00] =	vst v63  }
0x2f3: {  	s4 =	simm.s32 $0x17A00;
	s25 =	sld [smem:$0x7FB]  }
0x2f4: {  	[tilespmem:s4], [sflag:$0x2] =	stream.indirect.gather [hbm4b:s3+s5], $0x40, s24, s5, $0xb8;
	[tilespmem:$0x1AC00] =	vst v63  }
0x2f5: {  	s1 =	simm.s32 $0x18680;
	s26 =	sld [smem:$0x7FC]  }
0x2f6: {  	[tilespmem:s1], [sflag:$0x2] =	stream.indirect.gather [hbm4b:s3+s5], $0x40, s25, s5, $0xb8;
	[tilespmem:$0x1AC00] =	vst v63  }
0x2f7: {  	s0 =	simm.s32 $0x19300;
	s28 =	sld [smem:$0x7FD]  }
0x2f8: {  	[tilespmem:s0], [sflag:$0x2] =	stream.indirect.gather [hbm4b:s3+s5], $0x40, s26, s5, $0xb8;
	[tilespmem:$0x1AC00] =	vst v63  }
0x2f9: {  	s29 =	simm.s32 $0x19F80  }
0x2fa: {  	[tilespmem:s29], [sflag:$0x2] =	stream.indirect.gather [hbm4b:s3+s5], $0x40, s28, s5, $0xb8;
	[tilespmem:$0x1AC00] =	vst v63  }
0x2fb: {  	_ =	swait.ge [sflag:s10], $0xC800  }
0x2fc: {  	[sflag:s10] =	ssyncset.done $0x0  }
0x2fd: {  	s16 =	simm.s32 $0x1C00;
	s30 =	rddreg [dreg:$0xa];
	[sflag:s10] =	ssyncadd.s32 $0xFFFF3800  }
0x2fe: {  	[hbm4b:s30+s2] =	stream.linear.scatter [tilespmem:s16], [sflag:$0x3], $0xC800, $0x38;
	[tilespmem:$0x1AC00] =	vst v63  }
0x2ff: {  	_ =	swait.ge [sflag:s9], $0xC800  }
0x300: {  	[sflag:s9] =	ssyncset.done $0x0  }
0x301: {  	p1 =	sne.s32 s19, $0x1;
	s31 =	rddreg [dreg:$0xb];
	[sflag:s9] =	ssyncadd.s32 $0xFFFF3800  }
0x302: {  	[hbm4b:s31+s2] =	stream.linear.scatter [tilespmem:s6], [sflag:$0x4], $0xC800, $0x38;
	[tilespmem:$0x1AC00] =	vst v63  }
.Ltmp2:
0x303: {  	_ =	swait.ge [sflag:s8], $0xC800;
	(pc) =	sbr.rel @p1 .LBB2_3-.Ltmp2, $4  }
0x304: {  	[sflag:s8] =	ssyncset.done $0x0  }
0x305: {  	[sflag:s8] =	ssyncadd.s32 $0xFFFF3800  }
0x306: {  	_ =	swait.ge [sflag:s7], $0xC800  }
0x307: {  	s19 =	sadd.s32 $0xFFFFFFFF, s19;
	s20 =	rddreg [dreg:$0x3];
	[sflag:s7] =	ssyncset.done $0x0  }
0x308: {  	s21 =	simm.s32 $0x4E00  }
0x309: {  	s1 =	simm.s32 $0x16100;
	s30 =	simm.s32 $0x5A80;
	s31 =	simm.s32 $0x15480  }
0x30a: {  	s4 =	simm.s32 $0x6700;
	s12 =	simm.s32 $0x14800;
	s13 =	simm.s32 $0x7380  }
0x30b: {  	s14 =	simm.s32 $0x13B80;
	s15 =	simm.s32 $0x8000;
	s23 =	simm.s32 $0x12F00  }
0x30c: {  	s17 =	simm.s32 $0x8C80;
	s18 =	simm.s32 $0xF080;
	s19 =	simm.s32 $0x5  }
.LBB2_5:
0x30d: {  	[sflag:s7] =	ssyncadd.s32 @p0 $0xFFFF3800  }
0x30e: {  	[tilespmem:s2], [sflag:$0x5] =	stream.linear.gather [hbm4b:s20+s2], $0x1C00, $0x38;
	[tilespmem:$0x1AC00] =	vst v63  }
0x30f: {  	_ =	swait.ge [sflag:s19], $0x1C00  }
0x310: {  	[sflag:s19] =	ssyncset.done $0x0  }
0x311: {  	s20 =	rddreg [dreg:$0xc];
	[sflag:s19] =	ssyncadd.s32 $0xFFFFE400  }
0x312: {  	[tilespmem:s16], [sflag:$0x1] =	stream.indirect.gather [hbm4b:s3+s5], $0x40, s2, s5, $0xb8;
	[tilespmem:$0x1AC00] =	vst v63  }
0x313: {  	s0 =	simm.s32 $0x2880;
	s22 =	rddreg [dreg:$0xd]  }
0x314: {  	[tilespmem:s0], [sflag:$0x1] =	stream.indirect.gather [hbm4b:s3+s5], $0x40, s20, s5, $0xb8;
	[tilespmem:$0x1AC00] =	vst v63  }
0x315: {  	s25 =	simm.s32 $0x3500;
	s24 =	rddreg [dreg:$0xe]  }
0x316: {  	[tilespmem:s25], [sflag:$0x1] =	stream.indirect.gather [hbm4b:s3+s5], $0x40, s22, s5, $0xb8;
	[tilespmem:$0x1AC00] =	vst v63  }
0x317: {  	s28 =	simm.s32 $0x4180;
	s26 =	rddreg [dreg:$0xf]  }
0x318: {  	[tilespmem:s28], [sflag:$0x1] =	stream.indirect.gather [hbm4b:s3+s5], $0x40, s24, s5, $0xb8;
	[tilespmem:$0x1AC00] =	vst v63  }
0x319: {  	s29 =	rddreg [dreg:$0x10]  }
0x31a: {  	[tilespmem:s21], [sflag:$0x1] =	stream.indirect.gather [hbm4b:s3+s5], $0x40, s26, s5, $0xb8;
	[tilespmem:$0x1AC00] =	vst v63  }
0x31b: {  	s19 =	sld [smem:$0x793]  }
0x31c: {  	[tilespmem:s30], [sflag:$0x1] =	stream.indirect.gather [hbm4b:s3+s5], $0x40, s29, s5, $0xb8;
	[tilespmem:$0x1AC00] =	vst v63  }
0x31d: {  	s0 =	rddreg [dreg:$0x11]  }
0x31e: {  	[tilespmem:s4], [sflag:$0x1] =	stream.indirect.gather [hbm4b:s3+s5], $0x40, s0, s5, $0xb8;
	[tilespmem:$0x1AC00] =	vst v63  }
0x31f: {  	s21 =	rddreg [dreg:$0x12]  }
0x320: {  	[tilespmem:s13], [sflag:$0x1] =	stream.indirect.gather [hbm4b:s3+s5], $0x40, s21, s5, $0xb8;
	[tilespmem:$0x1AC00] =	vst v63  }
0x321: {  	s24 =	rddreg [dreg:$0x13]  }
0x322: {  	[tilespmem:s15], [sflag:$0x1] =	stream.indirect.gather [hbm4b:s3+s5], $0x40, s24, s5, $0xb8;
	[tilespmem:$0x1AC00] =	vst v63  }
0x323: {  	s26 =	rddreg [dreg:$0x14]  }
0x324: {  	[tilespmem:s17], [sflag:$0x1] =	stream.indirect.gather [hbm4b:s3+s5], $0x40, s26, s5, $0xb8;
	[tilespmem:$0x1AC00] =	vst v63  }
0x325: {  	s28 =	rddreg [dreg:$0x15];
	s21 =	simm.s32 $0x9900  }
0x326: {  	[tilespmem:s21], [sflag:$0x1] =	stream.indirect.gather [hbm4b:s3+s5], $0x40, s28, s5, $0xb8;
	[tilespmem:$0x1AC00] =	vst v63  }
0x327: {  	s29 =	rddreg [dreg:$0x16];
	s28 =	simm.s32 $0xA580  }
0x328: {  	[tilespmem:s28], [sflag:$0x1] =	stream.indirect.gather [hbm4b:s3+s5], $0x40, s29, s5, $0xb8;
	[tilespmem:$0x1AC00] =	vst v63  }
0x329: {  	s0 =	simm.s32 $0xB200;
	s24 =	rddreg [dreg:$0x17]  }
0x32a: {  	[tilespmem:s0], [sflag:$0x1] =	stream.indirect.gather [hbm4b:s3+s5], $0x40, s24, s5, $0xb8;
	[tilespmem:$0x1AC00] =	vst v63  }
0x32b: {  	s21 =	simm.s32 $0xBE80;
	s29 =	rddreg [dreg:$0x18]  }
0x32c: {  	[tilespmem:s21], [sflag:$0x1] =	stream.indirect.gather [hbm4b:s3+s5], $0x40, s29, s5, $0xb8;
	[tilespmem:$0x1AC00] =	vst v63  }
0x32d: {  	s20 =	rddreg [dreg:$0x19];
	s28 =	simm.s32 $0xCB00  }
0x32e: {  	[tilespmem:s28], [sflag:$0x1] =	stream.indirect.gather [hbm4b:s3+s5], $0x40, s20, s5, $0xb8;
	[tilespmem:$0x1AC00] =	vst v63  }
0x32f: {  	s24 =	rddreg [dreg:$0x1a];
	s28 =	simm.s32 $0xD780  }
0x330: {  	[tilespmem:s28], [sflag:$0x1] =	stream.indirect.gather [hbm4b:s3+s5], $0x40, s24, s5, $0xb8;
	[tilespmem:$0x1AC00] =	vst v63  }
0x331: {  	s21 =	rddreg [dreg:$0x1b]  }
0x332: {  	[tilespmem:s6], [sflag:$0x2] =	stream.indirect.gather [hbm4b:s3+s5], $0x40, s21, s5, $0xb8;
	[tilespmem:$0x1AC00] =	vst v63  }
0x333: {  	s24 =	rddreg [dreg:$0x1c]  }
0x334: {  	[tilespmem:s18], [sflag:$0x2] =	stream.indirect.gather [hbm4b:s3+s5], $0x40, s24, s5, $0xb8;
	[tilespmem:$0x1AC00] =	vst v63  }
0x335: {  	s0 =	rddreg [dreg:$0x1d];
	s24 =	simm.s32 $0xFD00  }
0x336: {  	[tilespmem:s24], [sflag:$0x2] =	stream.indirect.gather [hbm4b:s3+s5], $0x40, s0, s5, $0xb8;
	[tilespmem:$0x1AC00] =	vst v63  }
0x337: {  	s21 =	rddreg [dreg:$0x1e];
	s0 =	simm.s32 $0x10980  }
0x338: {  	[tilespmem:s0], [sflag:$0x2] =	stream.indirect.gather [hbm4b:s3+s5], $0x40, s21, s5, $0xb8;
	[tilespmem:$0x1AC00] =	vst v63  }
0x339: {  	s20 =	rddreg [dreg:$0x1f];
	s21 =	simm.s32 $0x11600  }
0x33a: {  	[tilespmem:s21], [sflag:$0x2] =	stream.indirect.gather [hbm4b:s3+s5], $0x40, s20, s5, $0xb8;
	[tilespmem:$0x1AC00] =	vst v63  }
0x33b: {  	s0 =	simm.s32 $0x12280;
	s20 =	sld [smem:$0x794]  }
0x33c: {  	[tilespmem:s0], [sflag:$0x2] =	stream.indirect.gather [hbm4b:s3+s5], $0x40, s19, s5, $0xb8;
	[tilespmem:$0x1AC00] =	vst v63  }
0x33d: {  	s24 =	sld [smem:$0x795]  }
0x33e: {  	[tilespmem:s23], [sflag:$0x2] =	stream.indirect.gather [hbm4b:s3+s5], $0x40, s20, s5, $0xb8;
	[tilespmem:$0x1AC00] =	vst v63  }
0x33f: {  	s0 =	sld [smem:$0x796]  }
0x340: {  	[tilespmem:s14], [sflag:$0x2] =	stream.indirect.gather [hbm4b:s3+s5], $0x40, s24, s5, $0xb8;
	[tilespmem:$0x1AC00] =	vst v63  }
0x341: {  	s24 =	sld [smem:$0x797]  }
0x342: {  	[tilespmem:s12], [sflag:$0x2] =	stream.indirect.gather [hbm4b:s3+s5], $0x40, s0, s5, $0xb8;
	[tilespmem:$0x1AC00] =	vst v63  }
0x343: {  	s0 =	sld [smem:$0x798]  }
0x344: {  	[tilespmem:s31], [sflag:$0x2] =	stream.indirect.gather [hbm4b:s3+s5], $0x40, s24, s5, $0xb8;
	[tilespmem:$0x1AC00] =	vst v63  }
0x345: {  	s19 =	sld [smem:$0x799]  }
0x346: {  	[tilespmem:s1], [sflag:$0x2] =	stream.indirect.gather [hbm4b:s3+s5], $0x40, s0, s5, $0xb8;
	[tilespmem:$0x1AC00] =	vst v63  }
0x347: {  	s20 =	sld [smem:$0x79A];
	s24 =	simm.s32 $0x16D80  }
0x348: {  	[tilespmem:s24], [sflag:$0x2] =	stream.indirect.gather [hbm4b:s3+s5], $0x40, s19, s5, $0xb8;
	[tilespmem:$0x1AC00] =	vst v63  }
0x349: {  	s19 =	sld [smem:$0x79B];
	s24 =	simm.s32 $0x17A00  }
0x34a: {  	[tilespmem:s24], [sflag:$0x2] =	stream.indirect.gather [hbm4b:s3+s5], $0x40, s20, s5, $0xb8;
	[tilespmem:$0x1AC00] =	vst v63  }
0x34b: {  	s20 =	sld [smem:$0x79C];
	s24 =	simm.s32 $0x18680  }
0x34c: {  	[tilespmem:s24], [sflag:$0x2] =	stream.indirect.gather [hbm4b:s3+s5], $0x40, s19, s5, $0xb8;
	[tilespmem:$0x1AC00] =	vst v63  }
0x34d: {  	s19 =	sld [smem:$0x79D];
	s24 =	simm.s32 $0x19300  }
0x34e: {  	[tilespmem:s24], [sflag:$0x2] =	stream.indirect.gather [hbm4b:s3+s5], $0x40, s20, s5, $0xb8;
	[tilespmem:$0x1AC00] =	vst v63  }
0x34f: {  	s24 =	simm.s32 $0x19F80  }
0x350: {  	[tilespmem:s24], [sflag:$0x2] =	stream.indirect.gather [hbm4b:s3+s5], $0x40, s19, s5, $0xb8;
	[tilespmem:$0x1AC00] =	vst v63  }
0x351: {  	_ =	swait.ge [sflag:s10], $0xC800  }
0x352: {  	[sflag:s10] =	ssyncset.done $0x0  }
0x353: {  	s20 =	rddreg [dreg:$0x4];
	[sflag:s10] =	ssyncadd.s32 $0xFFFF3800  }
0x354: {  	[hbm4b:s20+s2] =	stream.linear.scatter [tilespmem:s16], [sflag:$0x3], $0xC800, $0x38;
	[tilespmem:$0x1AC00] =	vst v63  }
0x355: {  	_ =	swait.ge [sflag:s8], $0xC800  }
0x356: {  	s24 =	sld [smem:$0x79E]  }
0x357: {  	[sflag:s8] =	ssyncset.done $0x0  }
0x358: {  	s20 =	sld [smem:$0x79F];
	[sflag:s8] =	ssyncadd.s32 $0xFFFF3800  }
0x359: {  	[tilespmem:s16], [sflag:$0x1] =	stream.indirect.gather [hbm4b:s3+s5], $0x40, s24, s5, $0xb8;
	[tilespmem:$0x1AC00] =	vst v63  }
0x35a: {  	s11 =	simm.s32 $0x2880;
	s24 =	sld [smem:$0x7A0]  }
0x35b: {  	[tilespmem:s11], [sflag:$0x1] =	stream.indirect.gather [hbm4b:s3+s5], $0x40, s20, s5, $0xb8;
	[tilespmem:$0x1AC00] =	vst v63  }
0x35c: {  	s22 =	simm.s32 $0x3500;
	s11 =	sld [smem:$0x7A1]  }
0x35d: {  	[tilespmem:s22], [sflag:$0x1] =	stream.indirect.gather [hbm4b:s3+s5], $0x40, s24, s5, $0xb8;
	[tilespmem:$0x1AC00] =	vst v63  }
0x35e: {  	s25 =	simm.s32 $0x4180;
	s24 =	sld [smem:$0x7A2]  }
0x35f: {  	[tilespmem:s25], [sflag:$0x1] =	stream.indirect.gather [hbm4b:s3+s5], $0x40, s11, s5, $0xb8;
	[tilespmem:$0x1AC00] =	vst v63  }
0x360: {  	s0 =	simm.s32 $0x4E00;
	s25 =	sld [smem:$0x7A3]  }
0x361: {  	[tilespmem:s0], [sflag:$0x1] =	stream.indirect.gather [hbm4b:s3+s5], $0x40, s24, s5, $0xb8;
	[tilespmem:$0x1AC00] =	vst v63  }
0x362: {  	s11 =	sld [smem:$0x7A4]  }
0x363: {  	[tilespmem:s30], [sflag:$0x1] =	stream.indirect.gather [hbm4b:s3+s5], $0x40, s25, s5, $0xb8;
	[tilespmem:$0x1AC00] =	vst v63  }
0x364: {  	s22 =	sld [smem:$0x7A5]  }
0x365: {  	[tilespmem:s4], [sflag:$0x1] =	stream.indirect.gather [hbm4b:s3+s5], $0x40, s11, s5, $0xb8;
	[tilespmem:$0x1AC00] =	vst v63  }
0x366: {  	s24 =	sld [smem:$0x7A6]  }
0x367: {  	[tilespmem:s13], [sflag:$0x1] =	stream.indirect.gather [hbm4b:s3+s5], $0x40, s22, s5, $0xb8;
	[tilespmem:$0x1AC00] =	vst v63  }
0x368: {  	s25 =	sld [smem:$0x7A7]  }
0x369: {  	[tilespmem:s15], [sflag:$0x1] =	stream.indirect.gather [hbm4b:s3+s5], $0x40, s24, s5, $0xb8;
	[tilespmem:$0x1AC00] =	vst v63  }
0x36a: {  	s0 =	sld [smem:$0x7A8]  }
0x36b: {  	[tilespmem:s17], [sflag:$0x1] =	stream.indirect.gather [hbm4b:s3+s5], $0x40, s25, s5, $0xb8;
	[tilespmem:$0x1AC00] =	vst v63  }
0x36c: {  	s11 =	sld [smem:$0x7A9];
	s24 =	simm.s32 $0x9900  }
0x36d: {  	[tilespmem:s24], [sflag:$0x1] =	stream.indirect.gather [hbm4b:s3+s5], $0x40, s0, s5, $0xb8;
	[tilespmem:$0x1AC00] =	vst v63  }
0x36e: {  	s26 =	simm.s32 $0xA580;
	s22 =	sld [smem:$0x7AA]  }
0x36f: {  	[tilespmem:s26], [sflag:$0x1] =	stream.indirect.gather [hbm4b:s3+s5], $0x40, s11, s5, $0xb8;
	[tilespmem:$0x1AC00] =	vst v63  }
0x370: {  	s25 =	simm.s32 $0xB200;
	s0 =	sld [smem:$0x7AB]  }
0x371: {  	[tilespmem:s25], [sflag:$0x1] =	stream.indirect.gather [hbm4b:s3+s5], $0x40, s22, s5, $0xb8;
	[tilespmem:$0x1AC00] =	vst v63  }
0x372: {  	s29 =	simm.s32 $0xBE80;
	s11 =	sld [smem:$0x7AC]  }
0x373: {  	[tilespmem:s29], [sflag:$0x1] =	stream.indirect.gather [hbm4b:s3+s5], $0x40, s0, s5, $0xb8;
	[tilespmem:$0x1AC00] =	vst v63  }
0x374: {  	s26 =	simm.s32 $0xCB00;
	s22 =	sld [smem:$0x7AD]  }
0x375: {  	[tilespmem:s26], [sflag:$0x1] =	stream.indirect.gather [hbm4b:s3+s5], $0x40, s11, s5, $0xb8;
	[tilespmem:$0x1AC00] =	vst v63  }
0x376: {  	_ = 	snop  }
0x377: {  	[tilespmem:s28], [sflag:$0x1] =	stream.indirect.gather [hbm4b:s3+s5], $0x40, s22, s5, $0xb8;
	[tilespmem:$0x1AC00] =	vst v63  }
0x378: {  	_ =	swait.ge [sflag:s9], $0xC800  }
0x379: {  	[sflag:s9] =	ssyncset.done $0x0  }
0x37a: {  	s29 =	rddreg [dreg:$0x5];
	[sflag:s9] =	ssyncadd.s32 $0xFFFF3800  }
0x37b: {  	[hbm4b:s29+s2] =	stream.linear.scatter [tilespmem:s6], [sflag:$0x4], $0xC800, $0x38;
	[tilespmem:$0x1AC00] =	vst v63  }
0x37c: {  	_ =	swait.ge [sflag:s7], $0xC800  }
0x37d: {  	s0 =	sld [smem:$0x7AE]  }
0x37e: {  	[sflag:s7] =	ssyncset.done $0x0  }
0x37f: {  	s11 =	sld [smem:$0x7AF];
	[sflag:s7] =	ssyncadd.s32 $0xFFFF3800  }
0x380: {  	[tilespmem:s6], [sflag:$0x2] =	stream.indirect.gather [hbm4b:s3+s5], $0x40, s0, s5, $0xb8;
	[tilespmem:$0x1AC00] =	vst v63  }
0x381: {  	s22 =	sld [smem:$0x7B0]  }
0x382: {  	[tilespmem:s18], [sflag:$0x2] =	stream.indirect.gather [hbm4b:s3+s5], $0x40, s11, s5, $0xb8;
	[tilespmem:$0x1AC00] =	vst v63  }
0x383: {  	s29 =	simm.s32 $0xFD00;
	s20 =	sld [smem:$0x7B1]  }
0x384: {  	[tilespmem:s29], [sflag:$0x2] =	stream.indirect.gather [hbm4b:s3+s5], $0x40, s22, s5, $0xb8;
	[tilespmem:$0x1AC00] =	vst v63  }
0x385: {  	s11 =	sld [smem:$0x7B2];
	s22 =	simm.s32 $0x10980  }
0x386: {  	[tilespmem:s22], [sflag:$0x2] =	stream.indirect.gather [hbm4b:s3+s5], $0x40, s20, s5, $0xb8;
	[tilespmem:$0x1AC00] =	vst v63  }
0x387: {  	s21 =	simm.s32 $0x11600;
	s29 =	sld [smem:$0x7B3]  }
0x388: {  	[tilespmem:s21], [sflag:$0x2] =	stream.indirect.gather [hbm4b:s3+s5], $0x40, s11, s5, $0xb8;
	[tilespmem:$0x1AC00] =	vst v63  }
0x389: {  	s0 =	sld [smem:$0x7B4];
	s21 =	simm.s32 $0x12280  }
0x38a: {  	[tilespmem:s21], [sflag:$0x2] =	stream.indirect.gather [hbm4b:s3+s5], $0x40, s29, s5, $0xb8;
	[tilespmem:$0x1AC00] =	vst v63  }
0x38b: {  	s11 =	sld [smem:$0x7B5]  }
0x38c: {  	[tilespmem:s23], [sflag:$0x2] =	stream.indirect.gather [hbm4b:s3+s5], $0x40, s0, s5, $0xb8;
	[tilespmem:$0x1AC00] =	vst v63  }
0x38d: {  	s29 =	sld [smem:$0x7B6]  }
0x38e: {  	[tilespmem:s14], [sflag:$0x2] =	stream.indirect.gather [hbm4b:s3+s5], $0x40, s11, s5, $0xb8;
	[tilespmem:$0x1AC00] =	vst v63  }
0x38f: {  	s0 =	sld [smem:$0x7B7]  }
0x390: {  	[tilespmem:s12], [sflag:$0x2] =	stream.indirect.gather [hbm4b:s3+s5], $0x40, s29, s5, $0xb8;
	[tilespmem:$0x1AC00] =	vst v63  }
0x391: {  	s11 =	sld [smem:$0x7B8]  }
0x392: {  	[tilespmem:s31], [sflag:$0x2] =	stream.indirect.gather [hbm4b:s3+s5], $0x40, s0, s5, $0xb8;
	[tilespmem:$0x1AC00] =	vst v63  }
0x393: {  	s29 =	sld [smem:$0x7B9]  }
0x394: {  	[tilespmem:s1], [sflag:$0x2] =	stream.indirect.gather [hbm4b:s3+s5], $0x40, s11, s5, $0xb8;
	[tilespmem:$0x1AC00] =	vst v63  }
0x395: {  	s0 =	sld [smem:$0x7BA];
	s11 =	simm.s32 $0x16D80  }
0x396: {  	[tilespmem:s11], [sflag:$0x2] =	stream.indirect.gather [hbm4b:s3+s5], $0x40, s29, s5, $0xb8;
	[tilespmem:$0x1AC00] =	vst v63  }
0x397: {  	s20 =	sld [smem:$0x7BB];
	s29 =	simm.s32 $0x17A00  }
0x398: {  	[tilespmem:s29], [sflag:$0x2] =	stream.indirect.gather [hbm4b:s3+s5], $0x40, s0, s5, $0xb8;
	[tilespmem:$0x1AC00] =	vst v63  }
0x399: {  	s19 =	sld [smem:$0x7BC];
	s0 =	simm.s32 $0x18680  }
0x39a: {  	[tilespmem:s0], [sflag:$0x2] =	stream.indirect.gather [hbm4b:s3+s5], $0x40, s20, s5, $0xb8;
	[tilespmem:$0x1AC00] =	vst v63  }
0x39b: {  	s29 =	simm.s32 $0x19300;
	s20 =	sld [smem:$0x7BD]  }
0x39c: {  	[tilespmem:s29], [sflag:$0x2] =	stream.indirect.gather [hbm4b:s3+s5], $0x40, s19, s5, $0xb8;
	[tilespmem:$0x1AC00] =	vst v63  }
0x39d: {  	s29 =	simm.s32 $0x19F80  }
0x39e: {  	[tilespmem:s29], [sflag:$0x2] =	stream.indirect.gather [hbm4b:s3+s5], $0x40, s20, s5, $0xb8;
	[tilespmem:$0x1AC00] =	vst v63  }
0x39f: {  	_ =	swait.ge [sflag:s10], $0xC800  }
0x3a0: {  	[sflag:s10] =	ssyncset.done $0x0  }
0x3a1: {  	s20 =	rddreg [dreg:$0x6];
	[sflag:s10] =	ssyncadd.s32 $0xFFFF3800  }
0x3a2: {  	[hbm4b:s20+s2] =	stream.linear.scatter [tilespmem:s16], [sflag:$0x3], $0xC800, $0x38;
	[tilespmem:$0x1AC00] =	vst v63  }
0x3a3: {  	_ =	swait.ge [sflag:s8], $0xC800  }
0x3a4: {  	s29 =	sld [smem:$0x7BE]  }
0x3a5: {  	[sflag:s8] =	ssyncset.done $0x0  }
0x3a6: {  	s20 =	sld [smem:$0x7BF];
	[sflag:s8] =	ssyncadd.s32 $0xFFFF3800  }
0x3a7: {  	[tilespmem:s16], [sflag:$0x1] =	stream.indirect.gather [hbm4b:s3+s5], $0x40, s29, s5, $0xb8;
	[tilespmem:$0x1AC00] =	vst v63  }
0x3a8: {  	s19 =	sld [smem:$0x7C0];
	s29 =	simm.s32 $0x2880  }
0x3a9: {  	[tilespmem:s29], [sflag:$0x1] =	stream.indirect.gather [hbm4b:s3+s5], $0x40, s20, s5, $0xb8;
	[tilespmem:$0x1AC00] =	vst v63  }
0x3aa: {  	s20 =	sld [smem:$0x7C1];
	s29 =	simm.s32 $0x3500  }
0x3ab: {  	[tilespmem:s29], [sflag:$0x1] =	stream.indirect.gather [hbm4b:s3+s5], $0x40, s19, s5, $0xb8;
	[tilespmem:$0x1AC00] =	vst v63  }
0x3ac: {  	s19 =	sld [smem:$0x7C2];
	s29 =	simm.s32 $0x4180  }
0x3ad: {  	[tilespmem:s29], [sflag:$0x1] =	stream.indirect.gather [hbm4b:s3+s5], $0x40, s20, s5, $0xb8;
	[tilespmem:$0x1AC00] =	vst v63  }
0x3ae: {  	s20 =	sld [smem:$0x7C3];
	s29 =	simm.s32 $0x4E00  }
0x3af: {  	[tilespmem:s29], [sflag:$0x1] =	stream.indirect.gather [hbm4b:s3+s5], $0x40, s19, s5, $0xb8;
	[tilespmem:$0x1AC00] =	vst v63  }
0x3b0: {  	s19 =	sld [smem:$0x7C4]  }
0x3b1: {  	[tilespmem:s30], [sflag:$0x1] =	stream.indirect.gather [hbm4b:s3+s5], $0x40, s20, s5, $0xb8;
	[tilespmem:$0x1AC00] =	vst v63  }
0x3b2: {  	s20 =	sld [smem:$0x7C5]  }
0x3b3: {  	[tilespmem:s4], [sflag:$0x1] =	stream.indirect.gather [hbm4b:s3+s5], $0x40, s19, s5, $0xb8;
	[tilespmem:$0x1AC00] =	vst v63  }
0x3b4: {  	s19 =	sld [smem:$0x7C6]  }
0x3b5: {  	[tilespmem:s13], [sflag:$0x1] =	stream.indirect.gather [hbm4b:s3+s5], $0x40, s20, s5, $0xb8;
	[tilespmem:$0x1AC00] =	vst v63  }
0x3b6: {  	s20 =	sld [smem:$0x7C7]  }
0x3b7: {  	[tilespmem:s15], [sflag:$0x1] =	stream.indirect.gather [hbm4b:s3+s5], $0x40, s19, s5, $0xb8;
	[tilespmem:$0x1AC00] =	vst v63  }
0x3b8: {  	s19 =	sld [smem:$0x7C8]  }
0x3b9: {  	[tilespmem:s17], [sflag:$0x1] =	stream.indirect.gather [hbm4b:s3+s5], $0x40, s20, s5, $0xb8;
	[tilespmem:$0x1AC00] =	vst v63  }
0x3ba: {  	s20 =	sld [smem:$0x7C9]  }
0x3bb: {  	[tilespmem:s24], [sflag:$0x1] =	stream.indirect.gather [hbm4b:s3+s5], $0x40, s19, s5, $0xb8;
	[tilespmem:$0x1AC00] =	vst v63  }
0x3bc: {  	s19 =	sld [smem:$0x7CA];
	s24 =	simm.s32 $0xA580  }
0x3bd: {  	[tilespmem:s24], [sflag:$0x1] =	stream.indirect.gather [hbm4b:s3+s5], $0x40, s20, s5, $0xb8;
	[tilespmem:$0x1AC00] =	vst v63  }
0x3be: {  	s20 =	sld [smem:$0x7CB]  }
0x3bf: {  	[tilespmem:s25], [sflag:$0x1] =	stream.indirect.gather [hbm4b:s3+s5], $0x40, s19, s5, $0xb8;
	[tilespmem:$0x1AC00] =	vst v63  }
0x3c0: {  	s24 =	simm.s32 $0xBE80;
	s19 =	sld [smem:$0x7CC]  }
0x3c1: {  	[tilespmem:s24], [sflag:$0x1] =	stream.indirect.gather [hbm4b:s3+s5], $0x40, s20, s5, $0xb8;
	[tilespmem:$0x1AC00] =	vst v63  }
0x3c2: {  	s24 =	sld [smem:$0x7CD]  }
0x3c3: {  	[tilespmem:s26], [sflag:$0x1] =	stream.indirect.gather [hbm4b:s3+s5], $0x40, s19, s5, $0xb8;
	[tilespmem:$0x1AC00] =	vst v63  }
0x3c4: {  	_ = 	snop  }
0x3c5: {  	[tilespmem:s28], [sflag:$0x1] =	stream.indirect.gather [hbm4b:s3+s5], $0x40, s24, s5, $0xb8;
	[tilespmem:$0x1AC00] =	vst v63  }
0x3c6: {  	_ =	swait.ge [sflag:s9], $0xC800  }
0x3c7: {  	[sflag:s9] =	ssyncset.done $0x0  }
0x3c8: {  	s24 =	rddreg [dreg:$0x7];
	[sflag:s9] =	ssyncadd.s32 $0xFFFF3800  }
0x3c9: {  	[hbm4b:s24+s2] =	stream.linear.scatter [tilespmem:s6], [sflag:$0x4], $0xC800, $0x38;
	[tilespmem:$0x1AC00] =	vst v63  }
0x3ca: {  	_ =	swait.ge [sflag:s7], $0xC800  }
0x3cb: {  	s20 =	sld [smem:$0x7CE]  }
0x3cc: {  	[sflag:s7] =	ssyncset.done $0x0  }
0x3cd: {  	s24 =	sld [smem:$0x7CF];
	[sflag:s7] =	ssyncadd.s32 $0xFFFF3800  }
0x3ce: {  	[tilespmem:s6], [sflag:$0x2] =	stream.indirect.gather [hbm4b:s3+s5], $0x40, s20, s5, $0xb8;
	[tilespmem:$0x1AC00] =	vst v63  }
0x3cf: {  	s19 =	sld [smem:$0x7D0]  }
0x3d0: {  	[tilespmem:s18], [sflag:$0x2] =	stream.indirect.gather [hbm4b:s3+s5], $0x40, s24, s5, $0xb8;
	[tilespmem:$0x1AC00] =	vst v63  }
0x3d1: {  	s20 =	sld [smem:$0x7D1];
	s24 =	simm.s32 $0xFD00  }
0x3d2: {  	[tilespmem:s24], [sflag:$0x2] =	stream.indirect.gather [hbm4b:s3+s5], $0x40, s19, s5, $0xb8;
	[tilespmem:$0x1AC00] =	vst v63  }
0x3d3: {  	s19 =	sld [smem:$0x7D2]  }
0x3d4: {  	[tilespmem:s22], [sflag:$0x2] =	stream.indirect.gather [hbm4b:s3+s5], $0x40, s20, s5, $0xb8;
	[tilespmem:$0x1AC00] =	vst v63  }
0x3d5: {  	s24 =	simm.s32 $0x11600;
	s20 =	sld [smem:$0x7D3]  }
0x3d6: {  	[tilespmem:s24], [sflag:$0x2] =	stream.indirect.gather [hbm4b:s3+s5], $0x40, s19, s5, $0xb8;
	[tilespmem:$0x1AC00] =	vst v63  }
0x3d7: {  	s19 =	sld [smem:$0x7D4]  }
0x3d8: {  	[tilespmem:s21], [sflag:$0x2] =	stream.indirect.gather [hbm4b:s3+s5], $0x40, s20, s5, $0xb8;
	[tilespmem:$0x1AC00] =	vst v63  }
0x3d9: {  	s24 =	sld [smem:$0x7D5]  }
0x3da: {  	[tilespmem:s23], [sflag:$0x2] =	stream.indirect.gather [hbm4b:s3+s5], $0x40, s19, s5, $0xb8;
	[tilespmem:$0x1AC00] =	vst v63  }
0x3db: {  	s19 =	sld [smem:$0x7D6]  }
0x3dc: {  	[tilespmem:s14], [sflag:$0x2] =	stream.indirect.gather [hbm4b:s3+s5], $0x40, s24, s5, $0xb8;
	[tilespmem:$0x1AC00] =	vst v63  }
0x3dd: {  	s24 =	sld [smem:$0x7D7]  }
0x3de: {  	[tilespmem:s12], [sflag:$0x2] =	stream.indirect.gather [hbm4b:s3+s5], $0x40, s19, s5, $0xb8;
	[tilespmem:$0x1AC00] =	vst v63  }
0x3df: {  	s19 =	sld [smem:$0x7D8]  }
0x3e0: {  	[tilespmem:s31], [sflag:$0x2] =	stream.indirect.gather [hbm4b:s3+s5], $0x40, s24, s5, $0xb8;
	[tilespmem:$0x1AC00] =	vst v63  }
0x3e1: {  	s24 =	sld [smem:$0x7D9]  }
0x3e2: {  	[tilespmem:s1], [sflag:$0x2] =	stream.indirect.gather [hbm4b:s3+s5], $0x40, s19, s5, $0xb8;
	[tilespmem:$0x1AC00] =	vst v63  }
0x3e3: {  	s1 =	sld [smem:$0x7DA]  }
0x3e4: {  	[tilespmem:s11], [sflag:$0x2] =	stream.indirect.gather [hbm4b:s3+s5], $0x40, s24, s5, $0xb8;
	[tilespmem:$0x1AC00] =	vst v63  }
0x3e5: {  	s20 =	sld [smem:$0x7DB];
	s24 =	simm.s32 $0x17A00  }
0x3e6: {  	[tilespmem:s24], [sflag:$0x2] =	stream.indirect.gather [hbm4b:s3+s5], $0x40, s1, s5, $0xb8;
	[tilespmem:$0x1AC00] =	vst v63  }
0x3e7: {  	s19 =	sld [smem:$0x7DC]  }
0x3e8: {  	[tilespmem:s0], [sflag:$0x2] =	stream.indirect.gather [hbm4b:s3+s5], $0x40, s20, s5, $0xb8;
	[tilespmem:$0x1AC00] =	vst v63  }
0x3e9: {  	s1 =	simm.s32 $0x19300;
	s20 =	sld [smem:$0x7DD]  }
0x3ea: {  	[tilespmem:s1], [sflag:$0x2] =	stream.indirect.gather [hbm4b:s3+s5], $0x40, s19, s5, $0xb8;
	[tilespmem:$0x1AC00] =	vst v63  }
0x3eb: {  	s19 =	simm.s32 $0x19F80  }
0x3ec: {  	[tilespmem:s19], [sflag:$0x2] =	stream.indirect.gather [hbm4b:s3+s5], $0x40, s20, s5, $0xb8;
	[tilespmem:$0x1AC00] =	vst v63  }
0x3ed: {  	_ =	swait.ge [sflag:s10], $0xC800  }
0x3ee: {  	[sflag:s10] =	ssyncset.done $0x0  }
0x3ef: {  	s1 =	rddreg [dreg:$0x8];
	[sflag:s10] =	ssyncadd.s32 $0xFFFF3800  }
0x3f0: {  	[hbm4b:s1+s2] =	stream.linear.scatter [tilespmem:s16], [sflag:$0x3], $0xC800, $0x38;
	[tilespmem:$0x1AC00] =	vst v63  }
0x3f1: {  	_ =	swait.ge [sflag:s8], $0xC800  }
0x3f2: {  	s20 =	sld [smem:$0x7DE]  }
0x3f3: {  	[sflag:s8] =	ssyncset.done $0x0  }
0x3f4: {  	s0 =	sld [smem:$0x7DF];
	[sflag:s8] =	ssyncadd.s32 $0xFFFF3800  }
0x3f5: {  	[tilespmem:s16], [sflag:$0x1] =	stream.indirect.gather [hbm4b:s3+s5], $0x40, s20, s5, $0xb8;
	[tilespmem:$0x1AC00] =	vst v63  }
0x3f6: {  	s1 =	simm.s32 $0x2880;
	s19 =	sld [smem:$0x7E0]  }
0x3f7: {  	[tilespmem:s1], [sflag:$0x1] =	stream.indirect.gather [hbm4b:s3+s5], $0x40, s0, s5, $0xb8;
	[tilespmem:$0x1AC00] =	vst v63  }
0x3f8: {  	s20 =	sld [smem:$0x7E1];
	s1 =	simm.s32 $0x3500  }
0x3f9: {  	[tilespmem:s1], [sflag:$0x1] =	stream.indirect.gather [hbm4b:s3+s5], $0x40, s19, s5, $0xb8;
	[tilespmem:$0x1AC00] =	vst v63  }
0x3fa: {  	s19 =	sld [smem:$0x7E2];
	s1 =	simm.s32 $0x4180  }
0x3fb: {  	[tilespmem:s1], [sflag:$0x1] =	stream.indirect.gather [hbm4b:s3+s5], $0x40, s20, s5, $0xb8;
	[tilespmem:$0x1AC00] =	vst v63  }
0x3fc: {  	s1 =	sld [smem:$0x7E3]  }
0x3fd: {  	[tilespmem:s29], [sflag:$0x1] =	stream.indirect.gather [hbm4b:s3+s5], $0x40, s19, s5, $0xb8;
	[tilespmem:$0x1AC00] =	vst v63  }
0x3fe: {  	s29 =	sld [smem:$0x7E4]  }
0x3ff: {  	[tilespmem:s30], [sflag:$0x1] =	stream.indirect.gather [hbm4b:s3+s5], $0x40, s1, s5, $0xb8;
	[tilespmem:$0x1AC00] =	vst v63  }
0x400: {  	s30 =	sld [smem:$0x7E5]  }
0x401: {  	[tilespmem:s4], [sflag:$0x1] =	stream.indirect.gather [hbm4b:s3+s5], $0x40, s29, s5, $0xb8;
	[tilespmem:$0x1AC00] =	vst v63  }
0x402: {  	s0 =	sld [smem:$0x7E6]  }
0x403: {  	[tilespmem:s13], [sflag:$0x1] =	stream.indirect.gather [hbm4b:s3+s5], $0x40, s30, s5, $0xb8;
	[tilespmem:$0x1AC00] =	vst v63  }
0x404: {  	s1 =	sld [smem:$0x7E7]  }
0x405: {  	[tilespmem:s15], [sflag:$0x1] =	stream.indirect.gather [hbm4b:s3+s5], $0x40, s0, s5, $0xb8;
	[tilespmem:$0x1AC00] =	vst v63  }
0x406: {  	s4 =	sld [smem:$0x7E8]  }
0x407: {  	[tilespmem:s17], [sflag:$0x1] =	stream.indirect.gather [hbm4b:s3+s5], $0x40, s1, s5, $0xb8;
	[tilespmem:$0x1AC00] =	vst v63  }
0x408: {  	s13 =	sld [smem:$0x7E9];
	s15 =	simm.s32 $0x9900  }
0x409: {  	[tilespmem:s15], [sflag:$0x1] =	stream.indirect.gather [hbm4b:s3+s5], $0x40, s4, s5, $0xb8;
	[tilespmem:$0x1AC00] =	vst v63  }
0x40a: {  	s19 =	simm.s32 $0xA580;
	s17 =	sld [smem:$0x7EA]  }
0x40b: {  	[tilespmem:s19], [sflag:$0x1] =	stream.indirect.gather [hbm4b:s3+s5], $0x40, s13, s5, $0xb8;
	[tilespmem:$0x1AC00] =	vst v63  }
0x40c: {  	s25 =	simm.s32 $0xB200;
	s20 =	sld [smem:$0x7EB]  }
0x40d: {  	[tilespmem:s25], [sflag:$0x1] =	stream.indirect.gather [hbm4b:s3+s5], $0x40, s17, s5, $0xb8;
	[tilespmem:$0x1AC00] =	vst v63  }
0x40e: {  	s29 =	sld [smem:$0x7EC];
	s30 =	simm.s32 $0xBE80  }
0x40f: {  	[tilespmem:s30], [sflag:$0x1] =	stream.indirect.gather [hbm4b:s3+s5], $0x40, s20, s5, $0xb8;
	[tilespmem:$0x1AC00] =	vst v63  }
0x410: {  	s26 =	simm.s32 $0xCB00;
	s0 =	sld [smem:$0x7ED]  }
0x411: {  	[tilespmem:s26], [sflag:$0x1] =	stream.indirect.gather [hbm4b:s3+s5], $0x40, s29, s5, $0xb8;
	[tilespmem:$0x1AC00] =	vst v63  }
0x412: {  	_ = 	snop  }
0x413: {  	[tilespmem:s28], [sflag:$0x1] =	stream.indirect.gather [hbm4b:s3+s5], $0x40, s0, s5, $0xb8;
	[tilespmem:$0x1AC00] =	vst v63  }
0x414: {  	_ =	swait.ge [sflag:s9], $0xC800  }
0x415: {  	[sflag:s9] =	ssyncset.done $0x0  }
0x416: {  	s4 =	rddreg [dreg:$0x9];
	[sflag:s9] =	ssyncadd.s32 $0xFFFF3800  }
0x417: {  	[hbm4b:s4+s2] =	stream.linear.scatter [tilespmem:s6], [sflag:$0x4], $0xC800, $0x38;
	[tilespmem:$0x1AC00] =	vst v63  }
0x418: {  	_ =	swait.ge [sflag:s7], $0xC800  }
0x419: {  	s13 =	sld [smem:$0x7EE]  }
0x41a: {  	[sflag:s7] =	ssyncset.done $0x0  }
0x41b: {  	s15 =	sld [smem:$0x7EF];
	[sflag:s7] =	ssyncadd.s32 $0xFFFF3800  }
0x41c: {  	[tilespmem:s6], [sflag:$0x2] =	stream.indirect.gather [hbm4b:s3+s5], $0x40, s13, s5, $0xb8;
	[tilespmem:$0x1AC00] =	vst v63  }
0x41d: {  	s17 =	sld [smem:$0x7F0]  }
0x41e: {  	[tilespmem:s18], [sflag:$0x2] =	stream.indirect.gather [hbm4b:s3+s5], $0x40, s15, s5, $0xb8;
	[tilespmem:$0x1AC00] =	vst v63  }
0x41f: {  	s20 =	simm.s32 $0xFD00;
	s19 =	sld [smem:$0x7F1]  }
0x420: {  	[tilespmem:s20], [sflag:$0x2] =	stream.indirect.gather [hbm4b:s3+s5], $0x40, s17, s5, $0xb8;
	[tilespmem:$0x1AC00] =	vst v63  }
0x421: {  	s22 =	simm.s32 $0x10980;
	s26 =	sld [smem:$0x7F2]  }
0x422: {  	[tilespmem:s22], [sflag:$0x2] =	stream.indirect.gather [hbm4b:s3+s5], $0x40, s19, s5, $0xb8;
	[tilespmem:$0x1AC00] =	vst v63  }
0x423: {  	s29 =	simm.s32 $0x11600;
	s28 =	sld [smem:$0x7F3]  }
0x424: {  	[tilespmem:s29], [sflag:$0x2] =	stream.indirect.gather [hbm4b:s3+s5], $0x40, s26, s5, $0xb8;
	[tilespmem:$0x1AC00] =	vst v63  }
0x425: {  	s21 =	simm.s32 $0x12280;
	s30 =	sld [smem:$0x7F4]  }
0x426: {  	[tilespmem:s21], [sflag:$0x2] =	stream.indirect.gather [hbm4b:s3+s5], $0x40, s28, s5, $0xb8;
	[tilespmem:$0x1AC00] =	vst v63  }
0x427: {  	s4 =	sld [smem:$0x7F5]  }
0x428: {  	[tilespmem:s23], [sflag:$0x2] =	stream.indirect.gather [hbm4b:s3+s5], $0x40, s30, s5, $0xb8;
	[tilespmem:$0x1AC00] =	vst v63  }
0x429: {  	s13 =	sld [smem:$0x7F6]  }
0x42a: {  	[tilespmem:s14], [sflag:$0x2] =	stream.indirect.gather [hbm4b:s3+s5], $0x40, s4, s5, $0xb8;
	[tilespmem:$0x1AC00] =	vst v63  }
0x42b: {  	s17 =	sld [smem:$0x7F7]  }
0x42c: {  	[tilespmem:s12], [sflag:$0x2] =	stream.indirect.gather [hbm4b:s3+s5], $0x40, s13, s5, $0xb8;
	[tilespmem:$0x1AC00] =	vst v63  }
0x42d: {  	s18 =	sld [smem:$0x7F8]  }
0x42e: {  	[tilespmem:s31], [sflag:$0x2] =	stream.indirect.gather [hbm4b:s3+s5], $0x40, s17, s5, $0xb8;
	[tilespmem:$0x1AC00] =	vst v63  }
0x42f: {  	s25 =	simm.s32 $0x16100;
	s19 =	sld [smem:$0x7F9]  }
0x430: {  	[tilespmem:s25], [sflag:$0x2] =	stream.indirect.gather [hbm4b:s3+s5], $0x40, s18, s5, $0xb8;
	[tilespmem:$0x1AC00] =	vst v63  }
0x431: {  	s11 =	simm.s32 $0x16D80;
	s20 =	sld [smem:$0x7FA]  }
0x432: {  	[tilespmem:s11], [sflag:$0x2] =	stream.indirect.gather [hbm4b:s3+s5], $0x40, s19, s5, $0xb8;
	[tilespmem:$0x1AC00] =	vst v63  }
0x433: {  	s22 =	simm.s32 $0x17A00;
	s21 =	sld [smem:$0x7FB]  }
0x434: {  	[tilespmem:s22], [sflag:$0x2] =	stream.indirect.gather [hbm4b:s3+s5], $0x40, s20, s5, $0xb8;
	[tilespmem:$0x1AC00] =	vst v63  }
0x435: {  	s24 =	simm.s32 $0x18680;
	s23 =	sld [smem:$0x7FC]  }
0x436: {  	[tilespmem:s24], [sflag:$0x2] =	stream.indirect.gather [hbm4b:s3+s5], $0x40, s21, s5, $0xb8;
	[tilespmem:$0x1AC00] =	vst v63  }
0x437: {  	s26 =	simm.s32 $0x19300;
	s25 =	sld [smem:$0x7FD]  }
0x438: {  	[tilespmem:s26], [sflag:$0x2] =	stream.indirect.gather [hbm4b:s3+s5], $0x40, s23, s5, $0xb8;
	[tilespmem:$0x1AC00] =	vst v63  }
0x439: {  	s28 =	simm.s32 $0x19F80  }
0x43a: {  	[tilespmem:s28], [sflag:$0x2] =	stream.indirect.gather [hbm4b:s3+s5], $0x40, s25, s5, $0xb8;
	[tilespmem:$0x1AC00] =	vst v63  }
0x43b: {  	_ =	swait.ge [sflag:s10], $0xC800  }
0x43c: {  	[sflag:s10] =	ssyncset.done $0x0  }
0x43d: {  	s29 =	rddreg [dreg:$0xa];
	[sflag:s10] =	ssyncadd.s32 $0xFFFF3800  }
0x43e: {  	[hbm4b:s29+s2] =	stream.linear.scatter [tilespmem:s16], [sflag:$0x3], $0xC800, $0x38;
	[tilespmem:$0x1AC00] =	vst v63  }
0x43f: {  	_ =	swait.ge [sflag:s9], $0xC800  }
0x440: {  	[sflag:s9] =	ssyncset.done $0x0  }
0x441: {  	s30 =	rddreg [dreg:$0xb];
	[sflag:s9] =	ssyncadd.s32 $0xFFFF3800  }
0x442: {  	[hbm4b:s30+s2] =	stream.linear.scatter [tilespmem:s6], [sflag:$0x4], $0xC800, $0x38;
	[tilespmem:$0x1AC00] =	vst v63  }
0x443: {  	_ =	swait.ge [sflag:s8], $0xC800  }
0x444: {  	[sflag:s8] =	ssyncset.done $0x0  }
0x445: {  	[sflag:s8] =	ssyncadd.s32 $0xFFFF3800  }
0x446: {  	_ =	swait.ge [sflag:s7], $0xC800  }
0x447: {  	[sflag:s7] =	ssyncset.done $0x0  }
0x448: {  	[sflag:s7] =	ssyncadd.s32 $0xFFFF3800  }
0x449: {  	_ =	sfence.sel $0x180000  }
0x44a: {  	[bflag:$0x0] =	sbarrier.arrive $0xFFFF  }
0x44b: {  	_ =	strace $0x90000047  }
0x44c: {  	s31 =	stileid.u32;
	[bflag:$0x2] =	sbarrier.arrive $0xFFFF  }
0x44d: {  	p0 =	sne.s32 s31, $0x0;
	s0 =	rddreg [dreg:$0x2]  }
0x44e: {  	s0 =	sadd.s32 @!p0 $0x100000, s0  }
0x44f: {  	[sflag:s0] =	ssyncadd.tile.s32 @!p0 $0x1;
	_ =	shalt  }
.LBB2_2:
.Ltmp3:
0x450: {  	s21 =	simm.s32 $0x4E00;
	(pc) =	sbr.rel .LBB2_5-.Ltmp3, $4  }
0x451: {  	s1 =	simm.s32 $0x16100;
	s30 =	simm.s32 $0x5A80;
	s31 =	simm.s32 $0x15480  }
0x452: {  	s4 =	simm.s32 $0x6700;
	s12 =	simm.s32 $0x14800;
	s13 =	simm.s32 $0x7380  }
0x453: {  	s14 =	simm.s32 $0x13B80;
	s15 =	simm.s32 $0x8000;
	s23 =	simm.s32 $0x12F00  }
0x454: {  	s17 =	simm.s32 $0x8C80;
	s18 =	simm.s32 $0xF080;
	s19 =	simm.s32 $0x5  }
.Lfunc_end2:
_tile_overlayer_lowered:
.L_overlay_start_2:
0x455: {  	(tag) =	ssettag $0x2  }
0x456: {  	s0 =	rddreg [dreg:$0x0];
	s2 =	stileid.u32  }
0x457: {  	s1 =	rddreg [dreg:$0x1];
	p0 =	sne.s32 s2, $0x0  }
0x458: {  	s3 =	rddreg [dreg:$0x2];
	[bflag:$0x3] =	sbarrier.arrive $0xFFFF;
	s2 =	simm.s32 @!p0 $0x1C05  }
0x459: {  	[timem:s3], [sflag:s2] =	dma.local @!p0 [hbm:s0], s1  }
0x45a: {  	s0 =	simm.s32 @!p0 $0x5  }
0x45b: {  	_ =	swait.ge @!p0 [sflag:s0], s1  }
0x45c: {  	s1 =	ssub.s32 @!p0 $0x0, s1;
	[sflag:s0] =	ssyncset.done @!p0 $0x0  }
0x45d: {  	[sflag:s0] =	ssyncadd.s32 @!p0 s1  }
0x45e: {  	[bflag:$0x3] =	sbarrier.arrive $0xFFFF  }
0x45f: {  	_ =	shalt  }

// kernel: sparse-core-data-format-call.cloned.1.call-start
scs
called_computation_lowered:
.L_overlay_start_0:
0x0: {  	s2 =	sld [smem:$0x3FD9]  }
0x1: {  	s3 =	sld [smem:$0x3FFE];
	_ =	sdelay $0x1  }
0x2: {  	s1 =	srdreg.scid  }
0x3: {  	s0 =	sand.u32 $0x1, s1  }
0x4: {  	s18 =	sshll.u32 s0, $0xA;
	s2 =	sadd.s32 s3, s2  }
0x5: {  	s2 =	sadd.s32 s2, s18  }
0x6: {  	[smem:$0x3FC6] =	sst s2  }
0x7: {  	_ = 	snop  }
0x8: {  	s2 =	sld [smem:$0x3FD0];
	(tm) =	ssettm $0x1  }
0x9: {  	s19 =	sld [smem:$0x3FFB];
	_ =	sdelay $0x3  }
0xa: {  	_ =	strace s19  }
0xb: {  	s3 =	sld [smem:$0x3FFC];
	_ =	sdelay $0x3  }
0xc: {  	_ =	strace s3  }
0xd: {  	s3 =	sld [smem:$0x3FFD];
	_ =	sdelay $0x3  }
0xe: {  	_ =	strace s3  }
0xf: {  	_ =	strace $0x8FFFFFFF  }
0x10: {  	s20 =	sld [smem:$0x3FDB];
	_ =	sdelay $0x1  }
0x11: {  	s4 =	simm.s32 $_scs_section_size  }
0x12: {  	s5 =	simm.s32 $_size__tile_overlayer_lowered;
	s6 =	simm.s32 $_tile_overlayer_lowered  }
0x13: {  	s23 =	simm.s32 $0x1BFF;
	s22 =	sshll.u32 s6, $0x1;
	s3 =	sadd.s32 s4, s20  }
0x14: {  	s7 =	simm.s32 $0x0;
	s21 =	sshll.u32 s5, $0x1;
	s5 =	sadd.s32 s22, s3  }
0x15: {  	[timem:s7], [sflag:s23] =	dma.local [hbm:s5], s21  }
0x16: {  	_ =	swait.ge [sflag:s23], s21  }
0x17: {  	s4 =	ssub.s32 $0x0, s21;
	[sflag:s23] =	ssyncset.done $0x0  }
0x18: {  	[sflag:s23] =	ssyncadd.s32 s4;
	_ =	sdelay $0x1  }
0x19: {  	s24 =	simm.s32 $0x1B8B  }
0x1a: {  	_ =	swait.ge [sflag:s24], $0x1  }
0x1b: {  	[sflag:s24] =	ssyncset.done $0x0  }
0x1c: {  	s26 =	simm.s32 $0x1B8E;
	s25 =	sld [smem:$0x3FFE];
	[sflag:s24] =	ssyncadd.s32 $0xFFFFFFFF  }
0x1d: {  	s27 =	simm.s32 $execute0_lowered;
	[smem:$0x3FD2] =	sst s26  }
0x1e: {  	s5 =	sshll.u32 s27, $0x1;
	_ =	strace $0x80000049;
	[dreg:$0x1] =	wrdreg $0xFFFFFFFF  }
0x1f: {  	s28 =	simm.s32 $_size_execute0_lowered;
	s3 =	sadd.s32 s3, s5;
	[dreg:$0x0] =	wrdreg $0x0  }
0x20: {  	s5 =	sshll.u32 s28, $0x1;
	[dreg:$0x2] =	wrdreg s3  }
0x21: {  	[dreg:$0x3] =	wrdreg s5  }
0x22: {  	[dreg:$0x4] =	wrdreg $0xC0  }
0x23: {  	_ =	task [dreg:s7], $0x5FFFF  }
0x24: {  	[dreg:$0x1] =	wrdreg $0xFFFFFFFF  }
0x25: {  	[dreg:$0x0] =	wrdreg $0x60  }
0x26: {  	[dreg:$0x2] =	wrdreg s25  }
0x27: {  	[dreg:$0x3] =	wrdreg s2  }
0x28: {  	[dreg:$0x4] =	wrdreg $0x9  }
0x29: {  	_ =	task.clear_ibuf [dreg:s7], $0x5FFFF;
	_ =	strace $0x90000049  }
0x2a: {  	s29 =	simm.s32 $0x9;
	_ =	strace $0x8000004B  }
0x2b: {  	_ =	swait.ge [sflag:s29], $0x1  }
0x2c: {  	[sflag:s29] =	ssyncadd.s32 $0xFFFFFFFF  }
0x2d: {  	_ =	strace $0x9000004B  }
0x2e: {  	_ =	sfence  }
0x2f: {  	s30 =	sld [smem:$0x0];
	_ =	sdelay $0x2  }
0x30: {  	s31 =	sshll.u32 s1, $0xD;
	s1 =	sshrl.u32 s1, $0x2  }
0x31: {  	s3 =	sand.u32 $0x4000, s31;
	s1 =	sadd.s32 s1, s30  }
0x32: {  	s0 =	sor.u32 s3, s0;
	s1 =	sshll.u32 s1, $0x11  }
0x33: {  	s0 =	sor.u32 s1, s0  }
0x34: {  	s0 =	sadd.s32 $0x8F2B, s0  }
0x35: {  	[sflag:s0] =	ssyncadd.remote.s32 $0x1  }
0x36: {  	_ =	sfence.sel $0xFFFF  }
0x37: {  	[dreg:$0x0] =	wrdreg $0xFFFFFFFF;
	(pc) =	sbr.abs _section_cstart, $3  }
0x38: {  	[dreg:$0x1] =	wrdreg $0xFFFFFFFF  }
0x39: {  	_ =	task.clear_ibuf [dreg:s7], $0x2FFFF;
	_ =	strace $0x9FFFFFFF  }
0x3a: {  	(tm) =	ssettm $0x7FFFFFFF  }
0x3b: {  	_ =	shalt  }
tec
execute0_lowered:
.L_overlay_start_1:
0x0: {  	(tag) =	ssettag $0x1  }
0x1: {  	s0 =	srdreg.scid  }
0x2: {  	s1 =	sshll.u32 s0, $0x4  }
0x3: {  	s0 =	stileid.u32;
	s1 =	sand.u32 $0x10, s1  }
0x4: {  	s1 =	sor.u32 s0, s1  }
0x5: {  	s6 =	rddreg [dreg:$0x0];
	s4 =	simm.s32 $0x1;
	s2 =	sshll.u32 s1, $0x7  }
0x6: {  	s7 =	simm.s32 $0x2;
	s12 =	simm.s32 $0x0;
	s1 =	ssub.s32 $0x1000, s2  }
0x7: {  	s8 =	simm.s32 $0x8000;
	s13 =	simm.s32 $0x0;
	s3 =	sand.u32 $0xF80, s1  }
0x8: {  	s9 =	simm.s32 $0x0;
	s5 =	sshrl.u32 s1, $0xC;
	p0 =	sne.s32 s3, $0x0  }
.Ltmp0:
0x9: {  	s1 =	rddreg [dreg:$0x2];
	s4 =	simm.s32 @!p0 $0x0;
	(pc) =	sbr.rel .LBB1_1-.Ltmp0, $4  }
0xa: {  	s11 =	simm.s32 $0x0;
	s3 =	rddreg [dreg:$0x1];
	s5 =	sadd.s32 s4, s5  }
0xb: {  	_ =	strace $0x8000004A;
	s4 =	simm.s32 $0x1;
	s5 =	smul.u32 $0x32, s5  }
0xc: {  	s6 =	sadd.s32 $0xA00, s6;
	s10 =	smov.u32 s2;
	[sflag:s4] =	ssyncpa.u1 $0x0  }
0xd: {  	p0 =	por $0x0, $0x0;
	[sflag:s7] =	ssyncpa.u1 $0x0;
	s7 =	sor.u32 $0x1, s5  }
.LBB1_4:
0xe: {  	s16 =	sshll.u32 s13, $0x3;
	s17 =	sand.u32 $0x78, s13  }
0xf: {  	s30 =	sand.u32 $0x7E00, s13;
	s12 =	sshll.u32 s12, $0xF;
	s16 =	sand.u32 $0xC00, s16  }
0x10: {  	[tilespmem:s15+$0x810 ss:$0x81] =	vst.msk $0xffff, v2;
	s31 =	sand.u32 $0x7, s13;
	s16 =	sor.u32 s17, s16;
	s17 =	sadd.s32 s3, s30  }
0x11: {  	[tilespmem:s15+$0x1020 ss:$0x81] =	vst.msk $0xffff, v0;
	s13 =	sshll.u32 s31, $0x12;
	s12 =	sadd.s32 s12, s17;
	s16 =	sshrl.u32 s16, $0x3  }
0x12: {  	[tilespmem:s15+$0x0 ss:$0x81] =	vst.msk $0xffff, v1;
	s13 =	sor.u32 $0x400, s13;
	s12 =	sadd.s32 s16, s12  }
0x13: {  	[hbm4b:s12+s13] =	stream.strided.scatter [tilespmem:s14], [sflag:$0x2], $0x2000, s8, s13, $0x20;
	[tilespmem:$0x8080] =	vst v63  }
.LBB1_5:
0x14: {  	s14 =	sadd.s32 $0x1, s9  }
0x15: {  	s12 =	sadd.s32 $0x1000, s10;
	s16 =	smov.u32 s10;
	p2 =	sgt.s32 s14, $0x31  }
0x16: {  	s16 =	smov.u32 @p2 s12  }
0x17: {  	s14 =	simm.s32 @p2 $0x0;
	p2 =	sgt.s32 s16, $0xFFF  }
0x18: {  	s16 =	smov.u32 @p2 s2;
	p2 =	sne.s32 s11, s7  }
.Ltmp1:
0x19: {  	p1 =	slt.u32 s11, $0x2;
	(pc) =	sbr.rel @!p2 .LBB1_6-.Ltmp1, $4  }
0x1a: {  	s15 =	simm.s32 @!p1 $0x2  }
0x1b: {  	s13 =	smov.u32 s10;
	p0 =	por !p0, !p0;
	_ =	swait.ge @!p1 [sflag:s15], $0x2000  }
0x1c: {  	s12 =	smov.u32 s9;
	[sflag:s15] =	ssyncset.done @!p1 $0x0;
	s9 =	smov.u32 s14  }
0x1d: {  	s11 =	sadd.s32 $0x1, s11;
	[sflag:s15] =	ssyncadd.s32 @!p1 $0xFFFFE000;
	s10 =	smov.u32 s16  }
.LBB1_1:
0x1e: {  	p1 =	sge.u32 s11, s5  }
0x1f: {  	s14 =	sand.u32 @!p1 $0x1FFFFFF, s9  }
0x20: {  	s15 =	smulhi.u32 @!p1 $0x4924925, s14;
	_ =	sdelay $0x1  }
0x21: {  	s15 =	smul.u32 @!p1 $0x38, s15  }
0x22: {  	s16 =	sxor.u32 @!p1 $0xFFFFFFFF, s11;
	s17 =	smul.u32 @!p1 $0x380, s10  }
0x23: {  	s31 =	sadd.s32 $0xFFFFFFFF, s11;
	s16 =	sshll.u32 @!p1 s16, $0xD;
	s14 =	ssub.s32 @!p1 s14, s15  }
0x24: {  	s15 =	sand.u32 @!p1 $0x2000, s16;
	s16 =	sadd.s32 @!p1 s6, s17;
	s14 =	sshll.u32 @!p1 s14, $0x4  }
0x25: {  	s17 =	simm.s32 @!p1 $0x1C00;
	s14 =	sadd.s32 @!p1 s14, s16;
	s16 =	simm.s32 @!p1 $0x40  }
0x26: {  	[tilespmem:s15], [sflag:$0x1] =	stream.strided.gather @!p1 [hbm4b:s14+s16], $0x2000, s17, s16, $0x38;
	[tilespmem:$0x8080] =	vst v63  }
0x27: {  	p1 =	sge.u32 s31, s5  }
.Ltmp2:
0x28: {  	_ = 	snop;
	(pc) =	sbr.rel @p1 .LBB1_5-.Ltmp2, $1  }
0x29: {  	_ =	sdelay $0x3  }
0x2a: {  	s14 =	simm.s32 $0x1  }
0x2b: {  	_ =	swait.ge [sflag:s4], $0x2000;
	s14 =	simm.s32 @!p0 $0x0  }
0x2c: {  	[sflag:s4] =	ssyncset.done $0x0;
	s15 =	sshll.u32 s14, $0xD  }
0x2d: {  	[sflag:s4] =	ssyncadd.s32 $0xFFFFE000;
	s18 =	sor.u32 $0x20, s15  }
0x2e: {  	s14 =	smul.u32 $0x8100, s14;
	v3 =	vld [tilespmem:s18+$0x10]  }
0x2f: {  	s30 =	sand.u32 $0x1, s11;
	v2 =	vld [tilespmem:s18+$0xFFFFFFF0]  }
0x30: {  	s15 =	smul.u32 $0x8100, s30;
	s14 =	sshrl.u32 s14, $0x2;
	v0 =	vld [tilespmem:s18+$0x0]  }
0x31: {  	v1 =	vld [tilespmem:s18+$0xFFFFFFE0];
	s16 =	sor.u32 $0x4000, s14  }
0x32: {  	s31 =	sshrl.u32 s15, $0x2;
	s15 =	sadd.s32 $0x0, s16  }
0x33: {  	s17 =	simm.s32 $0x4;
	s18 =	sadd.s32 $0x40, s18;
	s14 =	sor.u32 $0x4000, s31;
	[tilespmem:s15+$0x1830 ss:$0x81] =	vst.msk $0xffff, v3  }
.LBB1_3:
0x34: {  	v3 =	vld [tilespmem:s18+$0x10];
	p1 =	sne.s32 s17, $0x1FC;
	[tilespmem:s15+$0x810 ss:$0x81] =	vst.msk $0xffff, v2;
	s19 =	smov.u32 s17;
	s17 =	sadd.s32 $0x4, s17  }
.Ltmp3:
0x35: {  	v2 =	vld [tilespmem:s18+$0xFFFFFFF0];
	[tilespmem:s15+$0x1020 ss:$0x81] =	vst.msk $0xffff, v0;
	(pc) =	sbr.rel @p1 .LBB1_3-.Ltmp3, $4  }
0x36: {  	v0 =	vld [tilespmem:s18+$0x0];
	[tilespmem:s15+$0x0 ss:$0x81] =	vst.msk $0xffff, v1  }
0x37: {  	s15 =	sshra.s32 s19, $0x2;
	v1 =	vld [tilespmem:s18+$0xFFFFFFE0]  }
0x38: {  	s15 =	sadd.s32 s15, s16  }
0x39: {  	s18 =	sadd.s32 $0x40, s18;
	[tilespmem:s15+$0x1830 ss:$0x81] =	vst.msk $0xffff, v3  }
.Ltmp4:
0x3a: {  	_ = 	snop;
	(pc) =	sbr.rel .LBB1_4-.Ltmp4, $1  }
0x3b: {  	_ =	sdelay $0x3  }
.LBB1_6:
0x3c: {  	_ =	sfence.sel $0x180000  }
0x3d: {  	s2 =	simm.s32 $0x1;
	[bflag:$0x0] =	sbarrier.arrive $0xFFFF  }
0x3e: {  	s31 =	simm.s32 $0x2;
	[sflag:s2] =	ssyncpa.u1 $0x1  }
0x3f: {  	[sflag:s31] =	ssyncpa.u1 $0x1  }
0x40: {  	p0 =	sne.s32 s0, $0x0;
	_ =	strace $0x9000004A  }
0x41: {  	s0 =	sadd.s32 @!p0 $0x100000, s1;
	[bflag:$0x2] =	sbarrier.arrive $0xFFFF  }
0x42: {  	[sflag:s0] =	ssyncadd.tile.s32 @!p0 $0x1;
	_ =	shalt  }
.Lfunc_end1:
_tile_overlayer_lowered:
.L_overlay_start_2:
0x43: {  	(tag) =	ssettag $0x2  }
0x44: {  	s0 =	rddreg [dreg:$0x0];
	s2 =	stileid.u32  }
0x45: {  	s1 =	rddreg [dreg:$0x1];
	p0 =	sne.s32 s2, $0x0  }
0x46: {  	s3 =	rddreg [dreg:$0x2];
	[bflag:$0x3] =	sbarrier.arrive $0xFFFF;
	s2 =	simm.s32 @!p0 $0x1C01  }
0x47: {  	[timem:s3], [sflag:s2] =	dma.local @!p0 [hbm:s0], s1  }
0x48: {  	s0 =	simm.s32 @!p0 $0x1  }
0x49: {  	_ =	swait.ge @!p0 [sflag:s0], s1  }
0x4a: {  	s1 =	ssub.s32 @!p0 $0x0, s1;
	[sflag:s0] =	ssyncset.done @!p0 $0x0  }
0x4b: {  	[sflag:s0] =	ssyncadd.s32 @!p0 s1  }
0x4c: {  	[bflag:$0x3] =	sbarrier.arrive $0xFFFF  }
0x4d: {  	_ =	shalt  }

</sc_bundles>
